<compile_context>
chip_gen: v7x
topology: tpu7x:2x2x1
jax: 0.10.2.dev20260603
libtpu: 0.0.44.dev20260713+nightly
codegen_flags: <defaults>
</compile_context>

<pallas_src>
import functools

import jax
import jax.numpy as jnp
from jax import lax
from jax.experimental import pallas as pl
from jax.experimental.pallas import tpu as pltpu
from jax.experimental.pallas import tpu_sc as plsc

_N = 10000
_E = 320000
_DIN = 128
_DH = 128
_DC = 64

_NC = 2
_NS = 16
_NW = _NC * _NS
_B = 128
_KCH = 80
_EPAD = _NW * _KCH * _B
_NPAD = 10240
_RPT = _NPAD // _NS

_SELU_ALPHA = 1.6732632423543772
_SELU_SCALE = 1.0507009873554805


def _deg_body(dst_hbm, zeros_hbm, degp_hbm, dst_v, deg_v):
    wid = lax.axis_index("s") * _NC + lax.axis_index("c")
    pltpu.sync_copy(zeros_hbm.at[pl.ds(0, 80)], deg_v)
    pltpu.sync_copy(dst_hbm.at[pl.ds(wid * _KCH, _KCH)], dst_v)
    ones16 = jnp.ones((16,), jnp.float32)

    def step(j, carry):
        for k in range(_B // 16):
            idx = dst_v[j, pl.ds(k * 16, 16)]
            row = lax.shift_right_logical(idx, 7)
            col = lax.bitwise_and(idx, 127)
            plsc.addupdate_scatter(deg_v, [row, col], ones16)
        return carry

    lax.fori_loop(0, _KCH, step, 0)
    pltpu.sync_copy(deg_v, degp_hbm.at[wid])


def _deg_kernel(dst_r, zeros2d):
    return pl.kernel(
        _deg_body,
        out_type=jax.ShapeDtypeStruct((_NW, 80, 128), jnp.float32),
        mesh=plsc.VectorSubcoreMesh(core_axis_name="c", subcore_axis_name="s",
                                    num_cores=_NC, num_subcores=_NS),
        scratch_types=[
            pltpu.VMEM((_KCH, _B), jnp.int32),
            pltpu.VMEM((80, 128), jnp.float32),
        ],
        compiler_params=pltpu.CompilerParams(needs_layout_passes=False),
    )(dst_r, zeros2d)


_NCHUNK = _EPAD // _B
_K0 = 144
_K1 = 16
_KST = 16


def _seg_body(src_hbm, dst_hbm, feat_hbm, outp_hbm,
              src_v, dst_v, r0, acc_sh, s0, s1):
    cid = lax.axis_index("c")
    sid = lax.axis_index("s")
    sems = (s0, s1)

    zero16 = jnp.zeros((16,), jnp.float32)
    dwords = r0.shape[1] // 16

    def zstep(i, carry):
        for k in range(dwords):
            r0[i, pl.ds(k * 16, 16)] = zero16
        return carry

    lax.fori_loop(0, 2 * _B, zstep, 0)
    for t in range(_RPT // (2 * _B)):
        pltpu.sync_copy(r0, acc_sh.at[pl.ds(sid * _RPT + t * 2 * _B, 2 * _B)])
    rem = _RPT % (2 * _B)
    if rem:
        pltpu.sync_copy(
            r0.at[pl.ds(0, rem)],
            acc_sh.at[pl.ds(sid * _RPT + (_RPT // (2 * _B)) * 2 * _B, rem)])
    plsc.subcore_barrier()

    cb = jnp.where(cid == 0, sid * _K0, 16 * _K0 + sid * _K1)
    nst = jnp.where(cid == 0, _K0 // _KST, _K1 // _KST)

    def gath(j, b):
        return pltpu.make_async_copy(
            feat_hbm.at[src_v.at[j]], r0.at[pl.ds(b * _B, _B)], sems[b])

    def stage(st, carry):
        base = cb + st * _KST
        pltpu.sync_copy(src_hbm.at[pl.ds(base, _KST)], src_v)
        pltpu.sync_copy(dst_hbm.at[pl.ds(base, _KST)], dst_v)
        for b in range(2):
            gath(b, b).start()

        def group(g, c):
            for b in range(2):
                j = 2 * g + b
                gath(j, b).wait()
                pltpu.sync_copy(r0.at[pl.ds(b * _B, _B)],
                                acc_sh.at[dst_v.at[j]], add=True)
                gath(jnp.minimum(j + 2, _KST - 1), b).start()
            return c

        lax.fori_loop(0, _KST // 2, group, 0)
        for b in range(2):
            gath(_KST - 1, b).wait()
        return carry

    lax.fori_loop(0, nst, stage, 0)
    plsc.subcore_barrier()
    pltpu.sync_copy(acc_sh.at[pl.ds(sid * _RPT, _RPT)],
                    outp_hbm.at[cid, pl.ds(sid * _RPT, _RPT)])


def _seg_call(src_r, dst_r, feat, d):
    return pl.kernel(
        _seg_body,
        out_type=jax.ShapeDtypeStruct((_NC, _NPAD, d), jnp.float32),
        mesh=plsc.VectorSubcoreMesh(core_axis_name="c", subcore_axis_name="s",
                                    num_cores=_NC, num_subcores=_NS),
        scratch_types=[
            pltpu.VMEM((_KST, _B), jnp.int32),
            pltpu.VMEM((_KST, _B), jnp.int32),
            pltpu.VMEM((2 * _B, d), jnp.float32),
            pltpu.VMEM_SHARED((_NPAD, d), jnp.float32),
            pltpu.SemaphoreType.DMA,
            pltpu.SemaphoreType.DMA,
        ],
    )(src_r, dst_r, feat)


_BLK = _NPAD


def _t0_body(degp_ref, x_ref, d_ref, ci_ref, g0_ref):
    deg = jnp.sum(degp_ref[...], axis=0)
    degc = jnp.maximum(deg, 1.0)
    d = jnp.where(deg > 0, lax.rsqrt(degc), 0.0)
    d_ref[...] = d[:, None]
    ci_ref[...] = (1.0 / degc)[:, None]
    g0_ref[...] = x_ref[...] * d[:, None]


def _t0(degp, xp):
    return pl.pallas_call(
        _t0_body,
        grid=(_NPAD // _BLK,),
        in_specs=[
            pl.BlockSpec((_NW, _BLK), lambda i: (0, i)),
            pl.BlockSpec((_BLK, _DIN), lambda i: (i, 0)),
        ],
        out_specs=[
            pl.BlockSpec((_BLK, 1), lambda i: (i, 0)),
            pl.BlockSpec((_BLK, 1), lambda i: (i, 0)),
            pl.BlockSpec((_BLK, _DIN), lambda i: (i, 0)),
        ],
        out_shape=[
            jax.ShapeDtypeStruct((_NPAD, 1), jnp.float32),
            jax.ShapeDtypeStruct((_NPAD, 1), jnp.float32),
            jax.ShapeDtypeStruct((_NPAD, _DIN), jnp.float32),
        ],
    )(degp, xp)


def _prop_body(scale_g, a0_ref, a1_ref, d_ref, prev_ref, h_ref, g_ref):
    d = d_ref[...]
    h = d * (a0_ref[...] + a1_ref[...]) + prev_ref[...]
    h_ref[...] = h
    g_ref[...] = (d * h) if scale_g else h


def _prop(a, d, prev, scale_g):
    return pl.pallas_call(
        functools.partial(_prop_body, scale_g),
        grid=(_NPAD // _BLK,),
        in_specs=[pl.BlockSpec((_BLK, _DH), lambda i: (i, 0)),
                  pl.BlockSpec((_BLK, _DH), lambda i: (i, 0)),
                  pl.BlockSpec((_BLK, 1), lambda i: (i, 0)),
                  pl.BlockSpec((_BLK, _DH), lambda i: (i, 0))],
        out_specs=[pl.BlockSpec((_BLK, _DH), lambda i: (i, 0))] * 2,
        out_shape=[jax.ShapeDtypeStruct((_NPAD, _DH), jnp.float32)] * 2,
    )(a[0], a[1], d, prev)


def _selu(z):
    return _SELU_SCALE * jnp.where(z > 0, z, _SELU_ALPHA * (jnp.exp(z) - 1.0))


def _t3_body(s0_ref, s1_ref, ci_ref, h2_ref, w1lt_ref, b1_ref, w1rt_ref,
             b2_ref, w2rt_ref, y_ref, r_ref):
    m1 = (s0_ref[...] + s1_ref[...]) * ci_ref[...]
    h2 = h2_ref[...]
    z = (jnp.dot(m1, w1lt_ref[...], preferred_element_type=jnp.float32)
         + jnp.dot(h2, w1rt_ref[...], preferred_element_type=jnp.float32)
         + b1_ref[...])
    y = _selu(z)
    y_ref[...] = y
    r_ref[...] = (jnp.dot(y, w2rt_ref[...], preferred_element_type=jnp.float32)
                  + b2_ref[...])


def _t3(s0, s1, ci, h2, w1lt, b1, w1rt, b2, w2rt):
    full = lambda shape: pl.BlockSpec(shape, lambda i: tuple(0 for _ in shape))
    return pl.pallas_call(
        _t3_body,
        grid=(_NPAD // _BLK,),
        in_specs=[
            pl.BlockSpec((_BLK, _DH), lambda i: (i, 0)),
            pl.BlockSpec((_BLK, _DH), lambda i: (i, 0)),
            pl.BlockSpec((_BLK, 1), lambda i: (i, 0)),
            pl.BlockSpec((_BLK, _DH), lambda i: (i, 0)),
            full((_DIN, _DH)),
            full((1, _DH)),
            full((_DIN, _DH)),
            full((1, _DC)),
            full((_DH, _DC)),
        ],
        out_specs=[pl.BlockSpec((_BLK, _DH), lambda i: (i, 0)),
                   pl.BlockSpec((_BLK, _DC), lambda i: (i, 0))],
        out_shape=[jax.ShapeDtypeStruct((_NPAD, _DH), jnp.float32),
                   jax.ShapeDtypeStruct((_NPAD, _DC), jnp.float32)],
    )(s0, s1, ci, h2, w1lt, b1, w1rt, b2, w2rt)


def _t4_body(s0_ref, s1_ref, ci_ref, r_ref, w2lt_ref, o_ref):
    m2 = (s0_ref[...] + s1_ref[...]) * ci_ref[...]
    t = (jnp.dot(m2, w2lt_ref[...], preferred_element_type=jnp.float32)
         + r_ref[...])
    m = jnp.max(t, axis=1, keepdims=True)
    e = jnp.exp(t - m)
    o_ref[...] = e / jnp.sum(e, axis=1, keepdims=True)


def _t4(s0, s1, ci, r, w2lt):
    return pl.pallas_call(
        _t4_body,
        grid=(_NPAD // _BLK,),
        in_specs=[
            pl.BlockSpec((_BLK, _DH), lambda i: (i, 0)),
            pl.BlockSpec((_BLK, _DH), lambda i: (i, 0)),
            pl.BlockSpec((_BLK, 1), lambda i: (i, 0)),
            pl.BlockSpec((_BLK, _DC), lambda i: (i, 0)),
            pl.BlockSpec((_DH, _DC), lambda i: (0, 0)),
        ],
        out_specs=pl.BlockSpec((_BLK, _DC), lambda i: (i, 0)),
        out_shape=jax.ShapeDtypeStruct((_NPAD, _DC), jnp.float32),
    )(s0, s1, ci, r, w2lt)


def kernel(x, edge_index, W1l, b1, W1r, W2l, b2, W2r):
    src = edge_index[0]
    dst = edge_index[1]
    padv = jnp.full((_EPAD - _E,), _N, dtype=jnp.int32)
    src_r = jnp.concatenate([src, padv]).reshape(_NCHUNK, _B)
    dst_r = jnp.concatenate([dst, padv]).reshape(_NCHUNK, _B)
    xp = jnp.pad(x, ((0, _NPAD - _N), (0, 0)))

    zeros2d = jnp.zeros((80, 128), jnp.float32)

    degp = _deg_kernel(dst_r, zeros2d).reshape(_NW, _NPAD)
    d, ci, g0 = _t0(degp, xp)

    a1 = _seg_call(src_r, dst_r, g0, _DH)
    h1, g1 = _prop(a1, d, xp, True)
    a2 = _seg_call(src_r, dst_r, g1, _DH)
    h2, h2b = _prop(a2, d, h1, False)

    s1 = _seg_call(src_r, dst_r, h2b, _DH)
    y, r = _t3(s1[0], s1[1], ci, h2b,
               W1l.T, b1.reshape(1, _DH), W1r.T,
               b2.reshape(1, _DC), W2r.T)
    s2 = _seg_call(src_r, dst_r, y, _DH)
    out = _t4(s2[0], s2[1], ci, r, W2l.T)
    return out[:_N]

# --- scband reference (transcript-rebuilt; emitter-appended) ---
"""Pipeline reference for scband-node-classifier-33019708571670 (READ-ONLY COPY).

The authoritative reference and input builder live on the scoring server;
editing this copy changes nothing except your own understanding.
"""

import jax, jax.numpy as jnp
import numpy as np

N = 10000
E = 320000
DIN = 128
DH = 128
DC = 64
KSTEPS = 2


def setup_inputs(seed: int = 0) -> dict:
    key = jax.random.key(seed)
    ks = jax.random.split(key, 10)
    x = jax.random.normal(ks[0], (N, DIN), dtype=jnp.float32)
    edge_index = jax.random.randint(ks[1], (2, E), 0, N, dtype=jnp.int32)
    # SAGEConv conv2: lin_l (applied to mean-aggregated neighbors, with bias), lin_r (root, no bias)
    W1l = jax.random.normal(ks[2], (DH, DIN), dtype=jnp.float32) * 0.05
    b1 = jnp.zeros((DH,), dtype=jnp.float32)
    W1r = jax.random.normal(ks[3], (DH, DIN), dtype=jnp.float32) * 0.05
    # SAGEConv conv3
    W2l = jax.random.normal(ks[4], (DC, DH), dtype=jnp.float32) * 0.05
    b2 = jnp.zeros((DC,), dtype=jnp.float32)
    W2r = jax.random.normal(ks[5], (DC, DH), dtype=jnp.float32) * 0.05
    return {"x": x, "edge_index": edge_index, "W1l": W1l, "b1": b1, "W1r": W1r,
            "W2l": W2l, "b2": b2, "W2r": W2r}


def reference(x, edge_index, W1l, b1, W1r, W2l, b2, W2r):
    src = edge_index[0]
    dst = edge_index[1]
    ones = jnp.ones((E,), dtype=jnp.float32)
    # row-sum degree of adj_t (in-degree per dst node)
    deg = jax.ops.segment_sum(ones, dst, num_segments=N)
    dinv = jnp.where(deg > 0, 1.0 / jnp.sqrt(jnp.maximum(deg, 1.0)), 0.0)
    # gcn_norm (symmetric, no self loops): edge weight = dinv[dst] * dinv[src]
    w = dinv[dst] * dinv[src]
    # KProp (conv1): K steps of x = D^-1/2 A D^-1/2 x + I x  (set_diag adds self-loop with value 1)
    h = x
    for _ in range(KSTEPS):
        agg = jax.ops.segment_sum(w[:, None] * jnp.take(h, src, axis=0), dst, num_segments=N)
        h = agg + h
    # SAGEConv: out = lin_l(mean_agg(x)) + lin_r(x) on the ORIGINAL (unnormalized) adj
    cnt = jnp.maximum(deg, 1.0)

    def sage(hh, Wl, b, Wr):
        s = jax.ops.segment_sum(jnp.take(hh, src, axis=0), dst, num_segments=N)
        mean = s / cnt[:, None]
        return mean @ Wl.T + b + hh @ Wr.T

    h2 = sage(h, W1l, b1, W1r)
    h2 = jax.nn.selu(h2)
    # dropout p=0.0 -> identity
    h3 = sage(h2, W2l, b2, W2r)
    return jax.nn.softmax(h3, axis=1)

if __name__ == "__main__":
    import jax
    _d = setup_inputs()
    print(jax.jit(kernel)(*tuple(_d.values())))

</pallas_src>

<mosaic_0001>
#map = affine_map<(d0, d1) -> (0, 0)>
#map1 = affine_map<(d0, d1) -> (0, 0, 0)>
module attributes {stable_mosaic.version = 14 : i64} {
  func.func @_seg_body(%arg0: i32, %arg1: i32, %arg2: memref<2560x128xi32, #tpu.memory_space<hbm>>, %arg3: memref<2560x128xi32, #tpu.memory_space<hbm>>, %arg4: memref<10240x128xf32, #tpu.memory_space<hbm>>, %arg5: memref<2x10240x128xf32, #tpu.memory_space<hbm>>, %arg6: memref<16x128xi32, #tpu.memory_space<vmem>>, %arg7: memref<16x128xi32, #tpu.memory_space<vmem>>, %arg8: memref<256x128xf32, #tpu.memory_space<vmem>>, %arg9: memref<10240x128xf32, #tpu.memory_space<vmem_shared>>, %arg10: memref<!tpu.dma_semaphore, #tpu.memory_space<semaphore_mem>>, %arg11: memref<!tpu.dma_semaphore, #tpu.memory_space<semaphore_mem>>) attributes {dimension_semantics = [#tpu.dimension_semantics<core_parallel>, #tpu.dimension_semantics<subcore_parallel>], iteration_bounds = array<i64: 2, 16>, scalar_prefetch = 0 : i64, scratch_operands = 6 : i64, tpu.core_type = #tpu.core_type<sc_vector_subcore>, window_params = [{transform_indices = #map}, {transform_indices = #map}, {transform_indices = #map}, {transform_indices = #map1}]} {
    %broadcast_in_dim3A = arith.constant 0.000000e+00 : f32
    %broadcast_in_dim3A_0 = vector.broadcast %broadcast_in_dim3A : f32 to vector<16xf32>
    %scan3A = arith.constant 0 : i32
    %scan3A_1 = arith.constant 0 : i32
    %scan3A_2 = arith.constant 256 : i32
    %scan3A_3 = arith.addi %scan3A_1, %scan3A_2 : i32
    %scan3A_4 = arith.constant 1 : i32
    scf.for %scan3A_41 = %scan3A_1 to %scan3A_3 step %scan3A_4  : i32 {
      %swap3A = arith.index_cast %scan3A_41 : i32 to index
      %swap3A_42 = arith.constant 0 : index
      %swap3A_43 = tpu.vector_load %arg8[%swap3A, %swap3A_42] {strides = array<i32>} : memref<256x128xf32, #tpu.memory_space<vmem>>, vector<1x16xf32>,
      %swap3A_44 = vector.shape_cast %swap3A_43 : vector<1x16xf32> to vector<16xf32>
      %swap3A_45 = vector.shape_cast %broadcast_in_dim3A_0 : vector<16xf32> to vector<1x16xf32>
      tpu.vector_store %arg8[%swap3A, %swap3A_42], %swap3A_45 {strides = array<i32>} : memref<256x128xf32, #tpu.memory_space<vmem>>, vector<1x16xf32>,
      %swap3A_46 = arith.index_cast %scan3A_41 : i32 to index
      %swap3A_47 = arith.constant 16 : index
      %swap3A_48 = tpu.vector_load %arg8[%swap3A_46, %swap3A_47] {strides = array<i32>} : memref<256x128xf32, #tpu.memory_space<vmem>>, vector<1x16xf32>,
      %swap3A_49 = vector.shape_cast %swap3A_48 : vector<1x16xf32> to vector<16xf32>
      %swap3A_50 = vector.shape_cast %broadcast_in_dim3A_0 : vector<16xf32> to vector<1x16xf32>
      tpu.vector_store %arg8[%swap3A_46, %swap3A_47], %swap3A_50 {strides = array<i32>} : memref<256x128xf32, #tpu.memory_space<vmem>>, vector<1x16xf32>,
      %swap3A_51 = arith.index_cast %scan3A_41 : i32 to index
      %swap3A_52 = arith.constant 32 : index
      %swap3A_53 = tpu.vector_load %arg8[%swap3A_51, %swap3A_52] {strides = array<i32>} : memref<256x128xf32, #tpu.memory_space<vmem>>, vector<1x16xf32>,
      %swap3A_54 = vector.shape_cast %swap3A_53 : vector<1x16xf32> to vector<16xf32>
      %swap3A_55 = vector.shape_cast %broadcast_in_dim3A_0 : vector<16xf32> to vector<1x16xf32>
      tpu.vector_store %arg8[%swap3A_51, %swap3A_52], %swap3A_55 {strides = array<i32>} : memref<256x128xf32, #tpu.memory_space<vmem>>, vector<1x16xf32>,
      %swap3A_56 = arith.index_cast %scan3A_41 : i32 to index
      %swap3A_57 = arith.constant 48 : index
      %swap3A_58 = tpu.vector_load %arg8[%swap3A_56, %swap3A_57] {strides = array<i32>} : memref<256x128xf32, #tpu.memory_space<vmem>>, vector<1x16xf32>,
      %swap3A_59 = vector.shape_cast %swap3A_58 : vector<1x16xf32> to vector<16xf32>
      %swap3A_60 = vector.shape_cast %broadcast_in_dim3A_0 : vector<16xf32> to vector<1x16xf32>
      tpu.vector_store %arg8[%swap3A_56, %swap3A_57], %swap3A_60 {strides = array<i32>} : memref<256x128xf32, #tpu.memory_space<vmem>>, vector<1x16xf32>,
      %swap3A_61 = arith.index_cast %scan3A_41 : i32 to index
      %swap3A_62 = arith.constant 64 : index
      %swap3A_63 = tpu.vector_load %arg8[%swap3A_61, %swap3A_62] {strides = array<i32>} : memref<256x128xf32, #tpu.memory_space<vmem>>, vector<1x16xf32>,
      %swap3A_64 = vector.shape_cast %swap3A_63 : vector<1x16xf32> to vector<16xf32>
      %swap3A_65 = vector.shape_cast %broadcast_in_dim3A_0 : vector<16xf32> to vector<1x16xf32>
      tpu.vector_store %arg8[%swap3A_61, %swap3A_62], %swap3A_65 {strides = array<i32>} : memref<256x128xf32, #tpu.memory_space<vmem>>, vector<1x16xf32>,
      %swap3A_66 = arith.index_cast %scan3A_41 : i32 to index
      %swap3A_67 = arith.constant 80 : index
      %swap3A_68 = tpu.vector_load %arg8[%swap3A_66, %swap3A_67] {strides = array<i32>} : memref<256x128xf32, #tpu.memory_space<vmem>>, vector<1x16xf32>,
      %swap3A_69 = vector.shape_cast %swap3A_68 : vector<1x16xf32> to vector<16xf32>
      %swap3A_70 = vector.shape_cast %broadcast_in_dim3A_0 : vector<16xf32> to vector<1x16xf32>
      tpu.vector_store %arg8[%swap3A_66, %swap3A_67], %swap3A_70 {strides = array<i32>} : memref<256x128xf32, #tpu.memory_space<vmem>>, vector<1x16xf32>,
      %swap3A_71 = arith.index_cast %scan3A_41 : i32 to index
      %swap3A_72 = arith.constant 96 : index
      %swap3A_73 = tpu.vector_load %arg8[%swap3A_71, %swap3A_72] {strides = array<i32>} : memref<256x128xf32, #tpu.memory_space<vmem>>, vector<1x16xf32>,
      %swap3A_74 = vector.shape_cast %swap3A_73 : vector<1x16xf32> to vector<16xf32>
      %swap3A_75 = vector.shape_cast %broadcast_in_dim3A_0 : vector<16xf32> to vector<1x16xf32>
      tpu.vector_store %arg8[%swap3A_71, %swap3A_72], %swap3A_75 {strides = array<i32>} : memref<256x128xf32, #tpu.memory_space<vmem>>, vector<1x16xf32>,
      %swap3A_76 = arith.index_cast %scan3A_41 : i32 to index
      %swap3A_77 = arith.constant 112 : index
      %swap3A_78 = tpu.vector_load %arg8[%swap3A_76, %swap3A_77] {strides = array<i32>} : memref<256x128xf32, #tpu.memory_space<vmem>>, vector<1x16xf32>,
      %swap3A_79 = vector.shape_cast %swap3A_78 : vector<1x16xf32> to vector<16xf32>
      %swap3A_80 = vector.shape_cast %broadcast_in_dim3A_0 : vector<16xf32> to vector<1x16xf32>
      tpu.vector_store %arg8[%swap3A_76, %swap3A_77], %swap3A_80 {strides = array<i32>} : memref<256x128xf32, #tpu.memory_space<vmem>>, vector<1x16xf32>,
    }
    %scan3A_5 = arith.constant 256 : i32
    %mul3A = arith.constant 640 : i32
    %mul3A_6 = arith.muli %arg1, %mul3A : i32
    %add3A = arith.constant 0 : i32
    %add3A_7 = arith.addi %mul3A_6, %add3A : i32
    "tpu.region"() ({
      %run_scoped3A = tpu.sem_alloc : memref<!tpu.dma_semaphore, #tpu.memory_space<semaphore_mem>>
      %dma_start3A = arith.constant 0 : i32
      %dma_start3A_41 = tpu.memref_slice %arg9[%add3A_7, %dma_start3A] : memref<10240x128xf32, #tpu.memory_space<vmem_shared>> -> memref<256x128xf32, #tpu.memory_space<vmem_shared>>
      %dma_start3A_42 = arith.constant 0 : i32
      %dma_start3A_43 = tpu.memref_slice %arg9[%add3A_7, %dma_start3A_42] : memref<10240x128xf32, #tpu.memory_space<vmem_shared>> -> memref<256x128xf32, #tpu.memory_space<vmem_shared>>
      tpu.enqueue_dma source(%arg8 : memref<256x128xf32, #tpu.memory_space<vmem>>) target(%dma_start3A_43 : memref<256x128xf32, #tpu.memory_space<vmem_shared>>) target_semaphore(%run_scoped3A : memref<!tpu.dma_semaphore, #tpu.memory_space<semaphore_mem>>)
      %dma_wait3A = arith.constant 0 : i32
      %dma_wait3A_44 = tpu.memref_slice %arg9[%add3A_7, %dma_wait3A] : memref<10240x128xf32, #tpu.memory_space<vmem_shared>> -> memref<256x128xf32, #tpu.memory_space<vmem_shared>>
      %dma_wait3A_45 = arith.constant 0 : i32
      %dma_wait3A_46 = tpu.memref_slice %arg9[%add3A_7, %dma_wait3A_45] : memref<10240x128xf32, #tpu.memory_space<vmem_shared>> -> memref<256x128xf32, #tpu.memory_space<vmem_shared>>
      tpu.wait_dma2 semaphore(%run_scoped3A : memref<!tpu.dma_semaphore, #tpu.memory_space<semaphore_mem>>) src(%arg8 : memref<256x128xf32, #tpu.memory_space<vmem>>) dst(%dma_wait3A_46 : memref<256x128xf32, #tpu.memory_space<vmem_shared>>)
      tpu.yield
    }) : () -> ()
    %mul3A_8 = arith.constant 640 : i32
    %mul3A_9 = arith.muli %arg1, %mul3A_8 : i32
    %add3A_10 = arith.constant 256 : i32
    %add3A_11 = arith.addi %mul3A_9, %add3A_10 : i32
    "tpu.region"() ({
      %run_scoped3A = tpu.sem_alloc : memref<!tpu.dma_semaphore, #tpu.memory_space<semaphore_mem>>
      %dma_start3A = arith.constant 0 : i32
      %dma_start3A_41 = tpu.memref_slice %arg9[%add3A_11, %dma_start3A] : memref<10240x128xf32, #tpu.memory_space<vmem_shared>> -> memref<256x128xf32, #tpu.memory_space<vmem_shared>>
      %dma_start3A_42 = arith.constant 0 : i32
      %dma_start3A_43 = tpu.memref_slice %arg9[%add3A_11, %dma_start3A_42] : memref<10240x128xf32, #tpu.memory_space<vmem_shared>> -> memref<256x128xf32, #tpu.memory_space<vmem_shared>>
      tpu.enqueue_dma source(%arg8 : memref<256x128xf32, #tpu.memory_space<vmem>>) target(%dma_start3A_43 : memref<256x128xf32, #tpu.memory_space<vmem_shared>>) target_semaphore(%run_scoped3A : memref<!tpu.dma_semaphore, #tpu.memory_space<semaphore_mem>>)
      %dma_wait3A = arith.constant 0 : i32
      %dma_wait3A_44 = tpu.memref_slice %arg9[%add3A_11, %dma_wait3A] : memref<10240x128xf32, #tpu.memory_space<vmem_shared>> -> memref<256x128xf32, #tpu.memory_space<vmem_shared>>
      %dma_wait3A_45 = arith.constant 0 : i32
      %dma_wait3A_46 = tpu.memref_slice %arg9[%add3A_11, %dma_wait3A_45] : memref<10240x128xf32, #tpu.memory_space<vmem_shared>> -> memref<256x128xf32, #tpu.memory_space<vmem_shared>>
      tpu.wait_dma2 semaphore(%run_scoped3A : memref<!tpu.dma_semaphore, #tpu.memory_space<semaphore_mem>>) src(%arg8 : memref<256x128xf32, #tpu.memory_space<vmem>>) dst(%dma_wait3A_46 : memref<256x128xf32, #tpu.memory_space<vmem_shared>>)
      tpu.yield
    }) : () -> ()
    %mul3A_12 = arith.constant 640 : i32
    %mul3A_13 = arith.muli %arg1, %mul3A_12 : i32
    %add3A_14 = arith.constant 512 : i32
    %add3A_15 = arith.addi %mul3A_13, %add3A_14 : i32
    "tpu.region"() ({
      %run_scoped3A = tpu.sem_alloc : memref<!tpu.dma_semaphore, #tpu.memory_space<semaphore_mem>>
      %dma_start3A = arith.constant 0 : i32
      %dma_start3A_41 = arith.constant 0 : i32
      %dma_start3A_42 = tpu.memref_slice %arg8[%dma_start3A, %dma_start3A_41] : memref<256x128xf32, #tpu.memory_space<vmem>> -> memref<128x128xf32, #tpu.memory_space<vmem>>
      %dma_start3A_43 = arith.constant 0 : i32
      %dma_start3A_44 = tpu.memref_slice %arg9[%add3A_15, %dma_start3A_43] : memref<10240x128xf32, #tpu.memory_space<vmem_shared>> -> memref<128x128xf32, #tpu.memory_space<vmem_shared>>
      %dma_start3A_45 = arith.constant 0 : i32
      %dma_start3A_46 = tpu.memref_slice %arg9[%add3A_15, %dma_start3A_45] : memref<10240x128xf32, #tpu.memory_space<vmem_shared>> -> memref<128x128xf32, #tpu.memory_space<vmem_shared>>
      %dma_start3A_47 = arith.constant 0 : i32
      %dma_start3A_48 = arith.constant 0 : i32
      %dma_start3A_49 = tpu.memref_slice %arg8[%dma_start3A_47, %dma_start3A_48] : memref<256x128xf32, #tpu.memory_space<vmem>> -> memref<128x128xf32, #tpu.memory_space<vmem>>
      tpu.enqueue_dma source(%dma_start3A_49 : memref<128x128xf32, #tpu.memory_space<vmem>>) target(%dma_start3A_46 : memref<128x128xf32, #tpu.memory_space<vmem_shared>>) target_semaphore(%run_scoped3A : memref<!tpu.dma_semaphore, #tpu.memory_space<semaphore_mem>>)
      %dma_wait3A = arith.constant 0 : i32
      %dma_wait3A_50 = arith.constant 0 : i32
      %dma_wait3A_51 = tpu.memref_slice %arg8[%dma_wait3A, %dma_wait3A_50] : memref<256x128xf32, #tpu.memory_space<vmem>> -> memref<128x128xf32, #tpu.memory_space<vmem>>
      %dma_wait3A_52 = arith.constant 0 : i32
      %dma_wait3A_53 = tpu.memref_slice %arg9[%add3A_15, %dma_wait3A_52] : memref<10240x128xf32, #tpu.memory_space<vmem_shared>> -> memref<128x128xf32, #tpu.memory_space<vmem_shared>>
      %dma_wait3A_54 = arith.constant 0 : i32
      %dma_wait3A_55 = tpu.memref_slice %arg9[%add3A_15, %dma_wait3A_54] : memref<10240x128xf32, #tpu.memory_space<vmem_shared>> -> memref<128x128xf32, #tpu.memory_space<vmem_shared>>
      %dma_wait3A_56 = arith.constant 0 : i32
      %dma_wait3A_57 = arith.constant 0 : i32
      %dma_wait3A_58 = tpu.memref_slice %arg8[%dma_wait3A_56, %dma_wait3A_57] : memref<256x128xf32, #tpu.memory_space<vmem>> -> memref<128x128xf32, #tpu.memory_space<vmem>>
      tpu.wait_dma2 semaphore(%run_scoped3A : memref<!tpu.dma_semaphore, #tpu.memory_space<semaphore_mem>>) src(%dma_wait3A_58 : memref<128x128xf32, #tpu.memory_space<vmem>>) dst(%dma_wait3A_55 : memref<128x128xf32, #tpu.memory_space<vmem_shared>>)
      tpu.yield
    }) : () -> ()
    %barrier3A = arith.constant 0 : index
    tpu.barrier barrier_id(%barrier3A)
    %eq3A = arith.constant 0 : i32
    %eq3A_16 = arith.cmpi eq, %arg0, %eq3A : i32
    %mul3A_17 = arith.constant 144 : i32
    %mul3A_18 = arith.muli %arg1, %mul3A_17 : i32
    %mul3A_19 = arith.constant 16 : i32
    %mul3A_20 = arith.muli %arg1, %mul3A_19 : i32
    %add3A_21 = arith.constant 2304 : i32
    %add3A_22 = arith.addi %add3A_21, %mul3A_20 : i32
    %select_n3A = arith.select %eq3A_16, %mul3A_18, %add3A_22 : i32
    %eq3A_23 = arith.constant 0 : i32
    %eq3A_24 = arith.cmpi eq, %arg0, %eq3A_23 : i32
    %jit3A = arith.constant 9 : i32
    %jit3A_25 = arith.constant 1 : i32
    %select_n3A_26 = arith.select %eq3A_24, %jit3A, %jit3A_25 : i32
    %while3A = arith.constant 0 : i32
    %while3A_27 = arith.constant 0 : i32
    %while3A_28 = arith.subi %select_n3A_26, %while3A_27 : i32
    %while3A_29 = arith.addi %while3A_27, %while3A_28 : i32
    %while3A_30 = arith.constant 1 : i32
    %while3A_31 = arith.divsi %while3A_28, %while3A_30 : i32
    %while3A_32 = arith.muli %while3A_31, %while3A_30 : i32
    %while3A_33 = arith.addi %while3A_27, %while3A_32 : i32
    %while3A_34 = arith.constant 1 : i32
    scf.for %while3A_41 = %while3A_27 to %while3A_33 step %while3A_34  : i32 {
      %mul3A_42 = arith.constant 16 : i32
      %mul3A_43 = arith.muli %while3A_41, %mul3A_42 : i32
      %add3A_44 = arith.addi %select_n3A, %mul3A_43 : i32
      "tpu.region"() ({
        %run_scoped3A = tpu.sem_alloc : memref<!tpu.dma_semaphore, #tpu.memory_space<semaphore_mem>>
        %dma_start3A_89 = arith.constant 0 : i32
        %dma_start3A_90 = tpu.memref_slice %arg2[%add3A_44, %dma_start3A_89] : memref<2560x128xi32, #tpu.memory_space<hbm>> -> memref<16x128xi32, #tpu.memory_space<hbm>>
        %dma_start3A_91 = arith.constant 0 : i32
        %dma_start3A_92 = tpu.memref_slice %arg2[%add3A_44, %dma_start3A_91] : memref<2560x128xi32, #tpu.memory_space<hbm>> -> memref<16x128xi32, #tpu.memory_space<hbm>>
        tpu.enqueue_dma source(%dma_start3A_92 : memref<16x128xi32, #tpu.memory_space<hbm>>) target(%arg6 : memref<16x128xi32, #tpu.memory_space<vmem>>) target_semaphore(%run_scoped3A : memref<!tpu.dma_semaphore, #tpu.memory_space<semaphore_mem>>)
        %dma_wait3A_93 = arith.constant 0 : i32
        %dma_wait3A_94 = tpu.memref_slice %arg2[%add3A_44, %dma_wait3A_93] : memref<2560x128xi32, #tpu.memory_space<hbm>> -> memref<16x128xi32, #tpu.memory_space<hbm>>
        %dma_wait3A_95 = arith.constant 0 : i32
        %dma_wait3A_96 = tpu.memref_slice %arg2[%add3A_44, %dma_wait3A_95] : memref<2560x128xi32, #tpu.memory_space<hbm>> -> memref<16x128xi32, #tpu.memory_space<hbm>>
        tpu.wait_dma2 semaphore(%run_scoped3A : memref<!tpu.dma_semaphore, #tpu.memory_space<semaphore_mem>>) src(%dma_wait3A_96 : memref<16x128xi32, #tpu.memory_space<hbm>>) dst(%arg6 : memref<16x128xi32, #tpu.memory_space<vmem>>)
        tpu.yield
      }) : () -> ()
      "tpu.region"() ({
        %run_scoped3A = tpu.sem_alloc : memref<!tpu.dma_semaphore, #tpu.memory_space<semaphore_mem>>
        %dma_start3A_89 = arith.constant 0 : i32
        %dma_start3A_90 = tpu.memref_slice %arg3[%add3A_44, %dma_start3A_89] : memref<2560x128xi32, #tpu.memory_space<hbm>> -> memref<16x128xi32, #tpu.memory_space<hbm>>
        %dma_start3A_91 = arith.constant 0 : i32
        %dma_start3A_92 = tpu.memref_slice %arg3[%add3A_44, %dma_start3A_91] : memref<2560x128xi32, #tpu.memory_space<hbm>> -> memref<16x128xi32, #tpu.memory_space<hbm>>
        tpu.enqueue_dma source(%dma_start3A_92 : memref<16x128xi32, #tpu.memory_space<hbm>>) target(%arg7 : memref<16x128xi32, #tpu.memory_space<vmem>>) target_semaphore(%run_scoped3A : memref<!tpu.dma_semaphore, #tpu.memory_space<semaphore_mem>>)
        %dma_wait3A_93 = arith.constant 0 : i32
        %dma_wait3A_94 = tpu.memref_slice %arg3[%add3A_44, %dma_wait3A_93] : memref<2560x128xi32, #tpu.memory_space<hbm>> -> memref<16x128xi32, #tpu.memory_space<hbm>>
        %dma_wait3A_95 = arith.constant 0 : i32
        %dma_wait3A_96 = tpu.memref_slice %arg3[%add3A_44, %dma_wait3A_95] : memref<2560x128xi32, #tpu.memory_space<hbm>> -> memref<16x128xi32, #tpu.memory_space<hbm>>
        tpu.wait_dma2 semaphore(%run_scoped3A : memref<!tpu.dma_semaphore, #tpu.memory_space<semaphore_mem>>) src(%dma_wait3A_96 : memref<16x128xi32, #tpu.memory_space<hbm>>) dst(%arg7 : memref<16x128xi32, #tpu.memory_space<vmem>>)
        tpu.yield
      }) : () -> ()
      %dma_start3A = arith.constant 0 : i32
      %dma_start3A_45 = arith.constant 0 : i32
      %dma_start3A_46 = arith.constant 0 : i32
      %dma_start3A_47 = tpu.memref_slice %arg8[%dma_start3A_45, %dma_start3A_46] : memref<256x128xf32, #tpu.memory_space<vmem>> -> memref<128x128xf32, #tpu.memory_space<vmem>>
      %dma_start3A_48 = arith.constant 0 : i32
      %dma_start3A_49 = tpu.memref_slice %arg6[%dma_start3A, %dma_start3A_48] : memref<16x128xi32, #tpu.memory_space<vmem>> -> memref<1x128xi32, #tpu.memory_space<vmem>>
      %dma_start3A_50 = tpu.memref_squeeze %dma_start3A_49 : memref<1x128xi32, #tpu.memory_space<vmem>> -> memref<128xi32, #tpu.memory_space<vmem>>
      %dma_start3A_51 = arith.constant 0 : i32
      %dma_start3A_52 = arith.constant 0 : i32
      %dma_start3A_53 = tpu.memref_slice %arg4[%dma_start3A_51, %dma_start3A_52] : memref<10240x128xf32, #tpu.memory_space<hbm>> -> memref<10240x128xf32, #tpu.memory_space<hbm>>
      tpu.enqueue_indirect_dma source(%dma_start3A_53 : memref<10240x128xf32, #tpu.memory_space<hbm>>) target(%dma_start3A_47 : memref<128x128xf32, #tpu.memory_space<vmem>>) offsets(%dma_start3A_50 : memref<128xi32, #tpu.memory_space<vmem>>) semaphore(%arg10 : memref<!tpu.dma_semaphore, #tpu.memory_space<semaphore_mem>>)
      %dma_start3A_54 = arith.constant 1 : i32
      %dma_start3A_55 = arith.constant 128 : i32
      %dma_start3A_56 = arith.constant 0 : i32
      %dma_start3A_57 = tpu.memref_slice %arg8[%dma_start3A_55, %dma_start3A_56] : memref<256x128xf32, #tpu.memory_space<vmem>> -> memref<128x128xf32, #tpu.memory_space<vmem>>
      %dma_start3A_58 = arith.constant 0 : i32
      %dma_start3A_59 = tpu.memref_slice %arg6[%dma_start3A_54, %dma_start3A_58] : memref<16x128xi32, #tpu.memory_space<vmem>> -> memref<1x128xi32, #tpu.memory_space<vmem>>
      %dma_start3A_60 = tpu.memref_squeeze %dma_start3A_59 : memref<1x128xi32, #tpu.memory_space<vmem>> -> memref<128xi32, #tpu.memory_space<vmem>>
      %dma_start3A_61 = arith.constant 0 : i32
      %dma_start3A_62 = arith.constant 0 : i32
      %dma_start3A_63 = tpu.memref_slice %arg4[%dma_start3A_61, %dma_start3A_62] : memref<10240x128xf32, #tpu.memory_space<hbm>> -> memref<10240x128xf32, #tpu.memory_space<hbm>>
      tpu.enqueue_indirect_dma source(%dma_start3A_63 : memref<10240x128xf32, #tpu.memory_space<hbm>>) target(%dma_start3A_57 : memref<128x128xf32, #tpu.memory_space<vmem>>) offsets(%dma_start3A_60 : memref<128xi32, #tpu.memory_space<vmem>>) semaphore(%arg11 : memref<!tpu.dma_semaphore, #tpu.memory_space<semaphore_mem>>)
      %scan3A_64 = arith.constant 0 : i32
      %scan3A_65 = arith.constant 0 : i32
      %scan3A_66 = arith.constant 8 : i32
      %scan3A_67 = arith.addi %scan3A_65, %scan3A_66 : i32
      %scan3A_68 = arith.constant 1 : i32
      scf.for %scan3A_89 = %scan3A_65 to %scan3A_67 step %scan3A_68  : i32 {
        %mul3A_90 = arith.constant 2 : i32
        %mul3A_91 = arith.muli %mul3A_90, %scan3A_89 : i32
        %add3A_92 = arith.constant 0 : i32
        %add3A_93 = arith.addi %mul3A_91, %add3A_92 : i32
        %dma_wait3A_94 = arith.constant 0 : i32
        %dma_wait3A_95 = arith.constant 0 : i32
        %dma_wait3A_96 = tpu.memref_slice %arg8[%dma_wait3A_94, %dma_wait3A_95] : memref<256x128xf32, #tpu.memory_space<vmem>> -> memref<128x128xf32, #tpu.memory_space<vmem>>
        %dma_wait3A_97 = arith.constant 0 : i32
        %dma_wait3A_98 = tpu.memref_slice %arg6[%add3A_93, %dma_wait3A_97] : memref<16x128xi32, #tpu.memory_space<vmem>> -> memref<1x128xi32, #tpu.memory_space<vmem>>
        %dma_wait3A_99 = tpu.memref_squeeze %dma_wait3A_98 : memref<1x128xi32, #tpu.memory_space<vmem>> -> memref<128xi32, #tpu.memory_space<vmem>>
        %dma_wait3A_100 = arith.constant 0 : i32
        %dma_wait3A_101 = arith.constant 0 : i32
        %dma_wait3A_102 = tpu.memref_slice %arg4[%dma_wait3A_100, %dma_wait3A_101] : memref<10240x128xf32, #tpu.memory_space<hbm>> -> memref<10240x128xf32, #tpu.memory_space<hbm>>
        tpu.wait_indirect_dma semaphore(%arg10 : memref<!tpu.dma_semaphore, #tpu.memory_space<semaphore_mem>>) src(%dma_wait3A_102 : memref<10240x128xf32, #tpu.memory_space<hbm>>) dst(%dma_wait3A_96 : memref<128x128xf32, #tpu.memory_space<vmem>>)
        "tpu.region"() ({
          %run_scoped3A = tpu.sem_alloc : memref<!tpu.dma_semaphore, #tpu.memory_space<semaphore_mem>>
          %dma_start3A_141 = arith.constant 0 : i32
          %dma_start3A_142 = arith.constant 0 : i32
          %dma_start3A_143 = tpu.memref_slice %arg8[%dma_start3A_141, %dma_start3A_142] : memref<256x128xf32, #tpu.memory_space<vmem>> -> memref<128x128xf32, #tpu.memory_space<vmem>>
          %dma_start3A_144 = arith.constant 0 : i32
          %dma_start3A_145 = tpu.memref_slice %arg7[%add3A_93, %dma_start3A_144] : memref<16x128xi32, #tpu.memory_space<vmem>> -> memref<1x128xi32, #tpu.memory_space<vmem>>
          %dma_start3A_146 = tpu.memref_squeeze %dma_start3A_145 : memref<1x128xi32, #tpu.memory_space<vmem>> -> memref<128xi32, #tpu.memory_space<vmem>>
          %dma_start3A_147 = arith.constant 0 : i32
          %dma_start3A_148 = arith.constant 0 : i32
          %dma_start3A_149 = tpu.memref_slice %arg9[%dma_start3A_147, %dma_start3A_148] : memref<10240x128xf32, #tpu.memory_space<vmem_shared>> -> memref<10240x128xf32, #tpu.memory_space<vmem_shared>>
          tpu.enqueue_indirect_dma source(%dma_start3A_143 : memref<128x128xf32, #tpu.memory_space<vmem>>) target(%dma_start3A_149 : memref<10240x128xf32, #tpu.memory_space<vmem_shared>>) offsets(%dma_start3A_146 : memref<128xi32, #tpu.memory_space<vmem>>) semaphore(%run_scoped3A : memref<!tpu.dma_semaphore, #tpu.memory_space<semaphore_mem>>) {add = true}
          %dma_wait3A_150 = arith.constant 0 : i32
          %dma_wait3A_151 = arith.constant 0 : i32
          %dma_wait3A_152 = tpu.memref_slice %arg8[%dma_wait3A_150, %dma_wait3A_151] : memref<256x128xf32, #tpu.memory_space<vmem>> -> memref<128x128xf32, #tpu.memory_space<vmem>>
          %dma_wait3A_153 = arith.constant 0 : i32
          %dma_wait3A_154 = tpu.memref_slice %arg7[%add3A_93, %dma_wait3A_153] : memref<16x128xi32, #tpu.memory_space<vmem>> -> memref<1x128xi32, #tpu.memory_space<vmem>>
          %dma_wait3A_155 = tpu.memref_squeeze %dma_wait3A_154 : memref<1x128xi32, #tpu.memory_space<vmem>> -> memref<128xi32, #tpu.memory_space<vmem>>
          %dma_wait3A_156 = arith.constant 0 : i32
          %dma_wait3A_157 = arith.constant 0 : i32
          %dma_wait3A_158 = tpu.memref_slice %arg9[%dma_wait3A_156, %dma_wait3A_157] : memref<10240x128xf32, #tpu.memory_space<vmem_shared>> -> memref<10240x128xf32, #tpu.memory_space<vmem_shared>>
          tpu.wait_indirect_dma semaphore(%run_scoped3A : memref<!tpu.dma_semaphore, #tpu.memory_space<semaphore_mem>>) src(%dma_wait3A_152 : memref<128x128xf32, #tpu.memory_space<vmem>>) dst(%dma_wait3A_158 : memref<10240x128xf32, #tpu.memory_space<vmem_shared>>)
          tpu.yield
        }) : () -> ()
        %add3A_103 = arith.constant 2 : i32
        %add3A_104 = arith.addi %add3A_93, %add3A_103 : i32
        %min3A = arith.constant 15 : i32
        %min3A_105 = arith.minsi %add3A_104, %min3A : i32
        %dma_start3A_106 = arith.constant 0 : i32
        %dma_start3A_107 = arith.constant 0 : i32
        %dma_start3A_108 = tpu.memref_slice %arg8[%dma_start3A_106, %dma_start3A_107] : memref<256x128xf32, #tpu.memory_space<vmem>> -> memref<128x128xf32, #tpu.memory_space<vmem>>
        %dma_start3A_109 = arith.constant 0 : i32
        %dma_start3A_110 = tpu.memref_slice %arg6[%min3A_105, %dma_start3A_109] : memref<16x128xi32, #tpu.memory_space<vmem>> -> memref<1x128xi32, #tpu.memory_space<vmem>>
        %dma_start3A_111 = tpu.memref_squeeze %dma_start3A_110 : memref<1x128xi32, #tpu.memory_space<vmem>> -> memref<128xi32, #tpu.memory_space<vmem>>
        %dma_start3A_112 = arith.constant 0 : i32
        %dma_start3A_113 = arith.constant 0 : i32
        %dma_start3A_114 = tpu.memref_slice %arg4[%dma_start3A_112, %dma_start3A_113] : memref<10240x128xf32, #tpu.memory_space<hbm>> -> memref<10240x128xf32, #tpu.memory_space<hbm>>
        tpu.enqueue_indirect_dma source(%dma_start3A_114 : memref<10240x128xf32, #tpu.memory_space<hbm>>) target(%dma_start3A_108 : memref<128x128xf32, #tpu.memory_space<vmem>>) offsets(%dma_start3A_111 : memref<128xi32, #tpu.memory_space<vmem>>) semaphore(%arg10 : memref<!tpu.dma_semaphore, #tpu.memory_space<semaphore_mem>>)
        %mul3A_115 = arith.constant 2 : i32
        %mul3A_116 = arith.muli %mul3A_115, %scan3A_89 : i32
        %add3A_117 = arith.constant 1 : i32
        %add3A_118 = arith.addi %mul3A_116, %add3A_117 : i32
        %dma_wait3A_119 = arith.constant 128 : i32
        %dma_wait3A_120 = arith.constant 0 : i32
        %dma_wait3A_121 = tpu.memref_slice %arg8[%dma_wait3A_119, %dma_wait3A_120] : memref<256x128xf32, #tpu.memory_space<vmem>> -> memref<128x128xf32, #tpu.memory_space<vmem>>
        %dma_wait3A_122 = arith.constant 0 : i32
        %dma_wait3A_123 = tpu.memref_slice %arg6[%add3A_118, %dma_wait3A_122] : memref<16x128xi32, #tpu.memory_space<vmem>> -> memref<1x128xi32, #tpu.memory_space<vmem>>
        %dma_wait3A_124 = tpu.memref_squeeze %dma_wait3A_123 : memref<1x128xi32, #tpu.memory_space<vmem>> -> memref<128xi32, #tpu.memory_space<vmem>>
        %dma_wait3A_125 = arith.constant 0 : i32
        %dma_wait3A_126 = arith.constant 0 : i32
        %dma_wait3A_127 = tpu.memref_slice %arg4[%dma_wait3A_125, %dma_wait3A_126] : memref<10240x128xf32, #tpu.memory_space<hbm>> -> memref<10240x128xf32, #tpu.memory_space<hbm>>
        tpu.wait_indirect_dma semaphore(%arg11 : memref<!tpu.dma_semaphore, #tpu.memory_space<semaphore_mem>>) src(%dma_wait3A_127 : memref<10240x128xf32, #tpu.memory_space<hbm>>) dst(%dma_wait3A_121 : memref<128x128xf32, #tpu.memory_space<vmem>>)
        "tpu.region"() ({
          %run_scoped3A = tpu.sem_alloc : memref<!tpu.dma_semaphore, #tpu.memory_space<semaphore_mem>>
          %dma_start3A_141 = arith.constant 128 : i32
          %dma_start3A_142 = arith.constant 0 : i32
          %dma_start3A_143 = tpu.memref_slice %arg8[%dma_start3A_141, %dma_start3A_142] : memref<256x128xf32, #tpu.memory_space<vmem>> -> memref<128x128xf32, #tpu.memory_space<vmem>>
          %dma_start3A_144 = arith.constant 0 : i32
          %dma_start3A_145 = tpu.memref_slice %arg7[%add3A_118, %dma_start3A_144] : memref<16x128xi32, #tpu.memory_space<vmem>> -> memref<1x128xi32, #tpu.memory_space<vmem>>
          %dma_start3A_146 = tpu.memref_squeeze %dma_start3A_145 : memref<1x128xi32, #tpu.memory_space<vmem>> -> memref<128xi32, #tpu.memory_space<vmem>>
          %dma_start3A_147 = arith.constant 0 : i32
          %dma_start3A_148 = arith.constant 0 : i32
          %dma_start3A_149 = tpu.memref_slice %arg9[%dma_start3A_147, %dma_start3A_148] : memref<10240x128xf32, #tpu.memory_space<vmem_shared>> -> memref<10240x128xf32, #tpu.memory_space<vmem_shared>>
          tpu.enqueue_indirect_dma source(%dma_start3A_143 : memref<128x128xf32, #tpu.memory_space<vmem>>) target(%dma_start3A_149 : memref<10240x128xf32, #tpu.memory_space<vmem_shared>>) offsets(%dma_start3A_146 : memref<128xi32, #tpu.memory_space<vmem>>) semaphore(%run_scoped3A : memref<!tpu.dma_semaphore, #tpu.memory_space<semaphore_mem>>) {add = true}
          %dma_wait3A_150 = arith.constant 128 : i32
          %dma_wait3A_151 = arith.constant 0 : i32
          %dma_wait3A_152 = tpu.memref_slice %arg8[%dma_wait3A_150, %dma_wait3A_151] : memref<256x128xf32, #tpu.memory_space<vmem>> -> memref<128x128xf32, #tpu.memory_space<vmem>>
          %dma_wait3A_153 = arith.constant 0 : i32
          %dma_wait3A_154 = tpu.memref_slice %arg7[%add3A_118, %dma_wait3A_153] : memref<16x128xi32, #tpu.memory_space<vmem>> -> memref<1x128xi32, #tpu.memory_space<vmem>>
          %dma_wait3A_155 = tpu.memref_squeeze %dma_wait3A_154 : memref<1x128xi32, #tpu.memory_space<vmem>> -> memref<128xi32, #tpu.memory_space<vmem>>
          %dma_wait3A_156 = arith.constant 0 : i32
          %dma_wait3A_157 = arith.constant 0 : i32
          %dma_wait3A_158 = tpu.memref_slice %arg9[%dma_wait3A_156, %dma_wait3A_157] : memref<10240x128xf32, #tpu.memory_space<vmem_shared>> -> memref<10240x128xf32, #tpu.memory_space<vmem_shared>>
          tpu.wait_indirect_dma semaphore(%run_scoped3A : memref<!tpu.dma_semaphore, #tpu.memory_space<semaphore_mem>>) src(%dma_wait3A_152 : memref<128x128xf32, #tpu.memory_space<vmem>>) dst(%dma_wait3A_158 : memref<10240x128xf32, #tpu.memory_space<vmem_shared>>)
          tpu.yield
        }) : () -> ()
        %add3A_128 = arith.constant 2 : i32
        %add3A_129 = arith.addi %add3A_118, %add3A_128 : i32
        %min3A_130 = arith.constant 15 : i32
        %min3A_131 = arith.minsi %add3A_129, %min3A_130 : i32
        %dma_start3A_132 = arith.constant 128 : i32
        %dma_start3A_133 = arith.constant 0 : i32
        %dma_start3A_134 = tpu.memref_slice %arg8[%dma_start3A_132, %dma_start3A_133] : memref<256x128xf32, #tpu.memory_space<vmem>> -> memref<128x128xf32, #tpu.memory_space<vmem>>
        %dma_start3A_135 = arith.constant 0 : i32
        %dma_start3A_136 = tpu.memref_slice %arg6[%min3A_131, %dma_start3A_135] : memref<16x128xi32, #tpu.memory_space<vmem>> -> memref<1x128xi32, #tpu.memory_space<vmem>>
        %dma_start3A_137 = tpu.memref_squeeze %dma_start3A_136 : memref<1x128xi32, #tpu.memory_space<vmem>> -> memref<128xi32, #tpu.memory_space<vmem>>
        %dma_start3A_138 = arith.constant 0 : i32
        %dma_start3A_139 = arith.constant 0 : i32
        %dma_start3A_140 = tpu.memref_slice %arg4[%dma_start3A_138, %dma_start3A_139] : memref<10240x128xf32, #tpu.memory_space<hbm>> -> memref<10240x128xf32, #tpu.memory_space<hbm>>
        tpu.enqueue_indirect_dma source(%dma_start3A_140 : memref<10240x128xf32, #tpu.memory_space<hbm>>) target(%dma_start3A_134 : memref<128x128xf32, #tpu.memory_space<vmem>>) offsets(%dma_start3A_137 : memref<128xi32, #tpu.memory_space<vmem>>) semaphore(%arg11 : memref<!tpu.dma_semaphore, #tpu.memory_space<semaphore_mem>>)
      }
      %scan3A_69 = arith.constant 8 : i32
      %dma_wait3A = arith.constant 15 : i32
      %dma_wait3A_70 = arith.constant 0 : i32
      %dma_wait3A_71 = arith.constant 0 : i32
      %dma_wait3A_72 = tpu.memref_slice %arg8[%dma_wait3A_70, %dma_wait3A_71] : memref<256x128xf32, #tpu.memory_space<vmem>> -> memref<128x128xf32, #tpu.memory_space<vmem>>
      %dma_wait3A_73 = arith.constant 0 : i32
      %dma_wait3A_74 = tpu.memref_slice %arg6[%dma_wait3A, %dma_wait3A_73] : memref<16x128xi32, #tpu.memory_space<vmem>> -> memref<1x128xi32, #tpu.memory_space<vmem>>
      %dma_wait3A_75 = tpu.memref_squeeze %dma_wait3A_74 : memref<1x128xi32, #tpu.memory_space<vmem>> -> memref<128xi32, #tpu.memory_space<vmem>>
      %dma_wait3A_76 = arith.constant 0 : i32
      %dma_wait3A_77 = arith.constant 0 : i32
      %dma_wait3A_78 = tpu.memref_slice %arg4[%dma_wait3A_76, %dma_wait3A_77] : memref<10240x128xf32, #tpu.memory_space<hbm>> -> memref<10240x128xf32, #tpu.memory_space<hbm>>
      tpu.wait_indirect_dma semaphore(%arg10 : memref<!tpu.dma_semaphore, #tpu.memory_space<semaphore_mem>>) src(%dma_wait3A_78 : memref<10240x128xf32, #tpu.memory_space<hbm>>) dst(%dma_wait3A_72 : memref<128x128xf32, #tpu.memory_space<vmem>>)
      %dma_wait3A_79 = arith.constant 15 : i32
      %dma_wait3A_80 = arith.constant 128 : i32
      %dma_wait3A_81 = arith.constant 0 : i32
      %dma_wait3A_82 = tpu.memref_slice %arg8[%dma_wait3A_80, %dma_wait3A_81] : memref<256x128xf32, #tpu.memory_space<vmem>> -> memref<128x128xf32, #tpu.memory_space<vmem>>
      %dma_wait3A_83 = arith.constant 0 : i32
      %dma_wait3A_84 = tpu.memref_slice %arg6[%dma_wait3A_79, %dma_wait3A_83] : memref<16x128xi32, #tpu.memory_space<vmem>> -> memref<1x128xi32, #tpu.memory_space<vmem>>
      %dma_wait3A_85 = tpu.memref_squeeze %dma_wait3A_84 : memref<1x128xi32, #tpu.memory_space<vmem>> -> memref<128xi32, #tpu.memory_space<vmem>>
      %dma_wait3A_86 = arith.constant 0 : i32
      %dma_wait3A_87 = arith.constant 0 : i32
      %dma_wait3A_88 = tpu.memref_slice %arg4[%dma_wait3A_86, %dma_wait3A_87] : memref<10240x128xf32, #tpu.memory_space<hbm>> -> memref<10240x128xf32, #tpu.memory_space<hbm>>
      tpu.wait_indirect_dma semaphore(%arg11 : memref<!tpu.dma_semaphore, #tpu.memory_space<semaphore_mem>>) src(%dma_wait3A_88 : memref<10240x128xf32, #tpu.memory_space<hbm>>) dst(%dma_wait3A_82 : memref<128x128xf32, #tpu.memory_space<vmem>>)
    }
    %while3A_35 = arith.constant 1 : i32
    scf.for %while3A_41 = %while3A_33 to %while3A_29 step %while3A_35  : i32 {
      %mul3A_42 = arith.constant 16 : i32
      %mul3A_43 = arith.muli %while3A_41, %mul3A_42 : i32
      %add3A_44 = arith.addi %select_n3A, %mul3A_43 : i32
      "tpu.region"() ({
        %run_scoped3A = tpu.sem_alloc : memref<!tpu.dma_semaphore, #tpu.memory_space<semaphore_mem>>
        %dma_start3A_89 = arith.constant 0 : i32
        %dma_start3A_90 = tpu.memref_slice %arg2[%add3A_44, %dma_start3A_89] : memref<2560x128xi32, #tpu.memory_space<hbm>> -> memref<16x128xi32, #tpu.memory_space<hbm>>
        %dma_start3A_91 = arith.constant 0 : i32
        %dma_start3A_92 = tpu.memref_slice %arg2[%add3A_44, %dma_start3A_91] : memref<2560x128xi32, #tpu.memory_space<hbm>> -> memref<16x128xi32, #tpu.memory_space<hbm>>
        tpu.enqueue_dma source(%dma_start3A_92 : memref<16x128xi32, #tpu.memory_space<hbm>>) target(%arg6 : memref<16x128xi32, #tpu.memory_space<vmem>>) target_semaphore(%run_scoped3A : memref<!tpu.dma_semaphore, #tpu.memory_space<semaphore_mem>>)
        %dma_wait3A_93 = arith.constant 0 : i32
        %dma_wait3A_94 = tpu.memref_slice %arg2[%add3A_44, %dma_wait3A_93] : memref<2560x128xi32, #tpu.memory_space<hbm>> -> memref<16x128xi32, #tpu.memory_space<hbm>>
        %dma_wait3A_95 = arith.constant 0 : i32
        %dma_wait3A_96 = tpu.memref_slice %arg2[%add3A_44, %dma_wait3A_95] : memref<2560x128xi32, #tpu.memory_space<hbm>> -> memref<16x128xi32, #tpu.memory_space<hbm>>
        tpu.wait_dma2 semaphore(%run_scoped3A : memref<!tpu.dma_semaphore, #tpu.memory_space<semaphore_mem>>) src(%dma_wait3A_96 : memref<16x128xi32, #tpu.memory_space<hbm>>) dst(%arg6 : memref<16x128xi32, #tpu.memory_space<vmem>>)
        tpu.yield
      }) : () -> ()
      "tpu.region"() ({
        %run_scoped3A = tpu.sem_alloc : memref<!tpu.dma_semaphore, #tpu.memory_space<semaphore_mem>>
        %dma_start3A_89 = arith.constant 0 : i32
        %dma_start3A_90 = tpu.memref_slice %arg3[%add3A_44, %dma_start3A_89] : memref<2560x128xi32, #tpu.memory_space<hbm>> -> memref<16x128xi32, #tpu.memory_space<hbm>>
        %dma_start3A_91 = arith.constant 0 : i32
        %dma_start3A_92 = tpu.memref_slice %arg3[%add3A_44, %dma_start3A_91] : memref<2560x128xi32, #tpu.memory_space<hbm>> -> memref<16x128xi32, #tpu.memory_space<hbm>>
        tpu.enqueue_dma source(%dma_start3A_92 : memref<16x128xi32, #tpu.memory_space<hbm>>) target(%arg7 : memref<16x128xi32, #tpu.memory_space<vmem>>) target_semaphore(%run_scoped3A : memref<!tpu.dma_semaphore, #tpu.memory_space<semaphore_mem>>)
        %dma_wait3A_93 = arith.constant 0 : i32
        %dma_wait3A_94 = tpu.memref_slice %arg3[%add3A_44, %dma_wait3A_93] : memref<2560x128xi32, #tpu.memory_space<hbm>> -> memref<16x128xi32, #tpu.memory_space<hbm>>
        %dma_wait3A_95 = arith.constant 0 : i32
        %dma_wait3A_96 = tpu.memref_slice %arg3[%add3A_44, %dma_wait3A_95] : memref<2560x128xi32, #tpu.memory_space<hbm>> -> memref<16x128xi32, #tpu.memory_space<hbm>>
        tpu.wait_dma2 semaphore(%run_scoped3A : memref<!tpu.dma_semaphore, #tpu.memory_space<semaphore_mem>>) src(%dma_wait3A_96 : memref<16x128xi32, #tpu.memory_space<hbm>>) dst(%arg7 : memref<16x128xi32, #tpu.memory_space<vmem>>)
        tpu.yield
      }) : () -> ()
      %dma_start3A = arith.constant 0 : i32
      %dma_start3A_45 = arith.constant 0 : i32
      %dma_start3A_46 = arith.constant 0 : i32
      %dma_start3A_47 = tpu.memref_slice %arg8[%dma_start3A_45, %dma_start3A_46] : memref<256x128xf32, #tpu.memory_space<vmem>> -> memref<128x128xf32, #tpu.memory_space<vmem>>
      %dma_start3A_48 = arith.constant 0 : i32
      %dma_start3A_49 = tpu.memref_slice %arg6[%dma_start3A, %dma_start3A_48] : memref<16x128xi32, #tpu.memory_space<vmem>> -> memref<1x128xi32, #tpu.memory_space<vmem>>
      %dma_start3A_50 = tpu.memref_squeeze %dma_start3A_49 : memref<1x128xi32, #tpu.memory_space<vmem>> -> memref<128xi32, #tpu.memory_space<vmem>>
      %dma_start3A_51 = arith.constant 0 : i32
      %dma_start3A_52 = arith.constant 0 : i32
      %dma_start3A_53 = tpu.memref_slice %arg4[%dma_start3A_51, %dma_start3A_52] : memref<10240x128xf32, #tpu.memory_space<hbm>> -> memref<10240x128xf32, #tpu.memory_space<hbm>>
      tpu.enqueue_indirect_dma source(%dma_start3A_53 : memref<10240x128xf32, #tpu.memory_space<hbm>>) target(%dma_start3A_47 : memref<128x128xf32, #tpu.memory_space<vmem>>) offsets(%dma_start3A_50 : memref<128xi32, #tpu.memory_space<vmem>>) semaphore(%arg10 : memref<!tpu.dma_semaphore, #tpu.memory_space<semaphore_mem>>)
      %dma_start3A_54 = arith.constant 1 : i32
      %dma_start3A_55 = arith.constant 128 : i32
      %dma_start3A_56 = arith.constant 0 : i32
      %dma_start3A_57 = tpu.memref_slice %arg8[%dma_start3A_55, %dma_start3A_56] : memref<256x128xf32, #tpu.memory_space<vmem>> -> memref<128x128xf32, #tpu.memory_space<vmem>>
      %dma_start3A_58 = arith.constant 0 : i32
      %dma_start3A_59 = tpu.memref_slice %arg6[%dma_start3A_54, %dma_start3A_58] : memref<16x128xi32, #tpu.memory_space<vmem>> -> memref<1x128xi32, #tpu.memory_space<vmem>>
      %dma_start3A_60 = tpu.memref_squeeze %dma_start3A_59 : memref<1x128xi32, #tpu.memory_space<vmem>> -> memref<128xi32, #tpu.memory_space<vmem>>
      %dma_start3A_61 = arith.constant 0 : i32
      %dma_start3A_62 = arith.constant 0 : i32
      %dma_start3A_63 = tpu.memref_slice %arg4[%dma_start3A_61, %dma_start3A_62] : memref<10240x128xf32, #tpu.memory_space<hbm>> -> memref<10240x128xf32, #tpu.memory_space<hbm>>
      tpu.enqueue_indirect_dma source(%dma_start3A_63 : memref<10240x128xf32, #tpu.memory_space<hbm>>) target(%dma_start3A_57 : memref<128x128xf32, #tpu.memory_space<vmem>>) offsets(%dma_start3A_60 : memref<128xi32, #tpu.memory_space<vmem>>) semaphore(%arg11 : memref<!tpu.dma_semaphore, #tpu.memory_space<semaphore_mem>>)
      %scan3A_64 = arith.constant 0 : i32
      %scan3A_65 = arith.constant 0 : i32
      %scan3A_66 = arith.constant 8 : i32
      %scan3A_67 = arith.addi %scan3A_65, %scan3A_66 : i32
      %scan3A_68 = arith.constant 1 : i32
      scf.for %scan3A_89 = %scan3A_65 to %scan3A_67 step %scan3A_68  : i32 {
        %mul3A_90 = arith.constant 2 : i32
        %mul3A_91 = arith.muli %mul3A_90, %scan3A_89 : i32
        %add3A_92 = arith.constant 0 : i32
        %add3A_93 = arith.addi %mul3A_91, %add3A_92 : i32
        %dma_wait3A_94 = arith.constant 0 : i32
        %dma_wait3A_95 = arith.constant 0 : i32
        %dma_wait3A_96 = tpu.memref_slice %arg8[%dma_wait3A_94, %dma_wait3A_95] : memref<256x128xf32, #tpu.memory_space<vmem>> -> memref<128x128xf32, #tpu.memory_space<vmem>>
        %dma_wait3A_97 = arith.constant 0 : i32
        %dma_wait3A_98 = tpu.memref_slice %arg6[%add3A_93, %dma_wait3A_97] : memref<16x128xi32, #tpu.memory_space<vmem>> -> memref<1x128xi32, #tpu.memory_space<vmem>>
        %dma_wait3A_99 = tpu.memref_squeeze %dma_wait3A_98 : memref<1x128xi32, #tpu.memory_space<vmem>> -> memref<128xi32, #tpu.memory_space<vmem>>
        %dma_wait3A_100 = arith.constant 0 : i32
        %dma_wait3A_101 = arith.constant 0 : i32
        %dma_wait3A_102 = tpu.memref_slice %arg4[%dma_wait3A_100, %dma_wait3A_101] : memref<10240x128xf32, #tpu.memory_space<hbm>> -> memref<10240x128xf32, #tpu.memory_space<hbm>>
        tpu.wait_indirect_dma semaphore(%arg10 : memref<!tpu.dma_semaphore, #tpu.memory_space<semaphore_mem>>) src(%dma_wait3A_102 : memref<10240x128xf32, #tpu.memory_space<hbm>>) dst(%dma_wait3A_96 : memref<128x128xf32, #tpu.memory_space<vmem>>)
        "tpu.region"() ({
          %run_scoped3A = tpu.sem_alloc : memref<!tpu.dma_semaphore, #tpu.memory_space<semaphore_mem>>
          %dma_start3A_141 = arith.constant 0 : i32
          %dma_start3A_142 = arith.constant 0 : i32
          %dma_start3A_143 = tpu.memref_slice %arg8[%dma_start3A_141, %dma_start3A_142] : memref<256x128xf32, #tpu.memory_space<vmem>> -> memref<128x128xf32, #tpu.memory_space<vmem>>
          %dma_start3A_144 = arith.constant 0 : i32
          %dma_start3A_145 = tpu.memref_slice %arg7[%add3A_93, %dma_start3A_144] : memref<16x128xi32, #tpu.memory_space<vmem>> -> memref<1x128xi32, #tpu.memory_space<vmem>>
          %dma_start3A_146 = tpu.memref_squeeze %dma_start3A_145 : memref<1x128xi32, #tpu.memory_space<vmem>> -> memref<128xi32, #tpu.memory_space<vmem>>
          %dma_start3A_147 = arith.constant 0 : i32
          %dma_start3A_148 = arith.constant 0 : i32
          %dma_start3A_149 = tpu.memref_slice %arg9[%dma_start3A_147, %dma_start3A_148] : memref<10240x128xf32, #tpu.memory_space<vmem_shared>> -> memref<10240x128xf32, #tpu.memory_space<vmem_shared>>
          tpu.enqueue_indirect_dma source(%dma_start3A_143 : memref<128x128xf32, #tpu.memory_space<vmem>>) target(%dma_start3A_149 : memref<10240x128xf32, #tpu.memory_space<vmem_shared>>) offsets(%dma_start3A_146 : memref<128xi32, #tpu.memory_space<vmem>>) semaphore(%run_scoped3A : memref<!tpu.dma_semaphore, #tpu.memory_space<semaphore_mem>>) {add = true}
          %dma_wait3A_150 = arith.constant 0 : i32
          %dma_wait3A_151 = arith.constant 0 : i32
          %dma_wait3A_152 = tpu.memref_slice %arg8[%dma_wait3A_150, %dma_wait3A_151] : memref<256x128xf32, #tpu.memory_space<vmem>> -> memref<128x128xf32, #tpu.memory_space<vmem>>
          %dma_wait3A_153 = arith.constant 0 : i32
          %dma_wait3A_154 = tpu.memref_slice %arg7[%add3A_93, %dma_wait3A_153] : memref<16x128xi32, #tpu.memory_space<vmem>> -> memref<1x128xi32, #tpu.memory_space<vmem>>
          %dma_wait3A_155 = tpu.memref_squeeze %dma_wait3A_154 : memref<1x128xi32, #tpu.memory_space<vmem>> -> memref<128xi32, #tpu.memory_space<vmem>>
          %dma_wait3A_156 = arith.constant 0 : i32
          %dma_wait3A_157 = arith.constant 0 : i32
          %dma_wait3A_158 = tpu.memref_slice %arg9[%dma_wait3A_156, %dma_wait3A_157] : memref<10240x128xf32, #tpu.memory_space<vmem_shared>> -> memref<10240x128xf32, #tpu.memory_space<vmem_shared>>
          tpu.wait_indirect_dma semaphore(%run_scoped3A : memref<!tpu.dma_semaphore, #tpu.memory_space<semaphore_mem>>) src(%dma_wait3A_152 : memref<128x128xf32, #tpu.memory_space<vmem>>) dst(%dma_wait3A_158 : memref<10240x128xf32, #tpu.memory_space<vmem_shared>>)
          tpu.yield
        }) : () -> ()
        %add3A_103 = arith.constant 2 : i32
        %add3A_104 = arith.addi %add3A_93, %add3A_103 : i32
        %min3A = arith.constant 15 : i32
        %min3A_105 = arith.minsi %add3A_104, %min3A : i32
        %dma_start3A_106 = arith.constant 0 : i32
        %dma_start3A_107 = arith.constant 0 : i32
        %dma_start3A_108 = tpu.memref_slice %arg8[%dma_start3A_106, %dma_start3A_107] : memref<256x128xf32, #tpu.memory_space<vmem>> -> memref<128x128xf32, #tpu.memory_space<vmem>>
        %dma_start3A_109 = arith.constant 0 : i32
        %dma_start3A_110 = tpu.memref_slice %arg6[%min3A_105, %dma_start3A_109] : memref<16x128xi32, #tpu.memory_space<vmem>> -> memref<1x128xi32, #tpu.memory_space<vmem>>
        %dma_start3A_111 = tpu.memref_squeeze %dma_start3A_110 : memref<1x128xi32, #tpu.memory_space<vmem>> -> memref<128xi32, #tpu.memory_space<vmem>>
        %dma_start3A_112 = arith.constant 0 : i32
        %dma_start3A_113 = arith.constant 0 : i32
        %dma_start3A_114 = tpu.memref_slice %arg4[%dma_start3A_112, %dma_start3A_113] : memref<10240x128xf32, #tpu.memory_space<hbm>> -> memref<10240x128xf32, #tpu.memory_space<hbm>>
        tpu.enqueue_indirect_dma source(%dma_start3A_114 : memref<10240x128xf32, #tpu.memory_space<hbm>>) target(%dma_start3A_108 : memref<128x128xf32, #tpu.memory_space<vmem>>) offsets(%dma_start3A_111 : memref<128xi32, #tpu.memory_space<vmem>>) semaphore(%arg10 : memref<!tpu.dma_semaphore, #tpu.memory_space<semaphore_mem>>)
        %mul3A_115 = arith.constant 2 : i32
        %mul3A_116 = arith.muli %mul3A_115, %scan3A_89 : i32
        %add3A_117 = arith.constant 1 : i32
        %add3A_118 = arith.addi %mul3A_116, %add3A_117 : i32
        %dma_wait3A_119 = arith.constant 128 : i32
        %dma_wait3A_120 = arith.constant 0 : i32
        %dma_wait3A_121 = tpu.memref_slice %arg8[%dma_wait3A_119, %dma_wait3A_120] : memref<256x128xf32, #tpu.memory_space<vmem>> -> memref<128x128xf32, #tpu.memory_space<vmem>>
        %dma_wait3A_122 = arith.constant 0 : i32
        %dma_wait3A_123 = tpu.memref_slice %arg6[%add3A_118, %dma_wait3A_122] : memref<16x128xi32, #tpu.memory_space<vmem>> -> memref<1x128xi32, #tpu.memory_space<vmem>>
        %dma_wait3A_124 = tpu.memref_squeeze %dma_wait3A_123 : memref<1x128xi32, #tpu.memory_space<vmem>> -> memref<128xi32, #tpu.memory_space<vmem>>
        %dma_wait3A_125 = arith.constant 0 : i32
        %dma_wait3A_126 = arith.constant 0 : i32
        %dma_wait3A_127 = tpu.memref_slice %arg4[%dma_wait3A_125, %dma_wait3A_126] : memref<10240x128xf32, #tpu.memory_space<hbm>> -> memref<10240x128xf32, #tpu.memory_space<hbm>>
        tpu.wait_indirect_dma semaphore(%arg11 : memref<!tpu.dma_semaphore, #tpu.memory_space<semaphore_mem>>) src(%dma_wait3A_127 : memref<10240x128xf32, #tpu.memory_space<hbm>>) dst(%dma_wait3A_121 : memref<128x128xf32, #tpu.memory_space<vmem>>)
        "tpu.region"() ({
          %run_scoped3A = tpu.sem_alloc : memref<!tpu.dma_semaphore, #tpu.memory_space<semaphore_mem>>
          %dma_start3A_141 = arith.constant 128 : i32
          %dma_start3A_142 = arith.constant 0 : i32
          %dma_start3A_143 = tpu.memref_slice %arg8[%dma_start3A_141, %dma_start3A_142] : memref<256x128xf32, #tpu.memory_space<vmem>> -> memref<128x128xf32, #tpu.memory_space<vmem>>
          %dma_start3A_144 = arith.constant 0 : i32
          %dma_start3A_145 = tpu.memref_slice %arg7[%add3A_118, %dma_start3A_144] : memref<16x128xi32, #tpu.memory_space<vmem>> -> memref<1x128xi32, #tpu.memory_space<vmem>>
          %dma_start3A_146 = tpu.memref_squeeze %dma_start3A_145 : memref<1x128xi32, #tpu.memory_space<vmem>> -> memref<128xi32, #tpu.memory_space<vmem>>
          %dma_start3A_147 = arith.constant 0 : i32
          %dma_start3A_148 = arith.constant 0 : i32
          %dma_start3A_149 = tpu.memref_slice %arg9[%dma_start3A_147, %dma_start3A_148] : memref<10240x128xf32, #tpu.memory_space<vmem_shared>> -> memref<10240x128xf32, #tpu.memory_space<vmem_shared>>
          tpu.enqueue_indirect_dma source(%dma_start3A_143 : memref<128x128xf32, #tpu.memory_space<vmem>>) target(%dma_start3A_149 : memref<10240x128xf32, #tpu.memory_space<vmem_shared>>) offsets(%dma_start3A_146 : memref<128xi32, #tpu.memory_space<vmem>>) semaphore(%run_scoped3A : memref<!tpu.dma_semaphore, #tpu.memory_space<semaphore_mem>>) {add = true}
          %dma_wait3A_150 = arith.constant 128 : i32
          %dma_wait3A_151 = arith.constant 0 : i32
          %dma_wait3A_152 = tpu.memref_slice %arg8[%dma_wait3A_150, %dma_wait3A_151] : memref<256x128xf32, #tpu.memory_space<vmem>> -> memref<128x128xf32, #tpu.memory_space<vmem>>
          %dma_wait3A_153 = arith.constant 0 : i32
          %dma_wait3A_154 = tpu.memref_slice %arg7[%add3A_118, %dma_wait3A_153] : memref<16x128xi32, #tpu.memory_space<vmem>> -> memref<1x128xi32, #tpu.memory_space<vmem>>
          %dma_wait3A_155 = tpu.memref_squeeze %dma_wait3A_154 : memref<1x128xi32, #tpu.memory_space<vmem>> -> memref<128xi32, #tpu.memory_space<vmem>>
          %dma_wait3A_156 = arith.constant 0 : i32
          %dma_wait3A_157 = arith.constant 0 : i32
          %dma_wait3A_158 = tpu.memref_slice %arg9[%dma_wait3A_156, %dma_wait3A_157] : memref<10240x128xf32, #tpu.memory_space<vmem_shared>> -> memref<10240x128xf32, #tpu.memory_space<vmem_shared>>
          tpu.wait_indirect_dma semaphore(%run_scoped3A : memref<!tpu.dma_semaphore, #tpu.memory_space<semaphore_mem>>) src(%dma_wait3A_152 : memref<128x128xf32, #tpu.memory_space<vmem>>) dst(%dma_wait3A_158 : memref<10240x128xf32, #tpu.memory_space<vmem_shared>>)
          tpu.yield
        }) : () -> ()
        %add3A_128 = arith.constant 2 : i32
        %add3A_129 = arith.addi %add3A_118, %add3A_128 : i32
        %min3A_130 = arith.constant 15 : i32
        %min3A_131 = arith.minsi %add3A_129, %min3A_130 : i32
        %dma_start3A_132 = arith.constant 128 : i32
        %dma_start3A_133 = arith.constant 0 : i32
        %dma_start3A_134 = tpu.memref_slice %arg8[%dma_start3A_132, %dma_start3A_133] : memref<256x128xf32, #tpu.memory_space<vmem>> -> memref<128x128xf32, #tpu.memory_space<vmem>>
        %dma_start3A_135 = arith.constant 0 : i32
        %dma_start3A_136 = tpu.memref_slice %arg6[%min3A_131, %dma_start3A_135] : memref<16x128xi32, #tpu.memory_space<vmem>> -> memref<1x128xi32, #tpu.memory_space<vmem>>
        %dma_start3A_137 = tpu.memref_squeeze %dma_start3A_136 : memref<1x128xi32, #tpu.memory_space<vmem>> -> memref<128xi32, #tpu.memory_space<vmem>>
        %dma_start3A_138 = arith.constant 0 : i32
        %dma_start3A_139 = arith.constant 0 : i32
        %dma_start3A_140 = tpu.memref_slice %arg4[%dma_start3A_138, %dma_start3A_139] : memref<10240x128xf32, #tpu.memory_space<hbm>> -> memref<10240x128xf32, #tpu.memory_space<hbm>>
        tpu.enqueue_indirect_dma source(%dma_start3A_140 : memref<10240x128xf32, #tpu.memory_space<hbm>>) target(%dma_start3A_134 : memref<128x128xf32, #tpu.memory_space<vmem>>) offsets(%dma_start3A_137 : memref<128xi32, #tpu.memory_space<vmem>>) semaphore(%arg11 : memref<!tpu.dma_semaphore, #tpu.memory_space<semaphore_mem>>)
      }
      %scan3A_69 = arith.constant 8 : i32
      %dma_wait3A = arith.constant 15 : i32
      %dma_wait3A_70 = arith.constant 0 : i32
      %dma_wait3A_71 = arith.constant 0 : i32
      %dma_wait3A_72 = tpu.memref_slice %arg8[%dma_wait3A_70, %dma_wait3A_71] : memref<256x128xf32, #tpu.memory_space<vmem>> -> memref<128x128xf32, #tpu.memory_space<vmem>>
      %dma_wait3A_73 = arith.constant 0 : i32
      %dma_wait3A_74 = tpu.memref_slice %arg6[%dma_wait3A, %dma_wait3A_73] : memref<16x128xi32, #tpu.memory_space<vmem>> -> memref<1x128xi32, #tpu.memory_space<vmem>>
      %dma_wait3A_75 = tpu.memref_squeeze %dma_wait3A_74 : memref<1x128xi32, #tpu.memory_space<vmem>> -> memref<128xi32, #tpu.memory_space<vmem>>
      %dma_wait3A_76 = arith.constant 0 : i32
      %dma_wait3A_77 = arith.constant 0 : i32
      %dma_wait3A_78 = tpu.memref_slice %arg4[%dma_wait3A_76, %dma_wait3A_77] : memref<10240x128xf32, #tpu.memory_space<hbm>> -> memref<10240x128xf32, #tpu.memory_space<hbm>>
      tpu.wait_indirect_dma semaphore(%arg10 : memref<!tpu.dma_semaphore, #tpu.memory_space<semaphore_mem>>) src(%dma_wait3A_78 : memref<10240x128xf32, #tpu.memory_space<hbm>>) dst(%dma_wait3A_72 : memref<128x128xf32, #tpu.memory_space<vmem>>)
      %dma_wait3A_79 = arith.constant 15 : i32
      %dma_wait3A_80 = arith.constant 128 : i32
      %dma_wait3A_81 = arith.constant 0 : i32
      %dma_wait3A_82 = tpu.memref_slice %arg8[%dma_wait3A_80, %dma_wait3A_81] : memref<256x128xf32, #tpu.memory_space<vmem>> -> memref<128x128xf32, #tpu.memory_space<vmem>>
      %dma_wait3A_83 = arith.constant 0 : i32
      %dma_wait3A_84 = tpu.memref_slice %arg6[%dma_wait3A_79, %dma_wait3A_83] : memref<16x128xi32, #tpu.memory_space<vmem>> -> memref<1x128xi32, #tpu.memory_space<vmem>>
      %dma_wait3A_85 = tpu.memref_squeeze %dma_wait3A_84 : memref<1x128xi32, #tpu.memory_space<vmem>> -> memref<128xi32, #tpu.memory_space<vmem>>
      %dma_wait3A_86 = arith.constant 0 : i32
      %dma_wait3A_87 = arith.constant 0 : i32
      %dma_wait3A_88 = tpu.memref_slice %arg4[%dma_wait3A_86, %dma_wait3A_87] : memref<10240x128xf32, #tpu.memory_space<hbm>> -> memref<10240x128xf32, #tpu.memory_space<hbm>>
      tpu.wait_indirect_dma semaphore(%arg11 : memref<!tpu.dma_semaphore, #tpu.memory_space<semaphore_mem>>) src(%dma_wait3A_88 : memref<10240x128xf32, #tpu.memory_space<hbm>>) dst(%dma_wait3A_82 : memref<128x128xf32, #tpu.memory_space<vmem>>)
    }
    %barrier3A_36 = arith.constant 0 : index
    tpu.barrier barrier_id(%barrier3A_36)
    %mul3A_37 = arith.constant 640 : i32
    %mul3A_38 = arith.muli %arg1, %mul3A_37 : i32
    %mul3A_39 = arith.constant 640 : i32
    %mul3A_40 = arith.muli %arg1, %mul3A_39 : i32
    "tpu.region"() ({
      %run_scoped3A = tpu.sem_alloc : memref<!tpu.dma_semaphore, #tpu.memory_space<semaphore_mem>>
      %dma_start3A = arith.constant 0 : i32
      %dma_start3A_41 = tpu.memref_slice %arg5[%arg0, %mul3A_40, %dma_start3A] : memref<2x10240x128xf32, #tpu.memory_space<hbm>> -> memref<1x640x128xf32, #tpu.memory_space<hbm>>
      %dma_start3A_42 = tpu.memref_squeeze %dma_start3A_41 : memref<1x640x128xf32, #tpu.memory_space<hbm>> -> memref<640x128xf32, #tpu.memory_space<hbm>>
      %dma_start3A_43 = arith.constant 0 : i32
      %dma_start3A_44 = tpu.memref_slice %arg9[%mul3A_38, %dma_start3A_43] : memref<10240x128xf32, #tpu.memory_space<vmem_shared>> -> memref<640x128xf32, #tpu.memory_space<vmem_shared>>
      tpu.enqueue_dma source(%dma_start3A_44 : memref<640x128xf32, #tpu.memory_space<vmem_shared>>) target(%dma_start3A_42 : memref<640x128xf32, #tpu.memory_space<hbm>>) target_semaphore(%run_scoped3A : memref<!tpu.dma_semaphore, #tpu.memory_space<semaphore_mem>>)
      %dma_wait3A = arith.constant 0 : i32
      %dma_wait3A_45 = tpu.memref_slice %arg5[%arg0, %mul3A_40, %dma_wait3A] : memref<2x10240x128xf32, #tpu.memory_space<hbm>> -> memref<1x640x128xf32, #tpu.memory_space<hbm>>
      %dma_wait3A_46 = tpu.memref_squeeze %dma_wait3A_45 : memref<1x640x128xf32, #tpu.memory_space<hbm>> -> memref<640x128xf32, #tpu.memory_space<hbm>>
      %dma_wait3A_47 = arith.constant 0 : i32
      %dma_wait3A_48 = tpu.memref_slice %arg9[%mul3A_38, %dma_wait3A_47] : memref<10240x128xf32, #tpu.memory_space<vmem_shared>> -> memref<640x128xf32, #tpu.memory_space<vmem_shared>>
      tpu.wait_dma2 semaphore(%run_scoped3A : memref<!tpu.dma_semaphore, #tpu.memory_space<semaphore_mem>>) src(%dma_wait3A_48 : memref<640x128xf32, #tpu.memory_space<vmem_shared>>) dst(%dma_wait3A_46 : memref<640x128xf32, #tpu.memory_space<hbm>>)
      tpu.yield
    }) : () -> ()
    return
  }
}

#map = affine_map<(d0, d1) -> (0, 0)>
#map1 = affine_map<(d0, d1) -> (0, 0, 0)>
module attributes {stable_mosaic.version = 14 : i64} {
  func.func @_seg_body(%arg0: i32, %arg1: i32, %arg2: memref<2560x128xi32, #tpu.memory_space<hbm>>, %arg3: memref<2560x128xi32, #tpu.memory_space<hbm>>, %arg4: memref<10240x128xf32, #tpu.memory_space<hbm>>, %arg5: memref<2x10240x128xf32, #tpu.memory_space<hbm>>, %arg6: memref<16x128xi32, #tpu.memory_space<vmem>>, %arg7: memref<16x128xi32, #tpu.memory_space<vmem>>, %arg8: memref<256x128xf32, #tpu.memory_space<vmem>>, %arg9: memref<10240x128xf32, #tpu.memory_space<vmem_shared>>, %arg10: memref<!tpu.dma_semaphore, #tpu.memory_space<semaphore_mem>>, %arg11: memref<!tpu.dma_semaphore, #tpu.memory_space<semaphore_mem>>) attributes {dimension_semantics = [#tpu.dimension_semantics<core_parallel>, #tpu.dimension_semantics<subcore_parallel>], iteration_bounds = array<i64: 2, 16>, scalar_prefetch = 0 : i64, scratch_operands = 6 : i64, tpu.core_type = #tpu.core_type<sc_vector_subcore>, window_params = [{transform_indices = #map}, {transform_indices = #map}, {transform_indices = #map}, {transform_indices = #map1}]} {
    %broadcast_in_dim3A = arith.constant 0.000000e+00 : f32
    %broadcast_in_dim3A_0 = vector.broadcast %broadcast_in_dim3A : f32 to vector<16xf32>
    %scan3A = arith.constant 0 : i32
    %scan3A_1 = arith.constant 0 : i32
    %scan3A_2 = arith.constant 256 : i32
    %scan3A_3 = arith.addi %scan3A_1, %scan3A_2 : i32
    %scan3A_4 = arith.constant 1 : i32
    scf.for %scan3A_41 = %scan3A_1 to %scan3A_3 step %scan3A_4  : i32 {
      %swap3A = arith.index_cast %scan3A_41 : i32 to index
      %swap3A_42 = arith.constant 0 : index
      %swap3A_43 = tpu.vector_load %arg8[%swap3A, %swap3A_42] {strides = array<i32>} : memref<256x128xf32, #tpu.memory_space<vmem>>, vector<1x16xf32>,
      %swap3A_44 = vector.shape_cast %swap3A_43 : vector<1x16xf32> to vector<16xf32>
      %swap3A_45 = vector.shape_cast %broadcast_in_dim3A_0 : vector<16xf32> to vector<1x16xf32>
      tpu.vector_store %arg8[%swap3A, %swap3A_42], %swap3A_45 {strides = array<i32>} : memref<256x128xf32, #tpu.memory_space<vmem>>, vector<1x16xf32>,
      %swap3A_46 = arith.index_cast %scan3A_41 : i32 to index
      %swap3A_47 = arith.constant 16 : index
      %swap3A_48 = tpu.vector_load %arg8[%swap3A_46, %swap3A_47] {strides = array<i32>} : memref<256x128xf32, #tpu.memory_space<vmem>>, vector<1x16xf32>,
      %swap3A_49 = vector.shape_cast %swap3A_48 : vector<1x16xf32> to vector<16xf32>
      %swap3A_50 = vector.shape_cast %broadcast_in_dim3A_0 : vector<16xf32> to vector<1x16xf32>
      tpu.vector_store %arg8[%swap3A_46, %swap3A_47], %swap3A_50 {strides = array<i32>} : memref<256x128xf32, #tpu.memory_space<vmem>>, vector<1x16xf32>,
      %swap3A_51 = arith.index_cast %scan3A_41 : i32 to index
      %swap3A_52 = arith.constant 32 : index
      %swap3A_53 = tpu.vector_load %arg8[%swap3A_51, %swap3A_52] {strides = array<i32>} : memref<256x128xf32, #tpu.memory_space<vmem>>, vector<1x16xf32>,
      %swap3A_54 = vector.shape_cast %swap3A_53 : vector<1x16xf32> to vector<16xf32>
      %swap3A_55 = vector.shape_cast %broadcast_in_dim3A_0 : vector<16xf32> to vector<1x16xf32>
      tpu.vector_store %arg8[%swap3A_51, %swap3A_52], %swap3A_55 {strides = array<i32>} : memref<256x128xf32, #tpu.memory_space<vmem>>, vector<1x16xf32>,
      %swap3A_56 = arith.index_cast %scan3A_41 : i32 to index
      %swap3A_57 = arith.constant 48 : index
      %swap3A_58 = tpu.vector_load %arg8[%swap3A_56, %swap3A_57] {strides = array<i32>} : memref<256x128xf32, #tpu.memory_space<vmem>>, vector<1x16xf32>,
      %swap3A_59 = vector.shape_cast %swap3A_58 : vector<1x16xf32> to vector<16xf32>
      %swap3A_60 = vector.shape_cast %broadcast_in_dim3A_0 : vector<16xf32> to vector<1x16xf32>
      tpu.vector_store %arg8[%swap3A_56, %swap3A_57], %swap3A_60 {strides = array<i32>} : memref<256x128xf32, #tpu.memory_space<vmem>>, vector<1x16xf32>,
      %swap3A_61 = arith.index_cast %scan3A_41 : i32 to index
      %swap3A_62 = arith.constant 64 : index
      %swap3A_63 = tpu.vector_load %arg8[%swap3A_61, %swap3A_62] {strides = array<i32>} : memref<256x128xf32, #tpu.memory_space<vmem>>, vector<1x16xf32>,
      %swap3A_64 = vector.shape_cast %swap3A_63 : vector<1x16xf32> to vector<16xf32>
      %swap3A_65 = vector.shape_cast %broadcast_in_dim3A_0 : vector<16xf32> to vector<1x16xf32>
      tpu.vector_store %arg8[%swap3A_61, %swap3A_62], %swap3A_65 {strides = array<i32>} : memref<256x128xf32, #tpu.memory_space<vmem>>, vector<1x16xf32>,
      %swap3A_66 = arith.index_cast %scan3A_41 : i32 to index
      %swap3A_67 = arith.constant 80 : index
      %swap3A_68 = tpu.vector_load %arg8[%swap3A_66, %swap3A_67] {strides = array<i32>} : memref<256x128xf32, #tpu.memory_space<vmem>>, vector<1x16xf32>,
      %swap3A_69 = vector.shape_cast %swap3A_68 : vector<1x16xf32> to vector<16xf32>
      %swap3A_70 = vector.shape_cast %broadcast_in_dim3A_0 : vector<16xf32> to vector<1x16xf32>
      tpu.vector_store %arg8[%swap3A_66, %swap3A_67], %swap3A_70 {strides = array<i32>} : memref<256x128xf32, #tpu.memory_space<vmem>>, vector<1x16xf32>,
      %swap3A_71 = arith.index_cast %scan3A_41 : i32 to index
      %swap3A_72 = arith.constant 96 : index
      %swap3A_73 = tpu.vector_load %arg8[%swap3A_71, %swap3A_72] {strides = array<i32>} : memref<256x128xf32, #tpu.memory_space<vmem>>, vector<1x16xf32>,
      %swap3A_74 = vector.shape_cast %swap3A_73 : vector<1x16xf32> to vector<16xf32>
      %swap3A_75 = vector.shape_cast %broadcast_in_dim3A_0 : vector<16xf32> to vector<1x16xf32>
      tpu.vector_store %arg8[%swap3A_71, %swap3A_72], %swap3A_75 {strides = array<i32>} : memref<256x128xf32, #tpu.memory_space<vmem>>, vector<1x16xf32>,
      %swap3A_76 = arith.index_cast %scan3A_41 : i32 to index
      %swap3A_77 = arith.constant 112 : index
      %swap3A_78 = tpu.vector_load %arg8[%swap3A_76, %swap3A_77] {strides = array<i32>} : memref<256x128xf32, #tpu.memory_space<vmem>>, vector<1x16xf32>,
      %swap3A_79 = vector.shape_cast %swap3A_78 : vector<1x16xf32> to vector<16xf32>
      %swap3A_80 = vector.shape_cast %broadcast_in_dim3A_0 : vector<16xf32> to vector<1x16xf32>
      tpu.vector_store %arg8[%swap3A_76, %swap3A_77], %swap3A_80 {strides = array<i32>} : memref<256x128xf32, #tpu.memory_space<vmem>>, vector<1x16xf32>,
    }
    %scan3A_5 = arith.constant 256 : i32
    %mul3A = arith.constant 640 : i32
    %mul3A_6 = arith.muli %arg1, %mul3A : i32
    %add3A = arith.constant 0 : i32
    %add3A_7 = arith.addi %mul3A_6, %add3A : i32
    "tpu.region"() ({
      %run_scoped3A = tpu.sem_alloc : memref<!tpu.dma_semaphore, #tpu.memory_space<semaphore_mem>>
      %dma_start3A = arith.constant 0 : i32
      %dma_start3A_41 = tpu.memref_slice %arg9[%add3A_7, %dma_start3A] : memref<10240x128xf32, #tpu.memory_space<vmem_shared>> -> memref<256x128xf32, #tpu.memory_space<vmem_shared>>
      %dma_start3A_42 = arith.constant 0 : i32
      %dma_start3A_43 = tpu.memref_slice %arg9[%add3A_7, %dma_start3A_42] : memref<10240x128xf32, #tpu.memory_space<vmem_shared>> -> memref<256x128xf32, #tpu.memory_space<vmem_shared>>
      tpu.enqueue_dma source(%arg8 : memref<256x128xf32, #tpu.memory_space<vmem>>) target(%dma_start3A_43 : memref<256x128xf32, #tpu.memory_space<vmem_shared>>) target_semaphore(%run_scoped3A : memref<!tpu.dma_semaphore, #tpu.memory_space<semaphore_mem>>)
      %dma_wait3A = arith.constant 0 : i32
      %dma_wait3A_44 = tpu.memref_slice %arg9[%add3A_7, %dma_wait3A] : memref<10240x128xf32, #tpu.memory_space<vmem_shared>> -> memref<256x128xf32, #tpu.memory_space<vmem_shared>>
      %dma_wait3A_45 = arith.constant 0 : i32
      %dma_wait3A_46 = tpu.memref_slice %arg9[%add3A_7, %dma_wait3A_45] : memref<10240x128xf32, #tpu.memory_space<vmem_shared>> -> memref<256x128xf32, #tpu.memory_space<vmem_shared>>
      tpu.wait_dma2 semaphore(%run_scoped3A : memref<!tpu.dma_semaphore, #tpu.memory_space<semaphore_mem>>) src(%arg8 : memref<256x128xf32, #tpu.memory_space<vmem>>) dst(%dma_wait3A_46 : memref<256x128xf32, #tpu.memory_space<vmem_shared>>)
      tpu.yield
    }) : () -> ()
    %mul3A_8 = arith.constant 640 : i32
    %mul3A_9 = arith.muli %arg1, %mul3A_8 : i32
    %add3A_10 = arith.constant 256 : i32
    %add3A_11 = arith.addi %mul3A_9, %add3A_10 : i32
    "tpu.region"() ({
      %run_scoped3A = tpu.sem_alloc : memref<!tpu.dma_semaphore, #tpu.memory_space<semaphore_mem>>
      %dma_start3A = arith.constant 0 : i32
      %dma_start3A_41 = tpu.memref_slice %arg9[%add3A_11, %dma_start3A] : memref<10240x128xf32, #tpu.memory_space<vmem_shared>> -> memref<256x128xf32, #tpu.memory_space<vmem_shared>>
      %dma_start3A_42 = arith.constant 0 : i32
      %dma_start3A_43 = tpu.memref_slice %arg9[%add3A_11, %dma_start3A_42] : memref<10240x128xf32, #tpu.memory_space<vmem_shared>> -> memref<256x128xf32, #tpu.memory_space<vmem_shared>>
      tpu.enqueue_dma source(%arg8 : memref<256x128xf32, #tpu.memory_space<vmem>>) target(%dma_start3A_43 : memref<256x128xf32, #tpu.memory_space<vmem_shared>>) target_semaphore(%run_scoped3A : memref<!tpu.dma_semaphore, #tpu.memory_space<semaphore_mem>>)
      %dma_wait3A = arith.constant 0 : i32
      %dma_wait3A_44 = tpu.memref_slice %arg9[%add3A_11, %dma_wait3A] : memref<10240x128xf32, #tpu.memory_space<vmem_shared>> -> memref<256x128xf32, #tpu.memory_space<vmem_shared>>
      %dma_wait3A_45 = arith.constant 0 : i32
      %dma_wait3A_46 = tpu.memref_slice %arg9[%add3A_11, %dma_wait3A_45] : memref<10240x128xf32, #tpu.memory_space<vmem_shared>> -> memref<256x128xf32, #tpu.memory_space<vmem_shared>>
      tpu.wait_dma2 semaphore(%run_scoped3A : memref<!tpu.dma_semaphore, #tpu.memory_space<semaphore_mem>>) src(%arg8 : memref<256x128xf32, #tpu.memory_space<vmem>>) dst(%dma_wait3A_46 : memref<256x128xf32, #tpu.memory_space<vmem_shared>>)
      tpu.yield
    }) : () -> ()
    %mul3A_12 = arith.constant 640 : i32
    %mul3A_13 = arith.muli %arg1, %mul3A_12 : i32
    %add3A_14 = arith.constant 512 : i32
    %add3A_15 = arith.addi %mul3A_13, %add3A_14 : i32
    "tpu.region"() ({
      %run_scoped3A = tpu.sem_alloc : memref<!tpu.dma_semaphore, #tpu.memory_space<semaphore_mem>>
      %dma_start3A = arith.constant 0 : i32
      %dma_start3A_41 = arith.constant 0 : i32
      %dma_start3A_42 = tpu.memref_slice %arg8[%dma_start3A, %dma_start3A_41] : memref<256x128xf32, #tpu.memory_space<vmem>> -> memref<128x128xf32, #tpu.memory_space<vmem>>
      %dma_start3A_43 = arith.constant 0 : i32
      %dma_start3A_44 = tpu.memref_slice %arg9[%add3A_15, %dma_start3A_43] : memref<10240x128xf32, #tpu.memory_space<vmem_shared>> -> memref<128x128xf32, #tpu.memory_space<vmem_shared>>
      %dma_start3A_45 = arith.constant 0 : i32
      %dma_start3A_46 = tpu.memref_slice %arg9[%add3A_15, %dma_start3A_45] : memref<10240x128xf32, #tpu.memory_space<vmem_shared>> -> memref<128x128xf32, #tpu.memory_space<vmem_shared>>
      %dma_start3A_47 = arith.constant 0 : i32
      %dma_start3A_48 = arith.constant 0 : i32
      %dma_start3A_49 = tpu.memref_slice %arg8[%dma_start3A_47, %dma_start3A_48] : memref<256x128xf32, #tpu.memory_space<vmem>> -> memref<128x128xf32, #tpu.memory_space<vmem>>
      tpu.enqueue_dma source(%dma_start3A_49 : memref<128x128xf32, #tpu.memory_space<vmem>>) target(%dma_start3A_46 : memref<128x128xf32, #tpu.memory_space<vmem_shared>>) target_semaphore(%run_scoped3A : memref<!tpu.dma_semaphore, #tpu.memory_space<semaphore_mem>>)
      %dma_wait3A = arith.constant 0 : i32
      %dma_wait3A_50 = arith.constant 0 : i32
      %dma_wait3A_51 = tpu.memref_slice %arg8[%dma_wait3A, %dma_wait3A_50] : memref<256x128xf32, #tpu.memory_space<vmem>> -> memref<128x128xf32, #tpu.memory_space<vmem>>
      %dma_wait3A_52 = arith.constant 0 : i32
      %dma_wait3A_53 = tpu.memref_slice %arg9[%add3A_15, %dma_wait3A_52] : memref<10240x128xf32, #tpu.memory_space<vmem_shared>> -> memref<128x128xf32, #tpu.memory_space<vmem_shared>>
      %dma_wait3A_54 = arith.constant 0 : i32
      %dma_wait3A_55 = tpu.memref_slice %arg9[%add3A_15, %dma_wait3A_54] : memref<10240x128xf32, #tpu.memory_space<vmem_shared>> -> memref<128x128xf32, #tpu.memory_space<vmem_shared>>
      %dma_wait3A_56 = arith.constant 0 : i32
      %dma_wait3A_57 = arith.constant 0 : i32
      %dma_wait3A_58 = tpu.memref_slice %arg8[%dma_wait3A_56, %dma_wait3A_57] : memref<256x128xf32, #tpu.memory_space<vmem>> -> memref<128x128xf32, #tpu.memory_space<vmem>>
      tpu.wait_dma2 semaphore(%run_scoped3A : memref<!tpu.dma_semaphore, #tpu.memory_space<semaphore_mem>>) src(%dma_wait3A_58 : memref<128x128xf32, #tpu.memory_space<vmem>>) dst(%dma_wait3A_55 : memref<128x128xf32, #tpu.memory_space<vmem_shared>>)
      tpu.yield
    }) : () -> ()
    %barrier3A = arith.constant 0 : index
    tpu.barrier barrier_id(%barrier3A)
    %eq3A = arith.constant 0 : i32
    %eq3A_16 = arith.cmpi eq, %arg0, %eq3A : i32
    %mul3A_17 = arith.constant 144 : i32
    %mul3A_18 = arith.muli %arg1, %mul3A_17 : i32
    %mul3A_19 = arith.constant 16 : i32
    %mul3A_20 = arith.muli %arg1, %mul3A_19 : i32
    %add3A_21 = arith.constant 2304 : i32
    %add3A_22 = arith.addi %add3A_21, %mul3A_20 : i32
    %select_n3A = arith.select %eq3A_16, %mul3A_18, %add3A_22 : i32
    %eq3A_23 = arith.constant 0 : i32
    %eq3A_24 = arith.cmpi eq, %arg0, %eq3A_23 : i32
    %jit3A = arith.constant 9 : i32
    %jit3A_25 = arith.constant 1 : i32
    %select_n3A_26 = arith.select %eq3A_24, %jit3A, %jit3A_25 : i32
    %while3A = arith.constant 0 : i32
    %while3A_27 = arith.constant 0 : i32
    %while3A_28 = arith.subi %select_n3A_26, %while3A_27 : i32
    %while3A_29 = arith.addi %while3A_27, %while3A_28 : i32
    %while3A_30 = arith.constant 1 : i32
    %while3A_31 = arith.divsi %while3A_28, %while3A_30 : i32
    %while3A_32 = arith.muli %while3A_31, %while3A_30 : i32
    %while3A_33 = arith.addi %while3A_27, %while3A_32 : i32
    %while3A_34 = arith.constant 1 : i32
    scf.for %while3A_41 = %while3A_27 to %while3A_33 step %while3A_34  : i32 {
      %mul3A_42 = arith.constant 16 : i32
      %mul3A_43 = arith.muli %while3A_41, %mul3A_42 : i32
      %add3A_44 = arith.addi %select_n3A, %mul3A_43 : i32
      "tpu.region"() ({
        %run_scoped3A = tpu.sem_alloc : memref<!tpu.dma_semaphore, #tpu.memory_space<semaphore_mem>>
        %dma_start3A_89 = arith.constant 0 : i32
        %dma_start3A_90 = tpu.memref_slice %arg2[%add3A_44, %dma_start3A_89] : memref<2560x128xi32, #tpu.memory_space<hbm>> -> memref<16x128xi32, #tpu.memory_space<hbm>>
        %dma_start3A_91 = arith.constant 0 : i32
        %dma_start3A_92 = tpu.memref_slice %arg2[%add3A_44, %dma_start3A_91] : memref<2560x128xi32, #tpu.memory_space<hbm>> -> memref<16x128xi32, #tpu.memory_space<hbm>>
        tpu.enqueue_dma source(%dma_start3A_92 : memref<16x128xi32, #tpu.memory_space<hbm>>) target(%arg6 : memref<16x128xi32, #tpu.memory_space<vmem>>) target_semaphore(%run_scoped3A : memref<!tpu.dma_semaphore, #tpu.memory_space<semaphore_mem>>)
        %dma_wait3A_93 = arith.constant 0 : i32
        %dma_wait3A_94 = tpu.memref_slice %arg2[%add3A_44, %dma_wait3A_93] : memref<2560x128xi32, #tpu.memory_space<hbm>> -> memref<16x128xi32, #tpu.memory_space<hbm>>
        %dma_wait3A_95 = arith.constant 0 : i32
        %dma_wait3A_96 = tpu.memref_slice %arg2[%add3A_44, %dma_wait3A_95] : memref<2560x128xi32, #tpu.memory_space<hbm>> -> memref<16x128xi32, #tpu.memory_space<hbm>>
        tpu.wait_dma2 semaphore(%run_scoped3A : memref<!tpu.dma_semaphore, #tpu.memory_space<semaphore_mem>>) src(%dma_wait3A_96 : memref<16x128xi32, #tpu.memory_space<hbm>>) dst(%arg6 : memref<16x128xi32, #tpu.memory_space<vmem>>)
        tpu.yield
      }) : () -> ()
      "tpu.region"() ({
        %run_scoped3A = tpu.sem_alloc : memref<!tpu.dma_semaphore, #tpu.memory_space<semaphore_mem>>
        %dma_start3A_89 = arith.constant 0 : i32
        %dma_start3A_90 = tpu.memref_slice %arg3[%add3A_44, %dma_start3A_89] : memref<2560x128xi32, #tpu.memory_space<hbm>> -> memref<16x128xi32, #tpu.memory_space<hbm>>
        %dma_start3A_91 = arith.constant 0 : i32
        %dma_start3A_92 = tpu.memref_slice %arg3[%add3A_44, %dma_start3A_91] : memref<2560x128xi32, #tpu.memory_space<hbm>> -> memref<16x128xi32, #tpu.memory_space<hbm>>
        tpu.enqueue_dma source(%dma_start3A_92 : memref<16x128xi32, #tpu.memory_space<hbm>>) target(%arg7 : memref<16x128xi32, #tpu.memory_space<vmem>>) target_semaphore(%run_scoped3A : memref<!tpu.dma_semaphore, #tpu.memory_space<semaphore_mem>>)
        %dma_wait3A_93 = arith.constant 0 : i32
        %dma_wait3A_94 = tpu.memref_slice %arg3[%add3A_44, %dma_wait3A_93] : memref<2560x128xi32, #tpu.memory_space<hbm>> -> memref<16x128xi32, #tpu.memory_space<hbm>>
        %dma_wait3A_95 = arith.constant 0 : i32
        %dma_wait3A_96 = tpu.memref_slice %arg3[%add3A_44, %dma_wait3A_95] : memref<2560x128xi32, #tpu.memory_space<hbm>> -> memref<16x128xi32, #tpu.memory_space<hbm>>
        tpu.wait_dma2 semaphore(%run_scoped3A : memref<!tpu.dma_semaphore, #tpu.memory_space<semaphore_mem>>) src(%dma_wait3A_96 : memref<16x128xi32, #tpu.memory_space<hbm>>) dst(%arg7 : memref<16x128xi32, #tpu.memory_space<vmem>>)
        tpu.yield
      }) : () -> ()
      %dma_start3A = arith.constant 0 : i32
      %dma_start3A_45 = arith.constant 0 : i32
      %dma_start3A_46 = arith.constant 0 : i32
      %dma_start3A_47 = tpu.memref_slice %arg8[%dma_start3A_45, %dma_start3A_46] : memref<256x128xf32, #tpu.memory_space<vmem>> -> memref<128x128xf32, #tpu.memory_space<vmem>>
      %dma_start3A_48 = arith.constant 0 : i32
      %dma_start3A_49 = tpu.memref_slice %arg6[%dma_start3A, %dma_start3A_48] : memref<16x128xi32, #tpu.memory_space<vmem>> -> memref<1x128xi32, #tpu.memory_space<vmem>>
      %dma_start3A_50 = tpu.memref_squeeze %dma_start3A_49 : memref<1x128xi32, #tpu.memory_space<vmem>> -> memref<128xi32, #tpu.memory_space<vmem>>
      %dma_start3A_51 = arith.constant 0 : i32
      %dma_start3A_52 = arith.constant 0 : i32
      %dma_start3A_53 = tpu.memref_slice %arg4[%dma_start3A_51, %dma_start3A_52] : memref<10240x128xf32, #tpu.memory_space<hbm>> -> memref<10240x128xf32, #tpu.memory_space<hbm>>
      tpu.enqueue_indirect_dma source(%dma_start3A_53 : memref<10240x128xf32, #tpu.memory_space<hbm>>) target(%dma_start3A_47 : memref<128x128xf32, #tpu.memory_space<vmem>>) offsets(%dma_start3A_50 : memref<128xi32, #tpu.memory_space<vmem>>) semaphore(%arg10 : memref<!tpu.dma_semaphore, #tpu.memory_space<semaphore_mem>>)
      %dma_start3A_54 = arith.constant 1 : i32
      %dma_start3A_55 = arith.constant 128 : i32
      %dma_start3A_56 = arith.constant 0 : i32
      %dma_start3A_57 = tpu.memref_slice %arg8[%dma_start3A_55, %dma_start3A_56] : memref<256x128xf32, #tpu.memory_space<vmem>> -> memref<128x128xf32, #tpu.memory_space<vmem>>
      %dma_start3A_58 = arith.constant 0 : i32
      %dma_start3A_59 = tpu.memref_slice %arg6[%dma_start3A_54, %dma_start3A_58] : memref<16x128xi32, #tpu.memory_space<vmem>> -> memref<1x128xi32, #tpu.memory_space<vmem>>
      %dma_start3A_60 = tpu.memref_squeeze %dma_start3A_59 : memref<1x128xi32, #tpu.memory_space<vmem>> -> memref<128xi32, #tpu.memory_space<vmem>>
      %dma_start3A_61 = arith.constant 0 : i32
      %dma_start3A_62 = arith.constant 0 : i32
      %dma_start3A_63 = tpu.memref_slice %arg4[%dma_start3A_61, %dma_start3A_62] : memref<10240x128xf32, #tpu.memory_space<hbm>> -> memref<10240x128xf32, #tpu.memory_space<hbm>>
      tpu.enqueue_indirect_dma source(%dma_start3A_63 : memref<10240x128xf32, #tpu.memory_space<hbm>>) target(%dma_start3A_57 : memref<128x128xf32, #tpu.memory_space<vmem>>) offsets(%dma_start3A_60 : memref<128xi32, #tpu.memory_space<vmem>>) semaphore(%arg11 : memref<!tpu.dma_semaphore, #tpu.memory_space<semaphore_mem>>)
      %scan3A_64 = arith.constant 0 : i32
      %scan3A_65 = arith.constant 0 : i32
      %scan3A_66 = arith.constant 8 : i32
      %scan3A_67 = arith.addi %scan3A_65, %scan3A_66 : i32
      %scan3A_68 = arith.constant 1 : i32
      scf.for %scan3A_89 = %scan3A_65 to %scan3A_67 step %scan3A_68  : i32 {
        %mul3A_90 = arith.constant 2 : i32
        %mul3A_91 = arith.muli %mul3A_90, %scan3A_89 : i32
        %add3A_92 = arith.constant 0 : i32
        %add3A_93 = arith.addi %mul3A_91, %add3A_92 : i32
        %dma_wait3A_94 = arith.constant 0 : i32
        %dma_wait3A_95 = arith.constant 0 : i32
        %dma_wait3A_96 = tpu.memref_slice %arg8[%dma_wait3A_94, %dma_wait3A_95] : memref<256x128xf32, #tpu.memory_space<vmem>> -> memref<128x128xf32, #tpu.memory_space<vmem>>
        %dma_wait3A_97 = arith.constant 0 : i32
        %dma_wait3A_98 = tpu.memref_slice %arg6[%add3A_93, %dma_wait3A_97] : memref<16x128xi32, #tpu.memory_space<vmem>> -> memref<1x128xi32, #tpu.memory_space<vmem>>
        %dma_wait3A_99 = tpu.memref_squeeze %dma_wait3A_98 : memref<1x128xi32, #tpu.memory_space<vmem>> -> memref<128xi32, #tpu.memory_space<vmem>>
        %dma_wait3A_100 = arith.constant 0 : i32
        %dma_wait3A_101 = arith.constant 0 : i32
        %dma_wait3A_102 = tpu.memref_slice %arg4[%dma_wait3A_100, %dma_wait3A_101] : memref<10240x128xf32, #tpu.memory_space<hbm>> -> memref<10240x128xf32, #tpu.memory_space<hbm>>
        tpu.wait_indirect_dma semaphore(%arg10 : memref<!tpu.dma_semaphore, #tpu.memory_space<semaphore_mem>>) src(%dma_wait3A_102 : memref<10240x128xf32, #tpu.memory_space<hbm>>) dst(%dma_wait3A_96 : memref<128x128xf32, #tpu.memory_space<vmem>>)
        "tpu.region"() ({
          %run_scoped3A = tpu.sem_alloc : memref<!tpu.dma_semaphore, #tpu.memory_space<semaphore_mem>>
          %dma_start3A_141 = arith.constant 0 : i32
          %dma_start3A_142 = arith.constant 0 : i32
          %dma_start3A_143 = tpu.memref_slice %arg8[%dma_start3A_141, %dma_start3A_142] : memref<256x128xf32, #tpu.memory_space<vmem>> -> memref<128x128xf32, #tpu.memory_space<vmem>>
          %dma_start3A_144 = arith.constant 0 : i32
          %dma_start3A_145 = tpu.memref_slice %arg7[%add3A_93, %dma_start3A_144] : memref<16x128xi32, #tpu.memory_space<vmem>> -> memref<1x128xi32, #tpu.memory_space<vmem>>
          %dma_start3A_146 = tpu.memref_squeeze %dma_start3A_145 : memref<1x128xi32, #tpu.memory_space<vmem>> -> memref<128xi32, #tpu.memory_space<vmem>>
          %dma_start3A_147 = arith.constant 0 : i32
          %dma_start3A_148 = arith.constant 0 : i32
          %dma_start3A_149 = tpu.memref_slice %arg9[%dma_start3A_147, %dma_start3A_148] : memref<10240x128xf32, #tpu.memory_space<vmem_shared>> -> memref<10240x128xf32, #tpu.memory_space<vmem_shared>>
          tpu.enqueue_indirect_dma source(%dma_start3A_143 : memref<128x128xf32, #tpu.memory_space<vmem>>) target(%dma_start3A_149 : memref<10240x128xf32, #tpu.memory_space<vmem_shared>>) offsets(%dma_start3A_146 : memref<128xi32, #tpu.memory_space<vmem>>) semaphore(%run_scoped3A : memref<!tpu.dma_semaphore, #tpu.memory_space<semaphore_mem>>) {add = true}
          %dma_wait3A_150 = arith.constant 0 : i32
          %dma_wait3A_151 = arith.constant 0 : i32
          %dma_wait3A_152 = tpu.memref_slice %arg8[%dma_wait3A_150, %dma_wait3A_151] : memref<256x128xf32, #tpu.memory_space<vmem>> -> memref<128x128xf32, #tpu.memory_space<vmem>>
          %dma_wait3A_153 = arith.constant 0 : i32
          %dma_wait3A_154 = tpu.memref_slice %arg7[%add3A_93, %dma_wait3A_153] : memref<16x128xi32, #tpu.memory_space<vmem>> -> memref<1x128xi32, #tpu.memory_space<vmem>>
          %dma_wait3A_155 = tpu.memref_squeeze %dma_wait3A_154 : memref<1x128xi32, #tpu.memory_space<vmem>> -> memref<128xi32, #tpu.memory_space<vmem>>
          %dma_wait3A_156 = arith.constant 0 : i32
          %dma_wait3A_157 = arith.constant 0 : i32
          %dma_wait3A_158 = tpu.memref_slice %arg9[%dma_wait3A_156, %dma_wait3A_157] : memref<10240x128xf32, #tpu.memory_space<vmem_shared>> -> memref<10240x128xf32, #tpu.memory_space<vmem_shared>>
          tpu.wait_indirect_dma semaphore(%run_scoped3A : memref<!tpu.dma_semaphore, #tpu.memory_space<semaphore_mem>>) src(%dma_wait3A_152 : memref<128x128xf32, #tpu.memory_space<vmem>>) dst(%dma_wait3A_158 : memref<10240x128xf32, #tpu.memory_space<vmem_shared>>)
          tpu.yield
        }) : () -> ()
        %add3A_103 = arith.constant 2 : i32
        %add3A_104 = arith.addi %add3A_93, %add3A_103 : i32
        %min3A = arith.constant 15 : i32
        %min3A_105 = arith.minsi %add3A_104, %min3A : i32
        %dma_start3A_106 = arith.constant 0 : i32
        %dma_start3A_107 = arith.constant 0 : i32
        %dma_start3A_108 = tpu.memref_slice %arg8[%dma_start3A_106, %dma_start3A_107] : memref<256x128xf32, #tpu.memory_space<vmem>> -> memref<128x128xf32, #tpu.memory_space<vmem>>
        %dma_start3A_109 = arith.constant 0 : i32
        %dma_start3A_110 = tpu.memref_slice %arg6[%min3A_105, %dma_start3A_109] : memref<16x128xi32, #tpu.memory_space<vmem>> -> memref<1x128xi32, #tpu.memory_space<vmem>>
        %dma_start3A_111 = tpu.memref_squeeze %dma_start3A_110 : memref<1x128xi32, #tpu.memory_space<vmem>> -> memref<128xi32, #tpu.memory_space<vmem>>
        %dma_start3A_112 = arith.constant 0 : i32
        %dma_start3A_113 = arith.constant 0 : i32
        %dma_start3A_114 = tpu.memref_slice %arg4[%dma_start3A_112, %dma_start3A_113] : memref<10240x128xf32, #tpu.memory_space<hbm>> -> memref<10240x128xf32, #tpu.memory_space<hbm>>
        tpu.enqueue_indirect_dma source(%dma_start3A_114 : memref<10240x128xf32, #tpu.memory_space<hbm>>) target(%dma_start3A_108 : memref<128x128xf32, #tpu.memory_space<vmem>>) offsets(%dma_start3A_111 : memref<128xi32, #tpu.memory_space<vmem>>) semaphore(%arg10 : memref<!tpu.dma_semaphore, #tpu.memory_space<semaphore_mem>>)
        %mul3A_115 = arith.constant 2 : i32
        %mul3A_116 = arith.muli %mul3A_115, %scan3A_89 : i32
        %add3A_117 = arith.constant 1 : i32
        %add3A_118 = arith.addi %mul3A_116, %add3A_117 : i32
        %dma_wait3A_119 = arith.constant 128 : i32
        %dma_wait3A_120 = arith.constant 0 : i32
        %dma_wait3A_121 = tpu.memref_slice %arg8[%dma_wait3A_119, %dma_wait3A_120] : memref<256x128xf32, #tpu.memory_space<vmem>> -> memref<128x128xf32, #tpu.memory_space<vmem>>
        %dma_wait3A_122 = arith.constant 0 : i32
        %dma_wait3A_123 = tpu.memref_slice %arg6[%add3A_118, %dma_wait3A_122] : memref<16x128xi32, #tpu.memory_space<vmem>> -> memref<1x128xi32, #tpu.memory_space<vmem>>
        %dma_wait3A_124 = tpu.memref_squeeze %dma_wait3A_123 : memref<1x128xi32, #tpu.memory_space<vmem>> -> memref<128xi32, #tpu.memory_space<vmem>>
        %dma_wait3A_125 = arith.constant 0 : i32
        %dma_wait3A_126 = arith.constant 0 : i32
        %dma_wait3A_127 = tpu.memref_slice %arg4[%dma_wait3A_125, %dma_wait3A_126] : memref<10240x128xf32, #tpu.memory_space<hbm>> -> memref<10240x128xf32, #tpu.memory_space<hbm>>
        tpu.wait_indirect_dma semaphore(%arg11 : memref<!tpu.dma_semaphore, #tpu.memory_space<semaphore_mem>>) src(%dma_wait3A_127 : memref<10240x128xf32, #tpu.memory_space<hbm>>) dst(%dma_wait3A_121 : memref<128x128xf32, #tpu.memory_space<vmem>>)
        "tpu.region"() ({
          %run_scoped3A = tpu.sem_alloc : memref<!tpu.dma_semaphore, #tpu.memory_space<semaphore_mem>>
          %dma_start3A_141 = arith.constant 128 : i32
          %dma_start3A_142 = arith.constant 0 : i32
          %dma_start3A_143 = tpu.memref_slice %arg8[%dma_start3A_141, %dma_start3A_142] : memref<256x128xf32, #tpu.memory_space<vmem>> -> memref<128x128xf32, #tpu.memory_space<vmem>>
          %dma_start3A_144 = arith.constant 0 : i32
          %dma_start3A_145 = tpu.memref_slice %arg7[%add3A_118, %dma_start3A_144] : memref<16x128xi32, #tpu.memory_space<vmem>> -> memref<1x128xi32, #tpu.memory_space<vmem>>
          %dma_start3A_146 = tpu.memref_squeeze %dma_start3A_145 : memref<1x128xi32, #tpu.memory_space<vmem>> -> memref<128xi32, #tpu.memory_space<vmem>>
          %dma_start3A_147 = arith.constant 0 : i32
          %dma_start3A_148 = arith.constant 0 : i32
          %dma_start3A_149 = tpu.memref_slice %arg9[%dma_start3A_147, %dma_start3A_148] : memref<10240x128xf32, #tpu.memory_space<vmem_shared>> -> memref<10240x128xf32, #tpu.memory_space<vmem_shared>>
          tpu.enqueue_indirect_dma source(%dma_start3A_143 : memref<128x128xf32, #tpu.memory_space<vmem>>) target(%dma_start3A_149 : memref<10240x128xf32, #tpu.memory_space<vmem_shared>>) offsets(%dma_start3A_146 : memref<128xi32, #tpu.memory_space<vmem>>) semaphore(%run_scoped3A : memref<!tpu.dma_semaphore, #tpu.memory_space<semaphore_mem>>) {add = true}
          %dma_wait3A_150 = arith.constant 128 : i32
          %dma_wait3A_151 = arith.constant 0 : i32
          %dma_wait3A_152 = tpu.memref_slice %arg8[%dma_wait3A_150, %dma_wait3A_151] : memref<256x128xf32, #tpu.memory_space<vmem>> -> memref<128x128xf32, #tpu.memory_space<vmem>>
          %dma_wait3A_153 = arith.constant 0 : i32
          %dma_wait3A_154 = tpu.memref_slice %arg7[%add3A_118, %dma_wait3A_153] : memref<16x128xi32, #tpu.memory_space<vmem>> -> memref<1x128xi32, #tpu.memory_space<vmem>>
          %dma_wait3A_155 = tpu.memref_squeeze %dma_wait3A_154 : memref<1x128xi32, #tpu.memory_space<vmem>> -> memref<128xi32, #tpu.memory_space<vmem>>
          %dma_wait3A_156 = arith.constant 0 : i32
          %dma_wait3A_157 = arith.constant 0 : i32
          %dma_wait3A_158 = tpu.memref_slice %arg9[%dma_wait3A_156, %dma_wait3A_157] : memref<10240x128xf32, #tpu.memory_space<vmem_shared>> -> memref<10240x128xf32, #tpu.memory_space<vmem_shared>>
          tpu.wait_indirect_dma semaphore(%run_scoped3A : memref<!tpu.dma_semaphore, #tpu.memory_space<semaphore_mem>>) src(%dma_wait3A_152 : memref<128x128xf32, #tpu.memory_space<vmem>>) dst(%dma_wait3A_158 : memref<10240x128xf32, #tpu.memory_space<vmem_shared>>)
          tpu.yield
        }) : () -> ()
        %add3A_128 = arith.constant 2 : i32
        %add3A_129 = arith.addi %add3A_118, %add3A_128 : i32
        %min3A_130 = arith.constant 15 : i32
        %min3A_131 = arith.minsi %add3A_129, %min3A_130 : i32
        %dma_start3A_132 = arith.constant 128 : i32
        %dma_start3A_133 = arith.constant 0 : i32
        %dma_start3A_134 = tpu.memref_slice %arg8[%dma_start3A_132, %dma_start3A_133] : memref<256x128xf32, #tpu.memory_space<vmem>> -> memref<128x128xf32, #tpu.memory_space<vmem>>
        %dma_start3A_135 = arith.constant 0 : i32
        %dma_start3A_136 = tpu.memref_slice %arg6[%min3A_131, %dma_start3A_135] : memref<16x128xi32, #tpu.memory_space<vmem>> -> memref<1x128xi32, #tpu.memory_space<vmem>>
        %dma_start3A_137 = tpu.memref_squeeze %dma_start3A_136 : memref<1x128xi32, #tpu.memory_space<vmem>> -> memref<128xi32, #tpu.memory_space<vmem>>
        %dma_start3A_138 = arith.constant 0 : i32
        %dma_start3A_139 = arith.constant 0 : i32
        %dma_start3A_140 = tpu.memref_slice %arg4[%dma_start3A_138, %dma_start3A_139] : memref<10240x128xf32, #tpu.memory_space<hbm>> -> memref<10240x128xf32, #tpu.memory_space<hbm>>
        tpu.enqueue_indirect_dma source(%dma_start3A_140 : memref<10240x128xf32, #tpu.memory_space<hbm>>) target(%dma_start3A_134 : memref<128x128xf32, #tpu.memory_space<vmem>>) offsets(%dma_start3A_137 : memref<128xi32, #tpu.memory_space<vmem>>) semaphore(%arg11 : memref<!tpu.dma_semaphore, #tpu.memory_space<semaphore_mem>>)
      }
      %scan3A_69 = arith.constant 8 : i32
      %dma_wait3A = arith.constant 15 : i32
      %dma_wait3A_70 = arith.constant 0 : i32
      %dma_wait3A_71 = arith.constant 0 : i32
      %dma_wait3A_72 = tpu.memref_slice %arg8[%dma_wait3A_70, %dma_wait3A_71] : memref<256x128xf32, #tpu.memory_space<vmem>> -> memref<128x128xf32, #tpu.memory_space<vmem>>
      %dma_wait3A_73 = arith.constant 0 : i32
      %dma_wait3A_74 = tpu.memref_slice %arg6[%dma_wait3A, %dma_wait3A_73] : memref<16x128xi32, #tpu.memory_space<vmem>> -> memref<1x128xi32, #tpu.memory_space<vmem>>
      %dma_wait3A_75 = tpu.memref_squeeze %dma_wait3A_74 : memref<1x128xi32, #tpu.memory_space<vmem>> -> memref<128xi32, #tpu.memory_space<vmem>>
      %dma_wait3A_76 = arith.constant 0 : i32
      %dma_wait3A_77 = arith.constant 0 : i32
      %dma_wait3A_78 = tpu.memref_slice %arg4[%dma_wait3A_76, %dma_wait3A_77] : memref<10240x128xf32, #tpu.memory_space<hbm>> -> memref<10240x128xf32, #tpu.memory_space<hbm>>
      tpu.wait_indirect_dma semaphore(%arg10 : memref<!tpu.dma_semaphore, #tpu.memory_space<semaphore_mem>>) src(%dma_wait3A_78 : memref<10240x128xf32, #tpu.memory_space<hbm>>) dst(%dma_wait3A_72 : memref<128x128xf32, #tpu.memory_space<vmem>>)
      %dma_wait3A_79 = arith.constant 15 : i32
      %dma_wait3A_80 = arith.constant 128 : i32
      %dma_wait3A_81 = arith.constant 0 : i32
      %dma_wait3A_82 = tpu.memref_slice %arg8[%dma_wait3A_80, %dma_wait3A_81] : memref<256x128xf32, #tpu.memory_space<vmem>> -> memref<128x128xf32, #tpu.memory_space<vmem>>
      %dma_wait3A_83 = arith.constant 0 : i32
      %dma_wait3A_84 = tpu.memref_slice %arg6[%dma_wait3A_79, %dma_wait3A_83] : memref<16x128xi32, #tpu.memory_space<vmem>> -> memref<1x128xi32, #tpu.memory_space<vmem>>
      %dma_wait3A_85 = tpu.memref_squeeze %dma_wait3A_84 : memref<1x128xi32, #tpu.memory_space<vmem>> -> memref<128xi32, #tpu.memory_space<vmem>>
      %dma_wait3A_86 = arith.constant 0 : i32
      %dma_wait3A_87 = arith.constant 0 : i32
      %dma_wait3A_88 = tpu.memref_slice %arg4[%dma_wait3A_86, %dma_wait3A_87] : memref<10240x128xf32, #tpu.memory_space<hbm>> -> memref<10240x128xf32, #tpu.memory_space<hbm>>
      tpu.wait_indirect_dma semaphore(%arg11 : memref<!tpu.dma_semaphore, #tpu.memory_space<semaphore_mem>>) src(%dma_wait3A_88 : memref<10240x128xf32, #tpu.memory_space<hbm>>) dst(%dma_wait3A_82 : memref<128x128xf32, #tpu.memory_space<vmem>>)
    }
    %while3A_35 = arith.constant 1 : i32
    scf.for %while3A_41 = %while3A_33 to %while3A_29 step %while3A_35  : i32 {
      %mul3A_42 = arith.constant 16 : i32
      %mul3A_43 = arith.muli %while3A_41, %mul3A_42 : i32
      %add3A_44 = arith.addi %select_n3A, %mul3A_43 : i32
      "tpu.region"() ({
        %run_scoped3A = tpu.sem_alloc : memref<!tpu.dma_semaphore, #tpu.memory_space<semaphore_mem>>
        %dma_start3A_89 = arith.constant 0 : i32
        %dma_start3A_90 = tpu.memref_slice %arg2[%add3A_44, %dma_start3A_89] : memref<2560x128xi32, #tpu.memory_space<hbm>> -> memref<16x128xi32, #tpu.memory_space<hbm>>
        %dma_start3A_91 = arith.constant 0 : i32
        %dma_start3A_92 = tpu.memref_slice %arg2[%add3A_44, %dma_start3A_91] : memref<2560x128xi32, #tpu.memory_space<hbm>> -> memref<16x128xi32, #tpu.memory_space<hbm>>
        tpu.enqueue_dma source(%dma_start3A_92 : memref<16x128xi32, #tpu.memory_space<hbm>>) target(%arg6 : memref<16x128xi32, #tpu.memory_space<vmem>>) target_semaphore(%run_scoped3A : memref<!tpu.dma_semaphore, #tpu.memory_space<semaphore_mem>>)
        %dma_wait3A_93 = arith.constant 0 : i32
        %dma_wait3A_94 = tpu.memref_slice %arg2[%add3A_44, %dma_wait3A_93] : memref<2560x128xi32, #tpu.memory_space<hbm>> -> memref<16x128xi32, #tpu.memory_space<hbm>>
        %dma_wait3A_95 = arith.constant 0 : i32
        %dma_wait3A_96 = tpu.memref_slice %arg2[%add3A_44, %dma_wait3A_95] : memref<2560x128xi32, #tpu.memory_space<hbm>> -> memref<16x128xi32, #tpu.memory_space<hbm>>
        tpu.wait_dma2 semaphore(%run_scoped3A : memref<!tpu.dma_semaphore, #tpu.memory_space<semaphore_mem>>) src(%dma_wait3A_96 : memref<16x128xi32, #tpu.memory_space<hbm>>) dst(%arg6 : memref<16x128xi32, #tpu.memory_space<vmem>>)
        tpu.yield
      }) : () -> ()
      "tpu.region"() ({
        %run_scoped3A = tpu.sem_alloc : memref<!tpu.dma_semaphore, #tpu.memory_space<semaphore_mem>>
        %dma_start3A_89 = arith.constant 0 : i32
        %dma_start3A_90 = tpu.memref_slice %arg3[%add3A_44, %dma_start3A_89] : memref<2560x128xi32, #tpu.memory_space<hbm>> -> memref<16x128xi32, #tpu.memory_space<hbm>>
        %dma_start3A_91 = arith.constant 0 : i32
        %dma_start3A_92 = tpu.memref_slice %arg3[%add3A_44, %dma_start3A_91] : memref<2560x128xi32, #tpu.memory_space<hbm>> -> memref<16x128xi32, #tpu.memory_space<hbm>>
        tpu.enqueue_dma source(%dma_start3A_92 : memref<16x128xi32, #tpu.memory_space<hbm>>) target(%arg7 : memref<16x128xi32, #tpu.memory_space<vmem>>) target_semaphore(%run_scoped3A : memref<!tpu.dma_semaphore, #tpu.memory_space<semaphore_mem>>)
        %dma_wait3A_93 = arith.constant 0 : i32
        %dma_wait3A_94 = tpu.memref_slice %arg3[%add3A_44, %dma_wait3A_93] : memref<2560x128xi32, #tpu.memory_space<hbm>> -> memref<16x128xi32, #tpu.memory_space<hbm>>
        %dma_wait3A_95 = arith.constant 0 : i32
        %dma_wait3A_96 = tpu.memref_slice %arg3[%add3A_44, %dma_wait3A_95] : memref<2560x128xi32, #tpu.memory_space<hbm>> -> memref<16x128xi32, #tpu.memory_space<hbm>>
        tpu.wait_dma2 semaphore(%run_scoped3A : memref<!tpu.dma_semaphore, #tpu.memory_space<semaphore_mem>>) src(%dma_wait3A_96 : memref<16x128xi32, #tpu.memory_space<hbm>>) dst(%arg7 : memref<16x128xi32, #tpu.memory_space<vmem>>)
        tpu.yield
      }) : () -> ()
      %dma_start3A = arith.constant 0 : i32
      %dma_start3A_45 = arith.constant 0 : i32
      %dma_start3A_46 = arith.constant 0 : i32
      %dma_start3A_47 = tpu.memref_slice %arg8[%dma_start3A_45, %dma_start3A_46] : memref<256x128xf32, #tpu.memory_space<vmem>> -> memref<128x128xf32, #tpu.memory_space<vmem>>
      %dma_start3A_48 = arith.constant 0 : i32
      %dma_start3A_49 = tpu.memref_slice %arg6[%dma_start3A, %dma_start3A_48] : memref<16x128xi32, #tpu.memory_space<vmem>> -> memref<1x128xi32, #tpu.memory_space<vmem>>
      %dma_start3A_50 = tpu.memref_squeeze %dma_start3A_49 : memref<1x128xi32, #tpu.memory_space<vmem>> -> memref<128xi32, #tpu.memory_space<vmem>>
      %dma_start3A_51 = arith.constant 0 : i32
      %dma_start3A_52 = arith.constant 0 : i32
      %dma_start3A_53 = tpu.memref_slice %arg4[%dma_start3A_51, %dma_start3A_52] : memref<10240x128xf32, #tpu.memory_space<hbm>> -> memref<10240x128xf32, #tpu.memory_space<hbm>>
      tpu.enqueue_indirect_dma source(%dma_start3A_53 : memref<10240x128xf32, #tpu.memory_space<hbm>>) target(%dma_start3A_47 : memref<128x128xf32, #tpu.memory_space<vmem>>) offsets(%dma_start3A_50 : memref<128xi32, #tpu.memory_space<vmem>>) semaphore(%arg10 : memref<!tpu.dma_semaphore, #tpu.memory_space<semaphore_mem>>)
      %dma_start3A_54 = arith.constant 1 : i32
      %dma_start3A_55 = arith.constant 128 : i32
      %dma_start3A_56 = arith.constant 0 : i32
      %dma_start3A_57 = tpu.memref_slice %arg8[%dma_start3A_55, %dma_start3A_56] : memref<256x128xf32, #tpu.memory_space<vmem>> -> memref<128x128xf32, #tpu.memory_space<vmem>>
      %dma_start3A_58 = arith.constant 0 : i32
      %dma_start3A_59 = tpu.memref_slice %arg6[%dma_start3A_54, %dma_start3A_58] : memref<16x128xi32, #tpu.memory_space<vmem>> -> memref<1x128xi32, #tpu.memory_space<vmem>>
      %dma_start3A_60 = tpu.memref_squeeze %dma_start3A_59 : memref<1x128xi32, #tpu.memory_space<vmem>> -> memref<128xi32, #tpu.memory_space<vmem>>
      %dma_start3A_61 = arith.constant 0 : i32
      %dma_start3A_62 = arith.constant 0 : i32
      %dma_start3A_63 = tpu.memref_slice %arg4[%dma_start3A_61, %dma_start3A_62] : memref<10240x128xf32, #tpu.memory_space<hbm>> -> memref<10240x128xf32, #tpu.memory_space<hbm>>
      tpu.enqueue_indirect_dma source(%dma_start3A_63 : memref<10240x128xf32, #tpu.memory_space<hbm>>) target(%dma_start3A_57 : memref<128x128xf32, #tpu.memory_space<vmem>>) offsets(%dma_start3A_60 : memref<128xi32, #tpu.memory_space<vmem>>) semaphore(%arg11 : memref<!tpu.dma_semaphore, #tpu.memory_space<semaphore_mem>>)
      %scan3A_64 = arith.constant 0 : i32
      %scan3A_65 = arith.constant 0 : i32
      %scan3A_66 = arith.constant 8 : i32
      %scan3A_67 = arith.addi %scan3A_65, %scan3A_66 : i32
      %scan3A_68 = arith.constant 1 : i32
      scf.for %scan3A_89 = %scan3A_65 to %scan3A_67 step %scan3A_68  : i32 {
        %mul3A_90 = arith.constant 2 : i32
        %mul3A_91 = arith.muli %mul3A_90, %scan3A_89 : i32
        %add3A_92 = arith.constant 0 : i32
        %add3A_93 = arith.addi %mul3A_91, %add3A_92 : i32
        %dma_wait3A_94 = arith.constant 0 : i32
        %dma_wait3A_95 = arith.constant 0 : i32
        %dma_wait3A_96 = tpu.memref_slice %arg8[%dma_wait3A_94, %dma_wait3A_95] : memref<256x128xf32, #tpu.memory_space<vmem>> -> memref<128x128xf32, #tpu.memory_space<vmem>>
        %dma_wait3A_97 = arith.constant 0 : i32
        %dma_wait3A_98 = tpu.memref_slice %arg6[%add3A_93, %dma_wait3A_97] : memref<16x128xi32, #tpu.memory_space<vmem>> -> memref<1x128xi32, #tpu.memory_space<vmem>>
        %dma_wait3A_99 = tpu.memref_squeeze %dma_wait3A_98 : memref<1x128xi32, #tpu.memory_space<vmem>> -> memref<128xi32, #tpu.memory_space<vmem>>
        %dma_wait3A_100 = arith.constant 0 : i32
        %dma_wait3A_101 = arith.constant 0 : i32
        %dma_wait3A_102 = tpu.memref_slice %arg4[%dma_wait3A_100, %dma_wait3A_101] : memref<10240x128xf32, #tpu.memory_space<hbm>> -> memref<10240x128xf32, #tpu.memory_space<hbm>>
        tpu.wait_indirect_dma semaphore(%arg10 : memref<!tpu.dma_semaphore, #tpu.memory_space<semaphore_mem>>) src(%dma_wait3A_102 : memref<10240x128xf32, #tpu.memory_space<hbm>>) dst(%dma_wait3A_96 : memref<128x128xf32, #tpu.memory_space<vmem>>)
        "tpu.region"() ({
          %run_scoped3A = tpu.sem_alloc : memref<!tpu.dma_semaphore, #tpu.memory_space<semaphore_mem>>
          %dma_start3A_141 = arith.constant 0 : i32
          %dma_start3A_142 = arith.constant 0 : i32
          %dma_start3A_143 = tpu.memref_slice %arg8[%dma_start3A_141, %dma_start3A_142] : memref<256x128xf32, #tpu.memory_space<vmem>> -> memref<128x128xf32, #tpu.memory_space<vmem>>
          %dma_start3A_144 = arith.constant 0 : i32
          %dma_start3A_145 = tpu.memref_slice %arg7[%add3A_93, %dma_start3A_144] : memref<16x128xi32, #tpu.memory_space<vmem>> -> memref<1x128xi32, #tpu.memory_space<vmem>>
          %dma_start3A_146 = tpu.memref_squeeze %dma_start3A_145 : memref<1x128xi32, #tpu.memory_space<vmem>> -> memref<128xi32, #tpu.memory_space<vmem>>
          %dma_start3A_147 = arith.constant 0 : i32
          %dma_start3A_148 = arith.constant 0 : i32
          %dma_start3A_149 = tpu.memref_slice %arg9[%dma_start3A_147, %dma_start3A_148] : memref<10240x128xf32, #tpu.memory_space<vmem_shared>> -> memref<10240x128xf32, #tpu.memory_space<vmem_shared>>
          tpu.enqueue_indirect_dma source(%dma_start3A_143 : memref<128x128xf32, #tpu.memory_space<vmem>>) target(%dma_start3A_149 : memref<10240x128xf32, #tpu.memory_space<vmem_shared>>) offsets(%dma_start3A_146 : memref<128xi32, #tpu.memory_space<vmem>>) semaphore(%run_scoped3A : memref<!tpu.dma_semaphore, #tpu.memory_space<semaphore_mem>>) {add = true}
          %dma_wait3A_150 = arith.constant 0 : i32
          %dma_wait3A_151 = arith.constant 0 : i32
          %dma_wait3A_152 = tpu.memref_slice %arg8[%dma_wait3A_150, %dma_wait3A_151] : memref<256x128xf32, #tpu.memory_space<vmem>> -> memref<128x128xf32, #tpu.memory_space<vmem>>
          %dma_wait3A_153 = arith.constant 0 : i32
          %dma_wait3A_154 = tpu.memref_slice %arg7[%add3A_93, %dma_wait3A_153] : memref<16x128xi32, #tpu.memory_space<vmem>> -> memref<1x128xi32, #tpu.memory_space<vmem>>
          %dma_wait3A_155 = tpu.memref_squeeze %dma_wait3A_154 : memref<1x128xi32, #tpu.memory_space<vmem>> -> memref<128xi32, #tpu.memory_space<vmem>>
          %dma_wait3A_156 = arith.constant 0 : i32
          %dma_wait3A_157 = arith.constant 0 : i32
          %dma_wait3A_158 = tpu.memref_slice %arg9[%dma_wait3A_156, %dma_wait3A_157] : memref<10240x128xf32, #tpu.memory_space<vmem_shared>> -> memref<10240x128xf32, #tpu.memory_space<vmem_shared>>
          tpu.wait_indirect_dma semaphore(%run_scoped3A : memref<!tpu.dma_semaphore, #tpu.memory_space<semaphore_mem>>) src(%dma_wait3A_152 : memref<128x128xf32, #tpu.memory_space<vmem>>) dst(%dma_wait3A_158 : memref<10240x128xf32, #tpu.memory_space<vmem_shared>>)
          tpu.yield
        }) : () -> ()
        %add3A_103 = arith.constant 2 : i32
        %add3A_104 = arith.addi %add3A_93, %add3A_103 : i32
        %min3A = arith.constant 15 : i32
        %min3A_105 = arith.minsi %add3A_104, %min3A : i32
        %dma_start3A_106 = arith.constant 0 : i32
        %dma_start3A_107 = arith.constant 0 : i32
        %dma_start3A_108 = tpu.memref_slice %arg8[%dma_start3A_106, %dma_start3A_107] : memref<256x128xf32, #tpu.memory_space<vmem>> -> memref<128x128xf32, #tpu.memory_space<vmem>>
        %dma_start3A_109 = arith.constant 0 : i32
        %dma_start3A_110 = tpu.memref_slice %arg6[%min3A_105, %dma_start3A_109] : memref<16x128xi32, #tpu.memory_space<vmem>> -> memref<1x128xi32, #tpu.memory_space<vmem>>
        %dma_start3A_111 = tpu.memref_squeeze %dma_start3A_110 : memref<1x128xi32, #tpu.memory_space<vmem>> -> memref<128xi32, #tpu.memory_space<vmem>>
        %dma_start3A_112 = arith.constant 0 : i32
        %dma_start3A_113 = arith.constant 0 : i32
        %dma_start3A_114 = tpu.memref_slice %arg4[%dma_start3A_112, %dma_start3A_113] : memref<10240x128xf32, #tpu.memory_space<hbm>> -> memref<10240x128xf32, #tpu.memory_space<hbm>>
        tpu.enqueue_indirect_dma source(%dma_start3A_114 : memref<10240x128xf32, #tpu.memory_space<hbm>>) target(%dma_start3A_108 : memref<128x128xf32, #tpu.memory_space<vmem>>) offsets(%dma_start3A_111 : memref<128xi32, #tpu.memory_space<vmem>>) semaphore(%arg10 : memref<!tpu.dma_semaphore, #tpu.memory_space<semaphore_mem>>)
        %mul3A_115 = arith.constant 2 : i32
        %mul3A_116 = arith.muli %mul3A_115, %scan3A_89 : i32
        %add3A_117 = arith.constant 1 : i32
        %add3A_118 = arith.addi %mul3A_116, %add3A_117 : i32
        %dma_wait3A_119 = arith.constant 128 : i32
        %dma_wait3A_120 = arith.constant 0 : i32
        %dma_wait3A_121 = tpu.memref_slice %arg8[%dma_wait3A_119, %dma_wait3A_120] : memref<256x128xf32, #tpu.memory_space<vmem>> -> memref<128x128xf32, #tpu.memory_space<vmem>>
        %dma_wait3A_122 = arith.constant 0 : i32
        %dma_wait3A_123 = tpu.memref_slice %arg6[%add3A_118, %dma_wait3A_122] : memref<16x128xi32, #tpu.memory_space<vmem>> -> memref<1x128xi32, #tpu.memory_space<vmem>>
        %dma_wait3A_124 = tpu.memref_squeeze %dma_wait3A_123 : memref<1x128xi32, #tpu.memory_space<vmem>> -> memref<128xi32, #tpu.memory_space<vmem>>
        %dma_wait3A_125 = arith.constant 0 : i32
        %dma_wait3A_126 = arith.constant 0 : i32
        %dma_wait3A_127 = tpu.memref_slice %arg4[%dma_wait3A_125, %dma_wait3A_126] : memref<10240x128xf32, #tpu.memory_space<hbm>> -> memref<10240x128xf32, #tpu.memory_space<hbm>>
        tpu.wait_indirect_dma semaphore(%arg11 : memref<!tpu.dma_semaphore, #tpu.memory_space<semaphore_mem>>) src(%dma_wait3A_127 : memref<10240x128xf32, #tpu.memory_space<hbm>>) dst(%dma_wait3A_121 : memref<128x128xf32, #tpu.memory_space<vmem>>)
        "tpu.region"() ({
          %run_scoped3A = tpu.sem_alloc : memref<!tpu.dma_semaphore, #tpu.memory_space<semaphore_mem>>
          %dma_start3A_141 = arith.constant 128 : i32
          %dma_start3A_142 = arith.constant 0 : i32
          %dma_start3A_143 = tpu.memref_slice %arg8[%dma_start3A_141, %dma_start3A_142] : memref<256x128xf32, #tpu.memory_space<vmem>> -> memref<128x128xf32, #tpu.memory_space<vmem>>
          %dma_start3A_144 = arith.constant 0 : i32
          %dma_start3A_145 = tpu.memref_slice %arg7[%add3A_118, %dma_start3A_144] : memref<16x128xi32, #tpu.memory_space<vmem>> -> memref<1x128xi32, #tpu.memory_space<vmem>>
          %dma_start3A_146 = tpu.memref_squeeze %dma_start3A_145 : memref<1x128xi32, #tpu.memory_space<vmem>> -> memref<128xi32, #tpu.memory_space<vmem>>
          %dma_start3A_147 = arith.constant 0 : i32
          %dma_start3A_148 = arith.constant 0 : i32
          %dma_start3A_149 = tpu.memref_slice %arg9[%dma_start3A_147, %dma_start3A_148] : memref<10240x128xf32, #tpu.memory_space<vmem_shared>> -> memref<10240x128xf32, #tpu.memory_space<vmem_shared>>
          tpu.enqueue_indirect_dma source(%dma_start3A_143 : memref<128x128xf32, #tpu.memory_space<vmem>>) target(%dma_start3A_149 : memref<10240x128xf32, #tpu.memory_space<vmem_shared>>) offsets(%dma_start3A_146 : memref<128xi32, #tpu.memory_space<vmem>>) semaphore(%run_scoped3A : memref<!tpu.dma_semaphore, #tpu.memory_space<semaphore_mem>>) {add = true}
          %dma_wait3A_150 = arith.constant 128 : i32
          %dma_wait3A_151 = arith.constant 0 : i32
          %dma_wait3A_152 = tpu.memref_slice %arg8[%dma_wait3A_150, %dma_wait3A_151] : memref<256x128xf32, #tpu.memory_space<vmem>> -> memref<128x128xf32, #tpu.memory_space<vmem>>
          %dma_wait3A_153 = arith.constant 0 : i32
          %dma_wait3A_154 = tpu.memref_slice %arg7[%add3A_118, %dma_wait3A_153] : memref<16x128xi32, #tpu.memory_space<vmem>> -> memref<1x128xi32, #tpu.memory_space<vmem>>
          %dma_wait3A_155 = tpu.memref_squeeze %dma_wait3A_154 : memref<1x128xi32, #tpu.memory_space<vmem>> -> memref<128xi32, #tpu.memory_space<vmem>>
          %dma_wait3A_156 = arith.constant 0 : i32
          %dma_wait3A_157 = arith.constant 0 : i32
          %dma_wait3A_158 = tpu.memref_slice %arg9[%dma_wait3A_156, %dma_wait3A_157] : memref<10240x128xf32, #tpu.memory_space<vmem_shared>> -> memref<10240x128xf32, #tpu.memory_space<vmem_shared>>
          tpu.wait_indirect_dma semaphore(%run_scoped3A : memref<!tpu.dma_semaphore, #tpu.memory_space<semaphore_mem>>) src(%dma_wait3A_152 : memref<128x128xf32, #tpu.memory_space<vmem>>) dst(%dma_wait3A_158 : memref<10240x128xf32, #tpu.memory_space<vmem_shared>>)
          tpu.yield
        }) : () -> ()
        %add3A_128 = arith.constant 2 : i32
        %add3A_129 = arith.addi %add3A_118, %add3A_128 : i32
        %min3A_130 = arith.constant 15 : i32
        %min3A_131 = arith.minsi %add3A_129, %min3A_130 : i32
        %dma_start3A_132 = arith.constant 128 : i32
        %dma_start3A_133 = arith.constant 0 : i32
        %dma_start3A_134 = tpu.memref_slice %arg8[%dma_start3A_132, %dma_start3A_133] : memref<256x128xf32, #tpu.memory_space<vmem>> -> memref<128x128xf32, #tpu.memory_space<vmem>>
        %dma_start3A_135 = arith.constant 0 : i32
        %dma_start3A_136 = tpu.memref_slice %arg6[%min3A_131, %dma_start3A_135] : memref<16x128xi32, #tpu.memory_space<vmem>> -> memref<1x128xi32, #tpu.memory_space<vmem>>
        %dma_start3A_137 = tpu.memref_squeeze %dma_start3A_136 : memref<1x128xi32, #tpu.memory_space<vmem>> -> memref<128xi32, #tpu.memory_space<vmem>>
        %dma_start3A_138 = arith.constant 0 : i32
        %dma_start3A_139 = arith.constant 0 : i32
        %dma_start3A_140 = tpu.memref_slice %arg4[%dma_start3A_138, %dma_start3A_139] : memref<10240x128xf32, #tpu.memory_space<hbm>> -> memref<10240x128xf32, #tpu.memory_space<hbm>>
        tpu.enqueue_indirect_dma source(%dma_start3A_140 : memref<10240x128xf32, #tpu.memory_space<hbm>>) target(%dma_start3A_134 : memref<128x128xf32, #tpu.memory_space<vmem>>) offsets(%dma_start3A_137 : memref<128xi32, #tpu.memory_space<vmem>>) semaphore(%arg11 : memref<!tpu.dma_semaphore, #tpu.memory_space<semaphore_mem>>)
      }
      %scan3A_69 = arith.constant 8 : i32
      %dma_wait3A = arith.constant 15 : i32
      %dma_wait3A_70 = arith.constant 0 : i32
      %dma_wait3A_71 = arith.constant 0 : i32
      %dma_wait3A_72 = tpu.memref_slice %arg8[%dma_wait3A_70, %dma_wait3A_71] : memref<256x128xf32, #tpu.memory_space<vmem>> -> memref<128x128xf32, #tpu.memory_space<vmem>>
      %dma_wait3A_73 = arith.constant 0 : i32
      %dma_wait3A_74 = tpu.memref_slice %arg6[%dma_wait3A, %dma_wait3A_73] : memref<16x128xi32, #tpu.memory_space<vmem>> -> memref<1x128xi32, #tpu.memory_space<vmem>>
      %dma_wait3A_75 = tpu.memref_squeeze %dma_wait3A_74 : memref<1x128xi32, #tpu.memory_space<vmem>> -> memref<128xi32, #tpu.memory_space<vmem>>
      %dma_wait3A_76 = arith.constant 0 : i32
      %dma_wait3A_77 = arith.constant 0 : i32
      %dma_wait3A_78 = tpu.memref_slice %arg4[%dma_wait3A_76, %dma_wait3A_77] : memref<10240x128xf32, #tpu.memory_space<hbm>> -> memref<10240x128xf32, #tpu.memory_space<hbm>>
      tpu.wait_indirect_dma semaphore(%arg10 : memref<!tpu.dma_semaphore, #tpu.memory_space<semaphore_mem>>) src(%dma_wait3A_78 : memref<10240x128xf32, #tpu.memory_space<hbm>>) dst(%dma_wait3A_72 : memref<128x128xf32, #tpu.memory_space<vmem>>)
      %dma_wait3A_79 = arith.constant 15 : i32
      %dma_wait3A_80 = arith.constant 128 : i32
      %dma_wait3A_81 = arith.constant 0 : i32
      %dma_wait3A_82 = tpu.memref_slice %arg8[%dma_wait3A_80, %dma_wait3A_81] : memref<256x128xf32, #tpu.memory_space<vmem>> -> memref<128x128xf32, #tpu.memory_space<vmem>>
      %dma_wait3A_83 = arith.constant 0 : i32
      %dma_wait3A_84 = tpu.memref_slice %arg6[%dma_wait3A_79, %dma_wait3A_83] : memref<16x128xi32, #tpu.memory_space<vmem>> -> memref<1x128xi32, #tpu.memory_space<vmem>>
      %dma_wait3A_85 = tpu.memref_squeeze %dma_wait3A_84 : memref<1x128xi32, #tpu.memory_space<vmem>> -> memref<128xi32, #tpu.memory_space<vmem>>
      %dma_wait3A_86 = arith.constant 0 : i32
      %dma_wait3A_87 = arith.constant 0 : i32
      %dma_wait3A_88 = tpu.memref_slice %arg4[%dma_wait3A_86, %dma_wait3A_87] : memref<10240x128xf32, #tpu.memory_space<hbm>> -> memref<10240x128xf32, #tpu.memory_space<hbm>>
      tpu.wait_indirect_dma semaphore(%arg11 : memref<!tpu.dma_semaphore, #tpu.memory_space<semaphore_mem>>) src(%dma_wait3A_88 : memref<10240x128xf32, #tpu.memory_space<hbm>>) dst(%dma_wait3A_82 : memref<128x128xf32, #tpu.memory_space<vmem>>)
    }
    %barrier3A_36 = arith.constant 0 : index
    tpu.barrier barrier_id(%barrier3A_36)
    %mul3A_37 = arith.constant 640 : i32
    %mul3A_38 = arith.muli %arg1, %mul3A_37 : i32
    %mul3A_39 = arith.constant 640 : i32
    %mul3A_40 = arith.muli %arg1, %mul3A_39 : i32
    "tpu.region"() ({
      %run_scoped3A = tpu.sem_alloc : memref<!tpu.dma_semaphore, #tpu.memory_space<semaphore_mem>>
      %dma_start3A = arith.constant 0 : i32
      %dma_start3A_41 = tpu.memref_slice %arg5[%arg0, %mul3A_40, %dma_start3A] : memref<2x10240x128xf32, #tpu.memory_space<hbm>> -> memref<1x640x128xf32, #tpu.memory_space<hbm>>
      %dma_start3A_42 = tpu.memref_squeeze %dma_start3A_41 : memref<1x640x128xf32, #tpu.memory_space<hbm>> -> memref<640x128xf32, #tpu.memory_space<hbm>>
      %dma_start3A_43 = arith.constant 0 : i32
      %dma_start3A_44 = tpu.memref_slice %arg9[%mul3A_38, %dma_start3A_43] : memref<10240x128xf32, #tpu.memory_space<vmem_shared>> -> memref<640x128xf32, #tpu.memory_space<vmem_shared>>
      tpu.enqueue_dma source(%dma_start3A_44 : memref<640x128xf32, #tpu.memory_space<vmem_shared>>) target(%dma_start3A_42 : memref<640x128xf32, #tpu.memory_space<hbm>>) target_semaphore(%run_scoped3A : memref<!tpu.dma_semaphore, #tpu.memory_space<semaphore_mem>>)
      %dma_wait3A = arith.constant 0 : i32
      %dma_wait3A_45 = tpu.memref_slice %arg5[%arg0, %mul3A_40, %dma_wait3A] : memref<2x10240x128xf32, #tpu.memory_space<hbm>> -> memref<1x640x128xf32, #tpu.memory_space<hbm>>
      %dma_wait3A_46 = tpu.memref_squeeze %dma_wait3A_45 : memref<1x640x128xf32, #tpu.memory_space<hbm>> -> memref<640x128xf32, #tpu.memory_space<hbm>>
      %dma_wait3A_47 = arith.constant 0 : i32
      %dma_wait3A_48 = tpu.memref_slice %arg9[%mul3A_38, %dma_wait3A_47] : memref<10240x128xf32, #tpu.memory_space<vmem_shared>> -> memref<640x128xf32, #tpu.memory_space<vmem_shared>>
      tpu.wait_dma2 semaphore(%run_scoped3A : memref<!tpu.dma_semaphore, #tpu.memory_space<semaphore_mem>>) src(%dma_wait3A_48 : memref<640x128xf32, #tpu.memory_space<vmem_shared>>) dst(%dma_wait3A_46 : memref<640x128xf32, #tpu.memory_space<hbm>>)
      tpu.yield
    }) : () -> ()
    return
  }
}

#map = affine_map<(d0, d1) -> (0, 0)>
#map1 = affine_map<(d0, d1) -> (0, 0, 0)>
module attributes {stable_mosaic.version = 14 : i64} {
  func.func @_deg_body(%arg0: i32, %arg1: i32, %arg2: memref<2560x128xi32, #tpu.memory_space<hbm>>, %arg3: memref<80x128xf32, #tpu.memory_space<hbm>>, %arg4: memref<32x80x128xf32, #tpu.memory_space<hbm>>, %arg5: memref<80x128xi32, #tpu.memory_space<vmem>>, %arg6: memref<80x128xf32, #tpu.memory_space<vmem>>) attributes {dimension_semantics = [#tpu.dimension_semantics<core_parallel>, #tpu.dimension_semantics<subcore_parallel>], iteration_bounds = array<i64: 2, 16>, scalar_prefetch = 0 : i64, scratch_operands = 2 : i64, tpu.core_type = #tpu.core_type<sc_vector_subcore>, window_params = [{transform_indices = #map}, {transform_indices = #map}, {transform_indices = #map1}]} {
    %mul3A = arith.constant 2 : i32
    %mul3A_0 = arith.muli %arg1, %mul3A : i32
    %add3A = arith.addi %mul3A_0, %arg0 : i32
    "tpu.region"() ({
      %run_scoped3A = tpu.sem_alloc : memref<!tpu.dma_semaphore, #tpu.memory_space<semaphore_mem>>
      %dma_start3A = arith.constant 0 : i32
      %dma_start3A_9 = arith.constant 0 : i32
      %dma_start3A_10 = tpu.memref_slice %arg3[%dma_start3A, %dma_start3A_9] : memref<80x128xf32, #tpu.memory_space<hbm>> -> memref<80x128xf32, #tpu.memory_space<hbm>>
      %dma_start3A_11 = arith.constant 0 : i32
      %dma_start3A_12 = arith.constant 0 : i32
      %dma_start3A_13 = tpu.memref_slice %arg3[%dma_start3A_11, %dma_start3A_12] : memref<80x128xf32, #tpu.memory_space<hbm>> -> memref<80x128xf32, #tpu.memory_space<hbm>>
      tpu.enqueue_dma source(%dma_start3A_13 : memref<80x128xf32, #tpu.memory_space<hbm>>) target(%arg6 : memref<80x128xf32, #tpu.memory_space<vmem>>) target_semaphore(%run_scoped3A : memref<!tpu.dma_semaphore, #tpu.memory_space<semaphore_mem>>)
      %dma_wait3A = arith.constant 0 : i32
      %dma_wait3A_14 = arith.constant 0 : i32
      %dma_wait3A_15 = tpu.memref_slice %arg3[%dma_wait3A, %dma_wait3A_14] : memref<80x128xf32, #tpu.memory_space<hbm>> -> memref<80x128xf32, #tpu.memory_space<hbm>>
      %dma_wait3A_16 = arith.constant 0 : i32
      %dma_wait3A_17 = arith.constant 0 : i32
      %dma_wait3A_18 = tpu.memref_slice %arg3[%dma_wait3A_16, %dma_wait3A_17] : memref<80x128xf32, #tpu.memory_space<hbm>> -> memref<80x128xf32, #tpu.memory_space<hbm>>
      tpu.wait_dma2 semaphore(%run_scoped3A : memref<!tpu.dma_semaphore, #tpu.memory_space<semaphore_mem>>) src(%dma_wait3A_18 : memref<80x128xf32, #tpu.memory_space<hbm>>) dst(%arg6 : memref<80x128xf32, #tpu.memory_space<vmem>>)
      tpu.yield
    }) : () -> ()
    %mul3A_1 = arith.constant 80 : i32
    %mul3A_2 = arith.muli %add3A, %mul3A_1 : i32
    "tpu.region"() ({
      %run_scoped3A = tpu.sem_alloc : memref<!tpu.dma_semaphore, #tpu.memory_space<semaphore_mem>>
      %dma_start3A = arith.constant 0 : i32
      %dma_start3A_9 = tpu.memref_slice %arg2[%mul3A_2, %dma_start3A] : memref<2560x128xi32, #tpu.memory_space<hbm>> -> memref<80x128xi32, #tpu.memory_space<hbm>>
      %dma_start3A_10 = arith.constant 0 : i32
      %dma_start3A_11 = tpu.memref_slice %arg2[%mul3A_2, %dma_start3A_10] : memref<2560x128xi32, #tpu.memory_space<hbm>> -> memref<80x128xi32, #tpu.memory_space<hbm>>
      tpu.enqueue_dma source(%dma_start3A_11 : memref<80x128xi32, #tpu.memory_space<hbm>>) target(%arg5 : memref<80x128xi32, #tpu.memory_space<vmem>>) target_semaphore(%run_scoped3A : memref<!tpu.dma_semaphore, #tpu.memory_space<semaphore_mem>>)
      %dma_wait3A = arith.constant 0 : i32
      %dma_wait3A_12 = tpu.memref_slice %arg2[%mul3A_2, %dma_wait3A] : memref<2560x128xi32, #tpu.memory_space<hbm>> -> memref<80x128xi32, #tpu.memory_space<hbm>>
      %dma_wait3A_13 = arith.constant 0 : i32
      %dma_wait3A_14 = tpu.memref_slice %arg2[%mul3A_2, %dma_wait3A_13] : memref<2560x128xi32, #tpu.memory_space<hbm>> -> memref<80x128xi32, #tpu.memory_space<hbm>>
      tpu.wait_dma2 semaphore(%run_scoped3A : memref<!tpu.dma_semaphore, #tpu.memory_space<semaphore_mem>>) src(%dma_wait3A_14 : memref<80x128xi32, #tpu.memory_space<hbm>>) dst(%arg5 : memref<80x128xi32, #tpu.memory_space<vmem>>)
      tpu.yield
    }) : () -> ()
    %broadcast_in_dim3A = arith.constant 1.000000e+00 : f32
    %broadcast_in_dim3A_3 = vector.broadcast %broadcast_in_dim3A : f32 to vector<16xf32>
    %scan3A = arith.constant 0 : i32
    %scan3A_4 = arith.constant 0 : i32
    %scan3A_5 = arith.constant 80 : i32
    %scan3A_6 = arith.addi %scan3A_4, %scan3A_5 : i32
    %scan3A_7 = arith.constant 1 : i32
    scf.for %scan3A_9 = %scan3A_4 to %scan3A_6 step %scan3A_7  : i32 {
      %get3A = arith.index_cast %scan3A_9 : i32 to index
      %get3A_10 = arith.constant 0 : index
      %get3A_11 = tpu.vector_load %arg5[%get3A, %get3A_10] {strides = array<i32>} : memref<80x128xi32, #tpu.memory_space<vmem>>, vector<16xi32>,
      %shift_right_logical3A = arith.constant 7 : i32
      %shift_right_logical3A_12 = vector.broadcast %shift_right_logical3A : i32 to vector<16xi32>
      %shift_right_logical3A_13 = arith.shrui %get3A_11, %shift_right_logical3A_12 : vector<16xi32>
      %and3A = arith.constant 127 : i32
      %and3A_14 = vector.broadcast %and3A : i32 to vector<16xi32>
      %and3A_15 = arith.andi %get3A_11, %and3A_14 : vector<16xi32>
      tpu.vector_store_idx %arg6[%shift_right_logical3A_13, %and3A_15], %broadcast_in_dim3A_3 {add = true} : memref<80x128xf32, #tpu.memory_space<vmem>>[vector<16xi32>, vector<16xi32>], vector<16xf32>,
      %get3A_16 = arith.index_cast %scan3A_9 : i32 to index
      %get3A_17 = arith.constant 16 : index
      %get3A_18 = tpu.vector_load %arg5[%get3A_16, %get3A_17] {strides = array<i32>} : memref<80x128xi32, #tpu.memory_space<vmem>>, vector<16xi32>,
      %shift_right_logical3A_19 = arith.constant 7 : i32
      %shift_right_logical3A_20 = vector.broadcast %shift_right_logical3A_19 : i32 to vector<16xi32>
      %shift_right_logical3A_21 = arith.shrui %get3A_18, %shift_right_logical3A_20 : vector<16xi32>
      %and3A_22 = arith.constant 127 : i32
      %and3A_23 = vector.broadcast %and3A_22 : i32 to vector<16xi32>
      %and3A_24 = arith.andi %get3A_18, %and3A_23 : vector<16xi32>
      tpu.vector_store_idx %arg6[%shift_right_logical3A_21, %and3A_24], %broadcast_in_dim3A_3 {add = true} : memref<80x128xf32, #tpu.memory_space<vmem>>[vector<16xi32>, vector<16xi32>], vector<16xf32>,
      %get3A_25 = arith.index_cast %scan3A_9 : i32 to index
      %get3A_26 = arith.constant 32 : index
      %get3A_27 = tpu.vector_load %arg5[%get3A_25, %get3A_26] {strides = array<i32>} : memref<80x128xi32, #tpu.memory_space<vmem>>, vector<16xi32>,
      %shift_right_logical3A_28 = arith.constant 7 : i32
      %shift_right_logical3A_29 = vector.broadcast %shift_right_logical3A_28 : i32 to vector<16xi32>
      %shift_right_logical3A_30 = arith.shrui %get3A_27, %shift_right_logical3A_29 : vector<16xi32>
      %and3A_31 = arith.constant 127 : i32
      %and3A_32 = vector.broadcast %and3A_31 : i32 to vector<16xi32>
      %and3A_33 = arith.andi %get3A_27, %and3A_32 : vector<16xi32>
      tpu.vector_store_idx %arg6[%shift_right_logical3A_30, %and3A_33], %broadcast_in_dim3A_3 {add = true} : memref<80x128xf32, #tpu.memory_space<vmem>>[vector<16xi32>, vector<16xi32>], vector<16xf32>,
      %get3A_34 = arith.index_cast %scan3A_9 : i32 to index
      %get3A_35 = arith.constant 48 : index
      %get3A_36 = tpu.vector_load %arg5[%get3A_34, %get3A_35] {strides = array<i32>} : memref<80x128xi32, #tpu.memory_space<vmem>>, vector<16xi32>,
      %shift_right_logical3A_37 = arith.constant 7 : i32
      %shift_right_logical3A_38 = vector.broadcast %shift_right_logical3A_37 : i32 to vector<16xi32>
      %shift_right_logical3A_39 = arith.shrui %get3A_36, %shift_right_logical3A_38 : vector<16xi32>
      %and3A_40 = arith.constant 127 : i32
      %and3A_41 = vector.broadcast %and3A_40 : i32 to vector<16xi32>
      %and3A_42 = arith.andi %get3A_36, %and3A_41 : vector<16xi32>
      tpu.vector_store_idx %arg6[%shift_right_logical3A_39, %and3A_42], %broadcast_in_dim3A_3 {add = true} : memref<80x128xf32, #tpu.memory_space<vmem>>[vector<16xi32>, vector<16xi32>], vector<16xf32>,
      %get3A_43 = arith.index_cast %scan3A_9 : i32 to index
      %get3A_44 = arith.constant 64 : index
      %get3A_45 = tpu.vector_load %arg5[%get3A_43, %get3A_44] {strides = array<i32>} : memref<80x128xi32, #tpu.memory_space<vmem>>, vector<16xi32>,
      %shift_right_logical3A_46 = arith.constant 7 : i32
      %shift_right_logical3A_47 = vector.broadcast %shift_right_logical3A_46 : i32 to vector<16xi32>
      %shift_right_logical3A_48 = arith.shrui %get3A_45, %shift_right_logical3A_47 : vector<16xi32>
      %and3A_49 = arith.constant 127 : i32
      %and3A_50 = vector.broadcast %and3A_49 : i32 to vector<16xi32>
      %and3A_51 = arith.andi %get3A_45, %and3A_50 : vector<16xi32>
      tpu.vector_store_idx %arg6[%shift_right_logical3A_48, %and3A_51], %broadcast_in_dim3A_3 {add = true} : memref<80x128xf32, #tpu.memory_space<vmem>>[vector<16xi32>, vector<16xi32>], vector<16xf32>,
      %get3A_52 = arith.index_cast %scan3A_9 : i32 to index
      %get3A_53 = arith.constant 80 : index
      %get3A_54 = tpu.vector_load %arg5[%get3A_52, %get3A_53] {strides = array<i32>} : memref<80x128xi32, #tpu.memory_space<vmem>>, vector<16xi32>,
      %shift_right_logical3A_55 = arith.constant 7 : i32
      %shift_right_logical3A_56 = vector.broadcast %shift_right_logical3A_55 : i32 to vector<16xi32>
      %shift_right_logical3A_57 = arith.shrui %get3A_54, %shift_right_logical3A_56 : vector<16xi32>
      %and3A_58 = arith.constant 127 : i32
      %and3A_59 = vector.broadcast %and3A_58 : i32 to vector<16xi32>
      %and3A_60 = arith.andi %get3A_54, %and3A_59 : vector<16xi32>
      tpu.vector_store_idx %arg6[%shift_right_logical3A_57, %and3A_60], %broadcast_in_dim3A_3 {add = true} : memref<80x128xf32, #tpu.memory_space<vmem>>[vector<16xi32>, vector<16xi32>], vector<16xf32>,
      %get3A_61 = arith.index_cast %scan3A_9 : i32 to index
      %get3A_62 = arith.constant 96 : index
      %get3A_63 = tpu.vector_load %arg5[%get3A_61, %get3A_62] {strides = array<i32>} : memref<80x128xi32, #tpu.memory_space<vmem>>, vector<16xi32>,
      %shift_right_logical3A_64 = arith.constant 7 : i32
      %shift_right_logical3A_65 = vector.broadcast %shift_right_logical3A_64 : i32 to vector<16xi32>
      %shift_right_logical3A_66 = arith.shrui %get3A_63, %shift_right_logical3A_65 : vector<16xi32>
      %and3A_67 = arith.constant 127 : i32
      %and3A_68 = vector.broadcast %and3A_67 : i32 to vector<16xi32>
      %and3A_69 = arith.andi %get3A_63, %and3A_68 : vector<16xi32>
      tpu.vector_store_idx %arg6[%shift_right_logical3A_66, %and3A_69], %broadcast_in_dim3A_3 {add = true} : memref<80x128xf32, #tpu.memory_space<vmem>>[vector<16xi32>, vector<16xi32>], vector<16xf32>,
      %get3A_70 = arith.index_cast %scan3A_9 : i32 to index
      %get3A_71 = arith.constant 112 : index
      %get3A_72 = tpu.vector_load %arg5[%get3A_70, %get3A_71] {strides = array<i32>} : memref<80x128xi32, #tpu.memory_space<vmem>>, vector<16xi32>,
      %shift_right_logical3A_73 = arith.constant 7 : i32
      %shift_right_logical3A_74 = vector.broadcast %shift_right_logical3A_73 : i32 to vector<16xi32>
      %shift_right_logical3A_75 = arith.shrui %get3A_72, %shift_right_logical3A_74 : vector<16xi32>
      %and3A_76 = arith.constant 127 : i32
      %and3A_77 = vector.broadcast %and3A_76 : i32 to vector<16xi32>
      %and3A_78 = arith.andi %get3A_72, %and3A_77 : vector<16xi32>
      tpu.vector_store_idx %arg6[%shift_right_logical3A_75, %and3A_78], %broadcast_in_dim3A_3 {add = true} : memref<80x128xf32, #tpu.memory_space<vmem>>[vector<16xi32>, vector<16xi32>], vector<16xf32>,
    }
    %scan3A_8 = arith.constant 80 : i32
    "tpu.region"() ({
      %run_scoped3A = tpu.sem_alloc : memref<!tpu.dma_semaphore, #tpu.memory_space<semaphore_mem>>
      %dma_start3A = arith.constant 0 : i32
      %dma_start3A_9 = arith.constant 0 : i32
      %dma_start3A_10 = tpu.memref_slice %arg4[%add3A, %dma_start3A, %dma_start3A_9] : memref<32x80x128xf32, #tpu.memory_space<hbm>> -> memref<1x80x128xf32, #tpu.memory_space<hbm>>
      %dma_start3A_11 = tpu.memref_squeeze %dma_start3A_10 : memref<1x80x128xf32, #tpu.memory_space<hbm>> -> memref<80x128xf32, #tpu.memory_space<hbm>>
      %dma_start3A_12 = arith.constant 0 : i32
      %dma_start3A_13 = arith.constant 0 : i32
      %dma_start3A_14 = tpu.memref_slice %arg4[%add3A, %dma_start3A_12, %dma_start3A_13] : memref<32x80x128xf32, #tpu.memory_space<hbm>> -> memref<1x80x128xf32, #tpu.memory_space<hbm>>
      %dma_start3A_15 = tpu.memref_squeeze %dma_start3A_14 : memref<1x80x128xf32, #tpu.memory_space<hbm>> -> memref<80x128xf32, #tpu.memory_space<hbm>>
      tpu.enqueue_dma source(%arg6 : memref<80x128xf32, #tpu.memory_space<vmem>>) target(%dma_start3A_15 : memref<80x128xf32, #tpu.memory_space<hbm>>) target_semaphore(%run_scoped3A : memref<!tpu.dma_semaphore, #tpu.memory_space<semaphore_mem>>)
      %dma_wait3A = arith.constant 0 : i32
      %dma_wait3A_16 = arith.constant 0 : i32
      %dma_wait3A_17 = tpu.memref_slice %arg4[%add3A, %dma_wait3A, %dma_wait3A_16] : memref<32x80x128xf32, #tpu.memory_space<hbm>> -> memref<1x80x128xf32, #tpu.memory_space<hbm>>
      %dma_wait3A_18 = tpu.memref_squeeze %dma_wait3A_17 : memref<1x80x128xf32, #tpu.memory_space<hbm>> -> memref<80x128xf32, #tpu.memory_space<hbm>>
      %dma_wait3A_19 = arith.constant 0 : i32
      %dma_wait3A_20 = arith.constant 0 : i32
      %dma_wait3A_21 = tpu.memref_slice %arg4[%add3A, %dma_wait3A_19, %dma_wait3A_20] : memref<32x80x128xf32, #tpu.memory_space<hbm>> -> memref<1x80x128xf32, #tpu.memory_space<hbm>>
      %dma_wait3A_22 = tpu.memref_squeeze %dma_wait3A_21 : memref<1x80x128xf32, #tpu.memory_space<hbm>> -> memref<80x128xf32, #tpu.memory_space<hbm>>
      tpu.wait_dma2 semaphore(%run_scoped3A : memref<!tpu.dma_semaphore, #tpu.memory_space<semaphore_mem>>) src(%arg6 : memref<80x128xf32, #tpu.memory_space<vmem>>) dst(%dma_wait3A_22 : memref<80x128xf32, #tpu.memory_space<hbm>>)
      tpu.yield
    }) : () -> ()
    return
  }
}

#map = affine_map<(d0, d1) -> (0, 0)>
#map1 = affine_map<(d0, d1) -> (0, 0, 0)>
module attributes {stable_mosaic.version = 14 : i64} {
  func.func @_seg_body(%arg0: i32, %arg1: i32, %arg2: memref<2560x128xi32, #tpu.memory_space<hbm>>, %arg3: memref<2560x128xi32, #tpu.memory_space<hbm>>, %arg4: memref<10240x128xf32, #tpu.memory_space<hbm>>, %arg5: memref<2x10240x128xf32, #tpu.memory_space<hbm>>, %arg6: memref<16x128xi32, #tpu.memory_space<vmem>>, %arg7: memref<16x128xi32, #tpu.memory_space<vmem>>, %arg8: memref<256x128xf32, #tpu.memory_space<vmem>>, %arg9: memref<10240x128xf32, #tpu.memory_space<vmem_shared>>, %arg10: memref<!tpu.dma_semaphore, #tpu.memory_space<semaphore_mem>>, %arg11: memref<!tpu.dma_semaphore, #tpu.memory_space<semaphore_mem>>) attributes {dimension_semantics = [#tpu.dimension_semantics<core_parallel>, #tpu.dimension_semantics<subcore_parallel>], iteration_bounds = array<i64: 2, 16>, scalar_prefetch = 0 : i64, scratch_operands = 6 : i64, tpu.core_type = #tpu.core_type<sc_vector_subcore>, window_params = [{transform_indices = #map}, {transform_indices = #map}, {transform_indices = #map}, {transform_indices = #map1}]} {
    %broadcast_in_dim3A = arith.constant 0.000000e+00 : f32
    %broadcast_in_dim3A_0 = vector.broadcast %broadcast_in_dim3A : f32 to vector<16xf32>
    %scan3A = arith.constant 0 : i32
    %scan3A_1 = arith.constant 0 : i32
    %scan3A_2 = arith.constant 256 : i32
    %scan3A_3 = arith.addi %scan3A_1, %scan3A_2 : i32
    %scan3A_4 = arith.constant 1 : i32
    scf.for %scan3A_41 = %scan3A_1 to %scan3A_3 step %scan3A_4  : i32 {
      %swap3A = arith.index_cast %scan3A_41 : i32 to index
      %swap3A_42 = arith.constant 0 : index
      %swap3A_43 = tpu.vector_load %arg8[%swap3A, %swap3A_42] {strides = array<i32>} : memref<256x128xf32, #tpu.memory_space<vmem>>, vector<1x16xf32>,
      %swap3A_44 = vector.shape_cast %swap3A_43 : vector<1x16xf32> to vector<16xf32>
      %swap3A_45 = vector.shape_cast %broadcast_in_dim3A_0 : vector<16xf32> to vector<1x16xf32>
      tpu.vector_store %arg8[%swap3A, %swap3A_42], %swap3A_45 {strides = array<i32>} : memref<256x128xf32, #tpu.memory_space<vmem>>, vector<1x16xf32>,
      %swap3A_46 = arith.index_cast %scan3A_41 : i32 to index
      %swap3A_47 = arith.constant 16 : index
      %swap3A_48 = tpu.vector_load %arg8[%swap3A_46, %swap3A_47] {strides = array<i32>} : memref<256x128xf32, #tpu.memory_space<vmem>>, vector<1x16xf32>,
      %swap3A_49 = vector.shape_cast %swap3A_48 : vector<1x16xf32> to vector<16xf32>
      %swap3A_50 = vector.shape_cast %broadcast_in_dim3A_0 : vector<16xf32> to vector<1x16xf32>
      tpu.vector_store %arg8[%swap3A_46, %swap3A_47], %swap3A_50 {strides = array<i32>} : memref<256x128xf32, #tpu.memory_space<vmem>>, vector<1x16xf32>,
      %swap3A_51 = arith.index_cast %scan3A_41 : i32 to index
      %swap3A_52 = arith.constant 32 : index
      %swap3A_53 = tpu.vector_load %arg8[%swap3A_51, %swap3A_52] {strides = array<i32>} : memref<256x128xf32, #tpu.memory_space<vmem>>, vector<1x16xf32>,
      %swap3A_54 = vector.shape_cast %swap3A_53 : vector<1x16xf32> to vector<16xf32>
      %swap3A_55 = vector.shape_cast %broadcast_in_dim3A_0 : vector<16xf32> to vector<1x16xf32>
      tpu.vector_store %arg8[%swap3A_51, %swap3A_52], %swap3A_55 {strides = array<i32>} : memref<256x128xf32, #tpu.memory_space<vmem>>, vector<1x16xf32>,
      %swap3A_56 = arith.index_cast %scan3A_41 : i32 to index
      %swap3A_57 = arith.constant 48 : index
      %swap3A_58 = tpu.vector_load %arg8[%swap3A_56, %swap3A_57] {strides = array<i32>} : memref<256x128xf32, #tpu.memory_space<vmem>>, vector<1x16xf32>,
      %swap3A_59 = vector.shape_cast %swap3A_58 : vector<1x16xf32> to vector<16xf32>
      %swap3A_60 = vector.shape_cast %broadcast_in_dim3A_0 : vector<16xf32> to vector<1x16xf32>
      tpu.vector_store %arg8[%swap3A_56, %swap3A_57], %swap3A_60 {strides = array<i32>} : memref<256x128xf32, #tpu.memory_space<vmem>>, vector<1x16xf32>,
      %swap3A_61 = arith.index_cast %scan3A_41 : i32 to index
      %swap3A_62 = arith.constant 64 : index
      %swap3A_63 = tpu.vector_load %arg8[%swap3A_61, %swap3A_62] {strides = array<i32>} : memref<256x128xf32, #tpu.memory_space<vmem>>, vector<1x16xf32>,
      %swap3A_64 = vector.shape_cast %swap3A_63 : vector<1x16xf32> to vector<16xf32>
      %swap3A_65 = vector.shape_cast %broadcast_in_dim3A_0 : vector<16xf32> to vector<1x16xf32>
      tpu.vector_store %arg8[%swap3A_61, %swap3A_62], %swap3A_65 {strides = array<i32>} : memref<256x128xf32, #tpu.memory_space<vmem>>, vector<1x16xf32>,
      %swap3A_66 = arith.index_cast %scan3A_41 : i32 to index
      %swap3A_67 = arith.constant 80 : index
      %swap3A_68 = tpu.vector_load %arg8[%swap3A_66, %swap3A_67] {strides = array<i32>} : memref<256x128xf32, #tpu.memory_space<vmem>>, vector<1x16xf32>,
      %swap3A_69 = vector.shape_cast %swap3A_68 : vector<1x16xf32> to vector<16xf32>
      %swap3A_70 = vector.shape_cast %broadcast_in_dim3A_0 : vector<16xf32> to vector<1x16xf32>
      tpu.vector_store %arg8[%swap3A_66, %swap3A_67], %swap3A_70 {strides = array<i32>} : memref<256x128xf32, #tpu.memory_space<vmem>>, vector<1x16xf32>,
      %swap3A_71 = arith.index_cast %scan3A_41 : i32 to index
      %swap3A_72 = arith.constant 96 : index
      %swap3A_73 = tpu.vector_load %arg8[%swap3A_71, %swap3A_72] {strides = array<i32>} : memref<256x128xf32, #tpu.memory_space<vmem>>, vector<1x16xf32>,
      %swap3A_74 = vector.shape_cast %swap3A_73 : vector<1x16xf32> to vector<16xf32>
      %swap3A_75 = vector.shape_cast %broadcast_in_dim3A_0 : vector<16xf32> to vector<1x16xf32>
      tpu.vector_store %arg8[%swap3A_71, %swap3A_72], %swap3A_75 {strides = array<i32>} : memref<256x128xf32, #tpu.memory_space<vmem>>, vector<1x16xf32>,
      %swap3A_76 = arith.index_cast %scan3A_41 : i32 to index
      %swap3A_77 = arith.constant 112 : index
      %swap3A_78 = tpu.vector_load %arg8[%swap3A_76, %swap3A_77] {strides = array<i32>} : memref<256x128xf32, #tpu.memory_space<vmem>>, vector<1x16xf32>,
      %swap3A_79 = vector.shape_cast %swap3A_78 : vector<1x16xf32> to vector<16xf32>
      %swap3A_80 = vector.shape_cast %broadcast_in_dim3A_0 : vector<16xf32> to vector<1x16xf32>
      tpu.vector_store %arg8[%swap3A_76, %swap3A_77], %swap3A_80 {strides = array<i32>} : memref<256x128xf32, #tpu.memory_space<vmem>>, vector<1x16xf32>,
    }
    %scan3A_5 = arith.constant 256 : i32
    %mul3A = arith.constant 640 : i32
    %mul3A_6 = arith.muli %arg1, %mul3A : i32
    %add3A = arith.constant 0 : i32
    %add3A_7 = arith.addi %mul3A_6, %add3A : i32
    "tpu.region"() ({
      %run_scoped3A = tpu.sem_alloc : memref<!tpu.dma_semaphore, #tpu.memory_space<semaphore_mem>>
      %dma_start3A = arith.constant 0 : i32
      %dma_start3A_41 = tpu.memref_slice %arg9[%add3A_7, %dma_start3A] : memref<10240x128xf32, #tpu.memory_space<vmem_shared>> -> memref<256x128xf32, #tpu.memory_space<vmem_shared>>
      %dma_start3A_42 = arith.constant 0 : i32
      %dma_start3A_43 = tpu.memref_slice %arg9[%add3A_7, %dma_start3A_42] : memref<10240x128xf32, #tpu.memory_space<vmem_shared>> -> memref<256x128xf32, #tpu.memory_space<vmem_shared>>
      tpu.enqueue_dma source(%arg8 : memref<256x128xf32, #tpu.memory_space<vmem>>) target(%dma_start3A_43 : memref<256x128xf32, #tpu.memory_space<vmem_shared>>) target_semaphore(%run_scoped3A : memref<!tpu.dma_semaphore, #tpu.memory_space<semaphore_mem>>)
      %dma_wait3A = arith.constant 0 : i32
      %dma_wait3A_44 = tpu.memref_slice %arg9[%add3A_7, %dma_wait3A] : memref<10240x128xf32, #tpu.memory_space<vmem_shared>> -> memref<256x128xf32, #tpu.memory_space<vmem_shared>>
      %dma_wait3A_45 = arith.constant 0 : i32
      %dma_wait3A_46 = tpu.memref_slice %arg9[%add3A_7, %dma_wait3A_45] : memref<10240x128xf32, #tpu.memory_space<vmem_shared>> -> memref<256x128xf32, #tpu.memory_space<vmem_shared>>
      tpu.wait_dma2 semaphore(%run_scoped3A : memref<!tpu.dma_semaphore, #tpu.memory_space<semaphore_mem>>) src(%arg8 : memref<256x128xf32, #tpu.memory_space<vmem>>) dst(%dma_wait3A_46 : memref<256x128xf32, #tpu.memory_space<vmem_shared>>)
      tpu.yield
    }) : () -> ()
    %mul3A_8 = arith.constant 640 : i32
    %mul3A_9 = arith.muli %arg1, %mul3A_8 : i32
    %add3A_10 = arith.constant 256 : i32
    %add3A_11 = arith.addi %mul3A_9, %add3A_10 : i32
    "tpu.region"() ({
      %run_scoped3A = tpu.sem_alloc : memref<!tpu.dma_semaphore, #tpu.memory_space<semaphore_mem>>
      %dma_start3A = arith.constant 0 : i32
      %dma_start3A_41 = tpu.memref_slice %arg9[%add3A_11, %dma_start3A] : memref<10240x128xf32, #tpu.memory_space<vmem_shared>> -> memref<256x128xf32, #tpu.memory_space<vmem_shared>>
      %dma_start3A_42 = arith.constant 0 : i32
      %dma_start3A_43 = tpu.memref_slice %arg9[%add3A_11, %dma_start3A_42] : memref<10240x128xf32, #tpu.memory_space<vmem_shared>> -> memref<256x128xf32, #tpu.memory_space<vmem_shared>>
      tpu.enqueue_dma source(%arg8 : memref<256x128xf32, #tpu.memory_space<vmem>>) target(%dma_start3A_43 : memref<256x128xf32, #tpu.memory_space<vmem_shared>>) target_semaphore(%run_scoped3A : memref<!tpu.dma_semaphore, #tpu.memory_space<semaphore_mem>>)
      %dma_wait3A = arith.constant 0 : i32
      %dma_wait3A_44 = tpu.memref_slice %arg9[%add3A_11, %dma_wait3A] : memref<10240x128xf32, #tpu.memory_space<vmem_shared>> -> memref<256x128xf32, #tpu.memory_space<vmem_shared>>
      %dma_wait3A_45 = arith.constant 0 : i32
      %dma_wait3A_46 = tpu.memref_slice %arg9[%add3A_11, %dma_wait3A_45] : memref<10240x128xf32, #tpu.memory_space<vmem_shared>> -> memref<256x128xf32, #tpu.memory_space<vmem_shared>>
      tpu.wait_dma2 semaphore(%run_scoped3A : memref<!tpu.dma_semaphore, #tpu.memory_space<semaphore_mem>>) src(%arg8 : memref<256x128xf32, #tpu.memory_space<vmem>>) dst(%dma_wait3A_46 : memref<256x128xf32, #tpu.memory_space<vmem_shared>>)
      tpu.yield
    }) : () -> ()
    %mul3A_12 = arith.constant 640 : i32
    %mul3A_13 = arith.muli %arg1, %mul3A_12 : i32
    %add3A_14 = arith.constant 512 : i32
    %add3A_15 = arith.addi %mul3A_13, %add3A_14 : i32
    "tpu.region"() ({
      %run_scoped3A = tpu.sem_alloc : memref<!tpu.dma_semaphore, #tpu.memory_space<semaphore_mem>>
      %dma_start3A = arith.constant 0 : i32
      %dma_start3A_41 = arith.constant 0 : i32
      %dma_start3A_42 = tpu.memref_slice %arg8[%dma_start3A, %dma_start3A_41] : memref<256x128xf32, #tpu.memory_space<vmem>> -> memref<128x128xf32, #tpu.memory_space<vmem>>
      %dma_start3A_43 = arith.constant 0 : i32
      %dma_start3A_44 = tpu.memref_slice %arg9[%add3A_15, %dma_start3A_43] : memref<10240x128xf32, #tpu.memory_space<vmem_shared>> -> memref<128x128xf32, #tpu.memory_space<vmem_shared>>
      %dma_start3A_45 = arith.constant 0 : i32
      %dma_start3A_46 = tpu.memref_slice %arg9[%add3A_15, %dma_start3A_45] : memref<10240x128xf32, #tpu.memory_space<vmem_shared>> -> memref<128x128xf32, #tpu.memory_space<vmem_shared>>
      %dma_start3A_47 = arith.constant 0 : i32
      %dma_start3A_48 = arith.constant 0 : i32
      %dma_start3A_49 = tpu.memref_slice %arg8[%dma_start3A_47, %dma_start3A_48] : memref<256x128xf32, #tpu.memory_space<vmem>> -> memref<128x128xf32, #tpu.memory_space<vmem>>
      tpu.enqueue_dma source(%dma_start3A_49 : memref<128x128xf32, #tpu.memory_space<vmem>>) target(%dma_start3A_46 : memref<128x128xf32, #tpu.memory_space<vmem_shared>>) target_semaphore(%run_scoped3A : memref<!tpu.dma_semaphore, #tpu.memory_space<semaphore_mem>>)
      %dma_wait3A = arith.constant 0 : i32
      %dma_wait3A_50 = arith.constant 0 : i32
      %dma_wait3A_51 = tpu.memref_slice %arg8[%dma_wait3A, %dma_wait3A_50] : memref<256x128xf32, #tpu.memory_space<vmem>> -> memref<128x128xf32, #tpu.memory_space<vmem>>
      %dma_wait3A_52 = arith.constant 0 : i32
      %dma_wait3A_53 = tpu.memref_slice %arg9[%add3A_15, %dma_wait3A_52] : memref<10240x128xf32, #tpu.memory_space<vmem_shared>> -> memref<128x128xf32, #tpu.memory_space<vmem_shared>>
      %dma_wait3A_54 = arith.constant 0 : i32
      %dma_wait3A_55 = tpu.memref_slice %arg9[%add3A_15, %dma_wait3A_54] : memref<10240x128xf32, #tpu.memory_space<vmem_shared>> -> memref<128x128xf32, #tpu.memory_space<vmem_shared>>
      %dma_wait3A_56 = arith.constant 0 : i32
      %dma_wait3A_57 = arith.constant 0 : i32
      %dma_wait3A_58 = tpu.memref_slice %arg8[%dma_wait3A_56, %dma_wait3A_57] : memref<256x128xf32, #tpu.memory_space<vmem>> -> memref<128x128xf32, #tpu.memory_space<vmem>>
      tpu.wait_dma2 semaphore(%run_scoped3A : memref<!tpu.dma_semaphore, #tpu.memory_space<semaphore_mem>>) src(%dma_wait3A_58 : memref<128x128xf32, #tpu.memory_space<vmem>>) dst(%dma_wait3A_55 : memref<128x128xf32, #tpu.memory_space<vmem_shared>>)
      tpu.yield
    }) : () -> ()
    %barrier3A = arith.constant 0 : index
    tpu.barrier barrier_id(%barrier3A)
    %eq3A = arith.constant 0 : i32
    %eq3A_16 = arith.cmpi eq, %arg0, %eq3A : i32
    %mul3A_17 = arith.constant 144 : i32
    %mul3A_18 = arith.muli %arg1, %mul3A_17 : i32
    %mul3A_19 = arith.constant 16 : i32
    %mul3A_20 = arith.muli %arg1, %mul3A_19 : i32
    %add3A_21 = arith.constant 2304 : i32
    %add3A_22 = arith.addi %add3A_21, %mul3A_20 : i32
    %select_n3A = arith.select %eq3A_16, %mul3A_18, %add3A_22 : i32
    %eq3A_23 = arith.constant 0 : i32
    %eq3A_24 = arith.cmpi eq, %arg0, %eq3A_23 : i32
    %jit3A = arith.constant 9 : i32
    %jit3A_25 = arith.constant 1 : i32
    %select_n3A_26 = arith.select %eq3A_24, %jit3A, %jit3A_25 : i32
    %while3A = arith.constant 0 : i32
    %while3A_27 = arith.constant 0 : i32
    %while3A_28 = arith.subi %select_n3A_26, %while3A_27 : i32
    %while3A_29 = arith.addi %while3A_27, %while3A_28 : i32
    %while3A_30 = arith.constant 1 : i32
    %while3A_31 = arith.divsi %while3A_28, %while3A_30 : i32
    %while3A_32 = arith.muli %while3A_31, %while3A_30 : i32
    %while3A_33 = arith.addi %while3A_27, %while3A_32 : i32
    %while3A_34 = arith.constant 1 : i32
    scf.for %while3A_41 = %while3A_27 to %while3A_33 step %while3A_34  : i32 {
      %mul3A_42 = arith.constant 16 : i32
      %mul3A_43 = arith.muli %while3A_41, %mul3A_42 : i32
      %add3A_44 = arith.addi %select_n3A, %mul3A_43 : i32
      "tpu.region"() ({
        %run_scoped3A = tpu.sem_alloc : memref<!tpu.dma_semaphore, #tpu.memory_space<semaphore_mem>>
        %dma_start3A_89 = arith.constant 0 : i32
        %dma_start3A_90 = tpu.memref_slice %arg2[%add3A_44, %dma_start3A_89] : memref<2560x128xi32, #tpu.memory_space<hbm>> -> memref<16x128xi32, #tpu.memory_space<hbm>>
        %dma_start3A_91 = arith.constant 0 : i32
        %dma_start3A_92 = tpu.memref_slice %arg2[%add3A_44, %dma_start3A_91] : memref<2560x128xi32, #tpu.memory_space<hbm>> -> memref<16x128xi32, #tpu.memory_space<hbm>>
        tpu.enqueue_dma source(%dma_start3A_92 : memref<16x128xi32, #tpu.memory_space<hbm>>) target(%arg6 : memref<16x128xi32, #tpu.memory_space<vmem>>) target_semaphore(%run_scoped3A : memref<!tpu.dma_semaphore, #tpu.memory_space<semaphore_mem>>)
        %dma_wait3A_93 = arith.constant 0 : i32
        %dma_wait3A_94 = tpu.memref_slice %arg2[%add3A_44, %dma_wait3A_93] : memref<2560x128xi32, #tpu.memory_space<hbm>> -> memref<16x128xi32, #tpu.memory_space<hbm>>
        %dma_wait3A_95 = arith.constant 0 : i32
        %dma_wait3A_96 = tpu.memref_slice %arg2[%add3A_44, %dma_wait3A_95] : memref<2560x128xi32, #tpu.memory_space<hbm>> -> memref<16x128xi32, #tpu.memory_space<hbm>>
        tpu.wait_dma2 semaphore(%run_scoped3A : memref<!tpu.dma_semaphore, #tpu.memory_space<semaphore_mem>>) src(%dma_wait3A_96 : memref<16x128xi32, #tpu.memory_space<hbm>>) dst(%arg6 : memref<16x128xi32, #tpu.memory_space<vmem>>)
        tpu.yield
      }) : () -> ()
      "tpu.region"() ({
        %run_scoped3A = tpu.sem_alloc : memref<!tpu.dma_semaphore, #tpu.memory_space<semaphore_mem>>
        %dma_start3A_89 = arith.constant 0 : i32
        %dma_start3A_90 = tpu.memref_slice %arg3[%add3A_44, %dma_start3A_89] : memref<2560x128xi32, #tpu.memory_space<hbm>> -> memref<16x128xi32, #tpu.memory_space<hbm>>
        %dma_start3A_91 = arith.constant 0 : i32
        %dma_start3A_92 = tpu.memref_slice %arg3[%add3A_44, %dma_start3A_91] : memref<2560x128xi32, #tpu.memory_space<hbm>> -> memref<16x128xi32, #tpu.memory_space<hbm>>
        tpu.enqueue_dma source(%dma_start3A_92 : memref<16x128xi32, #tpu.memory_space<hbm>>) target(%arg7 : memref<16x128xi32, #tpu.memory_space<vmem>>) target_semaphore(%run_scoped3A : memref<!tpu.dma_semaphore, #tpu.memory_space<semaphore_mem>>)
        %dma_wait3A_93 = arith.constant 0 : i32
        %dma_wait3A_94 = tpu.memref_slice %arg3[%add3A_44, %dma_wait3A_93] : memref<2560x128xi32, #tpu.memory_space<hbm>> -> memref<16x128xi32, #tpu.memory_space<hbm>>
        %dma_wait3A_95 = arith.constant 0 : i32
        %dma_wait3A_96 = tpu.memref_slice %arg3[%add3A_44, %dma_wait3A_95] : memref<2560x128xi32, #tpu.memory_space<hbm>> -> memref<16x128xi32, #tpu.memory_space<hbm>>
        tpu.wait_dma2 semaphore(%run_scoped3A : memref<!tpu.dma_semaphore, #tpu.memory_space<semaphore_mem>>) src(%dma_wait3A_96 : memref<16x128xi32, #tpu.memory_space<hbm>>) dst(%arg7 : memref<16x128xi32, #tpu.memory_space<vmem>>)
        tpu.yield
      }) : () -> ()
      %dma_start3A = arith.constant 0 : i32
      %dma_start3A_45 = arith.constant 0 : i32
      %dma_start3A_46 = arith.constant 0 : i32
      %dma_start3A_47 = tpu.memref_slice %arg8[%dma_start3A_45, %dma_start3A_46] : memref<256x128xf32, #tpu.memory_space<vmem>> -> memref<128x128xf32, #tpu.memory_space<vmem>>
      %dma_start3A_48 = arith.constant 0 : i32
      %dma_start3A_49 = tpu.memref_slice %arg6[%dma_start3A, %dma_start3A_48] : memref<16x128xi32, #tpu.memory_space<vmem>> -> memref<1x128xi32, #tpu.memory_space<vmem>>
      %dma_start3A_50 = tpu.memref_squeeze %dma_start3A_49 : memref<1x128xi32, #tpu.memory_space<vmem>> -> memref<128xi32, #tpu.memory_space<vmem>>
      %dma_start3A_51 = arith.constant 0 : i32
      %dma_start3A_52 = arith.constant 0 : i32
      %dma_start3A_53 = tpu.memref_slice %arg4[%dma_start3A_51, %dma_start3A_52] : memref<10240x128xf32, #tpu.memory_space<hbm>> -> memref<10240x128xf32, #tpu.memory_space<hbm>>
      tpu.enqueue_indirect_dma source(%dma_start3A_53 : memref<10240x128xf32, #tpu.memory_space<hbm>>) target(%dma_start3A_47 : memref<128x128xf32, #tpu.memory_space<vmem>>) offsets(%dma_start3A_50 : memref<128xi32, #tpu.memory_space<vmem>>) semaphore(%arg10 : memref<!tpu.dma_semaphore, #tpu.memory_space<semaphore_mem>>)
      %dma_start3A_54 = arith.constant 1 : i32
      %dma_start3A_55 = arith.constant 128 : i32
      %dma_start3A_56 = arith.constant 0 : i32
      %dma_start3A_57 = tpu.memref_slice %arg8[%dma_start3A_55, %dma_start3A_56] : memref<256x128xf32, #tpu.memory_space<vmem>> -> memref<128x128xf32, #tpu.memory_space<vmem>>
      %dma_start3A_58 = arith.constant 0 : i32
      %dma_start3A_59 = tpu.memref_slice %arg6[%dma_start3A_54, %dma_start3A_58] : memref<16x128xi32, #tpu.memory_space<vmem>> -> memref<1x128xi32, #tpu.memory_space<vmem>>
      %dma_start3A_60 = tpu.memref_squeeze %dma_start3A_59 : memref<1x128xi32, #tpu.memory_space<vmem>> -> memref<128xi32, #tpu.memory_space<vmem>>
      %dma_start3A_61 = arith.constant 0 : i32
      %dma_start3A_62 = arith.constant 0 : i32
      %dma_start3A_63 = tpu.memref_slice %arg4[%dma_start3A_61, %dma_start3A_62] : memref<10240x128xf32, #tpu.memory_space<hbm>> -> memref<10240x128xf32, #tpu.memory_space<hbm>>
      tpu.enqueue_indirect_dma source(%dma_start3A_63 : memref<10240x128xf32, #tpu.memory_space<hbm>>) target(%dma_start3A_57 : memref<128x128xf32, #tpu.memory_space<vmem>>) offsets(%dma_start3A_60 : memref<128xi32, #tpu.memory_space<vmem>>) semaphore(%arg11 : memref<!tpu.dma_semaphore, #tpu.memory_space<semaphore_mem>>)
      %scan3A_64 = arith.constant 0 : i32
      %scan3A_65 = arith.constant 0 : i32
      %scan3A_66 = arith.constant 8 : i32
      %scan3A_67 = arith.addi %scan3A_65, %scan3A_66 : i32
      %scan3A_68 = arith.constant 1 : i32
      scf.for %scan3A_89 = %scan3A_65 to %scan3A_67 step %scan3A_68  : i32 {
        %mul3A_90 = arith.constant 2 : i32
        %mul3A_91 = arith.muli %mul3A_90, %scan3A_89 : i32
        %add3A_92 = arith.constant 0 : i32
        %add3A_93 = arith.addi %mul3A_91, %add3A_92 : i32
        %dma_wait3A_94 = arith.constant 0 : i32
        %dma_wait3A_95 = arith.constant 0 : i32
        %dma_wait3A_96 = tpu.memref_slice %arg8[%dma_wait3A_94, %dma_wait3A_95] : memref<256x128xf32, #tpu.memory_space<vmem>> -> memref<128x128xf32, #tpu.memory_space<vmem>>
        %dma_wait3A_97 = arith.constant 0 : i32
        %dma_wait3A_98 = tpu.memref_slice %arg6[%add3A_93, %dma_wait3A_97] : memref<16x128xi32, #tpu.memory_space<vmem>> -> memref<1x128xi32, #tpu.memory_space<vmem>>
        %dma_wait3A_99 = tpu.memref_squeeze %dma_wait3A_98 : memref<1x128xi32, #tpu.memory_space<vmem>> -> memref<128xi32, #tpu.memory_space<vmem>>
        %dma_wait3A_100 = arith.constant 0 : i32
        %dma_wait3A_101 = arith.constant 0 : i32
        %dma_wait3A_102 = tpu.memref_slice %arg4[%dma_wait3A_100, %dma_wait3A_101] : memref<10240x128xf32, #tpu.memory_space<hbm>> -> memref<10240x128xf32, #tpu.memory_space<hbm>>
        tpu.wait_indirect_dma semaphore(%arg10 : memref<!tpu.dma_semaphore, #tpu.memory_space<semaphore_mem>>) src(%dma_wait3A_102 : memref<10240x128xf32, #tpu.memory_space<hbm>>) dst(%dma_wait3A_96 : memref<128x128xf32, #tpu.memory_space<vmem>>)
        "tpu.region"() ({
          %run_scoped3A = tpu.sem_alloc : memref<!tpu.dma_semaphore, #tpu.memory_space<semaphore_mem>>
          %dma_start3A_141 = arith.constant 0 : i32
          %dma_start3A_142 = arith.constant 0 : i32
          %dma_start3A_143 = tpu.memref_slice %arg8[%dma_start3A_141, %dma_start3A_142] : memref<256x128xf32, #tpu.memory_space<vmem>> -> memref<128x128xf32, #tpu.memory_space<vmem>>
          %dma_start3A_144 = arith.constant 0 : i32
          %dma_start3A_145 = tpu.memref_slice %arg7[%add3A_93, %dma_start3A_144] : memref<16x128xi32, #tpu.memory_space<vmem>> -> memref<1x128xi32, #tpu.memory_space<vmem>>
          %dma_start3A_146 = tpu.memref_squeeze %dma_start3A_145 : memref<1x128xi32, #tpu.memory_space<vmem>> -> memref<128xi32, #tpu.memory_space<vmem>>
          %dma_start3A_147 = arith.constant 0 : i32
          %dma_start3A_148 = arith.constant 0 : i32
          %dma_start3A_149 = tpu.memref_slice %arg9[%dma_start3A_147, %dma_start3A_148] : memref<10240x128xf32, #tpu.memory_space<vmem_shared>> -> memref<10240x128xf32, #tpu.memory_space<vmem_shared>>
          tpu.enqueue_indirect_dma source(%dma_start3A_143 : memref<128x128xf32, #tpu.memory_space<vmem>>) target(%dma_start3A_149 : memref<10240x128xf32, #tpu.memory_space<vmem_shared>>) offsets(%dma_start3A_146 : memref<128xi32, #tpu.memory_space<vmem>>) semaphore(%run_scoped3A : memref<!tpu.dma_semaphore, #tpu.memory_space<semaphore_mem>>) {add = true}
          %dma_wait3A_150 = arith.constant 0 : i32
          %dma_wait3A_151 = arith.constant 0 : i32
          %dma_wait3A_152 = tpu.memref_slice %arg8[%dma_wait3A_150, %dma_wait3A_151] : memref<256x128xf32, #tpu.memory_space<vmem>> -> memref<128x128xf32, #tpu.memory_space<vmem>>
          %dma_wait3A_153 = arith.constant 0 : i32
          %dma_wait3A_154 = tpu.memref_slice %arg7[%add3A_93, %dma_wait3A_153] : memref<16x128xi32, #tpu.memory_space<vmem>> -> memref<1x128xi32, #tpu.memory_space<vmem>>
          %dma_wait3A_155 = tpu.memref_squeeze %dma_wait3A_154 : memref<1x128xi32, #tpu.memory_space<vmem>> -> memref<128xi32, #tpu.memory_space<vmem>>
          %dma_wait3A_156 = arith.constant 0 : i32
          %dma_wait3A_157 = arith.constant 0 : i32
          %dma_wait3A_158 = tpu.memref_slice %arg9[%dma_wait3A_156, %dma_wait3A_157] : memref<10240x128xf32, #tpu.memory_space<vmem_shared>> -> memref<10240x128xf32, #tpu.memory_space<vmem_shared>>
          tpu.wait_indirect_dma semaphore(%run_scoped3A : memref<!tpu.dma_semaphore, #tpu.memory_space<semaphore_mem>>) src(%dma_wait3A_152 : memref<128x128xf32, #tpu.memory_space<vmem>>) dst(%dma_wait3A_158 : memref<10240x128xf32, #tpu.memory_space<vmem_shared>>)
          tpu.yield
        }) : () -> ()
        %add3A_103 = arith.constant 2 : i32
        %add3A_104 = arith.addi %add3A_93, %add3A_103 : i32
        %min3A = arith.constant 15 : i32
        %min3A_105 = arith.minsi %add3A_104, %min3A : i32
        %dma_start3A_106 = arith.constant 0 : i32
        %dma_start3A_107 = arith.constant 0 : i32
        %dma_start3A_108 = tpu.memref_slice %arg8[%dma_start3A_106, %dma_start3A_107] : memref<256x128xf32, #tpu.memory_space<vmem>> -> memref<128x128xf32, #tpu.memory_space<vmem>>
        %dma_start3A_109 = arith.constant 0 : i32
        %dma_start3A_110 = tpu.memref_slice %arg6[%min3A_105, %dma_start3A_109] : memref<16x128xi32, #tpu.memory_space<vmem>> -> memref<1x128xi32, #tpu.memory_space<vmem>>
        %dma_start3A_111 = tpu.memref_squeeze %dma_start3A_110 : memref<1x128xi32, #tpu.memory_space<vmem>> -> memref<128xi32, #tpu.memory_space<vmem>>
        %dma_start3A_112 = arith.constant 0 : i32
        %dma_start3A_113 = arith.constant 0 : i32
        %dma_start3A_114 = tpu.memref_slice %arg4[%dma_start3A_112, %dma_start3A_113] : memref<10240x128xf32, #tpu.memory_space<hbm>> -> memref<10240x128xf32, #tpu.memory_space<hbm>>
        tpu.enqueue_indirect_dma source(%dma_start3A_114 : memref<10240x128xf32, #tpu.memory_space<hbm>>) target(%dma_start3A_108 : memref<128x128xf32, #tpu.memory_space<vmem>>) offsets(%dma_start3A_111 : memref<128xi32, #tpu.memory_space<vmem>>) semaphore(%arg10 : memref<!tpu.dma_semaphore, #tpu.memory_space<semaphore_mem>>)
        %mul3A_115 = arith.constant 2 : i32
        %mul3A_116 = arith.muli %mul3A_115, %scan3A_89 : i32
        %add3A_117 = arith.constant 1 : i32
        %add3A_118 = arith.addi %mul3A_116, %add3A_117 : i32
        %dma_wait3A_119 = arith.constant 128 : i32
        %dma_wait3A_120 = arith.constant 0 : i32
        %dma_wait3A_121 = tpu.memref_slice %arg8[%dma_wait3A_119, %dma_wait3A_120] : memref<256x128xf32, #tpu.memory_space<vmem>> -> memref<128x128xf32, #tpu.memory_space<vmem>>
        %dma_wait3A_122 = arith.constant 0 : i32
        %dma_wait3A_123 = tpu.memref_slice %arg6[%add3A_118, %dma_wait3A_122] : memref<16x128xi32, #tpu.memory_space<vmem>> -> memref<1x128xi32, #tpu.memory_space<vmem>>
        %dma_wait3A_124 = tpu.memref_squeeze %dma_wait3A_123 : memref<1x128xi32, #tpu.memory_space<vmem>> -> memref<128xi32, #tpu.memory_space<vmem>>
        %dma_wait3A_125 = arith.constant 0 : i32
        %dma_wait3A_126 = arith.constant 0 : i32
        %dma_wait3A_127 = tpu.memref_slice %arg4[%dma_wait3A_125, %dma_wait3A_126] : memref<10240x128xf32, #tpu.memory_space<hbm>> -> memref<10240x128xf32, #tpu.memory_space<hbm>>
        tpu.wait_indirect_dma semaphore(%arg11 : memref<!tpu.dma_semaphore, #tpu.memory_space<semaphore_mem>>) src(%dma_wait3A_127 : memref<10240x128xf32, #tpu.memory_space<hbm>>) dst(%dma_wait3A_121 : memref<128x128xf32, #tpu.memory_space<vmem>>)
        "tpu.region"() ({
          %run_scoped3A = tpu.sem_alloc : memref<!tpu.dma_semaphore, #tpu.memory_space<semaphore_mem>>
          %dma_start3A_141 = arith.constant 128 : i32
          %dma_start3A_142 = arith.constant 0 : i32
          %dma_start3A_143 = tpu.memref_slice %arg8[%dma_start3A_141, %dma_start3A_142] : memref<256x128xf32, #tpu.memory_space<vmem>> -> memref<128x128xf32, #tpu.memory_space<vmem>>
          %dma_start3A_144 = arith.constant 0 : i32
          %dma_start3A_145 = tpu.memref_slice %arg7[%add3A_118, %dma_start3A_144] : memref<16x128xi32, #tpu.memory_space<vmem>> -> memref<1x128xi32, #tpu.memory_space<vmem>>
          %dma_start3A_146 = tpu.memref_squeeze %dma_start3A_145 : memref<1x128xi32, #tpu.memory_space<vmem>> -> memref<128xi32, #tpu.memory_space<vmem>>
          %dma_start3A_147 = arith.constant 0 : i32
          %dma_start3A_148 = arith.constant 0 : i32
          %dma_start3A_149 = tpu.memref_slice %arg9[%dma_start3A_147, %dma_start3A_148] : memref<10240x128xf32, #tpu.memory_space<vmem_shared>> -> memref<10240x128xf32, #tpu.memory_space<vmem_shared>>
          tpu.enqueue_indirect_dma source(%dma_start3A_143 : memref<128x128xf32, #tpu.memory_space<vmem>>) target(%dma_start3A_149 : memref<10240x128xf32, #tpu.memory_space<vmem_shared>>) offsets(%dma_start3A_146 : memref<128xi32, #tpu.memory_space<vmem>>) semaphore(%run_scoped3A : memref<!tpu.dma_semaphore, #tpu.memory_space<semaphore_mem>>) {add = true}
          %dma_wait3A_150 = arith.constant 128 : i32
          %dma_wait3A_151 = arith.constant 0 : i32
          %dma_wait3A_152 = tpu.memref_slice %arg8[%dma_wait3A_150, %dma_wait3A_151] : memref<256x128xf32, #tpu.memory_space<vmem>> -> memref<128x128xf32, #tpu.memory_space<vmem>>
          %dma_wait3A_153 = arith.constant 0 : i32
          %dma_wait3A_154 = tpu.memref_slice %arg7[%add3A_118, %dma_wait3A_153] : memref<16x128xi32, #tpu.memory_space<vmem>> -> memref<1x128xi32, #tpu.memory_space<vmem>>
          %dma_wait3A_155 = tpu.memref_squeeze %dma_wait3A_154 : memref<1x128xi32, #tpu.memory_space<vmem>> -> memref<128xi32, #tpu.memory_space<vmem>>
          %dma_wait3A_156 = arith.constant 0 : i32
          %dma_wait3A_157 = arith.constant 0 : i32
          %dma_wait3A_158 = tpu.memref_slice %arg9[%dma_wait3A_156, %dma_wait3A_157] : memref<10240x128xf32, #tpu.memory_space<vmem_shared>> -> memref<10240x128xf32, #tpu.memory_space<vmem_shared>>
          tpu.wait_indirect_dma semaphore(%run_scoped3A : memref<!tpu.dma_semaphore, #tpu.memory_space<semaphore_mem>>) src(%dma_wait3A_152 : memref<128x128xf32, #tpu.memory_space<vmem>>) dst(%dma_wait3A_158 : memref<10240x128xf32, #tpu.memory_space<vmem_shared>>)
          tpu.yield
        }) : () -> ()
        %add3A_128 = arith.constant 2 : i32
        %add3A_129 = arith.addi %add3A_118, %add3A_128 : i32
        %min3A_130 = arith.constant 15 : i32
        %min3A_131 = arith.minsi %add3A_129, %min3A_130 : i32
        %dma_start3A_132 = arith.constant 128 : i32
        %dma_start3A_133 = arith.constant 0 : i32
        %dma_start3A_134 = tpu.memref_slice %arg8[%dma_start3A_132, %dma_start3A_133] : memref<256x128xf32, #tpu.memory_space<vmem>> -> memref<128x128xf32, #tpu.memory_space<vmem>>
        %dma_start3A_135 = arith.constant 0 : i32
        %dma_start3A_136 = tpu.memref_slice %arg6[%min3A_131, %dma_start3A_135] : memref<16x128xi32, #tpu.memory_space<vmem>> -> memref<1x128xi32, #tpu.memory_space<vmem>>
        %dma_start3A_137 = tpu.memref_squeeze %dma_start3A_136 : memref<1x128xi32, #tpu.memory_space<vmem>> -> memref<128xi32, #tpu.memory_space<vmem>>
        %dma_start3A_138 = arith.constant 0 : i32
        %dma_start3A_139 = arith.constant 0 : i32
        %dma_start3A_140 = tpu.memref_slice %arg4[%dma_start3A_138, %dma_start3A_139] : memref<10240x128xf32, #tpu.memory_space<hbm>> -> memref<10240x128xf32, #tpu.memory_space<hbm>>
        tpu.enqueue_indirect_dma source(%dma_start3A_140 : memref<10240x128xf32, #tpu.memory_space<hbm>>) target(%dma_start3A_134 : memref<128x128xf32, #tpu.memory_space<vmem>>) offsets(%dma_start3A_137 : memref<128xi32, #tpu.memory_space<vmem>>) semaphore(%arg11 : memref<!tpu.dma_semaphore, #tpu.memory_space<semaphore_mem>>)
      }
      %scan3A_69 = arith.constant 8 : i32
      %dma_wait3A = arith.constant 15 : i32
      %dma_wait3A_70 = arith.constant 0 : i32
      %dma_wait3A_71 = arith.constant 0 : i32
      %dma_wait3A_72 = tpu.memref_slice %arg8[%dma_wait3A_70, %dma_wait3A_71] : memref<256x128xf32, #tpu.memory_space<vmem>> -> memref<128x128xf32, #tpu.memory_space<vmem>>
      %dma_wait3A_73 = arith.constant 0 : i32
      %dma_wait3A_74 = tpu.memref_slice %arg6[%dma_wait3A, %dma_wait3A_73] : memref<16x128xi32, #tpu.memory_space<vmem>> -> memref<1x128xi32, #tpu.memory_space<vmem>>
      %dma_wait3A_75 = tpu.memref_squeeze %dma_wait3A_74 : memref<1x128xi32, #tpu.memory_space<vmem>> -> memref<128xi32, #tpu.memory_space<vmem>>
      %dma_wait3A_76 = arith.constant 0 : i32
      %dma_wait3A_77 = arith.constant 0 : i32
      %dma_wait3A_78 = tpu.memref_slice %arg4[%dma_wait3A_76, %dma_wait3A_77] : memref<10240x128xf32, #tpu.memory_space<hbm>> -> memref<10240x128xf32, #tpu.memory_space<hbm>>
      tpu.wait_indirect_dma semaphore(%arg10 : memref<!tpu.dma_semaphore, #tpu.memory_space<semaphore_mem>>) src(%dma_wait3A_78 : memref<10240x128xf32, #tpu.memory_space<hbm>>) dst(%dma_wait3A_72 : memref<128x128xf32, #tpu.memory_space<vmem>>)
      %dma_wait3A_79 = arith.constant 15 : i32
      %dma_wait3A_80 = arith.constant 128 : i32
      %dma_wait3A_81 = arith.constant 0 : i32
      %dma_wait3A_82 = tpu.memref_slice %arg8[%dma_wait3A_80, %dma_wait3A_81] : memref<256x128xf32, #tpu.memory_space<vmem>> -> memref<128x128xf32, #tpu.memory_space<vmem>>
      %dma_wait3A_83 = arith.constant 0 : i32
      %dma_wait3A_84 = tpu.memref_slice %arg6[%dma_wait3A_79, %dma_wait3A_83] : memref<16x128xi32, #tpu.memory_space<vmem>> -> memref<1x128xi32, #tpu.memory_space<vmem>>
      %dma_wait3A_85 = tpu.memref_squeeze %dma_wait3A_84 : memref<1x128xi32, #tpu.memory_space<vmem>> -> memref<128xi32, #tpu.memory_space<vmem>>
      %dma_wait3A_86 = arith.constant 0 : i32
      %dma_wait3A_87 = arith.constant 0 : i32
      %dma_wait3A_88 = tpu.memref_slice %arg4[%dma_wait3A_86, %dma_wait3A_87] : memref<10240x128xf32, #tpu.memory_space<hbm>> -> memref<10240x128xf32, #tpu.memory_space<hbm>>
      tpu.wait_indirect_dma semaphore(%arg11 : memref<!tpu.dma_semaphore, #tpu.memory_space<semaphore_mem>>) src(%dma_wait3A_88 : memref<10240x128xf32, #tpu.memory_space<hbm>>) dst(%dma_wait3A_82 : memref<128x128xf32, #tpu.memory_space<vmem>>)
    }
    %while3A_35 = arith.constant 1 : i32
    scf.for %while3A_41 = %while3A_33 to %while3A_29 step %while3A_35  : i32 {
      %mul3A_42 = arith.constant 16 : i32
      %mul3A_43 = arith.muli %while3A_41, %mul3A_42 : i32
      %add3A_44 = arith.addi %select_n3A, %mul3A_43 : i32
      "tpu.region"() ({
        %run_scoped3A = tpu.sem_alloc : memref<!tpu.dma_semaphore, #tpu.memory_space<semaphore_mem>>
        %dma_start3A_89 = arith.constant 0 : i32
        %dma_start3A_90 = tpu.memref_slice %arg2[%add3A_44, %dma_start3A_89] : memref<2560x128xi32, #tpu.memory_space<hbm>> -> memref<16x128xi32, #tpu.memory_space<hbm>>
        %dma_start3A_91 = arith.constant 0 : i32
        %dma_start3A_92 = tpu.memref_slice %arg2[%add3A_44, %dma_start3A_91] : memref<2560x128xi32, #tpu.memory_space<hbm>> -> memref<16x128xi32, #tpu.memory_space<hbm>>
        tpu.enqueue_dma source(%dma_start3A_92 : memref<16x128xi32, #tpu.memory_space<hbm>>) target(%arg6 : memref<16x128xi32, #tpu.memory_space<vmem>>) target_semaphore(%run_scoped3A : memref<!tpu.dma_semaphore, #tpu.memory_space<semaphore_mem>>)
        %dma_wait3A_93 = arith.constant 0 : i32
        %dma_wait3A_94 = tpu.memref_slice %arg2[%add3A_44, %dma_wait3A_93] : memref<2560x128xi32, #tpu.memory_space<hbm>> -> memref<16x128xi32, #tpu.memory_space<hbm>>
        %dma_wait3A_95 = arith.constant 0 : i32
        %dma_wait3A_96 = tpu.memref_slice %arg2[%add3A_44, %dma_wait3A_95] : memref<2560x128xi32, #tpu.memory_space<hbm>> -> memref<16x128xi32, #tpu.memory_space<hbm>>
        tpu.wait_dma2 semaphore(%run_scoped3A : memref<!tpu.dma_semaphore, #tpu.memory_space<semaphore_mem>>) src(%dma_wait3A_96 : memref<16x128xi32, #tpu.memory_space<hbm>>) dst(%arg6 : memref<16x128xi32, #tpu.memory_space<vmem>>)
        tpu.yield
      }) : () -> ()
      "tpu.region"() ({
        %run_scoped3A = tpu.sem_alloc : memref<!tpu.dma_semaphore, #tpu.memory_space<semaphore_mem>>
        %dma_start3A_89 = arith.constant 0 : i32
        %dma_start3A_90 = tpu.memref_slice %arg3[%add3A_44, %dma_start3A_89] : memref<2560x128xi32, #tpu.memory_space<hbm>> -> memref<16x128xi32, #tpu.memory_space<hbm>>
        %dma_start3A_91 = arith.constant 0 : i32
        %dma_start3A_92 = tpu.memref_slice %arg3[%add3A_44, %dma_start3A_91] : memref<2560x128xi32, #tpu.memory_space<hbm>> -> memref<16x128xi32, #tpu.memory_space<hbm>>
        tpu.enqueue_dma source(%dma_start3A_92 : memref<16x128xi32, #tpu.memory_space<hbm>>) target(%arg7 : memref<16x128xi32, #tpu.memory_space<vmem>>) target_semaphore(%run_scoped3A : memref<!tpu.dma_semaphore, #tpu.memory_space<semaphore_mem>>)
        %dma_wait3A_93 = arith.constant 0 : i32
        %dma_wait3A_94 = tpu.memref_slice %arg3[%add3A_44, %dma_wait3A_93] : memref<2560x128xi32, #tpu.memory_space<hbm>> -> memref<16x128xi32, #tpu.memory_space<hbm>>
        %dma_wait3A_95 = arith.constant 0 : i32
        %dma_wait3A_96 = tpu.memref_slice %arg3[%add3A_44, %dma_wait3A_95] : memref<2560x128xi32, #tpu.memory_space<hbm>> -> memref<16x128xi32, #tpu.memory_space<hbm>>
        tpu.wait_dma2 semaphore(%run_scoped3A : memref<!tpu.dma_semaphore, #tpu.memory_space<semaphore_mem>>) src(%dma_wait3A_96 : memref<16x128xi32, #tpu.memory_space<hbm>>) dst(%arg7 : memref<16x128xi32, #tpu.memory_space<vmem>>)
        tpu.yield
      }) : () -> ()
      %dma_start3A = arith.constant 0 : i32
      %dma_start3A_45 = arith.constant 0 : i32
      %dma_start3A_46 = arith.constant 0 : i32
      %dma_start3A_47 = tpu.memref_slice %arg8[%dma_start3A_45, %dma_start3A_46] : memref<256x128xf32, #tpu.memory_space<vmem>> -> memref<128x128xf32, #tpu.memory_space<vmem>>
      %dma_start3A_48 = arith.constant 0 : i32
      %dma_start3A_49 = tpu.memref_slice %arg6[%dma_start3A, %dma_start3A_48] : memref<16x128xi32, #tpu.memory_space<vmem>> -> memref<1x128xi32, #tpu.memory_space<vmem>>
      %dma_start3A_50 = tpu.memref_squeeze %dma_start3A_49 : memref<1x128xi32, #tpu.memory_space<vmem>> -> memref<128xi32, #tpu.memory_space<vmem>>
      %dma_start3A_51 = arith.constant 0 : i32
      %dma_start3A_52 = arith.constant 0 : i32
      %dma_start3A_53 = tpu.memref_slice %arg4[%dma_start3A_51, %dma_start3A_52] : memref<10240x128xf32, #tpu.memory_space<hbm>> -> memref<10240x128xf32, #tpu.memory_space<hbm>>
      tpu.enqueue_indirect_dma source(%dma_start3A_53 : memref<10240x128xf32, #tpu.memory_space<hbm>>) target(%dma_start3A_47 : memref<128x128xf32, #tpu.memory_space<vmem>>) offsets(%dma_start3A_50 : memref<128xi32, #tpu.memory_space<vmem>>) semaphore(%arg10 : memref<!tpu.dma_semaphore, #tpu.memory_space<semaphore_mem>>)
      %dma_start3A_54 = arith.constant 1 : i32
      %dma_start3A_55 = arith.constant 128 : i32
      %dma_start3A_56 = arith.constant 0 : i32
      %dma_start3A_57 = tpu.memref_slice %arg8[%dma_start3A_55, %dma_start3A_56] : memref<256x128xf32, #tpu.memory_space<vmem>> -> memref<128x128xf32, #tpu.memory_space<vmem>>
      %dma_start3A_58 = arith.constant 0 : i32
      %dma_start3A_59 = tpu.memref_slice %arg6[%dma_start3A_54, %dma_start3A_58] : memref<16x128xi32, #tpu.memory_space<vmem>> -> memref<1x128xi32, #tpu.memory_space<vmem>>
      %dma_start3A_60 = tpu.memref_squeeze %dma_start3A_59 : memref<1x128xi32, #tpu.memory_space<vmem>> -> memref<128xi32, #tpu.memory_space<vmem>>
      %dma_start3A_61 = arith.constant 0 : i32
      %dma_start3A_62 = arith.constant 0 : i32
      %dma_start3A_63 = tpu.memref_slice %arg4[%dma_start3A_61, %dma_start3A_62] : memref<10240x128xf32, #tpu.memory_space<hbm>> -> memref<10240x128xf32, #tpu.memory_space<hbm>>
      tpu.enqueue_indirect_dma source(%dma_start3A_63 : memref<10240x128xf32, #tpu.memory_space<hbm>>) target(%dma_start3A_57 : memref<128x128xf32, #tpu.memory_space<vmem>>) offsets(%dma_start3A_60 : memref<128xi32, #tpu.memory_space<vmem>>) semaphore(%arg11 : memref<!tpu.dma_semaphore, #tpu.memory_space<semaphore_mem>>)
      %scan3A_64 = arith.constant 0 : i32
      %scan3A_65 = arith.constant 0 : i32
      %scan3A_66 = arith.constant 8 : i32
      %scan3A_67 = arith.addi %scan3A_65, %scan3A_66 : i32
      %scan3A_68 = arith.constant 1 : i32
      scf.for %scan3A_89 = %scan3A_65 to %scan3A_67 step %scan3A_68  : i32 {
        %mul3A_90 = arith.constant 2 : i32
        %mul3A_91 = arith.muli %mul3A_90, %scan3A_89 : i32
        %add3A_92 = arith.constant 0 : i32
        %add3A_93 = arith.addi %mul3A_91, %add3A_92 : i32
        %dma_wait3A_94 = arith.constant 0 : i32
        %dma_wait3A_95 = arith.constant 0 : i32
        %dma_wait3A_96 = tpu.memref_slice %arg8[%dma_wait3A_94, %dma_wait3A_95] : memref<256x128xf32, #tpu.memory_space<vmem>> -> memref<128x128xf32, #tpu.memory_space<vmem>>
        %dma_wait3A_97 = arith.constant 0 : i32
        %dma_wait3A_98 = tpu.memref_slice %arg6[%add3A_93, %dma_wait3A_97] : memref<16x128xi32, #tpu.memory_space<vmem>> -> memref<1x128xi32, #tpu.memory_space<vmem>>
        %dma_wait3A_99 = tpu.memref_squeeze %dma_wait3A_98 : memref<1x128xi32, #tpu.memory_space<vmem>> -> memref<128xi32, #tpu.memory_space<vmem>>
        %dma_wait3A_100 = arith.constant 0 : i32
        %dma_wait3A_101 = arith.constant 0 : i32
        %dma_wait3A_102 = tpu.memref_slice %arg4[%dma_wait3A_100, %dma_wait3A_101] : memref<10240x128xf32, #tpu.memory_space<hbm>> -> memref<10240x128xf32, #tpu.memory_space<hbm>>
        tpu.wait_indirect_dma semaphore(%arg10 : memref<!tpu.dma_semaphore, #tpu.memory_space<semaphore_mem>>) src(%dma_wait3A_102 : memref<10240x128xf32, #tpu.memory_space<hbm>>) dst(%dma_wait3A_96 : memref<128x128xf32, #tpu.memory_space<vmem>>)
        "tpu.region"() ({
          %run_scoped3A = tpu.sem_alloc : memref<!tpu.dma_semaphore, #tpu.memory_space<semaphore_mem>>
          %dma_start3A_141 = arith.constant 0 : i32
          %dma_start3A_142 = arith.constant 0 : i32
          %dma_start3A_143 = tpu.memref_slice %arg8[%dma_start3A_141, %dma_start3A_142] : memref<256x128xf32, #tpu.memory_space<vmem>> -> memref<128x128xf32, #tpu.memory_space<vmem>>
          %dma_start3A_144 = arith.constant 0 : i32
          %dma_start3A_145 = tpu.memref_slice %arg7[%add3A_93, %dma_start3A_144] : memref<16x128xi32, #tpu.memory_space<vmem>> -> memref<1x128xi32, #tpu.memory_space<vmem>>
          %dma_start3A_146 = tpu.memref_squeeze %dma_start3A_145 : memref<1x128xi32, #tpu.memory_space<vmem>> -> memref<128xi32, #tpu.memory_space<vmem>>
          %dma_start3A_147 = arith.constant 0 : i32
          %dma_start3A_148 = arith.constant 0 : i32
          %dma_start3A_149 = tpu.memref_slice %arg9[%dma_start3A_147, %dma_start3A_148] : memref<10240x128xf32, #tpu.memory_space<vmem_shared>> -> memref<10240x128xf32, #tpu.memory_space<vmem_shared>>
          tpu.enqueue_indirect_dma source(%dma_start3A_143 : memref<128x128xf32, #tpu.memory_space<vmem>>) target(%dma_start3A_149 : memref<10240x128xf32, #tpu.memory_space<vmem_shared>>) offsets(%dma_start3A_146 : memref<128xi32, #tpu.memory_space<vmem>>) semaphore(%run_scoped3A : memref<!tpu.dma_semaphore, #tpu.memory_space<semaphore_mem>>) {add = true}
          %dma_wait3A_150 = arith.constant 0 : i32
          %dma_wait3A_151 = arith.constant 0 : i32
          %dma_wait3A_152 = tpu.memref_slice %arg8[%dma_wait3A_150, %dma_wait3A_151] : memref<256x128xf32, #tpu.memory_space<vmem>> -> memref<128x128xf32, #tpu.memory_space<vmem>>
          %dma_wait3A_153 = arith.constant 0 : i32
          %dma_wait3A_154 = tpu.memref_slice %arg7[%add3A_93, %dma_wait3A_153] : memref<16x128xi32, #tpu.memory_space<vmem>> -> memref<1x128xi32, #tpu.memory_space<vmem>>
          %dma_wait3A_155 = tpu.memref_squeeze %dma_wait3A_154 : memref<1x128xi32, #tpu.memory_space<vmem>> -> memref<128xi32, #tpu.memory_space<vmem>>
          %dma_wait3A_156 = arith.constant 0 : i32
          %dma_wait3A_157 = arith.constant 0 : i32
          %dma_wait3A_158 = tpu.memref_slice %arg9[%dma_wait3A_156, %dma_wait3A_157] : memref<10240x128xf32, #tpu.memory_space<vmem_shared>> -> memref<10240x128xf32, #tpu.memory_space<vmem_shared>>
          tpu.wait_indirect_dma semaphore(%run_scoped3A : memref<!tpu.dma_semaphore, #tpu.memory_space<semaphore_mem>>) src(%dma_wait3A_152 : memref<128x128xf32, #tpu.memory_space<vmem>>) dst(%dma_wait3A_158 : memref<10240x128xf32, #tpu.memory_space<vmem_shared>>)
          tpu.yield
        }) : () -> ()
        %add3A_103 = arith.constant 2 : i32
        %add3A_104 = arith.addi %add3A_93, %add3A_103 : i32
        %min3A = arith.constant 15 : i32
        %min3A_105 = arith.minsi %add3A_104, %min3A : i32
        %dma_start3A_106 = arith.constant 0 : i32
        %dma_start3A_107 = arith.constant 0 : i32
        %dma_start3A_108 = tpu.memref_slice %arg8[%dma_start3A_106, %dma_start3A_107] : memref<256x128xf32, #tpu.memory_space<vmem>> -> memref<128x128xf32, #tpu.memory_space<vmem>>
        %dma_start3A_109 = arith.constant 0 : i32
        %dma_start3A_110 = tpu.memref_slice %arg6[%min3A_105, %dma_start3A_109] : memref<16x128xi32, #tpu.memory_space<vmem>> -> memref<1x128xi32, #tpu.memory_space<vmem>>
        %dma_start3A_111 = tpu.memref_squeeze %dma_start3A_110 : memref<1x128xi32, #tpu.memory_space<vmem>> -> memref<128xi32, #tpu.memory_space<vmem>>
        %dma_start3A_112 = arith.constant 0 : i32
        %dma_start3A_113 = arith.constant 0 : i32
        %dma_start3A_114 = tpu.memref_slice %arg4[%dma_start3A_112, %dma_start3A_113] : memref<10240x128xf32, #tpu.memory_space<hbm>> -> memref<10240x128xf32, #tpu.memory_space<hbm>>
        tpu.enqueue_indirect_dma source(%dma_start3A_114 : memref<10240x128xf32, #tpu.memory_space<hbm>>) target(%dma_start3A_108 : memref<128x128xf32, #tpu.memory_space<vmem>>) offsets(%dma_start3A_111 : memref<128xi32, #tpu.memory_space<vmem>>) semaphore(%arg10 : memref<!tpu.dma_semaphore, #tpu.memory_space<semaphore_mem>>)
        %mul3A_115 = arith.constant 2 : i32
        %mul3A_116 = arith.muli %mul3A_115, %scan3A_89 : i32
        %add3A_117 = arith.constant 1 : i32
        %add3A_118 = arith.addi %mul3A_116, %add3A_117 : i32
        %dma_wait3A_119 = arith.constant 128 : i32
        %dma_wait3A_120 = arith.constant 0 : i32
        %dma_wait3A_121 = tpu.memref_slice %arg8[%dma_wait3A_119, %dma_wait3A_120] : memref<256x128xf32, #tpu.memory_space<vmem>> -> memref<128x128xf32, #tpu.memory_space<vmem>>
        %dma_wait3A_122 = arith.constant 0 : i32
        %dma_wait3A_123 = tpu.memref_slice %arg6[%add3A_118, %dma_wait3A_122] : memref<16x128xi32, #tpu.memory_space<vmem>> -> memref<1x128xi32, #tpu.memory_space<vmem>>
        %dma_wait3A_124 = tpu.memref_squeeze %dma_wait3A_123 : memref<1x128xi32, #tpu.memory_space<vmem>> -> memref<128xi32, #tpu.memory_space<vmem>>
        %dma_wait3A_125 = arith.constant 0 : i32
        %dma_wait3A_126 = arith.constant 0 : i32
        %dma_wait3A_127 = tpu.memref_slice %arg4[%dma_wait3A_125, %dma_wait3A_126] : memref<10240x128xf32, #tpu.memory_space<hbm>> -> memref<10240x128xf32, #tpu.memory_space<hbm>>
        tpu.wait_indirect_dma semaphore(%arg11 : memref<!tpu.dma_semaphore, #tpu.memory_space<semaphore_mem>>) src(%dma_wait3A_127 : memref<10240x128xf32, #tpu.memory_space<hbm>>) dst(%dma_wait3A_121 : memref<128x128xf32, #tpu.memory_space<vmem>>)
        "tpu.region"() ({
          %run_scoped3A = tpu.sem_alloc : memref<!tpu.dma_semaphore, #tpu.memory_space<semaphore_mem>>
          %dma_start3A_141 = arith.constant 128 : i32
          %dma_start3A_142 = arith.constant 0 : i32
          %dma_start3A_143 = tpu.memref_slice %arg8[%dma_start3A_141, %dma_start3A_142] : memref<256x128xf32, #tpu.memory_space<vmem>> -> memref<128x128xf32, #tpu.memory_space<vmem>>
          %dma_start3A_144 = arith.constant 0 : i32
          %dma_start3A_145 = tpu.memref_slice %arg7[%add3A_118, %dma_start3A_144] : memref<16x128xi32, #tpu.memory_space<vmem>> -> memref<1x128xi32, #tpu.memory_space<vmem>>
          %dma_start3A_146 = tpu.memref_squeeze %dma_start3A_145 : memref<1x128xi32, #tpu.memory_space<vmem>> -> memref<128xi32, #tpu.memory_space<vmem>>
          %dma_start3A_147 = arith.constant 0 : i32
          %dma_start3A_148 = arith.constant 0 : i32
          %dma_start3A_149 = tpu.memref_slice %arg9[%dma_start3A_147, %dma_start3A_148] : memref<10240x128xf32, #tpu.memory_space<vmem_shared>> -> memref<10240x128xf32, #tpu.memory_space<vmem_shared>>
          tpu.enqueue_indirect_dma source(%dma_start3A_143 : memref<128x128xf32, #tpu.memory_space<vmem>>) target(%dma_start3A_149 : memref<10240x128xf32, #tpu.memory_space<vmem_shared>>) offsets(%dma_start3A_146 : memref<128xi32, #tpu.memory_space<vmem>>) semaphore(%run_scoped3A : memref<!tpu.dma_semaphore, #tpu.memory_space<semaphore_mem>>) {add = true}
          %dma_wait3A_150 = arith.constant 128 : i32
          %dma_wait3A_151 = arith.constant 0 : i32
          %dma_wait3A_152 = tpu.memref_slice %arg8[%dma_wait3A_150, %dma_wait3A_151] : memref<256x128xf32, #tpu.memory_space<vmem>> -> memref<128x128xf32, #tpu.memory_space<vmem>>
          %dma_wait3A_153 = arith.constant 0 : i32
          %dma_wait3A_154 = tpu.memref_slice %arg7[%add3A_118, %dma_wait3A_153] : memref<16x128xi32, #tpu.memory_space<vmem>> -> memref<1x128xi32, #tpu.memory_space<vmem>>
          %dma_wait3A_155 = tpu.memref_squeeze %dma_wait3A_154 : memref<1x128xi32, #tpu.memory_space<vmem>> -> memref<128xi32, #tpu.memory_space<vmem>>
          %dma_wait3A_156 = arith.constant 0 : i32
          %dma_wait3A_157 = arith.constant 0 : i32
          %dma_wait3A_158 = tpu.memref_slice %arg9[%dma_wait3A_156, %dma_wait3A_157] : memref<10240x128xf32, #tpu.memory_space<vmem_shared>> -> memref<10240x128xf32, #tpu.memory_space<vmem_shared>>
          tpu.wait_indirect_dma semaphore(%run_scoped3A : memref<!tpu.dma_semaphore, #tpu.memory_space<semaphore_mem>>) src(%dma_wait3A_152 : memref<128x128xf32, #tpu.memory_space<vmem>>) dst(%dma_wait3A_158 : memref<10240x128xf32, #tpu.memory_space<vmem_shared>>)
          tpu.yield
        }) : () -> ()
        %add3A_128 = arith.constant 2 : i32
        %add3A_129 = arith.addi %add3A_118, %add3A_128 : i32
        %min3A_130 = arith.constant 15 : i32
        %min3A_131 = arith.minsi %add3A_129, %min3A_130 : i32
        %dma_start3A_132 = arith.constant 128 : i32
        %dma_start3A_133 = arith.constant 0 : i32
        %dma_start3A_134 = tpu.memref_slice %arg8[%dma_start3A_132, %dma_start3A_133] : memref<256x128xf32, #tpu.memory_space<vmem>> -> memref<128x128xf32, #tpu.memory_space<vmem>>
        %dma_start3A_135 = arith.constant 0 : i32
        %dma_start3A_136 = tpu.memref_slice %arg6[%min3A_131, %dma_start3A_135] : memref<16x128xi32, #tpu.memory_space<vmem>> -> memref<1x128xi32, #tpu.memory_space<vmem>>
        %dma_start3A_137 = tpu.memref_squeeze %dma_start3A_136 : memref<1x128xi32, #tpu.memory_space<vmem>> -> memref<128xi32, #tpu.memory_space<vmem>>
        %dma_start3A_138 = arith.constant 0 : i32
        %dma_start3A_139 = arith.constant 0 : i32
        %dma_start3A_140 = tpu.memref_slice %arg4[%dma_start3A_138, %dma_start3A_139] : memref<10240x128xf32, #tpu.memory_space<hbm>> -> memref<10240x128xf32, #tpu.memory_space<hbm>>
        tpu.enqueue_indirect_dma source(%dma_start3A_140 : memref<10240x128xf32, #tpu.memory_space<hbm>>) target(%dma_start3A_134 : memref<128x128xf32, #tpu.memory_space<vmem>>) offsets(%dma_start3A_137 : memref<128xi32, #tpu.memory_space<vmem>>) semaphore(%arg11 : memref<!tpu.dma_semaphore, #tpu.memory_space<semaphore_mem>>)
      }
      %scan3A_69 = arith.constant 8 : i32
      %dma_wait3A = arith.constant 15 : i32
      %dma_wait3A_70 = arith.constant 0 : i32
      %dma_wait3A_71 = arith.constant 0 : i32
      %dma_wait3A_72 = tpu.memref_slice %arg8[%dma_wait3A_70, %dma_wait3A_71] : memref<256x128xf32, #tpu.memory_space<vmem>> -> memref<128x128xf32, #tpu.memory_space<vmem>>
      %dma_wait3A_73 = arith.constant 0 : i32
      %dma_wait3A_74 = tpu.memref_slice %arg6[%dma_wait3A, %dma_wait3A_73] : memref<16x128xi32, #tpu.memory_space<vmem>> -> memref<1x128xi32, #tpu.memory_space<vmem>>
      %dma_wait3A_75 = tpu.memref_squeeze %dma_wait3A_74 : memref<1x128xi32, #tpu.memory_space<vmem>> -> memref<128xi32, #tpu.memory_space<vmem>>
      %dma_wait3A_76 = arith.constant 0 : i32
      %dma_wait3A_77 = arith.constant 0 : i32
      %dma_wait3A_78 = tpu.memref_slice %arg4[%dma_wait3A_76, %dma_wait3A_77] : memref<10240x128xf32, #tpu.memory_space<hbm>> -> memref<10240x128xf32, #tpu.memory_space<hbm>>
      tpu.wait_indirect_dma semaphore(%arg10 : memref<!tpu.dma_semaphore, #tpu.memory_space<semaphore_mem>>) src(%dma_wait3A_78 : memref<10240x128xf32, #tpu.memory_space<hbm>>) dst(%dma_wait3A_72 : memref<128x128xf32, #tpu.memory_space<vmem>>)
      %dma_wait3A_79 = arith.constant 15 : i32
      %dma_wait3A_80 = arith.constant 128 : i32
      %dma_wait3A_81 = arith.constant 0 : i32
      %dma_wait3A_82 = tpu.memref_slice %arg8[%dma_wait3A_80, %dma_wait3A_81] : memref<256x128xf32, #tpu.memory_space<vmem>> -> memref<128x128xf32, #tpu.memory_space<vmem>>
      %dma_wait3A_83 = arith.constant 0 : i32
      %dma_wait3A_84 = tpu.memref_slice %arg6[%dma_wait3A_79, %dma_wait3A_83] : memref<16x128xi32, #tpu.memory_space<vmem>> -> memref<1x128xi32, #tpu.memory_space<vmem>>
      %dma_wait3A_85 = tpu.memref_squeeze %dma_wait3A_84 : memref<1x128xi32, #tpu.memory_space<vmem>> -> memref<128xi32, #tpu.memory_space<vmem>>
      %dma_wait3A_86 = arith.constant 0 : i32
      %dma_wait3A_87 = arith.constant 0 : i32
      %dma_wait3A_88 = tpu.memref_slice %arg4[%dma_wait3A_86, %dma_wait3A_87] : memref<10240x128xf32, #tpu.memory_space<hbm>> -> memref<10240x128xf32, #tpu.memory_space<hbm>>
      tpu.wait_indirect_dma semaphore(%arg11 : memref<!tpu.dma_semaphore, #tpu.memory_space<semaphore_mem>>) src(%dma_wait3A_88 : memref<10240x128xf32, #tpu.memory_space<hbm>>) dst(%dma_wait3A_82 : memref<128x128xf32, #tpu.memory_space<vmem>>)
    }
    %barrier3A_36 = arith.constant 0 : index
    tpu.barrier barrier_id(%barrier3A_36)
    %mul3A_37 = arith.constant 640 : i32
    %mul3A_38 = arith.muli %arg1, %mul3A_37 : i32
    %mul3A_39 = arith.constant 640 : i32
    %mul3A_40 = arith.muli %arg1, %mul3A_39 : i32
    "tpu.region"() ({
      %run_scoped3A = tpu.sem_alloc : memref<!tpu.dma_semaphore, #tpu.memory_space<semaphore_mem>>
      %dma_start3A = arith.constant 0 : i32
      %dma_start3A_41 = tpu.memref_slice %arg5[%arg0, %mul3A_40, %dma_start3A] : memref<2x10240x128xf32, #tpu.memory_space<hbm>> -> memref<1x640x128xf32, #tpu.memory_space<hbm>>
      %dma_start3A_42 = tpu.memref_squeeze %dma_start3A_41 : memref<1x640x128xf32, #tpu.memory_space<hbm>> -> memref<640x128xf32, #tpu.memory_space<hbm>>
      %dma_start3A_43 = arith.constant 0 : i32
      %dma_start3A_44 = tpu.memref_slice %arg9[%mul3A_38, %dma_start3A_43] : memref<10240x128xf32, #tpu.memory_space<vmem_shared>> -> memref<640x128xf32, #tpu.memory_space<vmem_shared>>
      tpu.enqueue_dma source(%dma_start3A_44 : memref<640x128xf32, #tpu.memory_space<vmem_shared>>) target(%dma_start3A_42 : memref<640x128xf32, #tpu.memory_space<hbm>>) target_semaphore(%run_scoped3A : memref<!tpu.dma_semaphore, #tpu.memory_space<semaphore_mem>>)
      %dma_wait3A = arith.constant 0 : i32
      %dma_wait3A_45 = tpu.memref_slice %arg5[%arg0, %mul3A_40, %dma_wait3A] : memref<2x10240x128xf32, #tpu.memory_space<hbm>> -> memref<1x640x128xf32, #tpu.memory_space<hbm>>
      %dma_wait3A_46 = tpu.memref_squeeze %dma_wait3A_45 : memref<1x640x128xf32, #tpu.memory_space<hbm>> -> memref<640x128xf32, #tpu.memory_space<hbm>>
      %dma_wait3A_47 = arith.constant 0 : i32
      %dma_wait3A_48 = tpu.memref_slice %arg9[%mul3A_38, %dma_wait3A_47] : memref<10240x128xf32, #tpu.memory_space<vmem_shared>> -> memref<640x128xf32, #tpu.memory_space<vmem_shared>>
      tpu.wait_dma2 semaphore(%run_scoped3A : memref<!tpu.dma_semaphore, #tpu.memory_space<semaphore_mem>>) src(%dma_wait3A_48 : memref<640x128xf32, #tpu.memory_space<vmem_shared>>) dst(%dma_wait3A_46 : memref<640x128xf32, #tpu.memory_space<hbm>>)
      tpu.yield
    }) : () -> ()
    return
  }
}

#map = affine_map<(d0, d1) -> (0, 0)>
#map1 = affine_map<(d0, d1) -> (0, 0, 0)>
module attributes {stable_mosaic.version = 14 : i64} {
  func.func @_seg_body(%arg0: i32, %arg1: i32, %arg2: memref<2560x128xi32, #tpu.memory_space<hbm>>, %arg3: memref<2560x128xi32, #tpu.memory_space<hbm>>, %arg4: memref<10240x128xf32, #tpu.memory_space<hbm>>, %arg5: memref<2x10240x128xf32, #tpu.memory_space<hbm>>, %arg6: memref<16x128xi32, #tpu.memory_space<vmem>>, %arg7: memref<16x128xi32, #tpu.memory_space<vmem>>, %arg8: memref<256x128xf32, #tpu.memory_space<vmem>>, %arg9: memref<10240x128xf32, #tpu.memory_space<vmem_shared>>, %arg10: memref<!tpu.dma_semaphore, #tpu.memory_space<semaphore_mem>>, %arg11: memref<!tpu.dma_semaphore, #tpu.memory_space<semaphore_mem>>) attributes {dimension_semantics = [#tpu.dimension_semantics<core_parallel>, #tpu.dimension_semantics<subcore_parallel>], iteration_bounds = array<i64: 2, 16>, scalar_prefetch = 0 : i64, scratch_operands = 6 : i64, tpu.core_type = #tpu.core_type<sc_vector_subcore>, window_params = [{transform_indices = #map}, {transform_indices = #map}, {transform_indices = #map}, {transform_indices = #map1}]} {
    %broadcast_in_dim3A = arith.constant 0.000000e+00 : f32
    %broadcast_in_dim3A_0 = vector.broadcast %broadcast_in_dim3A : f32 to vector<16xf32>
    %scan3A = arith.constant 0 : i32
    %scan3A_1 = arith.constant 0 : i32
    %scan3A_2 = arith.constant 256 : i32
    %scan3A_3 = arith.addi %scan3A_1, %scan3A_2 : i32
    %scan3A_4 = arith.constant 1 : i32
    scf.for %scan3A_41 = %scan3A_1 to %scan3A_3 step %scan3A_4  : i32 {
      %swap3A = arith.index_cast %scan3A_41 : i32 to index
      %swap3A_42 = arith.constant 0 : index
      %swap3A_43 = tpu.vector_load %arg8[%swap3A, %swap3A_42] {strides = array<i32>} : memref<256x128xf32, #tpu.memory_space<vmem>>, vector<1x16xf32>,
      %swap3A_44 = vector.shape_cast %swap3A_43 : vector<1x16xf32> to vector<16xf32>
      %swap3A_45 = vector.shape_cast %broadcast_in_dim3A_0 : vector<16xf32> to vector<1x16xf32>
      tpu.vector_store %arg8[%swap3A, %swap3A_42], %swap3A_45 {strides = array<i32>} : memref<256x128xf32, #tpu.memory_space<vmem>>, vector<1x16xf32>,
      %swap3A_46 = arith.index_cast %scan3A_41 : i32 to index
      %swap3A_47 = arith.constant 16 : index
      %swap3A_48 = tpu.vector_load %arg8[%swap3A_46, %swap3A_47] {strides = array<i32>} : memref<256x128xf32, #tpu.memory_space<vmem>>, vector<1x16xf32>,
      %swap3A_49 = vector.shape_cast %swap3A_48 : vector<1x16xf32> to vector<16xf32>
      %swap3A_50 = vector.shape_cast %broadcast_in_dim3A_0 : vector<16xf32> to vector<1x16xf32>
      tpu.vector_store %arg8[%swap3A_46, %swap3A_47], %swap3A_50 {strides = array<i32>} : memref<256x128xf32, #tpu.memory_space<vmem>>, vector<1x16xf32>,
      %swap3A_51 = arith.index_cast %scan3A_41 : i32 to index
      %swap3A_52 = arith.constant 32 : index
      %swap3A_53 = tpu.vector_load %arg8[%swap3A_51, %swap3A_52] {strides = array<i32>} : memref<256x128xf32, #tpu.memory_space<vmem>>, vector<1x16xf32>,
      %swap3A_54 = vector.shape_cast %swap3A_53 : vector<1x16xf32> to vector<16xf32>
      %swap3A_55 = vector.shape_cast %broadcast_in_dim3A_0 : vector<16xf32> to vector<1x16xf32>
      tpu.vector_store %arg8[%swap3A_51, %swap3A_52], %swap3A_55 {strides = array<i32>} : memref<256x128xf32, #tpu.memory_space<vmem>>, vector<1x16xf32>,
      %swap3A_56 = arith.index_cast %scan3A_41 : i32 to index
      %swap3A_57 = arith.constant 48 : index
      %swap3A_58 = tpu.vector_load %arg8[%swap3A_56, %swap3A_57] {strides = array<i32>} : memref<256x128xf32, #tpu.memory_space<vmem>>, vector<1x16xf32>,
      %swap3A_59 = vector.shape_cast %swap3A_58 : vector<1x16xf32> to vector<16xf32>
      %swap3A_60 = vector.shape_cast %broadcast_in_dim3A_0 : vector<16xf32> to vector<1x16xf32>
      tpu.vector_store %arg8[%swap3A_56, %swap3A_57], %swap3A_60 {strides = array<i32>} : memref<256x128xf32, #tpu.memory_space<vmem>>, vector<1x16xf32>,
      %swap3A_61 = arith.index_cast %scan3A_41 : i32 to index
      %swap3A_62 = arith.constant 64 : index
      %swap3A_63 = tpu.vector_load %arg8[%swap3A_61, %swap3A_62] {strides = array<i32>} : memref<256x128xf32, #tpu.memory_space<vmem>>, vector<1x16xf32>,
      %swap3A_64 = vector.shape_cast %swap3A_63 : vector<1x16xf32> to vector<16xf32>
      %swap3A_65 = vector.shape_cast %broadcast_in_dim3A_0 : vector<16xf32> to vector<1x16xf32>
      tpu.vector_store %arg8[%swap3A_61, %swap3A_62], %swap3A_65 {strides = array<i32>} : memref<256x128xf32, #tpu.memory_space<vmem>>, vector<1x16xf32>,
      %swap3A_66 = arith.index_cast %scan3A_41 : i32 to index
      %swap3A_67 = arith.constant 80 : index
      %swap3A_68 = tpu.vector_load %arg8[%swap3A_66, %swap3A_67] {strides = array<i32>} : memref<256x128xf32, #tpu.memory_space<vmem>>, vector<1x16xf32>,
      %swap3A_69 = vector.shape_cast %swap3A_68 : vector<1x16xf32> to vector<16xf32>
      %swap3A_70 = vector.shape_cast %broadcast_in_dim3A_0 : vector<16xf32> to vector<1x16xf32>
      tpu.vector_store %arg8[%swap3A_66, %swap3A_67], %swap3A_70 {strides = array<i32>} : memref<256x128xf32, #tpu.memory_space<vmem>>, vector<1x16xf32>,
      %swap3A_71 = arith.index_cast %scan3A_41 : i32 to index
      %swap3A_72 = arith.constant 96 : index
      %swap3A_73 = tpu.vector_load %arg8[%swap3A_71, %swap3A_72] {strides = array<i32>} : memref<256x128xf32, #tpu.memory_space<vmem>>, vector<1x16xf32>,
      %swap3A_74 = vector.shape_cast %swap3A_73 : vector<1x16xf32> to vector<16xf32>
      %swap3A_75 = vector.shape_cast %broadcast_in_dim3A_0 : vector<16xf32> to vector<1x16xf32>
      tpu.vector_store %arg8[%swap3A_71, %swap3A_72], %swap3A_75 {strides = array<i32>} : memref<256x128xf32, #tpu.memory_space<vmem>>, vector<1x16xf32>,
      %swap3A_76 = arith.index_cast %scan3A_41 : i32 to index
      %swap3A_77 = arith.constant 112 : index
      %swap3A_78 = tpu.vector_load %arg8[%swap3A_76, %swap3A_77] {strides = array<i32>} : memref<256x128xf32, #tpu.memory_space<vmem>>, vector<1x16xf32>,
      %swap3A_79 = vector.shape_cast %swap3A_78 : vector<1x16xf32> to vector<16xf32>
      %swap3A_80 = vector.shape_cast %broadcast_in_dim3A_0 : vector<16xf32> to vector<1x16xf32>
      tpu.vector_store %arg8[%swap3A_76, %swap3A_77], %swap3A_80 {strides = array<i32>} : memref<256x128xf32, #tpu.memory_space<vmem>>, vector<1x16xf32>,
    }
    %scan3A_5 = arith.constant 256 : i32
    %mul3A = arith.constant 640 : i32
    %mul3A_6 = arith.muli %arg1, %mul3A : i32
    %add3A = arith.constant 0 : i32
    %add3A_7 = arith.addi %mul3A_6, %add3A : i32
    "tpu.region"() ({
      %run_scoped3A = tpu.sem_alloc : memref<!tpu.dma_semaphore, #tpu.memory_space<semaphore_mem>>
      %dma_start3A = arith.constant 0 : i32
      %dma_start3A_41 = tpu.memref_slice %arg9[%add3A_7, %dma_start3A] : memref<10240x128xf32, #tpu.memory_space<vmem_shared>> -> memref<256x128xf32, #tpu.memory_space<vmem_shared>>
      %dma_start3A_42 = arith.constant 0 : i32
      %dma_start3A_43 = tpu.memref_slice %arg9[%add3A_7, %dma_start3A_42] : memref<10240x128xf32, #tpu.memory_space<vmem_shared>> -> memref<256x128xf32, #tpu.memory_space<vmem_shared>>
      tpu.enqueue_dma source(%arg8 : memref<256x128xf32, #tpu.memory_space<vmem>>) target(%dma_start3A_43 : memref<256x128xf32, #tpu.memory_space<vmem_shared>>) target_semaphore(%run_scoped3A : memref<!tpu.dma_semaphore, #tpu.memory_space<semaphore_mem>>)
      %dma_wait3A = arith.constant 0 : i32
      %dma_wait3A_44 = tpu.memref_slice %arg9[%add3A_7, %dma_wait3A] : memref<10240x128xf32, #tpu.memory_space<vmem_shared>> -> memref<256x128xf32, #tpu.memory_space<vmem_shared>>
      %dma_wait3A_45 = arith.constant 0 : i32
      %dma_wait3A_46 = tpu.memref_slice %arg9[%add3A_7, %dma_wait3A_45] : memref<10240x128xf32, #tpu.memory_space<vmem_shared>> -> memref<256x128xf32, #tpu.memory_space<vmem_shared>>
      tpu.wait_dma2 semaphore(%run_scoped3A : memref<!tpu.dma_semaphore, #tpu.memory_space<semaphore_mem>>) src(%arg8 : memref<256x128xf32, #tpu.memory_space<vmem>>) dst(%dma_wait3A_46 : memref<256x128xf32, #tpu.memory_space<vmem_shared>>)
      tpu.yield
    }) : () -> ()
    %mul3A_8 = arith.constant 640 : i32
    %mul3A_9 = arith.muli %arg1, %mul3A_8 : i32
    %add3A_10 = arith.constant 256 : i32
    %add3A_11 = arith.addi %mul3A_9, %add3A_10 : i32
    "tpu.region"() ({
      %run_scoped3A = tpu.sem_alloc : memref<!tpu.dma_semaphore, #tpu.memory_space<semaphore_mem>>
      %dma_start3A = arith.constant 0 : i32
      %dma_start3A_41 = tpu.memref_slice %arg9[%add3A_11, %dma_start3A] : memref<10240x128xf32, #tpu.memory_space<vmem_shared>> -> memref<256x128xf32, #tpu.memory_space<vmem_shared>>
      %dma_start3A_42 = arith.constant 0 : i32
      %dma_start3A_43 = tpu.memref_slice %arg9[%add3A_11, %dma_start3A_42] : memref<10240x128xf32, #tpu.memory_space<vmem_shared>> -> memref<256x128xf32, #tpu.memory_space<vmem_shared>>
      tpu.enqueue_dma source(%arg8 : memref<256x128xf32, #tpu.memory_space<vmem>>) target(%dma_start3A_43 : memref<256x128xf32, #tpu.memory_space<vmem_shared>>) target_semaphore(%run_scoped3A : memref<!tpu.dma_semaphore, #tpu.memory_space<semaphore_mem>>)
      %dma_wait3A = arith.constant 0 : i32
      %dma_wait3A_44 = tpu.memref_slice %arg9[%add3A_11, %dma_wait3A] : memref<10240x128xf32, #tpu.memory_space<vmem_shared>> -> memref<256x128xf32, #tpu.memory_space<vmem_shared>>
      %dma_wait3A_45 = arith.constant 0 : i32
      %dma_wait3A_46 = tpu.memref_slice %arg9[%add3A_11, %dma_wait3A_45] : memref<10240x128xf32, #tpu.memory_space<vmem_shared>> -> memref<256x128xf32, #tpu.memory_space<vmem_shared>>
      tpu.wait_dma2 semaphore(%run_scoped3A : memref<!tpu.dma_semaphore, #tpu.memory_space<semaphore_mem>>) src(%arg8 : memref<256x128xf32, #tpu.memory_space<vmem>>) dst(%dma_wait3A_46 : memref<256x128xf32, #tpu.memory_space<vmem_shared>>)
      tpu.yield
    }) : () -> ()
    %mul3A_12 = arith.constant 640 : i32
    %mul3A_13 = arith.muli %arg1, %mul3A_12 : i32
    %add3A_14 = arith.constant 512 : i32
    %add3A_15 = arith.addi %mul3A_13, %add3A_14 : i32
    "tpu.region"() ({
      %run_scoped3A = tpu.sem_alloc : memref<!tpu.dma_semaphore, #tpu.memory_space<semaphore_mem>>
      %dma_start3A = arith.constant 0 : i32
      %dma_start3A_41 = arith.constant 0 : i32
      %dma_start3A_42 = tpu.memref_slice %arg8[%dma_start3A, %dma_start3A_41] : memref<256x128xf32, #tpu.memory_space<vmem>> -> memref<128x128xf32, #tpu.memory_space<vmem>>
      %dma_start3A_43 = arith.constant 0 : i32
      %dma_start3A_44 = tpu.memref_slice %arg9[%add3A_15, %dma_start3A_43] : memref<10240x128xf32, #tpu.memory_space<vmem_shared>> -> memref<128x128xf32, #tpu.memory_space<vmem_shared>>
      %dma_start3A_45 = arith.constant 0 : i32
      %dma_start3A_46 = tpu.memref_slice %arg9[%add3A_15, %dma_start3A_45] : memref<10240x128xf32, #tpu.memory_space<vmem_shared>> -> memref<128x128xf32, #tpu.memory_space<vmem_shared>>
      %dma_start3A_47 = arith.constant 0 : i32
      %dma_start3A_48 = arith.constant 0 : i32
      %dma_start3A_49 = tpu.memref_slice %arg8[%dma_start3A_47, %dma_start3A_48] : memref<256x128xf32, #tpu.memory_space<vmem>> -> memref<128x128xf32, #tpu.memory_space<vmem>>
      tpu.enqueue_dma source(%dma_start3A_49 : memref<128x128xf32, #tpu.memory_space<vmem>>) target(%dma_start3A_46 : memref<128x128xf32, #tpu.memory_space<vmem_shared>>) target_semaphore(%run_scoped3A : memref<!tpu.dma_semaphore, #tpu.memory_space<semaphore_mem>>)
      %dma_wait3A = arith.constant 0 : i32
      %dma_wait3A_50 = arith.constant 0 : i32
      %dma_wait3A_51 = tpu.memref_slice %arg8[%dma_wait3A, %dma_wait3A_50] : memref<256x128xf32, #tpu.memory_space<vmem>> -> memref<128x128xf32, #tpu.memory_space<vmem>>
      %dma_wait3A_52 = arith.constant 0 : i32
      %dma_wait3A_53 = tpu.memref_slice %arg9[%add3A_15, %dma_wait3A_52] : memref<10240x128xf32, #tpu.memory_space<vmem_shared>> -> memref<128x128xf32, #tpu.memory_space<vmem_shared>>
      %dma_wait3A_54 = arith.constant 0 : i32
      %dma_wait3A_55 = tpu.memref_slice %arg9[%add3A_15, %dma_wait3A_54] : memref<10240x128xf32, #tpu.memory_space<vmem_shared>> -> memref<128x128xf32, #tpu.memory_space<vmem_shared>>
      %dma_wait3A_56 = arith.constant 0 : i32
      %dma_wait3A_57 = arith.constant 0 : i32
      %dma_wait3A_58 = tpu.memref_slice %arg8[%dma_wait3A_56, %dma_wait3A_57] : memref<256x128xf32, #tpu.memory_space<vmem>> -> memref<128x128xf32, #tpu.memory_space<vmem>>
      tpu.wait_dma2 semaphore(%run_scoped3A : memref<!tpu.dma_semaphore, #tpu.memory_space<semaphore_mem>>) src(%dma_wait3A_58 : memref<128x128xf32, #tpu.memory_space<vmem>>) dst(%dma_wait3A_55 : memref<128x128xf32, #tpu.memory_space<vmem_shared>>)
      tpu.yield
    }) : () -> ()
    %barrier3A = arith.constant 0 : index
    tpu.barrier barrier_id(%barrier3A)
    %eq3A = arith.constant 0 : i32
    %eq3A_16 = arith.cmpi eq, %arg0, %eq3A : i32
    %mul3A_17 = arith.constant 144 : i32
    %mul3A_18 = arith.muli %arg1, %mul3A_17 : i32
    %mul3A_19 = arith.constant 16 : i32
    %mul3A_20 = arith.muli %arg1, %mul3A_19 : i32
    %add3A_21 = arith.constant 2304 : i32
    %add3A_22 = arith.addi %add3A_21, %mul3A_20 : i32
    %select_n3A = arith.select %eq3A_16, %mul3A_18, %add3A_22 : i32
    %eq3A_23 = arith.constant 0 : i32
    %eq3A_24 = arith.cmpi eq, %arg0, %eq3A_23 : i32
    %jit3A = arith.constant 9 : i32
    %jit3A_25 = arith.constant 1 : i32
    %select_n3A_26 = arith.select %eq3A_24, %jit3A, %jit3A_25 : i32
    %while3A = arith.constant 0 : i32
    %while3A_27 = arith.constant 0 : i32
    %while3A_28 = arith.subi %select_n3A_26, %while3A_27 : i32
    %while3A_29 = arith.addi %while3A_27, %while3A_28 : i32
    %while3A_30 = arith.constant 1 : i32
    %while3A_31 = arith.divsi %while3A_28, %while3A_30 : i32
    %while3A_32 = arith.muli %while3A_31, %while3A_30 : i32
    %while3A_33 = arith.addi %while3A_27, %while3A_32 : i32
    %while3A_34 = arith.constant 1 : i32
    scf.for %while3A_41 = %while3A_27 to %while3A_33 step %while3A_34  : i32 {
      %mul3A_42 = arith.constant 16 : i32
      %mul3A_43 = arith.muli %while3A_41, %mul3A_42 : i32
      %add3A_44 = arith.addi %select_n3A, %mul3A_43 : i32
      "tpu.region"() ({
        %run_scoped3A = tpu.sem_alloc : memref<!tpu.dma_semaphore, #tpu.memory_space<semaphore_mem>>
        %dma_start3A_89 = arith.constant 0 : i32
        %dma_start3A_90 = tpu.memref_slice %arg2[%add3A_44, %dma_start3A_89] : memref<2560x128xi32, #tpu.memory_space<hbm>> -> memref<16x128xi32, #tpu.memory_space<hbm>>
        %dma_start3A_91 = arith.constant 0 : i32
        %dma_start3A_92 = tpu.memref_slice %arg2[%add3A_44, %dma_start3A_91] : memref<2560x128xi32, #tpu.memory_space<hbm>> -> memref<16x128xi32, #tpu.memory_space<hbm>>
        tpu.enqueue_dma source(%dma_start3A_92 : memref<16x128xi32, #tpu.memory_space<hbm>>) target(%arg6 : memref<16x128xi32, #tpu.memory_space<vmem>>) target_semaphore(%run_scoped3A : memref<!tpu.dma_semaphore, #tpu.memory_space<semaphore_mem>>)
        %dma_wait3A_93 = arith.constant 0 : i32
        %dma_wait3A_94 = tpu.memref_slice %arg2[%add3A_44, %dma_wait3A_93] : memref<2560x128xi32, #tpu.memory_space<hbm>> -> memref<16x128xi32, #tpu.memory_space<hbm>>
        %dma_wait3A_95 = arith.constant 0 : i32
        %dma_wait3A_96 = tpu.memref_slice %arg2[%add3A_44, %dma_wait3A_95] : memref<2560x128xi32, #tpu.memory_space<hbm>> -> memref<16x128xi32, #tpu.memory_space<hbm>>
        tpu.wait_dma2 semaphore(%run_scoped3A : memref<!tpu.dma_semaphore, #tpu.memory_space<semaphore_mem>>) src(%dma_wait3A_96 : memref<16x128xi32, #tpu.memory_space<hbm>>) dst(%arg6 : memref<16x128xi32, #tpu.memory_space<vmem>>)
        tpu.yield
      }) : () -> ()
      "tpu.region"() ({
        %run_scoped3A = tpu.sem_alloc : memref<!tpu.dma_semaphore, #tpu.memory_space<semaphore_mem>>
        %dma_start3A_89 = arith.constant 0 : i32
        %dma_start3A_90 = tpu.memref_slice %arg3[%add3A_44, %dma_start3A_89] : memref<2560x128xi32, #tpu.memory_space<hbm>> -> memref<16x128xi32, #tpu.memory_space<hbm>>
        %dma_start3A_91 = arith.constant 0 : i32
        %dma_start3A_92 = tpu.memref_slice %arg3[%add3A_44, %dma_start3A_91] : memref<2560x128xi32, #tpu.memory_space<hbm>> -> memref<16x128xi32, #tpu.memory_space<hbm>>
        tpu.enqueue_dma source(%dma_start3A_92 : memref<16x128xi32, #tpu.memory_space<hbm>>) target(%arg7 : memref<16x128xi32, #tpu.memory_space<vmem>>) target_semaphore(%run_scoped3A : memref<!tpu.dma_semaphore, #tpu.memory_space<semaphore_mem>>)
        %dma_wait3A_93 = arith.constant 0 : i32
        %dma_wait3A_94 = tpu.memref_slice %arg3[%add3A_44, %dma_wait3A_93] : memref<2560x128xi32, #tpu.memory_space<hbm>> -> memref<16x128xi32, #tpu.memory_space<hbm>>
        %dma_wait3A_95 = arith.constant 0 : i32
        %dma_wait3A_96 = tpu.memref_slice %arg3[%add3A_44, %dma_wait3A_95] : memref<2560x128xi32, #tpu.memory_space<hbm>> -> memref<16x128xi32, #tpu.memory_space<hbm>>
        tpu.wait_dma2 semaphore(%run_scoped3A : memref<!tpu.dma_semaphore, #tpu.memory_space<semaphore_mem>>) src(%dma_wait3A_96 : memref<16x128xi32, #tpu.memory_space<hbm>>) dst(%arg7 : memref<16x128xi32, #tpu.memory_space<vmem>>)
        tpu.yield
      }) : () -> ()
      %dma_start3A = arith.constant 0 : i32
      %dma_start3A_45 = arith.constant 0 : i32
      %dma_start3A_46 = arith.constant 0 : i32
      %dma_start3A_47 = tpu.memref_slice %arg8[%dma_start3A_45, %dma_start3A_46] : memref<256x128xf32, #tpu.memory_space<vmem>> -> memref<128x128xf32, #tpu.memory_space<vmem>>
      %dma_start3A_48 = arith.constant 0 : i32
      %dma_start3A_49 = tpu.memref_slice %arg6[%dma_start3A, %dma_start3A_48] : memref<16x128xi32, #tpu.memory_space<vmem>> -> memref<1x128xi32, #tpu.memory_space<vmem>>
      %dma_start3A_50 = tpu.memref_squeeze %dma_start3A_49 : memref<1x128xi32, #tpu.memory_space<vmem>> -> memref<128xi32, #tpu.memory_space<vmem>>
      %dma_start3A_51 = arith.constant 0 : i32
      %dma_start3A_52 = arith.constant 0 : i32
      %dma_start3A_53 = tpu.memref_slice %arg4[%dma_start3A_51, %dma_start3A_52] : memref<10240x128xf32, #tpu.memory_space<hbm>> -> memref<10240x128xf32, #tpu.memory_space<hbm>>
      tpu.enqueue_indirect_dma source(%dma_start3A_53 : memref<10240x128xf32, #tpu.memory_space<hbm>>) target(%dma_start3A_47 : memref<128x128xf32, #tpu.memory_space<vmem>>) offsets(%dma_start3A_50 : memref<128xi32, #tpu.memory_space<vmem>>) semaphore(%arg10 : memref<!tpu.dma_semaphore, #tpu.memory_space<semaphore_mem>>)
      %dma_start3A_54 = arith.constant 1 : i32
      %dma_start3A_55 = arith.constant 128 : i32
      %dma_start3A_56 = arith.constant 0 : i32
      %dma_start3A_57 = tpu.memref_slice %arg8[%dma_start3A_55, %dma_start3A_56] : memref<256x128xf32, #tpu.memory_space<vmem>> -> memref<128x128xf32, #tpu.memory_space<vmem>>
      %dma_start3A_58 = arith.constant 0 : i32
      %dma_start3A_59 = tpu.memref_slice %arg6[%dma_start3A_54, %dma_start3A_58] : memref<16x128xi32, #tpu.memory_space<vmem>> -> memref<1x128xi32, #tpu.memory_space<vmem>>
      %dma_start3A_60 = tpu.memref_squeeze %dma_start3A_59 : memref<1x128xi32, #tpu.memory_space<vmem>> -> memref<128xi32, #tpu.memory_space<vmem>>
      %dma_start3A_61 = arith.constant 0 : i32
      %dma_start3A_62 = arith.constant 0 : i32
      %dma_start3A_63 = tpu.memref_slice %arg4[%dma_start3A_61, %dma_start3A_62] : memref<10240x128xf32, #tpu.memory_space<hbm>> -> memref<10240x128xf32, #tpu.memory_space<hbm>>
      tpu.enqueue_indirect_dma source(%dma_start3A_63 : memref<10240x128xf32, #tpu.memory_space<hbm>>) target(%dma_start3A_57 : memref<128x128xf32, #tpu.memory_space<vmem>>) offsets(%dma_start3A_60 : memref<128xi32, #tpu.memory_space<vmem>>) semaphore(%arg11 : memref<!tpu.dma_semaphore, #tpu.memory_space<semaphore_mem>>)
      %scan3A_64 = arith.constant 0 : i32
      %scan3A_65 = arith.constant 0 : i32
      %scan3A_66 = arith.constant 8 : i32
      %scan3A_67 = arith.addi %scan3A_65, %scan3A_66 : i32
      %scan3A_68 = arith.constant 1 : i32
      scf.for %scan3A_89 = %scan3A_65 to %scan3A_67 step %scan3A_68  : i32 {
        %mul3A_90 = arith.constant 2 : i32
        %mul3A_91 = arith.muli %mul3A_90, %scan3A_89 : i32
        %add3A_92 = arith.constant 0 : i32
        %add3A_93 = arith.addi %mul3A_91, %add3A_92 : i32
        %dma_wait3A_94 = arith.constant 0 : i32
        %dma_wait3A_95 = arith.constant 0 : i32
        %dma_wait3A_96 = tpu.memref_slice %arg8[%dma_wait3A_94, %dma_wait3A_95] : memref<256x128xf32, #tpu.memory_space<vmem>> -> memref<128x128xf32, #tpu.memory_space<vmem>>
        %dma_wait3A_97 = arith.constant 0 : i32
        %dma_wait3A_98 = tpu.memref_slice %arg6[%add3A_93, %dma_wait3A_97] : memref<16x128xi32, #tpu.memory_space<vmem>> -> memref<1x128xi32, #tpu.memory_space<vmem>>
        %dma_wait3A_99 = tpu.memref_squeeze %dma_wait3A_98 : memref<1x128xi32, #tpu.memory_space<vmem>> -> memref<128xi32, #tpu.memory_space<vmem>>
        %dma_wait3A_100 = arith.constant 0 : i32
        %dma_wait3A_101 = arith.constant 0 : i32
        %dma_wait3A_102 = tpu.memref_slice %arg4[%dma_wait3A_100, %dma_wait3A_101] : memref<10240x128xf32, #tpu.memory_space<hbm>> -> memref<10240x128xf32, #tpu.memory_space<hbm>>
        tpu.wait_indirect_dma semaphore(%arg10 : memref<!tpu.dma_semaphore, #tpu.memory_space<semaphore_mem>>) src(%dma_wait3A_102 : memref<10240x128xf32, #tpu.memory_space<hbm>>) dst(%dma_wait3A_96 : memref<128x128xf32, #tpu.memory_space<vmem>>)
        "tpu.region"() ({
          %run_scoped3A = tpu.sem_alloc : memref<!tpu.dma_semaphore, #tpu.memory_space<semaphore_mem>>
          %dma_start3A_141 = arith.constant 0 : i32
          %dma_start3A_142 = arith.constant 0 : i32
          %dma_start3A_143 = tpu.memref_slice %arg8[%dma_start3A_141, %dma_start3A_142] : memref<256x128xf32, #tpu.memory_space<vmem>> -> memref<128x128xf32, #tpu.memory_space<vmem>>
          %dma_start3A_144 = arith.constant 0 : i32
          %dma_start3A_145 = tpu.memref_slice %arg7[%add3A_93, %dma_start3A_144] : memref<16x128xi32, #tpu.memory_space<vmem>> -> memref<1x128xi32, #tpu.memory_space<vmem>>
          %dma_start3A_146 = tpu.memref_squeeze %dma_start3A_145 : memref<1x128xi32, #tpu.memory_space<vmem>> -> memref<128xi32, #tpu.memory_space<vmem>>
          %dma_start3A_147 = arith.constant 0 : i32
          %dma_start3A_148 = arith.constant 0 : i32
          %dma_start3A_149 = tpu.memref_slice %arg9[%dma_start3A_147, %dma_start3A_148] : memref<10240x128xf32, #tpu.memory_space<vmem_shared>> -> memref<10240x128xf32, #tpu.memory_space<vmem_shared>>
          tpu.enqueue_indirect_dma source(%dma_start3A_143 : memref<128x128xf32, #tpu.memory_space<vmem>>) target(%dma_start3A_149 : memref<10240x128xf32, #tpu.memory_space<vmem_shared>>) offsets(%dma_start3A_146 : memref<128xi32, #tpu.memory_space<vmem>>) semaphore(%run_scoped3A : memref<!tpu.dma_semaphore, #tpu.memory_space<semaphore_mem>>) {add = true}
          %dma_wait3A_150 = arith.constant 0 : i32
          %dma_wait3A_151 = arith.constant 0 : i32
          %dma_wait3A_152 = tpu.memref_slice %arg8[%dma_wait3A_150, %dma_wait3A_151] : memref<256x128xf32, #tpu.memory_space<vmem>> -> memref<128x128xf32, #tpu.memory_space<vmem>>
          %dma_wait3A_153 = arith.constant 0 : i32
          %dma_wait3A_154 = tpu.memref_slice %arg7[%add3A_93, %dma_wait3A_153] : memref<16x128xi32, #tpu.memory_space<vmem>> -> memref<1x128xi32, #tpu.memory_space<vmem>>
          %dma_wait3A_155 = tpu.memref_squeeze %dma_wait3A_154 : memref<1x128xi32, #tpu.memory_space<vmem>> -> memref<128xi32, #tpu.memory_space<vmem>>
          %dma_wait3A_156 = arith.constant 0 : i32
          %dma_wait3A_157 = arith.constant 0 : i32
          %dma_wait3A_158 = tpu.memref_slice %arg9[%dma_wait3A_156, %dma_wait3A_157] : memref<10240x128xf32, #tpu.memory_space<vmem_shared>> -> memref<10240x128xf32, #tpu.memory_space<vmem_shared>>
          tpu.wait_indirect_dma semaphore(%run_scoped3A : memref<!tpu.dma_semaphore, #tpu.memory_space<semaphore_mem>>) src(%dma_wait3A_152 : memref<128x128xf32, #tpu.memory_space<vmem>>) dst(%dma_wait3A_158 : memref<10240x128xf32, #tpu.memory_space<vmem_shared>>)
          tpu.yield
        }) : () -> ()
        %add3A_103 = arith.constant 2 : i32
        %add3A_104 = arith.addi %add3A_93, %add3A_103 : i32
        %min3A = arith.constant 15 : i32
        %min3A_105 = arith.minsi %add3A_104, %min3A : i32
        %dma_start3A_106 = arith.constant 0 : i32
        %dma_start3A_107 = arith.constant 0 : i32
        %dma_start3A_108 = tpu.memref_slice %arg8[%dma_start3A_106, %dma_start3A_107] : memref<256x128xf32, #tpu.memory_space<vmem>> -> memref<128x128xf32, #tpu.memory_space<vmem>>
        %dma_start3A_109 = arith.constant 0 : i32
        %dma_start3A_110 = tpu.memref_slice %arg6[%min3A_105, %dma_start3A_109] : memref<16x128xi32, #tpu.memory_space<vmem>> -> memref<1x128xi32, #tpu.memory_space<vmem>>
        %dma_start3A_111 = tpu.memref_squeeze %dma_start3A_110 : memref<1x128xi32, #tpu.memory_space<vmem>> -> memref<128xi32, #tpu.memory_space<vmem>>
        %dma_start3A_112 = arith.constant 0 : i32
        %dma_start3A_113 = arith.constant 0 : i32
        %dma_start3A_114 = tpu.memref_slice %arg4[%dma_start3A_112, %dma_start3A_113] : memref<10240x128xf32, #tpu.memory_space<hbm>> -> memref<10240x128xf32, #tpu.memory_space<hbm>>
        tpu.enqueue_indirect_dma source(%dma_start3A_114 : memref<10240x128xf32, #tpu.memory_space<hbm>>) target(%dma_start3A_108 : memref<128x128xf32, #tpu.memory_space<vmem>>) offsets(%dma_start3A_111 : memref<128xi32, #tpu.memory_space<vmem>>) semaphore(%arg10 : memref<!tpu.dma_semaphore, #tpu.memory_space<semaphore_mem>>)
        %mul3A_115 = arith.constant 2 : i32
        %mul3A_116 = arith.muli %mul3A_115, %scan3A_89 : i32
        %add3A_117 = arith.constant 1 : i32
        %add3A_118 = arith.addi %mul3A_116, %add3A_117 : i32
        %dma_wait3A_119 = arith.constant 128 : i32
        %dma_wait3A_120 = arith.constant 0 : i32
        %dma_wait3A_121 = tpu.memref_slice %arg8[%dma_wait3A_119, %dma_wait3A_120] : memref<256x128xf32, #tpu.memory_space<vmem>> -> memref<128x128xf32, #tpu.memory_space<vmem>>
        %dma_wait3A_122 = arith.constant 0 : i32
        %dma_wait3A_123 = tpu.memref_slice %arg6[%add3A_118, %dma_wait3A_122] : memref<16x128xi32, #tpu.memory_space<vmem>> -> memref<1x128xi32, #tpu.memory_space<vmem>>
        %dma_wait3A_124 = tpu.memref_squeeze %dma_wait3A_123 : memref<1x128xi32, #tpu.memory_space<vmem>> -> memref<128xi32, #tpu.memory_space<vmem>>
        %dma_wait3A_125 = arith.constant 0 : i32
        %dma_wait3A_126 = arith.constant 0 : i32
        %dma_wait3A_127 = tpu.memref_slice %arg4[%dma_wait3A_125, %dma_wait3A_126] : memref<10240x128xf32, #tpu.memory_space<hbm>> -> memref<10240x128xf32, #tpu.memory_space<hbm>>
        tpu.wait_indirect_dma semaphore(%arg11 : memref<!tpu.dma_semaphore, #tpu.memory_space<semaphore_mem>>) src(%dma_wait3A_127 : memref<10240x128xf32, #tpu.memory_space<hbm>>) dst(%dma_wait3A_121 : memref<128x128xf32, #tpu.memory_space<vmem>>)
        "tpu.region"() ({
          %run_scoped3A = tpu.sem_alloc : memref<!tpu.dma_semaphore, #tpu.memory_space<semaphore_mem>>
          %dma_start3A_141 = arith.constant 128 : i32
          %dma_start3A_142 = arith.constant 0 : i32
          %dma_start3A_143 = tpu.memref_slice %arg8[%dma_start3A_141, %dma_start3A_142] : memref<256x128xf32, #tpu.memory_space<vmem>> -> memref<128x128xf32, #tpu.memory_space<vmem>>
          %dma_start3A_144 = arith.constant 0 : i32
          %dma_start3A_145 = tpu.memref_slice %arg7[%add3A_118, %dma_start3A_144] : memref<16x128xi32, #tpu.memory_space<vmem>> -> memref<1x128xi32, #tpu.memory_space<vmem>>
          %dma_start3A_146 = tpu.memref_squeeze %dma_start3A_145 : memref<1x128xi32, #tpu.memory_space<vmem>> -> memref<128xi32, #tpu.memory_space<vmem>>
          %dma_start3A_147 = arith.constant 0 : i32
          %dma_start3A_148 = arith.constant 0 : i32
          %dma_start3A_149 = tpu.memref_slice %arg9[%dma_start3A_147, %dma_start3A_148] : memref<10240x128xf32, #tpu.memory_space<vmem_shared>> -> memref<10240x128xf32, #tpu.memory_space<vmem_shared>>
          tpu.enqueue_indirect_dma source(%dma_start3A_143 : memref<128x128xf32, #tpu.memory_space<vmem>>) target(%dma_start3A_149 : memref<10240x128xf32, #tpu.memory_space<vmem_shared>>) offsets(%dma_start3A_146 : memref<128xi32, #tpu.memory_space<vmem>>) semaphore(%run_scoped3A : memref<!tpu.dma_semaphore, #tpu.memory_space<semaphore_mem>>) {add = true}
          %dma_wait3A_150 = arith.constant 128 : i32
          %dma_wait3A_151 = arith.constant 0 : i32
          %dma_wait3A_152 = tpu.memref_slice %arg8[%dma_wait3A_150, %dma_wait3A_151] : memref<256x128xf32, #tpu.memory_space<vmem>> -> memref<128x128xf32, #tpu.memory_space<vmem>>
          %dma_wait3A_153 = arith.constant 0 : i32
          %dma_wait3A_154 = tpu.memref_slice %arg7[%add3A_118, %dma_wait3A_153] : memref<16x128xi32, #tpu.memory_space<vmem>> -> memref<1x128xi32, #tpu.memory_space<vmem>>
          %dma_wait3A_155 = tpu.memref_squeeze %dma_wait3A_154 : memref<1x128xi32, #tpu.memory_space<vmem>> -> memref<128xi32, #tpu.memory_space<vmem>>
          %dma_wait3A_156 = arith.constant 0 : i32
          %dma_wait3A_157 = arith.constant 0 : i32
          %dma_wait3A_158 = tpu.memref_slice %arg9[%dma_wait3A_156, %dma_wait3A_157] : memref<10240x128xf32, #tpu.memory_space<vmem_shared>> -> memref<10240x128xf32, #tpu.memory_space<vmem_shared>>
          tpu.wait_indirect_dma semaphore(%run_scoped3A : memref<!tpu.dma_semaphore, #tpu.memory_space<semaphore_mem>>) src(%dma_wait3A_152 : memref<128x128xf32, #tpu.memory_space<vmem>>) dst(%dma_wait3A_158 : memref<10240x128xf32, #tpu.memory_space<vmem_shared>>)
          tpu.yield
        }) : () -> ()
        %add3A_128 = arith.constant 2 : i32
        %add3A_129 = arith.addi %add3A_118, %add3A_128 : i32
        %min3A_130 = arith.constant 15 : i32
        %min3A_131 = arith.minsi %add3A_129, %min3A_130 : i32
        %dma_start3A_132 = arith.constant 128 : i32
        %dma_start3A_133 = arith.constant 0 : i32
        %dma_start3A_134 = tpu.memref_slice %arg8[%dma_start3A_132, %dma_start3A_133] : memref<256x128xf32, #tpu.memory_space<vmem>> -> memref<128x128xf32, #tpu.memory_space<vmem>>
        %dma_start3A_135 = arith.constant 0 : i32
        %dma_start3A_136 = tpu.memref_slice %arg6[%min3A_131, %dma_start3A_135] : memref<16x128xi32, #tpu.memory_space<vmem>> -> memref<1x128xi32, #tpu.memory_space<vmem>>
        %dma_start3A_137 = tpu.memref_squeeze %dma_start3A_136 : memref<1x128xi32, #tpu.memory_space<vmem>> -> memref<128xi32, #tpu.memory_space<vmem>>
        %dma_start3A_138 = arith.constant 0 : i32
        %dma_start3A_139 = arith.constant 0 : i32
        %dma_start3A_140 = tpu.memref_slice %arg4[%dma_start3A_138, %dma_start3A_139] : memref<10240x128xf32, #tpu.memory_space<hbm>> -> memref<10240x128xf32, #tpu.memory_space<hbm>>
        tpu.enqueue_indirect_dma source(%dma_start3A_140 : memref<10240x128xf32, #tpu.memory_space<hbm>>) target(%dma_start3A_134 : memref<128x128xf32, #tpu.memory_space<vmem>>) offsets(%dma_start3A_137 : memref<128xi32, #tpu.memory_space<vmem>>) semaphore(%arg11 : memref<!tpu.dma_semaphore, #tpu.memory_space<semaphore_mem>>)
      }
      %scan3A_69 = arith.constant 8 : i32
      %dma_wait3A = arith.constant 15 : i32
      %dma_wait3A_70 = arith.constant 0 : i32
      %dma_wait3A_71 = arith.constant 0 : i32
      %dma_wait3A_72 = tpu.memref_slice %arg8[%dma_wait3A_70, %dma_wait3A_71] : memref<256x128xf32, #tpu.memory_space<vmem>> -> memref<128x128xf32, #tpu.memory_space<vmem>>
      %dma_wait3A_73 = arith.constant 0 : i32
      %dma_wait3A_74 = tpu.memref_slice %arg6[%dma_wait3A, %dma_wait3A_73] : memref<16x128xi32, #tpu.memory_space<vmem>> -> memref<1x128xi32, #tpu.memory_space<vmem>>
      %dma_wait3A_75 = tpu.memref_squeeze %dma_wait3A_74 : memref<1x128xi32, #tpu.memory_space<vmem>> -> memref<128xi32, #tpu.memory_space<vmem>>
      %dma_wait3A_76 = arith.constant 0 : i32
      %dma_wait3A_77 = arith.constant 0 : i32
      %dma_wait3A_78 = tpu.memref_slice %arg4[%dma_wait3A_76, %dma_wait3A_77] : memref<10240x128xf32, #tpu.memory_space<hbm>> -> memref<10240x128xf32, #tpu.memory_space<hbm>>
      tpu.wait_indirect_dma semaphore(%arg10 : memref<!tpu.dma_semaphore, #tpu.memory_space<semaphore_mem>>) src(%dma_wait3A_78 : memref<10240x128xf32, #tpu.memory_space<hbm>>) dst(%dma_wait3A_72 : memref<128x128xf32, #tpu.memory_space<vmem>>)
      %dma_wait3A_79 = arith.constant 15 : i32
      %dma_wait3A_80 = arith.constant 128 : i32
      %dma_wait3A_81 = arith.constant 0 : i32
      %dma_wait3A_82 = tpu.memref_slice %arg8[%dma_wait3A_80, %dma_wait3A_81] : memref<256x128xf32, #tpu.memory_space<vmem>> -> memref<128x128xf32, #tpu.memory_space<vmem>>
      %dma_wait3A_83 = arith.constant 0 : i32
      %dma_wait3A_84 = tpu.memref_slice %arg6[%dma_wait3A_79, %dma_wait3A_83] : memref<16x128xi32, #tpu.memory_space<vmem>> -> memref<1x128xi32, #tpu.memory_space<vmem>>
      %dma_wait3A_85 = tpu.memref_squeeze %dma_wait3A_84 : memref<1x128xi32, #tpu.memory_space<vmem>> -> memref<128xi32, #tpu.memory_space<vmem>>
      %dma_wait3A_86 = arith.constant 0 : i32
      %dma_wait3A_87 = arith.constant 0 : i32
      %dma_wait3A_88 = tpu.memref_slice %arg4[%dma_wait3A_86, %dma_wait3A_87] : memref<10240x128xf32, #tpu.memory_space<hbm>> -> memref<10240x128xf32, #tpu.memory_space<hbm>>
      tpu.wait_indirect_dma semaphore(%arg11 : memref<!tpu.dma_semaphore, #tpu.memory_space<semaphore_mem>>) src(%dma_wait3A_88 : memref<10240x128xf32, #tpu.memory_space<hbm>>) dst(%dma_wait3A_82 : memref<128x128xf32, #tpu.memory_space<vmem>>)
    }
    %while3A_35 = arith.constant 1 : i32
    scf.for %while3A_41 = %while3A_33 to %while3A_29 step %while3A_35  : i32 {
      %mul3A_42 = arith.constant 16 : i32
      %mul3A_43 = arith.muli %while3A_41, %mul3A_42 : i32
      %add3A_44 = arith.addi %select_n3A, %mul3A_43 : i32
      "tpu.region"() ({
        %run_scoped3A = tpu.sem_alloc : memref<!tpu.dma_semaphore, #tpu.memory_space<semaphore_mem>>
        %dma_start3A_89 = arith.constant 0 : i32
        %dma_start3A_90 = tpu.memref_slice %arg2[%add3A_44, %dma_start3A_89] : memref<2560x128xi32, #tpu.memory_space<hbm>> -> memref<16x128xi32, #tpu.memory_space<hbm>>
        %dma_start3A_91 = arith.constant 0 : i32
        %dma_start3A_92 = tpu.memref_slice %arg2[%add3A_44, %dma_start3A_91] : memref<2560x128xi32, #tpu.memory_space<hbm>> -> memref<16x128xi32, #tpu.memory_space<hbm>>
        tpu.enqueue_dma source(%dma_start3A_92 : memref<16x128xi32, #tpu.memory_space<hbm>>) target(%arg6 : memref<16x128xi32, #tpu.memory_space<vmem>>) target_semaphore(%run_scoped3A : memref<!tpu.dma_semaphore, #tpu.memory_space<semaphore_mem>>)
        %dma_wait3A_93 = arith.constant 0 : i32
        %dma_wait3A_94 = tpu.memref_slice %arg2[%add3A_44, %dma_wait3A_93] : memref<2560x128xi32, #tpu.memory_space<hbm>> -> memref<16x128xi32, #tpu.memory_space<hbm>>
        %dma_wait3A_95 = arith.constant 0 : i32
        %dma_wait3A_96 = tpu.memref_slice %arg2[%add3A_44, %dma_wait3A_95] : memref<2560x128xi32, #tpu.memory_space<hbm>> -> memref<16x128xi32, #tpu.memory_space<hbm>>
        tpu.wait_dma2 semaphore(%run_scoped3A : memref<!tpu.dma_semaphore, #tpu.memory_space<semaphore_mem>>) src(%dma_wait3A_96 : memref<16x128xi32, #tpu.memory_space<hbm>>) dst(%arg6 : memref<16x128xi32, #tpu.memory_space<vmem>>)
        tpu.yield
      }) : () -> ()
      "tpu.region"() ({
        %run_scoped3A = tpu.sem_alloc : memref<!tpu.dma_semaphore, #tpu.memory_space<semaphore_mem>>
        %dma_start3A_89 = arith.constant 0 : i32
        %dma_start3A_90 = tpu.memref_slice %arg3[%add3A_44, %dma_start3A_89] : memref<2560x128xi32, #tpu.memory_space<hbm>> -> memref<16x128xi32, #tpu.memory_space<hbm>>
        %dma_start3A_91 = arith.constant 0 : i32
        %dma_start3A_92 = tpu.memref_slice %arg3[%add3A_44, %dma_start3A_91] : memref<2560x128xi32, #tpu.memory_space<hbm>> -> memref<16x128xi32, #tpu.memory_space<hbm>>
        tpu.enqueue_dma source(%dma_start3A_92 : memref<16x128xi32, #tpu.memory_space<hbm>>) target(%arg7 : memref<16x128xi32, #tpu.memory_space<vmem>>) target_semaphore(%run_scoped3A : memref<!tpu.dma_semaphore, #tpu.memory_space<semaphore_mem>>)
        %dma_wait3A_93 = arith.constant 0 : i32
        %dma_wait3A_94 = tpu.memref_slice %arg3[%add3A_44, %dma_wait3A_93] : memref<2560x128xi32, #tpu.memory_space<hbm>> -> memref<16x128xi32, #tpu.memory_space<hbm>>
        %dma_wait3A_95 = arith.constant 0 : i32
        %dma_wait3A_96 = tpu.memref_slice %arg3[%add3A_44, %dma_wait3A_95] : memref<2560x128xi32, #tpu.memory_space<hbm>> -> memref<16x128xi32, #tpu.memory_space<hbm>>
        tpu.wait_dma2 semaphore(%run_scoped3A : memref<!tpu.dma_semaphore, #tpu.memory_space<semaphore_mem>>) src(%dma_wait3A_96 : memref<16x128xi32, #tpu.memory_space<hbm>>) dst(%arg7 : memref<16x128xi32, #tpu.memory_space<vmem>>)
        tpu.yield
      }) : () -> ()
      %dma_start3A = arith.constant 0 : i32
      %dma_start3A_45 = arith.constant 0 : i32
      %dma_start3A_46 = arith.constant 0 : i32
      %dma_start3A_47 = tpu.memref_slice %arg8[%dma_start3A_45, %dma_start3A_46] : memref<256x128xf32, #tpu.memory_space<vmem>> -> memref<128x128xf32, #tpu.memory_space<vmem>>
      %dma_start3A_48 = arith.constant 0 : i32
      %dma_start3A_49 = tpu.memref_slice %arg6[%dma_start3A, %dma_start3A_48] : memref<16x128xi32, #tpu.memory_space<vmem>> -> memref<1x128xi32, #tpu.memory_space<vmem>>
      %dma_start3A_50 = tpu.memref_squeeze %dma_start3A_49 : memref<1x128xi32, #tpu.memory_space<vmem>> -> memref<128xi32, #tpu.memory_space<vmem>>
      %dma_start3A_51 = arith.constant 0 : i32
      %dma_start3A_52 = arith.constant 0 : i32
      %dma_start3A_53 = tpu.memref_slice %arg4[%dma_start3A_51, %dma_start3A_52] : memref<10240x128xf32, #tpu.memory_space<hbm>> -> memref<10240x128xf32, #tpu.memory_space<hbm>>
      tpu.enqueue_indirect_dma source(%dma_start3A_53 : memref<10240x128xf32, #tpu.memory_space<hbm>>) target(%dma_start3A_47 : memref<128x128xf32, #tpu.memory_space<vmem>>) offsets(%dma_start3A_50 : memref<128xi32, #tpu.memory_space<vmem>>) semaphore(%arg10 : memref<!tpu.dma_semaphore, #tpu.memory_space<semaphore_mem>>)
      %dma_start3A_54 = arith.constant 1 : i32
      %dma_start3A_55 = arith.constant 128 : i32
      %dma_start3A_56 = arith.constant 0 : i32
      %dma_start3A_57 = tpu.memref_slice %arg8[%dma_start3A_55, %dma_start3A_56] : memref<256x128xf32, #tpu.memory_space<vmem>> -> memref<128x128xf32, #tpu.memory_space<vmem>>
      %dma_start3A_58 = arith.constant 0 : i32
      %dma_start3A_59 = tpu.memref_slice %arg6[%dma_start3A_54, %dma_start3A_58] : memref<16x128xi32, #tpu.memory_space<vmem>> -> memref<1x128xi32, #tpu.memory_space<vmem>>
      %dma_start3A_60 = tpu.memref_squeeze %dma_start3A_59 : memref<1x128xi32, #tpu.memory_space<vmem>> -> memref<128xi32, #tpu.memory_space<vmem>>
      %dma_start3A_61 = arith.constant 0 : i32
      %dma_start3A_62 = arith.constant 0 : i32
      %dma_start3A_63 = tpu.memref_slice %arg4[%dma_start3A_61, %dma_start3A_62] : memref<10240x128xf32, #tpu.memory_space<hbm>> -> memref<10240x128xf32, #tpu.memory_space<hbm>>
      tpu.enqueue_indirect_dma source(%dma_start3A_63 : memref<10240x128xf32, #tpu.memory_space<hbm>>) target(%dma_start3A_57 : memref<128x128xf32, #tpu.memory_space<vmem>>) offsets(%dma_start3A_60 : memref<128xi32, #tpu.memory_space<vmem>>) semaphore(%arg11 : memref<!tpu.dma_semaphore, #tpu.memory_space<semaphore_mem>>)
      %scan3A_64 = arith.constant 0 : i32
      %scan3A_65 = arith.constant 0 : i32
      %scan3A_66 = arith.constant 8 : i32
      %scan3A_67 = arith.addi %scan3A_65, %scan3A_66 : i32
      %scan3A_68 = arith.constant 1 : i32
      scf.for %scan3A_89 = %scan3A_65 to %scan3A_67 step %scan3A_68  : i32 {
        %mul3A_90 = arith.constant 2 : i32
        %mul3A_91 = arith.muli %mul3A_90, %scan3A_89 : i32
        %add3A_92 = arith.constant 0 : i32
        %add3A_93 = arith.addi %mul3A_91, %add3A_92 : i32
        %dma_wait3A_94 = arith.constant 0 : i32
        %dma_wait3A_95 = arith.constant 0 : i32
        %dma_wait3A_96 = tpu.memref_slice %arg8[%dma_wait3A_94, %dma_wait3A_95] : memref<256x128xf32, #tpu.memory_space<vmem>> -> memref<128x128xf32, #tpu.memory_space<vmem>>
        %dma_wait3A_97 = arith.constant 0 : i32
        %dma_wait3A_98 = tpu.memref_slice %arg6[%add3A_93, %dma_wait3A_97] : memref<16x128xi32, #tpu.memory_space<vmem>> -> memref<1x128xi32, #tpu.memory_space<vmem>>
        %dma_wait3A_99 = tpu.memref_squeeze %dma_wait3A_98 : memref<1x128xi32, #tpu.memory_space<vmem>> -> memref<128xi32, #tpu.memory_space<vmem>>
        %dma_wait3A_100 = arith.constant 0 : i32
        %dma_wait3A_101 = arith.constant 0 : i32
        %dma_wait3A_102 = tpu.memref_slice %arg4[%dma_wait3A_100, %dma_wait3A_101] : memref<10240x128xf32, #tpu.memory_space<hbm>> -> memref<10240x128xf32, #tpu.memory_space<hbm>>
        tpu.wait_indirect_dma semaphore(%arg10 : memref<!tpu.dma_semaphore, #tpu.memory_space<semaphore_mem>>) src(%dma_wait3A_102 : memref<10240x128xf32, #tpu.memory_space<hbm>>) dst(%dma_wait3A_96 : memref<128x128xf32, #tpu.memory_space<vmem>>)
        "tpu.region"() ({
          %run_scoped3A = tpu.sem_alloc : memref<!tpu.dma_semaphore, #tpu.memory_space<semaphore_mem>>
          %dma_start3A_141 = arith.constant 0 : i32
          %dma_start3A_142 = arith.constant 0 : i32
          %dma_start3A_143 = tpu.memref_slice %arg8[%dma_start3A_141, %dma_start3A_142] : memref<256x128xf32, #tpu.memory_space<vmem>> -> memref<128x128xf32, #tpu.memory_space<vmem>>
          %dma_start3A_144 = arith.constant 0 : i32
          %dma_start3A_145 = tpu.memref_slice %arg7[%add3A_93, %dma_start3A_144] : memref<16x128xi32, #tpu.memory_space<vmem>> -> memref<1x128xi32, #tpu.memory_space<vmem>>
          %dma_start3A_146 = tpu.memref_squeeze %dma_start3A_145 : memref<1x128xi32, #tpu.memory_space<vmem>> -> memref<128xi32, #tpu.memory_space<vmem>>
          %dma_start3A_147 = arith.constant 0 : i32
          %dma_start3A_148 = arith.constant 0 : i32
          %dma_start3A_149 = tpu.memref_slice %arg9[%dma_start3A_147, %dma_start3A_148] : memref<10240x128xf32, #tpu.memory_space<vmem_shared>> -> memref<10240x128xf32, #tpu.memory_space<vmem_shared>>
          tpu.enqueue_indirect_dma source(%dma_start3A_143 : memref<128x128xf32, #tpu.memory_space<vmem>>) target(%dma_start3A_149 : memref<10240x128xf32, #tpu.memory_space<vmem_shared>>) offsets(%dma_start3A_146 : memref<128xi32, #tpu.memory_space<vmem>>) semaphore(%run_scoped3A : memref<!tpu.dma_semaphore, #tpu.memory_space<semaphore_mem>>) {add = true}
          %dma_wait3A_150 = arith.constant 0 : i32
          %dma_wait3A_151 = arith.constant 0 : i32
          %dma_wait3A_152 = tpu.memref_slice %arg8[%dma_wait3A_150, %dma_wait3A_151] : memref<256x128xf32, #tpu.memory_space<vmem>> -> memref<128x128xf32, #tpu.memory_space<vmem>>
          %dma_wait3A_153 = arith.constant 0 : i32
          %dma_wait3A_154 = tpu.memref_slice %arg7[%add3A_93, %dma_wait3A_153] : memref<16x128xi32, #tpu.memory_space<vmem>> -> memref<1x128xi32, #tpu.memory_space<vmem>>
          %dma_wait3A_155 = tpu.memref_squeeze %dma_wait3A_154 : memref<1x128xi32, #tpu.memory_space<vmem>> -> memref<128xi32, #tpu.memory_space<vmem>>
          %dma_wait3A_156 = arith.constant 0 : i32
          %dma_wait3A_157 = arith.constant 0 : i32
          %dma_wait3A_158 = tpu.memref_slice %arg9[%dma_wait3A_156, %dma_wait3A_157] : memref<10240x128xf32, #tpu.memory_space<vmem_shared>> -> memref<10240x128xf32, #tpu.memory_space<vmem_shared>>
          tpu.wait_indirect_dma semaphore(%run_scoped3A : memref<!tpu.dma_semaphore, #tpu.memory_space<semaphore_mem>>) src(%dma_wait3A_152 : memref<128x128xf32, #tpu.memory_space<vmem>>) dst(%dma_wait3A_158 : memref<10240x128xf32, #tpu.memory_space<vmem_shared>>)
          tpu.yield
        }) : () -> ()
        %add3A_103 = arith.constant 2 : i32
        %add3A_104 = arith.addi %add3A_93, %add3A_103 : i32
        %min3A = arith.constant 15 : i32
        %min3A_105 = arith.minsi %add3A_104, %min3A : i32
        %dma_start3A_106 = arith.constant 0 : i32
        %dma_start3A_107 = arith.constant 0 : i32
        %dma_start3A_108 = tpu.memref_slice %arg8[%dma_start3A_106, %dma_start3A_107] : memref<256x128xf32, #tpu.memory_space<vmem>> -> memref<128x128xf32, #tpu.memory_space<vmem>>
        %dma_start3A_109 = arith.constant 0 : i32
        %dma_start3A_110 = tpu.memref_slice %arg6[%min3A_105, %dma_start3A_109] : memref<16x128xi32, #tpu.memory_space<vmem>> -> memref<1x128xi32, #tpu.memory_space<vmem>>
        %dma_start3A_111 = tpu.memref_squeeze %dma_start3A_110 : memref<1x128xi32, #tpu.memory_space<vmem>> -> memref<128xi32, #tpu.memory_space<vmem>>
        %dma_start3A_112 = arith.constant 0 : i32
        %dma_start3A_113 = arith.constant 0 : i32
        %dma_start3A_114 = tpu.memref_slice %arg4[%dma_start3A_112, %dma_start3A_113] : memref<10240x128xf32, #tpu.memory_space<hbm>> -> memref<10240x128xf32, #tpu.memory_space<hbm>>
        tpu.enqueue_indirect_dma source(%dma_start3A_114 : memref<10240x128xf32, #tpu.memory_space<hbm>>) target(%dma_start3A_108 : memref<128x128xf32, #tpu.memory_space<vmem>>) offsets(%dma_start3A_111 : memref<128xi32, #tpu.memory_space<vmem>>) semaphore(%arg10 : memref<!tpu.dma_semaphore, #tpu.memory_space<semaphore_mem>>)
        %mul3A_115 = arith.constant 2 : i32
        %mul3A_116 = arith.muli %mul3A_115, %scan3A_89 : i32
        %add3A_117 = arith.constant 1 : i32
        %add3A_118 = arith.addi %mul3A_116, %add3A_117 : i32
        %dma_wait3A_119 = arith.constant 128 : i32
        %dma_wait3A_120 = arith.constant 0 : i32
        %dma_wait3A_121 = tpu.memref_slice %arg8[%dma_wait3A_119, %dma_wait3A_120] : memref<256x128xf32, #tpu.memory_space<vmem>> -> memref<128x128xf32, #tpu.memory_space<vmem>>
        %dma_wait3A_122 = arith.constant 0 : i32
        %dma_wait3A_123 = tpu.memref_slice %arg6[%add3A_118, %dma_wait3A_122] : memref<16x128xi32, #tpu.memory_space<vmem>> -> memref<1x128xi32, #tpu.memory_space<vmem>>
        %dma_wait3A_124 = tpu.memref_squeeze %dma_wait3A_123 : memref<1x128xi32, #tpu.memory_space<vmem>> -> memref<128xi32, #tpu.memory_space<vmem>>
        %dma_wait3A_125 = arith.constant 0 : i32
        %dma_wait3A_126 = arith.constant 0 : i32
        %dma_wait3A_127 = tpu.memref_slice %arg4[%dma_wait3A_125, %dma_wait3A_126] : memref<10240x128xf32, #tpu.memory_space<hbm>> -> memref<10240x128xf32, #tpu.memory_space<hbm>>
        tpu.wait_indirect_dma semaphore(%arg11 : memref<!tpu.dma_semaphore, #tpu.memory_space<semaphore_mem>>) src(%dma_wait3A_127 : memref<10240x128xf32, #tpu.memory_space<hbm>>) dst(%dma_wait3A_121 : memref<128x128xf32, #tpu.memory_space<vmem>>)
        "tpu.region"() ({
          %run_scoped3A = tpu.sem_alloc : memref<!tpu.dma_semaphore, #tpu.memory_space<semaphore_mem>>
          %dma_start3A_141 = arith.constant 128 : i32
          %dma_start3A_142 = arith.constant 0 : i32
          %dma_start3A_143 = tpu.memref_slice %arg8[%dma_start3A_141, %dma_start3A_142] : memref<256x128xf32, #tpu.memory_space<vmem>> -> memref<128x128xf32, #tpu.memory_space<vmem>>
          %dma_start3A_144 = arith.constant 0 : i32
          %dma_start3A_145 = tpu.memref_slice %arg7[%add3A_118, %dma_start3A_144] : memref<16x128xi32, #tpu.memory_space<vmem>> -> memref<1x128xi32, #tpu.memory_space<vmem>>
          %dma_start3A_146 = tpu.memref_squeeze %dma_start3A_145 : memref<1x128xi32, #tpu.memory_space<vmem>> -> memref<128xi32, #tpu.memory_space<vmem>>
          %dma_start3A_147 = arith.constant 0 : i32
          %dma_start3A_148 = arith.constant 0 : i32
          %dma_start3A_149 = tpu.memref_slice %arg9[%dma_start3A_147, %dma_start3A_148] : memref<10240x128xf32, #tpu.memory_space<vmem_shared>> -> memref<10240x128xf32, #tpu.memory_space<vmem_shared>>
          tpu.enqueue_indirect_dma source(%dma_start3A_143 : memref<128x128xf32, #tpu.memory_space<vmem>>) target(%dma_start3A_149 : memref<10240x128xf32, #tpu.memory_space<vmem_shared>>) offsets(%dma_start3A_146 : memref<128xi32, #tpu.memory_space<vmem>>) semaphore(%run_scoped3A : memref<!tpu.dma_semaphore, #tpu.memory_space<semaphore_mem>>) {add = true}
          %dma_wait3A_150 = arith.constant 128 : i32
          %dma_wait3A_151 = arith.constant 0 : i32
          %dma_wait3A_152 = tpu.memref_slice %arg8[%dma_wait3A_150, %dma_wait3A_151] : memref<256x128xf32, #tpu.memory_space<vmem>> -> memref<128x128xf32, #tpu.memory_space<vmem>>
          %dma_wait3A_153 = arith.constant 0 : i32
          %dma_wait3A_154 = tpu.memref_slice %arg7[%add3A_118, %dma_wait3A_153] : memref<16x128xi32, #tpu.memory_space<vmem>> -> memref<1x128xi32, #tpu.memory_space<vmem>>
          %dma_wait3A_155 = tpu.memref_squeeze %dma_wait3A_154 : memref<1x128xi32, #tpu.memory_space<vmem>> -> memref<128xi32, #tpu.memory_space<vmem>>
          %dma_wait3A_156 = arith.constant 0 : i32
          %dma_wait3A_157 = arith.constant 0 : i32
          %dma_wait3A_158 = tpu.memref_slice %arg9[%dma_wait3A_156, %dma_wait3A_157] : memref<10240x128xf32, #tpu.memory_space<vmem_shared>> -> memref<10240x128xf32, #tpu.memory_space<vmem_shared>>
          tpu.wait_indirect_dma semaphore(%run_scoped3A : memref<!tpu.dma_semaphore, #tpu.memory_space<semaphore_mem>>) src(%dma_wait3A_152 : memref<128x128xf32, #tpu.memory_space<vmem>>) dst(%dma_wait3A_158 : memref<10240x128xf32, #tpu.memory_space<vmem_shared>>)
          tpu.yield
        }) : () -> ()
        %add3A_128 = arith.constant 2 : i32
        %add3A_129 = arith.addi %add3A_118, %add3A_128 : i32
        %min3A_130 = arith.constant 15 : i32
        %min3A_131 = arith.minsi %add3A_129, %min3A_130 : i32
        %dma_start3A_132 = arith.constant 128 : i32
        %dma_start3A_133 = arith.constant 0 : i32
        %dma_start3A_134 = tpu.memref_slice %arg8[%dma_start3A_132, %dma_start3A_133] : memref<256x128xf32, #tpu.memory_space<vmem>> -> memref<128x128xf32, #tpu.memory_space<vmem>>
        %dma_start3A_135 = arith.constant 0 : i32
        %dma_start3A_136 = tpu.memref_slice %arg6[%min3A_131, %dma_start3A_135] : memref<16x128xi32, #tpu.memory_space<vmem>> -> memref<1x128xi32, #tpu.memory_space<vmem>>
        %dma_start3A_137 = tpu.memref_squeeze %dma_start3A_136 : memref<1x128xi32, #tpu.memory_space<vmem>> -> memref<128xi32, #tpu.memory_space<vmem>>
        %dma_start3A_138 = arith.constant 0 : i32
        %dma_start3A_139 = arith.constant 0 : i32
        %dma_start3A_140 = tpu.memref_slice %arg4[%dma_start3A_138, %dma_start3A_139] : memref<10240x128xf32, #tpu.memory_space<hbm>> -> memref<10240x128xf32, #tpu.memory_space<hbm>>
        tpu.enqueue_indirect_dma source(%dma_start3A_140 : memref<10240x128xf32, #tpu.memory_space<hbm>>) target(%dma_start3A_134 : memref<128x128xf32, #tpu.memory_space<vmem>>) offsets(%dma_start3A_137 : memref<128xi32, #tpu.memory_space<vmem>>) semaphore(%arg11 : memref<!tpu.dma_semaphore, #tpu.memory_space<semaphore_mem>>)
      }
      %scan3A_69 = arith.constant 8 : i32
      %dma_wait3A = arith.constant 15 : i32
      %dma_wait3A_70 = arith.constant 0 : i32
      %dma_wait3A_71 = arith.constant 0 : i32
      %dma_wait3A_72 = tpu.memref_slice %arg8[%dma_wait3A_70, %dma_wait3A_71] : memref<256x128xf32, #tpu.memory_space<vmem>> -> memref<128x128xf32, #tpu.memory_space<vmem>>
      %dma_wait3A_73 = arith.constant 0 : i32
      %dma_wait3A_74 = tpu.memref_slice %arg6[%dma_wait3A, %dma_wait3A_73] : memref<16x128xi32, #tpu.memory_space<vmem>> -> memref<1x128xi32, #tpu.memory_space<vmem>>
      %dma_wait3A_75 = tpu.memref_squeeze %dma_wait3A_74 : memref<1x128xi32, #tpu.memory_space<vmem>> -> memref<128xi32, #tpu.memory_space<vmem>>
      %dma_wait3A_76 = arith.constant 0 : i32
      %dma_wait3A_77 = arith.constant 0 : i32
      %dma_wait3A_78 = tpu.memref_slice %arg4[%dma_wait3A_76, %dma_wait3A_77] : memref<10240x128xf32, #tpu.memory_space<hbm>> -> memref<10240x128xf32, #tpu.memory_space<hbm>>
      tpu.wait_indirect_dma semaphore(%arg10 : memref<!tpu.dma_semaphore, #tpu.memory_space<semaphore_mem>>) src(%dma_wait3A_78 : memref<10240x128xf32, #tpu.memory_space<hbm>>) dst(%dma_wait3A_72 : memref<128x128xf32, #tpu.memory_space<vmem>>)
      %dma_wait3A_79 = arith.constant 15 : i32
      %dma_wait3A_80 = arith.constant 128 : i32
      %dma_wait3A_81 = arith.constant 0 : i32
      %dma_wait3A_82 = tpu.memref_slice %arg8[%dma_wait3A_80, %dma_wait3A_81] : memref<256x128xf32, #tpu.memory_space<vmem>> -> memref<128x128xf32, #tpu.memory_space<vmem>>
      %dma_wait3A_83 = arith.constant 0 : i32
      %dma_wait3A_84 = tpu.memref_slice %arg6[%dma_wait3A_79, %dma_wait3A_83] : memref<16x128xi32, #tpu.memory_space<vmem>> -> memref<1x128xi32, #tpu.memory_space<vmem>>
      %dma_wait3A_85 = tpu.memref_squeeze %dma_wait3A_84 : memref<1x128xi32, #tpu.memory_space<vmem>> -> memref<128xi32, #tpu.memory_space<vmem>>
      %dma_wait3A_86 = arith.constant 0 : i32
      %dma_wait3A_87 = arith.constant 0 : i32
      %dma_wait3A_88 = tpu.memref_slice %arg4[%dma_wait3A_86, %dma_wait3A_87] : memref<10240x128xf32, #tpu.memory_space<hbm>> -> memref<10240x128xf32, #tpu.memory_space<hbm>>
      tpu.wait_indirect_dma semaphore(%arg11 : memref<!tpu.dma_semaphore, #tpu.memory_space<semaphore_mem>>) src(%dma_wait3A_88 : memref<10240x128xf32, #tpu.memory_space<hbm>>) dst(%dma_wait3A_82 : memref<128x128xf32, #tpu.memory_space<vmem>>)
    }
    %barrier3A_36 = arith.constant 0 : index
    tpu.barrier barrier_id(%barrier3A_36)
    %mul3A_37 = arith.constant 640 : i32
    %mul3A_38 = arith.muli %arg1, %mul3A_37 : i32
    %mul3A_39 = arith.constant 640 : i32
    %mul3A_40 = arith.muli %arg1, %mul3A_39 : i32
    "tpu.region"() ({
      %run_scoped3A = tpu.sem_alloc : memref<!tpu.dma_semaphore, #tpu.memory_space<semaphore_mem>>
      %dma_start3A = arith.constant 0 : i32
      %dma_start3A_41 = tpu.memref_slice %arg5[%arg0, %mul3A_40, %dma_start3A] : memref<2x10240x128xf32, #tpu.memory_space<hbm>> -> memref<1x640x128xf32, #tpu.memory_space<hbm>>
      %dma_start3A_42 = tpu.memref_squeeze %dma_start3A_41 : memref<1x640x128xf32, #tpu.memory_space<hbm>> -> memref<640x128xf32, #tpu.memory_space<hbm>>
      %dma_start3A_43 = arith.constant 0 : i32
      %dma_start3A_44 = tpu.memref_slice %arg9[%mul3A_38, %dma_start3A_43] : memref<10240x128xf32, #tpu.memory_space<vmem_shared>> -> memref<640x128xf32, #tpu.memory_space<vmem_shared>>
      tpu.enqueue_dma source(%dma_start3A_44 : memref<640x128xf32, #tpu.memory_space<vmem_shared>>) target(%dma_start3A_42 : memref<640x128xf32, #tpu.memory_space<hbm>>) target_semaphore(%run_scoped3A : memref<!tpu.dma_semaphore, #tpu.memory_space<semaphore_mem>>)
      %dma_wait3A = arith.constant 0 : i32
      %dma_wait3A_45 = tpu.memref_slice %arg5[%arg0, %mul3A_40, %dma_wait3A] : memref<2x10240x128xf32, #tpu.memory_space<hbm>> -> memref<1x640x128xf32, #tpu.memory_space<hbm>>
      %dma_wait3A_46 = tpu.memref_squeeze %dma_wait3A_45 : memref<1x640x128xf32, #tpu.memory_space<hbm>> -> memref<640x128xf32, #tpu.memory_space<hbm>>
      %dma_wait3A_47 = arith.constant 0 : i32
      %dma_wait3A_48 = tpu.memref_slice %arg9[%mul3A_38, %dma_wait3A_47] : memref<10240x128xf32, #tpu.memory_space<vmem_shared>> -> memref<640x128xf32, #tpu.memory_space<vmem_shared>>
      tpu.wait_dma2 semaphore(%run_scoped3A : memref<!tpu.dma_semaphore, #tpu.memory_space<semaphore_mem>>) src(%dma_wait3A_48 : memref<640x128xf32, #tpu.memory_space<vmem_shared>>) dst(%dma_wait3A_46 : memref<640x128xf32, #tpu.memory_space<hbm>>)
      tpu.yield
    }) : () -> ()
    return
  }
}

module attributes {stable_mosaic.version = 14 : i64} {
  func.func @_t0_body(%arg0: i32, %arg1: memref<32x10240xf32, #tpu.memory_space<vmem>>, %arg2: memref<10240x128xf32, #tpu.memory_space<vmem>>, %arg3: memref<10240x1xf32, #tpu.memory_space<vmem>>, %arg4: memref<10240x1xf32, #tpu.memory_space<vmem>>, %arg5: memref<10240x128xf32, #tpu.memory_space<vmem>>) attributes {dimension_semantics = [#tpu.dimension_semantics<arbitrary>], iteration_bounds = array<i64: 1>, scalar_prefetch = 0 : i64, scratch_operands = 0 : i64, tpu.core_type = #tpu.core_type<tc>, window_params = [{transform_indices = @transform_0, window_bounds = array<i64: 32, 10240>}, {transform_indices = @transform_1, window_bounds = array<i64: 10240, 128>}, {transform_indices = @transform_2, window_bounds = array<i64: 10240, 1>}, {transform_indices = @transform_3, window_bounds = array<i64: 10240, 1>}, {transform_indices = @transform_4, window_bounds = array<i64: 10240, 128>}]} {
    %get3A = arith.constant 0 : index
    %get3A_0 = arith.constant 0 : index
    %get3A_1 = vector.load %arg1[%get3A, %get3A_0] : memref<32x10240xf32, #tpu.memory_space<vmem>>, vector<32x10240xf32>
    %reduce_sum3A = arith.constant dense<0.000000e+00> : vector<10240xf32>
    %reduce_sum3A_2 = vector.multi_reduction <add>, %get3A_1, %reduce_sum3A [0] : vector<32x10240xf32> to vector<10240xf32>
    %max3A = arith.constant 1.000000e+00 : f32
    %max3A_3 = vector.broadcast %max3A : f32 to vector<10240xf32>
    %max3A_4 = arith.maximumf %reduce_sum3A_2, %max3A_3 : vector<10240xf32>
    %gt3A = arith.constant 0.000000e+00 : f32
    %gt3A_5 = vector.broadcast %gt3A : f32 to vector<10240xf32>
    %gt3A_6 = arith.cmpf ogt, %reduce_sum3A_2, %gt3A_5 : vector<10240xf32>
    %rsqrt3A = math.rsqrt %max3A_4 : vector<10240xf32>
    %jit3A = arith.constant 0.000000e+00 : f32
    %broadcast_in_dim3A = vector.broadcast %jit3A : f32 to vector<10240xf32>
    %select_n3A = arith.select %gt3A_6, %rsqrt3A, %broadcast_in_dim3A : vector<10240xi1>, vector<10240xf32>
    %broadcast_in_dim3A_7 = vector.shape_cast %select_n3A : vector<10240xf32> to vector<10240x1xf32>
    %swap3A = arith.constant 0 : index
    %swap3A_8 = arith.constant 0 : index
    %swap3A_9 = vector.load %arg3[%swap3A, %swap3A_8] : memref<10240x1xf32, #tpu.memory_space<vmem>>, vector<10240x1xf32>
    tpu.vector_store %arg3[%swap3A, %swap3A_8], %broadcast_in_dim3A_7 {strides = array<i32>} : memref<10240x1xf32, #tpu.memory_space<vmem>>, vector<10240x1xf32>,
    %div3A = arith.constant 1.000000e+00 : f32
    %div3A_10 = vector.broadcast %div3A : f32 to vector<10240xf32>
    %div3A_11 = arith.divf %div3A_10, %max3A_4 : vector<10240xf32>
    %broadcast_in_dim3A_12 = vector.shape_cast %div3A_11 : vector<10240xf32> to vector<10240x1xf32>
    %swap3A_13 = arith.constant 0 : index
    %swap3A_14 = arith.constant 0 : index
    %swap3A_15 = vector.load %arg4[%swap3A_13, %swap3A_14] : memref<10240x1xf32, #tpu.memory_space<vmem>>, vector<10240x1xf32>
    tpu.vector_store %arg4[%swap3A_13, %swap3A_14], %broadcast_in_dim3A_12 {strides = array<i32>} : memref<10240x1xf32, #tpu.memory_space<vmem>>, vector<10240x1xf32>,
    %get3A_16 = arith.constant 0 : index
    %get3A_17 = arith.constant 0 : index
    %get3A_18 = vector.load %arg2[%get3A_16, %get3A_17] : memref<10240x128xf32, #tpu.memory_space<vmem>>, vector<10240x128xf32>
    %broadcast_in_dim3A_19 = vector.shape_cast %select_n3A : vector<10240xf32> to vector<10240x1xf32>
    %mul3A = vector.broadcast %broadcast_in_dim3A_19 : vector<10240x1xf32> to vector<10240x128xf32>
    %mul3A_20 = arith.mulf %get3A_18, %mul3A : vector<10240x128xf32>
    %swap3A_21 = arith.constant 0 : index
    %swap3A_22 = arith.constant 0 : index
    %swap3A_23 = vector.load %arg5[%swap3A_21, %swap3A_22] : memref<10240x128xf32, #tpu.memory_space<vmem>>, vector<10240x128xf32>
    tpu.vector_store %arg5[%swap3A_21, %swap3A_22], %mul3A_20 {strides = array<i32>} : memref<10240x128xf32, #tpu.memory_space<vmem>>, vector<10240x128xf32>,
    return
  }
  func.func @transform_0(%arg0: i32) -> (i32, i32) {
    %c0_i32 = arith.constant 0 : i32
    %c0_i32_0 = arith.constant 0 : i32
    return %c0_i32, %arg0 : i32, i32
  }
  func.func @transform_1(%arg0: i32) -> (i32, i32) {
    %c0_i32 = arith.constant 0 : i32
    %c0_i32_0 = arith.constant 0 : i32
    return %arg0, %c0_i32 : i32, i32
  }
  func.func @transform_2(%arg0: i32) -> (i32, i32) {
    %c0_i32 = arith.constant 0 : i32
    %c0_i32_0 = arith.constant 0 : i32
    return %arg0, %c0_i32 : i32, i32
  }
  func.func @transform_3(%arg0: i32) -> (i32, i32) {
    %c0_i32 = arith.constant 0 : i32
    %c0_i32_0 = arith.constant 0 : i32
    return %arg0, %c0_i32 : i32, i32
  }
  func.func @transform_4(%arg0: i32) -> (i32, i32) {
    %c0_i32 = arith.constant 0 : i32
    %c0_i32_0 = arith.constant 0 : i32
    return %arg0, %c0_i32 : i32, i32
  }
}

module attributes {stable_mosaic.version = 14 : i64} {
  func.func @_prop_body(%arg0: i32, %arg1: memref<10240x128xf32, #tpu.memory_space<vmem>>, %arg2: memref<10240x128xf32, #tpu.memory_space<vmem>>, %arg3: memref<10240x1xf32, #tpu.memory_space<vmem>>, %arg4: memref<10240x128xf32, #tpu.memory_space<vmem>>, %arg5: memref<10240x128xf32, #tpu.memory_space<vmem>>, %arg6: memref<10240x128xf32, #tpu.memory_space<vmem>>) attributes {dimension_semantics = [#tpu.dimension_semantics<arbitrary>], iteration_bounds = array<i64: 1>, scalar_prefetch = 0 : i64, scratch_operands = 0 : i64, tpu.core_type = #tpu.core_type<tc>, window_params = [{transform_indices = @transform_0, window_bounds = array<i64: 10240, 128>}, {transform_indices = @transform_1, window_bounds = array<i64: 10240, 128>}, {transform_indices = @transform_2, window_bounds = array<i64: 10240, 1>}, {transform_indices = @transform_3, window_bounds = array<i64: 10240, 128>}, {transform_indices = @transform_4, window_bounds = array<i64: 10240, 128>}, {transform_indices = @transform_5, window_bounds = array<i64: 10240, 128>}]} {
    %get3A = arith.constant 0 : index
    %get3A_0 = arith.constant 0 : index
    %get3A_1 = vector.load %arg3[%get3A, %get3A_0] : memref<10240x1xf32, #tpu.memory_space<vmem>>, vector<10240x1xf32>
    %get3A_2 = arith.constant 0 : index
    %get3A_3 = arith.constant 0 : index
    %get3A_4 = vector.load %arg1[%get3A_2, %get3A_3] : memref<10240x128xf32, #tpu.memory_space<vmem>>, vector<10240x128xf32>
    %get3A_5 = arith.constant 0 : index
    %get3A_6 = arith.constant 0 : index
    %get3A_7 = vector.load %arg2[%get3A_5, %get3A_6] : memref<10240x128xf32, #tpu.memory_space<vmem>>, vector<10240x128xf32>
    %add3A = arith.addf %get3A_4, %get3A_7 : vector<10240x128xf32>
    %mul3A = vector.broadcast %get3A_1 : vector<10240x1xf32> to vector<10240x128xf32>
    %mul3A_8 = arith.mulf %mul3A, %add3A : vector<10240x128xf32>
    %get3A_9 = arith.constant 0 : index
    %get3A_10 = arith.constant 0 : index
    %get3A_11 = vector.load %arg4[%get3A_9, %get3A_10] : memref<10240x128xf32, #tpu.memory_space<vmem>>, vector<10240x128xf32>
    %add3A_12 = arith.addf %mul3A_8, %get3A_11 : vector<10240x128xf32>
    %swap3A = arith.constant 0 : index
    %swap3A_13 = arith.constant 0 : index
    %swap3A_14 = vector.load %arg5[%swap3A, %swap3A_13] : memref<10240x128xf32, #tpu.memory_space<vmem>>, vector<10240x128xf32>
    tpu.vector_store %arg5[%swap3A, %swap3A_13], %add3A_12 {strides = array<i32>} : memref<10240x128xf32, #tpu.memory_space<vmem>>, vector<10240x128xf32>,
    %mul3A_15 = vector.broadcast %get3A_1 : vector<10240x1xf32> to vector<10240x128xf32>
    %mul3A_16 = arith.mulf %mul3A_15, %add3A_12 : vector<10240x128xf32>
    %swap3A_17 = arith.constant 0 : index
    %swap3A_18 = arith.constant 0 : index
    %swap3A_19 = vector.load %arg6[%swap3A_17, %swap3A_18] : memref<10240x128xf32, #tpu.memory_space<vmem>>, vector<10240x128xf32>
    tpu.vector_store %arg6[%swap3A_17, %swap3A_18], %mul3A_16 {strides = array<i32>} : memref<10240x128xf32, #tpu.memory_space<vmem>>, vector<10240x128xf32>,
    return
  }
  func.func @transform_0(%arg0: i32) -> (i32, i32) {
    %c0_i32 = arith.constant 0 : i32
    %c0_i32_0 = arith.constant 0 : i32
    return %arg0, %c0_i32 : i32, i32
  }
  func.func @transform_1(%arg0: i32) -> (i32, i32) {
    %c0_i32 = arith.constant 0 : i32
    %c0_i32_0 = arith.constant 0 : i32
    return %arg0, %c0_i32 : i32, i32
  }
  func.func @transform_2(%arg0: i32) -> (i32, i32) {
    %c0_i32 = arith.constant 0 : i32
    %c0_i32_0 = arith.constant 0 : i32
    return %arg0, %c0_i32 : i32, i32
  }
  func.func @transform_3(%arg0: i32) -> (i32, i32) {
    %c0_i32 = arith.constant 0 : i32
    %c0_i32_0 = arith.constant 0 : i32
    return %arg0, %c0_i32 : i32, i32
  }
  func.func @transform_4(%arg0: i32) -> (i32, i32) {
    %c0_i32 = arith.constant 0 : i32
    %c0_i32_0 = arith.constant 0 : i32
    return %arg0, %c0_i32 : i32, i32
  }
  func.func @transform_5(%arg0: i32) -> (i32, i32) {
    %c0_i32 = arith.constant 0 : i32
    %c0_i32_0 = arith.constant 0 : i32
    return %arg0, %c0_i32 : i32, i32
  }
}

module attributes {stable_mosaic.version = 14 : i64} {
  func.func @_prop_body(%arg0: i32, %arg1: memref<10240x128xf32, #tpu.memory_space<vmem>>, %arg2: memref<10240x128xf32, #tpu.memory_space<vmem>>, %arg3: memref<10240x1xf32, #tpu.memory_space<vmem>>, %arg4: memref<10240x128xf32, #tpu.memory_space<vmem>>, %arg5: memref<10240x128xf32, #tpu.memory_space<vmem>>, %arg6: memref<10240x128xf32, #tpu.memory_space<vmem>>) attributes {dimension_semantics = [#tpu.dimension_semantics<arbitrary>], iteration_bounds = array<i64: 1>, scalar_prefetch = 0 : i64, scratch_operands = 0 : i64, tpu.core_type = #tpu.core_type<tc>, window_params = [{transform_indices = @transform_0, window_bounds = array<i64: 10240, 128>}, {transform_indices = @transform_1, window_bounds = array<i64: 10240, 128>}, {transform_indices = @transform_2, window_bounds = array<i64: 10240, 1>}, {transform_indices = @transform_3, window_bounds = array<i64: 10240, 128>}, {transform_indices = @transform_4, window_bounds = array<i64: 10240, 128>}, {transform_indices = @transform_5, window_bounds = array<i64: 10240, 128>}]} {
    %get3A = arith.constant 0 : index
    %get3A_0 = arith.constant 0 : index
    %get3A_1 = vector.load %arg3[%get3A, %get3A_0] : memref<10240x1xf32, #tpu.memory_space<vmem>>, vector<10240x1xf32>
    %get3A_2 = arith.constant 0 : index
    %get3A_3 = arith.constant 0 : index
    %get3A_4 = vector.load %arg1[%get3A_2, %get3A_3] : memref<10240x128xf32, #tpu.memory_space<vmem>>, vector<10240x128xf32>
    %get3A_5 = arith.constant 0 : index
    %get3A_6 = arith.constant 0 : index
    %get3A_7 = vector.load %arg2[%get3A_5, %get3A_6] : memref<10240x128xf32, #tpu.memory_space<vmem>>, vector<10240x128xf32>
    %add3A = arith.addf %get3A_4, %get3A_7 : vector<10240x128xf32>
    %mul3A = vector.broadcast %get3A_1 : vector<10240x1xf32> to vector<10240x128xf32>
    %mul3A_8 = arith.mulf %mul3A, %add3A : vector<10240x128xf32>
    %get3A_9 = arith.constant 0 : index
    %get3A_10 = arith.constant 0 : index
    %get3A_11 = vector.load %arg4[%get3A_9, %get3A_10] : memref<10240x128xf32, #tpu.memory_space<vmem>>, vector<10240x128xf32>
    %add3A_12 = arith.addf %mul3A_8, %get3A_11 : vector<10240x128xf32>
    %swap3A = arith.constant 0 : index
    %swap3A_13 = arith.constant 0 : index
    %swap3A_14 = vector.load %arg5[%swap3A, %swap3A_13] : memref<10240x128xf32, #tpu.memory_space<vmem>>, vector<10240x128xf32>
    tpu.vector_store %arg5[%swap3A, %swap3A_13], %add3A_12 {strides = array<i32>} : memref<10240x128xf32, #tpu.memory_space<vmem>>, vector<10240x128xf32>,
    %swap3A_15 = arith.constant 0 : index
    %swap3A_16 = arith.constant 0 : index
    %swap3A_17 = vector.load %arg6[%swap3A_15, %swap3A_16] : memref<10240x128xf32, #tpu.memory_space<vmem>>, vector<10240x128xf32>
    tpu.vector_store %arg6[%swap3A_15, %swap3A_16], %add3A_12 {strides = array<i32>} : memref<10240x128xf32, #tpu.memory_space<vmem>>, vector<10240x128xf32>,
    return
  }
  func.func @transform_0(%arg0: i32) -> (i32, i32) {
    %c0_i32 = arith.constant 0 : i32
    %c0_i32_0 = arith.constant 0 : i32
    return %arg0, %c0_i32 : i32, i32
  }
  func.func @transform_1(%arg0: i32) -> (i32, i32) {
    %c0_i32 = arith.constant 0 : i32
    %c0_i32_0 = arith.constant 0 : i32
    return %arg0, %c0_i32 : i32, i32
  }
  func.func @transform_2(%arg0: i32) -> (i32, i32) {
    %c0_i32 = arith.constant 0 : i32
    %c0_i32_0 = arith.constant 0 : i32
    return %arg0, %c0_i32 : i32, i32
  }
  func.func @transform_3(%arg0: i32) -> (i32, i32) {
    %c0_i32 = arith.constant 0 : i32
    %c0_i32_0 = arith.constant 0 : i32
    return %arg0, %c0_i32 : i32, i32
  }
  func.func @transform_4(%arg0: i32) -> (i32, i32) {
    %c0_i32 = arith.constant 0 : i32
    %c0_i32_0 = arith.constant 0 : i32
    return %arg0, %c0_i32 : i32, i32
  }
  func.func @transform_5(%arg0: i32) -> (i32, i32) {
    %c0_i32 = arith.constant 0 : i32
    %c0_i32_0 = arith.constant 0 : i32
    return %arg0, %c0_i32 : i32, i32
  }
}

module attributes {stable_mosaic.version = 14 : i64} {
  func.func @_t3_body(%arg0: i32, %arg1: memref<10240x128xf32, #tpu.memory_space<vmem>>, %arg2: memref<10240x128xf32, #tpu.memory_space<vmem>>, %arg3: memref<10240x1xf32, #tpu.memory_space<vmem>>, %arg4: memref<10240x128xf32, #tpu.memory_space<vmem>>, %arg5: memref<128x128xf32, #tpu.memory_space<vmem>>, %arg6: memref<1x128xf32, #tpu.memory_space<vmem>>, %arg7: memref<128x128xf32, #tpu.memory_space<vmem>>, %arg8: memref<1x64xf32, #tpu.memory_space<vmem>>, %arg9: memref<128x64xf32, #tpu.memory_space<vmem>>, %arg10: memref<10240x128xf32, #tpu.memory_space<vmem>>, %arg11: memref<10240x64xf32, #tpu.memory_space<vmem>>) attributes {dimension_semantics = [#tpu.dimension_semantics<arbitrary>], iteration_bounds = array<i64: 1>, scalar_prefetch = 0 : i64, scratch_operands = 0 : i64, tpu.core_type = #tpu.core_type<tc>, window_params = [{transform_indices = @transform_0, window_bounds = array<i64: 10240, 128>}, {transform_indices = @transform_1, window_bounds = array<i64: 10240, 128>}, {transform_indices = @transform_2, window_bounds = array<i64: 10240, 1>}, {transform_indices = @transform_3, window_bounds = array<i64: 10240, 128>}, {pipeline_mode = #tpu.pipeline_mode<synchronous>, transform_indices = @transform_4, window_bounds = array<i64: 128, 128>}, {pipeline_mode = #tpu.pipeline_mode<synchronous>, transform_indices = @transform_5, window_bounds = array<i64: 1, 128>}, {pipeline_mode = #tpu.pipeline_mode<synchronous>, transform_indices = @transform_6, window_bounds = array<i64: 128, 128>}, {pipeline_mode = #tpu.pipeline_mode<synchronous>, transform_indices = @transform_7, window_bounds = array<i64: 1, 64>}, {pipeline_mode = #tpu.pipeline_mode<synchronous>, transform_indices = @transform_8, window_bounds = array<i64: 128, 64>}, {transform_indices = @transform_9, window_bounds = array<i64: 10240, 128>}, {transform_indices = @transform_10, window_bounds = array<i64: 10240, 64>}]} {
    %get3A = arith.constant 0 : index
    %get3A_0 = arith.constant 0 : index
    %get3A_1 = vector.load %arg1[%get3A, %get3A_0] : memref<10240x128xf32, #tpu.memory_space<vmem>>, vector<10240x128xf32>
    %get3A_2 = arith.constant 0 : index
    %get3A_3 = arith.constant 0 : index
    %get3A_4 = vector.load %arg2[%get3A_2, %get3A_3] : memref<10240x128xf32, #tpu.memory_space<vmem>>, vector<10240x128xf32>
    %add3A = arith.addf %get3A_1, %get3A_4 : vector<10240x128xf32>
    %get3A_5 = arith.constant 0 : index
    %get3A_6 = arith.constant 0 : index
    %get3A_7 = vector.load %arg3[%get3A_5, %get3A_6] : memref<10240x1xf32, #tpu.memory_space<vmem>>, vector<10240x1xf32>
    %mul3A = vector.broadcast %get3A_7 : vector<10240x1xf32> to vector<10240x128xf32>
    %mul3A_8 = arith.mulf %add3A, %mul3A : vector<10240x128xf32>
    %get3A_9 = arith.constant 0 : index
    %get3A_10 = arith.constant 0 : index
    %get3A_11 = vector.load %arg4[%get3A_9, %get3A_10] : memref<10240x128xf32, #tpu.memory_space<vmem>>, vector<10240x128xf32>
    %get3A_12 = arith.constant 0 : index
    %get3A_13 = arith.constant 0 : index
    %get3A_14 = vector.load %arg5[%get3A_12, %get3A_13] : memref<128x128xf32, #tpu.memory_space<vmem>>, vector<128x128xf32>
    %dot_general3A = arith.constant dense<0.000000e+00> : vector<10240x128xf32>
    %dot_general3A_15 = tpu.matmul %mul3A_8, %get3A_14, %dot_general3A {dimension_numbers = #tpu.dot_dimension_numbers<[1], [0], [0], [1], [0, 0, 1, 1], [], []>, transpose_lhs_hint = false} : vector<10240x128xf32>, vector<128x128xf32>, vector<10240x128xf32> -> vector<10240x128xf32>
    %get3A_16 = arith.constant 0 : index
    %get3A_17 = arith.constant 0 : index
    %get3A_18 = vector.load %arg7[%get3A_16, %get3A_17] : memref<128x128xf32, #tpu.memory_space<vmem>>, vector<128x128xf32>
    %dot_general3A_19 = arith.constant dense<0.000000e+00> : vector<10240x128xf32>
    %dot_general3A_20 = tpu.matmul %get3A_11, %get3A_18, %dot_general3A_19 {dimension_numbers = #tpu.dot_dimension_numbers<[1], [0], [0], [1], [0, 0, 1, 1], [], []>, transpose_lhs_hint = false} : vector<10240x128xf32>, vector<128x128xf32>, vector<10240x128xf32> -> vector<10240x128xf32>
    %add3A_21 = arith.addf %dot_general3A_15, %dot_general3A_20 : vector<10240x128xf32>
    %get3A_22 = arith.constant 0 : index
    %get3A_23 = arith.constant 0 : index
    %get3A_24 = vector.load %arg6[%get3A_22, %get3A_23] : memref<1x128xf32, #tpu.memory_space<vmem>>, vector<1x128xf32>
    %add3A_25 = vector.broadcast %get3A_24 : vector<1x128xf32> to vector<10240x128xf32>
    %add3A_26 = arith.addf %add3A_21, %add3A_25 : vector<10240x128xf32>
    %gt3A = arith.constant 0.000000e+00 : f32
    %gt3A_27 = vector.broadcast %gt3A : f32 to vector<10240x128xf32>
    %gt3A_28 = arith.cmpf ogt, %add3A_26, %gt3A_27 : vector<10240x128xf32>
    %exp3A = math.exp %add3A_26 : vector<10240x128xf32>
    %sub3A = arith.constant 1.000000e+00 : f32
    %sub3A_29 = vector.broadcast %sub3A : f32 to vector<10240x128xf32>
    %sub3A_30 = arith.subf %exp3A, %sub3A_29 : vector<10240x128xf32>
    %mul3A_31 = arith.constant 1.67326319 : f32
    %mul3A_32 = vector.broadcast %mul3A_31 : f32 to vector<10240x128xf32>
    %mul3A_33 = arith.mulf %mul3A_32, %sub3A_30 : vector<10240x128xf32>
    %select_n3A = arith.select %gt3A_28, %add3A_26, %mul3A_33 : vector<10240x128xi1>, vector<10240x128xf32>
    %mul3A_34 = arith.constant 1.05070102 : f32
    %mul3A_35 = vector.broadcast %mul3A_34 : f32 to vector<10240x128xf32>
    %mul3A_36 = arith.mulf %mul3A_35, %select_n3A : vector<10240x128xf32>
    %swap3A = arith.constant 0 : index
    %swap3A_37 = arith.constant 0 : index
    %swap3A_38 = vector.load %arg10[%swap3A, %swap3A_37] : memref<10240x128xf32, #tpu.memory_space<vmem>>, vector<10240x128xf32>
    tpu.vector_store %arg10[%swap3A, %swap3A_37], %mul3A_36 {strides = array<i32>} : memref<10240x128xf32, #tpu.memory_space<vmem>>, vector<10240x128xf32>,
    %get3A_39 = arith.constant 0 : index
    %get3A_40 = arith.constant 0 : index
    %get3A_41 = vector.load %arg9[%get3A_39, %get3A_40] : memref<128x64xf32, #tpu.memory_space<vmem>>, vector<128x64xf32>
    %dot_general3A_42 = arith.constant dense<0.000000e+00> : vector<10240x64xf32>
    %dot_general3A_43 = tpu.matmul %mul3A_36, %get3A_41, %dot_general3A_42 {dimension_numbers = #tpu.dot_dimension_numbers<[1], [0], [0], [1], [0, 0, 1, 1], [], []>, transpose_lhs_hint = false} : vector<10240x128xf32>, vector<128x64xf32>, vector<10240x64xf32> -> vector<10240x64xf32>
    %get3A_44 = arith.constant 0 : index
    %get3A_45 = arith.constant 0 : index
    %get3A_46 = vector.load %arg8[%get3A_44, %get3A_45] : memref<1x64xf32, #tpu.memory_space<vmem>>, vector<1x64xf32>
    %add3A_47 = vector.broadcast %get3A_46 : vector<1x64xf32> to vector<10240x64xf32>
    %add3A_48 = arith.addf %dot_general3A_43, %add3A_47 : vector<10240x64xf32>
    %swap3A_49 = arith.constant 0 : index
    %swap3A_50 = arith.constant 0 : index
    %swap3A_51 = vector.load %arg11[%swap3A_49, %swap3A_50] : memref<10240x64xf32, #tpu.memory_space<vmem>>, vector<10240x64xf32>
    tpu.vector_store %arg11[%swap3A_49, %swap3A_50], %add3A_48 {strides = array<i32>} : memref<10240x64xf32, #tpu.memory_space<vmem>>, vector<10240x64xf32>,
    return
  }
  func.func @transform_0(%arg0: i32) -> (i32, i32) {
    %c0_i32 = arith.constant 0 : i32
    %c0_i32_0 = arith.constant 0 : i32
    return %arg0, %c0_i32 : i32, i32
  }
  func.func @transform_1(%arg0: i32) -> (i32, i32) {
    %c0_i32 = arith.constant 0 : i32
    %c0_i32_0 = arith.constant 0 : i32
    return %arg0, %c0_i32 : i32, i32
  }
  func.func @transform_2(%arg0: i32) -> (i32, i32) {
    %c0_i32 = arith.constant 0 : i32
    %c0_i32_0 = arith.constant 0 : i32
    return %arg0, %c0_i32 : i32, i32
  }
  func.func @transform_3(%arg0: i32) -> (i32, i32) {
    %c0_i32 = arith.constant 0 : i32
    %c0_i32_0 = arith.constant 0 : i32
    return %arg0, %c0_i32 : i32, i32
  }
  func.func @transform_4(%arg0: i32) -> (i32, i32) {
    %c0_i32 = arith.constant 0 : i32
    %c0_i32_0 = arith.constant 0 : i32
    %c0_i32_1 = arith.constant 0 : i32
    return %c0_i32, %c0_i32_0 : i32, i32
  }
  func.func @transform_5(%arg0: i32) -> (i32, i32) {
    %c0_i32 = arith.constant 0 : i32
    %c0_i32_0 = arith.constant 0 : i32
    %c0_i32_1 = arith.constant 0 : i32
    return %c0_i32, %c0_i32_0 : i32, i32
  }
  func.func @transform_6(%arg0: i32) -> (i32, i32) {
    %c0_i32 = arith.constant 0 : i32
    %c0_i32_0 = arith.constant 0 : i32
    %c0_i32_1 = arith.constant 0 : i32
    return %c0_i32, %c0_i32_0 : i32, i32
  }
  func.func @transform_7(%arg0: i32) -> (i32, i32) {
    %c0_i32 = arith.constant 0 : i32
    %c0_i32_0 = arith.constant 0 : i32
    %c0_i32_1 = arith.constant 0 : i32
    return %c0_i32, %c0_i32_0 : i32, i32
  }
  func.func @transform_8(%arg0: i32) -> (i32, i32) {
    %c0_i32 = arith.constant 0 : i32
    %c0_i32_0 = arith.constant 0 : i32
    %c0_i32_1 = arith.constant 0 : i32
    return %c0_i32, %c0_i32_0 : i32, i32
  }
  func.func @transform_9(%arg0: i32) -> (i32, i32) {
    %c0_i32 = arith.constant 0 : i32
    %c0_i32_0 = arith.constant 0 : i32
    return %arg0, %c0_i32 : i32, i32
  }
  func.func @transform_10(%arg0: i32) -> (i32, i32) {
    %c0_i32 = arith.constant 0 : i32
    %c0_i32_0 = arith.constant 0 : i32
    return %arg0, %c0_i32 : i32, i32
  }
}

module attributes {stable_mosaic.version = 14 : i64} {
  func.func @_t4_body(%arg0: i32, %arg1: memref<10240x128xf32, #tpu.memory_space<vmem>>, %arg2: memref<10240x128xf32, #tpu.memory_space<vmem>>, %arg3: memref<10240x1xf32, #tpu.memory_space<vmem>>, %arg4: memref<10240x64xf32, #tpu.memory_space<vmem>>, %arg5: memref<128x64xf32, #tpu.memory_space<vmem>>, %arg6: memref<10240x64xf32, #tpu.memory_space<vmem>>) attributes {dimension_semantics = [#tpu.dimension_semantics<arbitrary>], iteration_bounds = array<i64: 1>, scalar_prefetch = 0 : i64, scratch_operands = 0 : i64, tpu.core_type = #tpu.core_type<tc>, window_params = [{transform_indices = @transform_0, window_bounds = array<i64: 10240, 128>}, {transform_indices = @transform_1, window_bounds = array<i64: 10240, 128>}, {transform_indices = @transform_2, window_bounds = array<i64: 10240, 1>}, {transform_indices = @transform_3, window_bounds = array<i64: 10240, 64>}, {pipeline_mode = #tpu.pipeline_mode<synchronous>, transform_indices = @transform_4, window_bounds = array<i64: 128, 64>}, {transform_indices = @transform_5, window_bounds = array<i64: 10240, 64>}]} {
    %get3A = arith.constant 0 : index
    %get3A_0 = arith.constant 0 : index
    %get3A_1 = vector.load %arg1[%get3A, %get3A_0] : memref<10240x128xf32, #tpu.memory_space<vmem>>, vector<10240x128xf32>
    %get3A_2 = arith.constant 0 : index
    %get3A_3 = arith.constant 0 : index
    %get3A_4 = vector.load %arg2[%get3A_2, %get3A_3] : memref<10240x128xf32, #tpu.memory_space<vmem>>, vector<10240x128xf32>
    %add3A = arith.addf %get3A_1, %get3A_4 : vector<10240x128xf32>
    %get3A_5 = arith.constant 0 : index
    %get3A_6 = arith.constant 0 : index
    %get3A_7 = vector.load %arg3[%get3A_5, %get3A_6] : memref<10240x1xf32, #tpu.memory_space<vmem>>, vector<10240x1xf32>
    %mul3A = vector.broadcast %get3A_7 : vector<10240x1xf32> to vector<10240x128xf32>
    %mul3A_8 = arith.mulf %add3A, %mul3A : vector<10240x128xf32>
    %get3A_9 = arith.constant 0 : index
    %get3A_10 = arith.constant 0 : index
    %get3A_11 = vector.load %arg5[%get3A_9, %get3A_10] : memref<128x64xf32, #tpu.memory_space<vmem>>, vector<128x64xf32>
    %dot_general3A = arith.constant dense<0.000000e+00> : vector<10240x64xf32>
    %dot_general3A_12 = tpu.matmul %mul3A_8, %get3A_11, %dot_general3A {dimension_numbers = #tpu.dot_dimension_numbers<[1], [0], [0], [1], [0, 0, 1, 1], [], []>, transpose_lhs_hint = false} : vector<10240x128xf32>, vector<128x64xf32>, vector<10240x64xf32> -> vector<10240x64xf32>
    %get3A_13 = arith.constant 0 : index
    %get3A_14 = arith.constant 0 : index
    %get3A_15 = vector.load %arg4[%get3A_13, %get3A_14] : memref<10240x64xf32, #tpu.memory_space<vmem>>, vector<10240x64xf32>
    %add3A_16 = arith.addf %dot_general3A_12, %get3A_15 : vector<10240x64xf32>
    %reduce_max3A = arith.constant dense<0xFF800000> : vector<10240xf32>
    %reduce_max3A_17 = vector.multi_reduction <maximumf>, %add3A_16, %reduce_max3A [1] : vector<10240x64xf32> to vector<10240xf32>
    %broadcast_in_dim3A = vector.shape_cast %reduce_max3A_17 : vector<10240xf32> to vector<10240x1xf32>
    %sub3A = vector.broadcast %broadcast_in_dim3A : vector<10240x1xf32> to vector<10240x64xf32>
    %sub3A_18 = arith.subf %add3A_16, %sub3A : vector<10240x64xf32>
    %exp3A = math.exp %sub3A_18 : vector<10240x64xf32>
    %reduce_sum3A = arith.constant dense<0.000000e+00> : vector<10240xf32>
    %reduce_sum3A_19 = vector.multi_reduction <add>, %exp3A, %reduce_sum3A [1] : vector<10240x64xf32> to vector<10240xf32>
    %broadcast_in_dim3A_20 = vector.shape_cast %reduce_sum3A_19 : vector<10240xf32> to vector<10240x1xf32>
    %div3A = vector.broadcast %broadcast_in_dim3A_20 : vector<10240x1xf32> to vector<10240x64xf32>
    %div3A_21 = arith.divf %exp3A, %div3A : vector<10240x64xf32>
    %swap3A = arith.constant 0 : index
    %swap3A_22 = arith.constant 0 : index
    %swap3A_23 = vector.load %arg6[%swap3A, %swap3A_22] : memref<10240x64xf32, #tpu.memory_space<vmem>>, vector<10240x64xf32>
    tpu.vector_store %arg6[%swap3A, %swap3A_22], %div3A_21 {strides = array<i32>} : memref<10240x64xf32, #tpu.memory_space<vmem>>, vector<10240x64xf32>,
    return
  }
  func.func @transform_0(%arg0: i32) -> (i32, i32) {
    %c0_i32 = arith.constant 0 : i32
    %c0_i32_0 = arith.constant 0 : i32
    return %arg0, %c0_i32 : i32, i32
  }
  func.func @transform_1(%arg0: i32) -> (i32, i32) {
    %c0_i32 = arith.constant 0 : i32
    %c0_i32_0 = arith.constant 0 : i32
    return %arg0, %c0_i32 : i32, i32
  }
  func.func @transform_2(%arg0: i32) -> (i32, i32) {
    %c0_i32 = arith.constant 0 : i32
    %c0_i32_0 = arith.constant 0 : i32
    return %arg0, %c0_i32 : i32, i32
  }
  func.func @transform_3(%arg0: i32) -> (i32, i32) {
    %c0_i32 = arith.constant 0 : i32
    %c0_i32_0 = arith.constant 0 : i32
    return %arg0, %c0_i32 : i32, i32
  }
  func.func @transform_4(%arg0: i32) -> (i32, i32) {
    %c0_i32 = arith.constant 0 : i32
    %c0_i32_0 = arith.constant 0 : i32
    %c0_i32_1 = arith.constant 0 : i32
    return %c0_i32, %c0_i32_0 : i32, i32
  }
  func.func @transform_5(%arg0: i32) -> (i32, i32) {
    %c0_i32 = arith.constant 0 : i32
    %c0_i32_0 = arith.constant 0 : i32
    return %arg0, %c0_i32 : i32, i32
  }
}

</mosaic_0001>

<sc_bundles>
// kernel: kernel.12.cloned.1.call-start
scs
__scs_entry_jumppad:
0x0: {  	(pc) =	sbr.rel $0x88, $3  }
0x1: {  	(tag) =	ssettag $0x0;
	lr =	simm.s32 $0x1  }
0x2: {  	[smem:$0x3F99] =	sst lr;
	_ =	strace $0xD0000000  }
0x3: {  	_ = 	snop  }
0x4: {  	_ = 	snop  }
0x5: {  	_ = 	snop  }
0x6: {  	_ = 	snop  }
0x7: {  	_ = 	snop  }
__scs_overlays_trampoline_lowered:
0x8: {  	[smem:$0x3FA8] =	sst s0  }
0x9: {  	[smem:$0x3FA9] =	sst s1  }
0xa: {  	[smem:$0x3FAA] =	sst s2  }
0xb: {  	[smem:$0x3FAB] =	sst s3  }
0xc: {  	[smem:$0x3FAC] =	sst s4  }
0xd: {  	[smem:$0x3FAD] =	sst s5  }
0xe: {  	[smem:$0x3FAE] =	sst s6  }
0xf: {  	[smem:$0x3FAF] =	sst s7  }
0x10: {  	[smem:$0x3FB0] =	sst s8  }
0x11: {  	[smem:$0x3FB1] =	sst s9;
	s0 =	simm.s32 @!p0 $0x0  }
0x12: {  	s1 =	sld [smem:$0x3F97];
	s0 =	simm.s32 @p0 $0x1  }
0x13: {  	[smem:$0x3FB2] =	sst s0;
	s0 =	simm.s32 @!p1 $0x0  }
0x14: {  	s2 =	sld [smem:$0x3F96];
	s0 =	simm.s32 @p1 $0x1  }
0x15: {  	[smem:$0x3FB3] =	sst s0;
	s0 =	simm.s32 @!p2 $0x0  }
0x16: {  	s3 =	sld [smem:$0x3FDB];
	s0 =	simm.s32 @p2 $0x1  }
0x17: {  	s4 =	simm.s32 $0x1BF5;
	[smem:$0x3FB5] =	sst s0  }
0x18: {  	s0 =	sld [smem:$0x3F98];
	_ =	swait.ge [sflag:s4], $0x0  }
0x19: {  	s7 =	sld [smem:$0x3F99]  }
0x1a: {  	s8 =	sadd.s32 $0xFFFFE003, lr  }
0x1b: {  	s9 =	sadd.s32 $0xFFFFFEF7, lr;
	s5 =	simm.s32 $0xFFFFFFFF;
	p2 =	slt.u32 s8, $0xFFFFF086  }
0x1c: {  	p1 =	slt.u32 s9, $0xF7A;
	s5 =	simm.s32 @!p2 $0x0  }
0x1d: {  	s5 =	simm.s32 @p1 $0x1;
	p0 =	seq.s32 s7, s2  }
0x1e: {  	s7 =	smul.u32 @!p0 $0xF7A, s2;
	p2 =	seq.s32 @!p0 s5, $0x0  }
0x1f: {  	s9 =	smul.u32 $0xF7A, s1;
	s8 =	simm.s32 @!p0 $0x1BF5;
	p2 =	por !p2, p0  }
0x20: {  	[sflag:s8] =	ssyncset.s32 @!p0 $0xFFFFF086;
	s6 =	sadd.s32 @!p0 s3, s7;
	s7 =	simm.s32 @!p0 $0x108  }
0x21: {  	s3 =	sadd.s32 s3, s9;
	s6 =	sadd.s32 @!p0 $0x88, s6;
	s7 =	simm.s32 @p2 $0x1082  }
0x22: {  	[simem:s7], [sflag:s8] =	dma.local @!p0 [hbm:s6], $0xF7A  }
0x23: {  	s9 =	sor.u32 $0xD0000000, s2;
	s6 =	simm.s32 $0x108;
	_ =	swait.ge @!p0 [sflag:s8], $0x0  }
0x24: {  	s3 =	sadd.s32 $0x88, s3;
	s6 =	simm.s32 @!p1 $0x1082;
	[sflag:s4] =	ssyncset.s32 $0xFFFFF086  }
0x25: {  	[simem:s6], [sflag:s4] =	dma.local [hbm:s3], $0xF7A  }
0x26: {  	[smem:$0x3F99] =	sst s1;
	(tag) =	ssettag s2;
	_ =	strace s9  }
0x27: {  	s1 =	sld [smem:$0x3FA9]  }
0x28: {  	s2 =	sld [smem:$0x3FAA]  }
0x29: {  	s4 =	sld [smem:$0x3FAC]  }
0x2a: {  	p0 =	seq.s32 s5, $0x0;
	s5 =	sld [smem:$0x3FAD]  }
0x2b: {  	s6 =	sld [smem:$0x3FAE]  }
0x2c: {  	s7 =	sld [smem:$0x3FAF]  }
0x2d: {  	s3 =	simm.s32 $0x108;
	s8 =	sld [smem:$0x3FB0]  }
0x2e: {  	s3 =	simm.s32 @!p0 $0x1082;
	s9 =	sld [smem:$0x3FB1]  }
0x2f: {  	lr =	sadd.s32 s0, s3;
	s0 =	sld [smem:$0x3FA8]  }
0x30: {  	s3 =	sld [smem:$0x3FAB]  }
0x31: {  	[smem:$0x3FB4] =	sst s10  }
0x32: {  	s10 =	sld [smem:$0x3FB2];
	_ =	sdelay $0x3  }
0x33: {  	p0 =	seq.s32 s10, $0x1;
	s10 =	sld [smem:$0x3FB4];
	_ =	sdelay $0x3  }
0x34: {  	[smem:$0x3FB4] =	sst s10  }
0x35: {  	s10 =	sld [smem:$0x3FB3];
	_ =	sdelay $0x3  }
0x36: {  	p1 =	seq.s32 s10, $0x1;
	s10 =	sld [smem:$0x3FB4];
	_ =	sdelay $0x3  }
0x37: {  	[smem:$0x3FB4] =	sst s10  }
0x38: {  	s10 =	sld [smem:$0x3FB5]  }
0x39: {  	_ = 	snop;
	(pc) =	sbr.ind lr, $3  }
0x3a: {  	_ = 	snop  }
0x3b: {  	_ = 	snop  }
0x3c: {  	p2 =	seq.s32 s10, $0x1;
	s10 =	sld [smem:$0x3FB4]  }
0x3d: {  	_ =	shalt  }
0x3e: {  	_ =	shalt  }
0x3f: {  	_ =	shalt  }
0x40: {  	_ =	shalt  }
0x41: {  	_ =	shalt  }
0x42: {  	_ =	shalt  }
0x43: {  	_ =	shalt  }
0x44: {  	_ =	shalt  }
0x45: {  	_ =	shalt  }
0x46: {  	_ =	shalt  }
0x47: {  	_ =	shalt  }
0x48: {  	_ =	shalt  }
0x49: {  	_ =	shalt  }
0x4a: {  	_ =	shalt  }
0x4b: {  	_ =	shalt  }
0x4c: {  	_ =	shalt  }
0x4d: {  	_ =	shalt  }
0x4e: {  	_ =	shalt  }
0x4f: {  	_ =	shalt  }
0x50: {  	_ =	shalt  }
0x51: {  	_ =	shalt  }
0x52: {  	_ =	shalt  }
0x53: {  	_ =	shalt  }
0x54: {  	_ =	shalt  }
0x55: {  	_ =	shalt  }
0x56: {  	_ =	shalt  }
0x57: {  	_ =	shalt  }
0x58: {  	_ =	shalt  }
0x59: {  	_ =	shalt  }
0x5a: {  	_ =	shalt  }
0x5b: {  	_ =	shalt  }
0x5c: {  	_ =	shalt  }
0x5d: {  	_ =	shalt  }
0x5e: {  	_ =	shalt  }
0x5f: {  	_ =	shalt  }
0x60: {  	_ =	shalt  }
0x61: {  	_ =	shalt  }
0x62: {  	_ =	shalt  }
0x63: {  	_ =	shalt  }
0x64: {  	_ =	shalt  }
0x65: {  	_ =	shalt  }
0x66: {  	_ =	shalt  }
0x67: {  	_ =	shalt  }
0x68: {  	_ =	shalt  }
0x69: {  	_ =	shalt  }
0x6a: {  	_ =	shalt  }
0x6b: {  	_ =	shalt  }
0x6c: {  	_ =	shalt  }
0x6d: {  	_ =	shalt  }
0x6e: {  	_ =	shalt  }
0x6f: {  	_ =	shalt  }
0x70: {  	_ =	shalt  }
0x71: {  	_ =	shalt  }
0x72: {  	_ =	shalt  }
0x73: {  	_ =	shalt  }
0x74: {  	_ =	shalt  }
0x75: {  	_ =	shalt  }
0x76: {  	_ =	shalt  }
0x77: {  	_ =	shalt  }
0x78: {  	_ =	shalt  }
0x79: {  	_ =	shalt  }
0x7a: {  	_ =	shalt  }
0x7b: {  	_ =	shalt  }
0x7c: {  	_ =	shalt  }
0x7d: {  	_ =	shalt  }
0x7e: {  	_ =	shalt  }
0x7f: {  	_ =	shalt  }
0x80: {  	_ =	shalt  }
0x81: {  	_ =	shalt  }
0x82: {  	_ =	shalt  }
0x83: {  	_ =	shalt  }
0x84: {  	_ =	shalt  }
0x85: {  	_ =	shalt  }
0x86: {  	_ =	shalt  }
0x87: {  	_ =	shalt  }
.Lfunc_end0:
.L_simem_size_0:
called_computation_lowered:
.L_overlay_start_0:
0x88: {  	s2 =	sld [smem:$0x3FD9]  }
0x89: {  	s3 =	sld [smem:$0x3FFE];
	_ =	sdelay $0x1  }
0x8a: {  	s1 =	srdreg.scid  }
0x8b: {  	s0 =	sand.u32 $0x1, s1  }
0x8c: {  	s17 =	sshll.u32 s0, $0xA;
	s2 =	sadd.s32 s3, s2  }
0x8d: {  	s2 =	sadd.s32 s2, s17  }
0x8e: {  	[smem:$0x3FC0] =	sst s2  }
0x8f: {  	_ = 	snop  }
0x90: {  	s2 =	sld [smem:$0x3FD0];
	(tm) =	ssettm $0x1  }
0x91: {  	s18 =	sld [smem:$0x3FFB];
	_ =	sdelay $0x3  }
0x92: {  	_ =	strace s18  }
0x93: {  	s3 =	sld [smem:$0x3FFC];
	_ =	sdelay $0x3  }
0x94: {  	_ =	strace s3  }
0x95: {  	s3 =	sld [smem:$0x3FFD];
	_ =	sdelay $0x3  }
0x96: {  	_ =	strace s3  }
0x97: {  	_ =	strace $0x8FFFFFFF  }
0x98: {  	s19 =	sld [smem:$0x3FDB];
	_ =	sdelay $0x1  }
0x99: {  	s4 =	simm.s32 $_scs_section_size  }
0x9a: {  	s5 =	simm.s32 $_size__tile_overlayer_lowered;
	s6 =	simm.s32 $_tile_overlayer_lowered  }
0x9b: {  	s22 =	simm.s32 $0x1BFF;
	s21 =	sshll.u32 s6, $0x1;
	s3 =	sadd.s32 s4, s19  }
0x9c: {  	s7 =	simm.s32 $0x0;
	s20 =	sshll.u32 s5, $0x1;
	s5 =	sadd.s32 s21, s3  }
0x9d: {  	[timem:s7], [sflag:s22] =	dma.local [hbm:s5], s20  }
0x9e: {  	_ =	swait.ge [sflag:s22], s20  }
0x9f: {  	s4 =	ssub.s32 $0x0, s20;
	[sflag:s22] =	ssyncset.done $0x0  }
0xa0: {  	[sflag:s22] =	ssyncadd.s32 s4;
	_ =	sdelay $0x1  }
0xa1: {  	s23 =	simm.s32 $0x1B8B  }
0xa2: {  	_ =	swait.ge [sflag:s23], $0x1  }
0xa3: {  	[sflag:s23] =	ssyncset.done $0x0  }
0xa4: {  	s25 =	simm.s32 $0x1B8E;
	s24 =	sld [smem:$0x3FFE];
	[sflag:s23] =	ssyncadd.s32 $0xFFFFFFFF  }
0xa5: {  	s26 =	simm.s32 $execute0_lowered;
	[smem:$0x3FD2] =	sst s25  }
0xa6: {  	s5 =	sshll.u32 s26, $0x1;
	_ =	strace $0x80000046;
	[dreg:$0x1] =	wrdreg $0xFFFFFFFF  }
0xa7: {  	s28 =	simm.s32 $_size_execute0_lowered;
	s3 =	sadd.s32 s3, s5;
	[dreg:$0x0] =	wrdreg $0x0  }
0xa8: {  	s5 =	sshll.u32 s28, $0x1;
	[dreg:$0x2] =	wrdreg s3  }
0xa9: {  	[dreg:$0x3] =	wrdreg s5  }
0xaa: {  	[dreg:$0x4] =	wrdreg $0xC0  }
0xab: {  	_ =	task [dreg:s7], $0x5FFFF  }
0xac: {  	[dreg:$0x1] =	wrdreg $0xFFFFFFFF  }
0xad: {  	[dreg:$0x0] =	wrdreg $0x60  }
0xae: {  	[dreg:$0x2] =	wrdreg s2  }
0xaf: {  	[dreg:$0x3] =	wrdreg s24  }
0xb0: {  	[dreg:$0x4] =	wrdreg $0x9  }
0xb1: {  	_ =	task.clear_ibuf [dreg:s7], $0x5FFFF;
	_ =	strace $0x90000046  }
0xb2: {  	s29 =	simm.s32 $0x9;
	_ =	strace $0x80000048  }
0xb3: {  	_ =	swait.ge [sflag:s29], $0x1  }
0xb4: {  	[sflag:s29] =	ssyncadd.s32 $0xFFFFFFFF  }
0xb5: {  	_ =	strace $0x90000048  }
0xb6: {  	_ =	sfence  }
0xb7: {  	s30 =	sld [smem:$0x0];
	_ =	sdelay $0x2  }
0xb8: {  	s31 =	sshll.u32 s1, $0xD;
	s1 =	sshrl.u32 s1, $0x2  }
0xb9: {  	s3 =	sand.u32 $0x4000, s31;
	s1 =	sadd.s32 s1, s30  }
0xba: {  	s0 =	sor.u32 s3, s0;
	s1 =	sshll.u32 s1, $0x11  }
0xbb: {  	s0 =	sor.u32 s1, s0  }
0xbc: {  	s0 =	sadd.s32 $0x8F2B, s0  }
0xbd: {  	[sflag:s0] =	ssyncadd.remote.s32 $0x1  }
0xbe: {  	_ =	sfence.sel $0xFFFF  }
0xbf: {  	[dreg:$0x0] =	wrdreg $0xFFFFFFFF;
	(pc) =	sbr.abs _section_cstart, $3  }
0xc0: {  	[dreg:$0x1] =	wrdreg $0xFFFFFFFF  }
0xc1: {  	_ =	task.clear_ibuf [dreg:s7], $0x2FFFF;
	_ =	strace $0x9FFFFFFF  }
0xc2: {  	(tm) =	ssettm $0x7FFFFFFF  }
0xc3: {  	_ =	shalt  }
tec
execute0_lowered:
.L_overlay_start_1:
0x0: {  	(tag) =	ssettag $0x1  }
0x1: {  	s4 =	rddreg [dreg:$0x0];
	s1 =	srdreg.scid  }
0x2: {  	s0 =	stileid.u32;
	s5 =	rddreg [dreg:$0x1];
	s2 =	simm.s32 $0x0  }
0x3: {  	s9 =	simm.s32 $0x0;
	s3 =	sand.u32 $0x1, s1;
	s6 =	sshll.u32 s0, $0x1  }
0x4: {  	s1 =	rddreg [dreg:$0x2];
	s6 =	sor.u32 s3, s6;
	s7 =	ssub.s32 $0x2, s3  }
0x5: {  	[smem:$0x7FF] =	sst s2;
	s6 =	smul.u32 $0x500, s6;
	s8 =	sshrl.u32 s7, $0x1  }
0x6: {  	_ =	strace $0x80000047;
	s3 =	sadd.s32 $0xEC00, s5;
	s7 =	ssub.s32 s7, s8  }
0x7: {  	s8 =	simm.s32 $0x1;
	s5 =	sadd.s32 s6, s5;
	s4 =	sadd.s32 s4, s6  }
0x8: {  	v0 =	vimm.f32 $1.000000000e+00;
	s6 =	smax.u32 s7, $0x1;
	s7 =	simm.s32 $0x2800;
	s5 =	sadd.s32 $0xF200, s5  }
.LBB2_1:
0x9: {  	[tilespmem:s7], [sflag:$0x1] =	stream.linear.gather [hbm4b:s3+s2], $0x2800, $0x38;
	[tilespmem:$0x5000] =	vst v63  }
0xa: {  	_ =	swait.ge [sflag:s8], $0x2800  }
0xb: {  	[sflag:s8] =	ssyncset.done $0x0  }
0xc: {  	[sflag:s8] =	ssyncadd.s32 $0xFFFFD800  }
0xd: {  	[tilespmem:s2], [sflag:$0x1] =	stream.linear.gather [hbm4b:s4+s2], $0x2800, $0x38;
	[tilespmem:$0x5000] =	vst v63  }
0xe: {  	_ =	swait.ge [sflag:s8], $0x2800  }
0xf: {  	[sflag:s8] =	ssyncset.done $0x0  }
0x10: {  	s10 =	simm.s32 $0x0;
	[sflag:s8] =	ssyncadd.s32 $0xFFFFD800  }
.LBB2_2:
0x11: {  	s11 =	sshra.s32 s10, $0x2  }
0x12: {  	v1 =	vld [tilespmem:s11+$0x0];
	_ =	sdelay $0x7  }
0x13: {  	[tilespmem:v1+s7+$0x0] =	vst.idx.add.f32.msk $0xffff, v0  }
0x14: {  	v1 =	vld [tilespmem:s11+$0x10];
	_ =	sdelay $0x7  }
0x15: {  	[tilespmem:v1+s7+$0x0] =	vst.idx.add.f32.msk $0xffff, v0  }
0x16: {  	v1 =	vld [tilespmem:s11+$0x20];
	_ =	sdelay $0x7  }
0x17: {  	[tilespmem:v1+s7+$0x0] =	vst.idx.add.f32.msk $0xffff, v0  }
0x18: {  	v1 =	vld [tilespmem:s11+$0x30];
	_ =	sdelay $0x7  }
0x19: {  	[tilespmem:v1+s7+$0x0] =	vst.idx.add.f32.msk $0xffff, v0  }
0x1a: {  	v1 =	vld [tilespmem:s11+$0x40];
	_ =	sdelay $0x7  }
0x1b: {  	[tilespmem:v1+s7+$0x0] =	vst.idx.add.f32.msk $0xffff, v0  }
0x1c: {  	v1 =	vld [tilespmem:s11+$0x50];
	_ =	sdelay $0x7  }
0x1d: {  	[tilespmem:v1+s7+$0x0] =	vst.idx.add.f32.msk $0xffff, v0  }
0x1e: {  	v1 =	vld [tilespmem:s11+$0x60];
	_ =	sdelay $0x7  }
0x1f: {  	[tilespmem:v1+s7+$0x0] =	vst.idx.add.f32.msk $0xffff, v0  }
0x20: {  	v1 =	vld [tilespmem:s11+$0x70];
	_ =	sdelay $0x2  }
0x21: {  	p0 =	sne.s32 s10, $0x9E00  }
.Ltmp0:
0x22: {  	_ = 	snop;
	(pc) =	sbr.rel @p0 .LBB2_2-.Ltmp0, $2  }
0x23: {  	_ =	sdelay $0x2  }
0x24: {  	s10 =	sadd.s32 $0x200, s10;
	[tilespmem:v1+s7+$0x0] =	vst.idx.add.f32.msk $0xffff, v0  }
0x25: {  	s9 =	sadd.s32 $0x1, s9  }
0x26: {  	p0 =	sne.s32 s9, s6  }
.Ltmp1:
0x27: {  	_ = 	snop;
	(pc) =	sbr.rel @p0 .LBB2_1-.Ltmp1, $4  }
0x28: {  	[hbm4b:s5+s2] =	stream.linear.scatter [tilespmem:s7], [sflag:$0x1], $0x2800, $0x38;
	[tilespmem:$0x5000] =	vst v63  }
0x29: {  	_ =	swait.ge [sflag:s8], $0x2800  }
0x2a: {  	[sflag:s8] =	ssyncset.done $0x0  }
0x2b: {  	[sflag:s8] =	ssyncadd.s32 $0xFFFFD800  }
0x2c: {  	_ =	sfence.sel $0x180000  }
0x2d: {  	[bflag:$0x0] =	sbarrier.arrive $0xFFFF  }
0x2e: {  	p0 =	sne.s32 s0, $0x0;
	_ =	strace $0x90000047  }
0x2f: {  	s0 =	sadd.s32 @!p0 $0x100000, s1;
	[bflag:$0x2] =	sbarrier.arrive $0xFFFF  }
0x30: {  	[sflag:s0] =	ssyncadd.tile.s32 @!p0 $0x1;
	_ =	shalt  }
.Lfunc_end2:
_tile_overlayer_lowered:
.L_overlay_start_2:
0x31: {  	(tag) =	ssettag $0x2  }
0x32: {  	s0 =	rddreg [dreg:$0x0];
	s2 =	stileid.u32  }
0x33: {  	s1 =	rddreg [dreg:$0x1];
	p0 =	sne.s32 s2, $0x0  }
0x34: {  	s3 =	rddreg [dreg:$0x2];
	[bflag:$0x3] =	sbarrier.arrive $0xFFFF;
	s2 =	simm.s32 @!p0 $0x1C01  }
0x35: {  	[timem:s3], [sflag:s2] =	dma.local @!p0 [hbm:s0], s1  }
0x36: {  	s0 =	simm.s32 @!p0 $0x1  }
0x37: {  	_ =	swait.ge @!p0 [sflag:s0], s1  }
0x38: {  	s1 =	ssub.s32 @!p0 $0x0, s1;
	[sflag:s0] =	ssyncset.done @!p0 $0x0  }
0x39: {  	[sflag:s0] =	ssyncadd.s32 @!p0 s1  }
0x3a: {  	[bflag:$0x3] =	sbarrier.arrive $0xFFFF  }
0x3b: {  	_ =	shalt  }

// kernel: kernel.15.cloned.1.call-start
scs
__scs_entry_jumppad:
0x0: {  	(pc) =	sbr.rel $0x88, $3  }
0x1: {  	(tag) =	ssettag $0x0;
	lr =	simm.s32 $0x1  }
0x2: {  	[smem:$0x3F99] =	sst lr;
	_ =	strace $0xD0000000  }
0x3: {  	_ = 	snop  }
0x4: {  	_ = 	snop  }
0x5: {  	_ = 	snop  }
0x6: {  	_ = 	snop  }
0x7: {  	_ = 	snop  }
__scs_overlays_trampoline_lowered:
0x8: {  	[smem:$0x3FA8] =	sst s0  }
0x9: {  	[smem:$0x3FA9] =	sst s1  }
0xa: {  	[smem:$0x3FAA] =	sst s2  }
0xb: {  	[smem:$0x3FAB] =	sst s3  }
0xc: {  	[smem:$0x3FAC] =	sst s4  }
0xd: {  	[smem:$0x3FAD] =	sst s5  }
0xe: {  	[smem:$0x3FAE] =	sst s6  }
0xf: {  	[smem:$0x3FAF] =	sst s7  }
0x10: {  	[smem:$0x3FB0] =	sst s8  }
0x11: {  	[smem:$0x3FB1] =	sst s9;
	s0 =	simm.s32 @!p0 $0x0  }
0x12: {  	s1 =	sld [smem:$0x3F97];
	s0 =	simm.s32 @p0 $0x1  }
0x13: {  	[smem:$0x3FB2] =	sst s0;
	s0 =	simm.s32 @!p1 $0x0  }
0x14: {  	s2 =	sld [smem:$0x3F96];
	s0 =	simm.s32 @p1 $0x1  }
0x15: {  	[smem:$0x3FB3] =	sst s0;
	s0 =	simm.s32 @!p2 $0x0  }
0x16: {  	s3 =	sld [smem:$0x3FDB];
	s0 =	simm.s32 @p2 $0x1  }
0x17: {  	s4 =	simm.s32 $0x1BF5;
	[smem:$0x3FB5] =	sst s0  }
0x18: {  	s0 =	sld [smem:$0x3F98];
	_ =	swait.ge [sflag:s4], $0x0  }
0x19: {  	s7 =	sld [smem:$0x3F99]  }
0x1a: {  	s8 =	sadd.s32 $0xFFFFE003, lr  }
0x1b: {  	s9 =	sadd.s32 $0xFFFFFEF7, lr;
	s5 =	simm.s32 $0xFFFFFFFF;
	p2 =	slt.u32 s8, $0xFFFFF086  }
0x1c: {  	p1 =	slt.u32 s9, $0xF7A;
	s5 =	simm.s32 @!p2 $0x0  }
0x1d: {  	s5 =	simm.s32 @p1 $0x1;
	p0 =	seq.s32 s7, s2  }
0x1e: {  	s7 =	smul.u32 @!p0 $0xF7A, s2;
	p2 =	seq.s32 @!p0 s5, $0x0  }
0x1f: {  	s9 =	smul.u32 $0xF7A, s1;
	s8 =	simm.s32 @!p0 $0x1BF5;
	p2 =	por !p2, p0  }
0x20: {  	[sflag:s8] =	ssyncset.s32 @!p0 $0xFFFFF086;
	s6 =	sadd.s32 @!p0 s3, s7;
	s7 =	simm.s32 @!p0 $0x108  }
0x21: {  	s3 =	sadd.s32 s3, s9;
	s6 =	sadd.s32 @!p0 $0x88, s6;
	s7 =	simm.s32 @p2 $0x1082  }
0x22: {  	[simem:s7], [sflag:s8] =	dma.local @!p0 [hbm:s6], $0xF7A  }
0x23: {  	s9 =	sor.u32 $0xD0000000, s2;
	s6 =	simm.s32 $0x108;
	_ =	swait.ge @!p0 [sflag:s8], $0x0  }
0x24: {  	s3 =	sadd.s32 $0x88, s3;
	s6 =	simm.s32 @!p1 $0x1082;
	[sflag:s4] =	ssyncset.s32 $0xFFFFF086  }
0x25: {  	[simem:s6], [sflag:s4] =	dma.local [hbm:s3], $0xF7A  }
0x26: {  	[smem:$0x3F99] =	sst s1;
	(tag) =	ssettag s2;
	_ =	strace s9  }
0x27: {  	s1 =	sld [smem:$0x3FA9]  }
0x28: {  	s2 =	sld [smem:$0x3FAA]  }
0x29: {  	s4 =	sld [smem:$0x3FAC]  }
0x2a: {  	p0 =	seq.s32 s5, $0x0;
	s5 =	sld [smem:$0x3FAD]  }
0x2b: {  	s6 =	sld [smem:$0x3FAE]  }
0x2c: {  	s7 =	sld [smem:$0x3FAF]  }
0x2d: {  	s3 =	simm.s32 $0x108;
	s8 =	sld [smem:$0x3FB0]  }
0x2e: {  	s3 =	simm.s32 @!p0 $0x1082;
	s9 =	sld [smem:$0x3FB1]  }
0x2f: {  	lr =	sadd.s32 s0, s3;
	s0 =	sld [smem:$0x3FA8]  }
0x30: {  	s3 =	sld [smem:$0x3FAB]  }
0x31: {  	[smem:$0x3FB4] =	sst s10  }
0x32: {  	s10 =	sld [smem:$0x3FB2];
	_ =	sdelay $0x3  }
0x33: {  	p0 =	seq.s32 s10, $0x1;
	s10 =	sld [smem:$0x3FB4];
	_ =	sdelay $0x3  }
0x34: {  	[smem:$0x3FB4] =	sst s10  }
0x35: {  	s10 =	sld [smem:$0x3FB3];
	_ =	sdelay $0x3  }
0x36: {  	p1 =	seq.s32 s10, $0x1;
	s10 =	sld [smem:$0x3FB4];
	_ =	sdelay $0x3  }
0x37: {  	[smem:$0x3FB4] =	sst s10  }
0x38: {  	s10 =	sld [smem:$0x3FB5]  }
0x39: {  	_ = 	snop;
	(pc) =	sbr.ind lr, $3  }
0x3a: {  	_ = 	snop  }
0x3b: {  	_ = 	snop  }
0x3c: {  	p2 =	seq.s32 s10, $0x1;
	s10 =	sld [smem:$0x3FB4]  }
0x3d: {  	_ =	shalt  }
0x3e: {  	_ =	shalt  }
0x3f: {  	_ =	shalt  }
0x40: {  	_ =	shalt  }
0x41: {  	_ =	shalt  }
0x42: {  	_ =	shalt  }
0x43: {  	_ =	shalt  }
0x44: {  	_ =	shalt  }
0x45: {  	_ =	shalt  }
0x46: {  	_ =	shalt  }
0x47: {  	_ =	shalt  }
0x48: {  	_ =	shalt  }
0x49: {  	_ =	shalt  }
0x4a: {  	_ =	shalt  }
0x4b: {  	_ =	shalt  }
0x4c: {  	_ =	shalt  }
0x4d: {  	_ =	shalt  }
0x4e: {  	_ =	shalt  }
0x4f: {  	_ =	shalt  }
0x50: {  	_ =	shalt  }
0x51: {  	_ =	shalt  }
0x52: {  	_ =	shalt  }
0x53: {  	_ =	shalt  }
0x54: {  	_ =	shalt  }
0x55: {  	_ =	shalt  }
0x56: {  	_ =	shalt  }
0x57: {  	_ =	shalt  }
0x58: {  	_ =	shalt  }
0x59: {  	_ =	shalt  }
0x5a: {  	_ =	shalt  }
0x5b: {  	_ =	shalt  }
0x5c: {  	_ =	shalt  }
0x5d: {  	_ =	shalt  }
0x5e: {  	_ =	shalt  }
0x5f: {  	_ =	shalt  }
0x60: {  	_ =	shalt  }
0x61: {  	_ =	shalt  }
0x62: {  	_ =	shalt  }
0x63: {  	_ =	shalt  }
0x64: {  	_ =	shalt  }
0x65: {  	_ =	shalt  }
0x66: {  	_ =	shalt  }
0x67: {  	_ =	shalt  }
0x68: {  	_ =	shalt  }
0x69: {  	_ =	shalt  }
0x6a: {  	_ =	shalt  }
0x6b: {  	_ =	shalt  }
0x6c: {  	_ =	shalt  }
0x6d: {  	_ =	shalt  }
0x6e: {  	_ =	shalt  }
0x6f: {  	_ =	shalt  }
0x70: {  	_ =	shalt  }
0x71: {  	_ =	shalt  }
0x72: {  	_ =	shalt  }
0x73: {  	_ =	shalt  }
0x74: {  	_ =	shalt  }
0x75: {  	_ =	shalt  }
0x76: {  	_ =	shalt  }
0x77: {  	_ =	shalt  }
0x78: {  	_ =	shalt  }
0x79: {  	_ =	shalt  }
0x7a: {  	_ =	shalt  }
0x7b: {  	_ =	shalt  }
0x7c: {  	_ =	shalt  }
0x7d: {  	_ =	shalt  }
0x7e: {  	_ =	shalt  }
0x7f: {  	_ =	shalt  }
0x80: {  	_ =	shalt  }
0x81: {  	_ =	shalt  }
0x82: {  	_ =	shalt  }
0x83: {  	_ =	shalt  }
0x84: {  	_ =	shalt  }
0x85: {  	_ =	shalt  }
0x86: {  	_ =	shalt  }
0x87: {  	_ =	shalt  }
.Lfunc_end0:
.L_simem_size_0:
called_computation.1_lowered:
.L_overlay_start_0:
0x88: {  	s2 =	sld [smem:$0x3FD9]  }
0x89: {  	s3 =	sld [smem:$0x3FFE];
	_ =	sdelay $0x1  }
0x8a: {  	s1 =	srdreg.scid  }
0x8b: {  	s0 =	sand.u32 $0x1, s1  }
0x8c: {  	s17 =	sshll.u32 s0, $0xA;
	s2 =	sadd.s32 s3, s2  }
0x8d: {  	s2 =	sadd.s32 s2, s17  }
0x8e: {  	[smem:$0x3FC0] =	sst s2  }
0x8f: {  	_ = 	snop  }
0x90: {  	s2 =	sld [smem:$0x3FD0];
	(tm) =	ssettm $0x1  }
0x91: {  	s18 =	sld [smem:$0x3FFB];
	_ =	sdelay $0x3  }
0x92: {  	_ =	strace s18  }
0x93: {  	s3 =	sld [smem:$0x3FFC];
	_ =	sdelay $0x3  }
0x94: {  	_ =	strace s3  }
0x95: {  	s3 =	sld [smem:$0x3FFD];
	_ =	sdelay $0x3  }
0x96: {  	_ =	strace s3  }
0x97: {  	_ =	strace $0x8FFFFFFF  }
0x98: {  	s19 =	sld [smem:$0x3FDB];
	_ =	sdelay $0x1  }
0x99: {  	s4 =	simm.s32 $_scs_section_size  }
0x9a: {  	s5 =	simm.s32 $_size__tile_overlayer_lowered;
	s6 =	simm.s32 $_tile_overlayer_lowered  }
0x9b: {  	s22 =	simm.s32 $0x1BFF;
	s21 =	sshll.u32 s6, $0x1;
	s3 =	sadd.s32 s4, s19  }
0x9c: {  	s7 =	simm.s32 $0x0;
	s20 =	sshll.u32 s5, $0x1;
	s5 =	sadd.s32 s21, s3  }
0x9d: {  	[timem:s7], [sflag:s22] =	dma.local [hbm:s5], s20  }
0x9e: {  	_ =	swait.ge [sflag:s22], s20  }
0x9f: {  	s4 =	ssub.s32 $0x0, s20;
	[sflag:s22] =	ssyncset.done $0x0  }
0xa0: {  	[sflag:s22] =	ssyncadd.s32 s4;
	_ =	sdelay $0x1  }
0xa1: {  	s23 =	simm.s32 $0x1B8B  }
0xa2: {  	_ =	swait.ge [sflag:s23], $0x1  }
0xa3: {  	[sflag:s23] =	ssyncset.done $0x0  }
0xa4: {  	s25 =	simm.s32 $0x1B8E;
	s24 =	sld [smem:$0x3FFE];
	[sflag:s23] =	ssyncadd.s32 $0xFFFFFFFF  }
0xa5: {  	s26 =	simm.s32 $execute0_lowered;
	[smem:$0x3FD2] =	sst s25  }
0xa6: {  	s5 =	sshll.u32 s26, $0x1;
	_ =	strace $0x80000049;
	[dreg:$0x1] =	wrdreg $0xFFFFFFFF  }
0xa7: {  	s28 =	simm.s32 $_size_execute0_lowered;
	s3 =	sadd.s32 s3, s5;
	[dreg:$0x0] =	wrdreg $0x0  }
0xa8: {  	s5 =	sshll.u32 s28, $0x1;
	[dreg:$0x2] =	wrdreg s3  }
0xa9: {  	[dreg:$0x3] =	wrdreg s5  }
0xaa: {  	[dreg:$0x4] =	wrdreg $0xC0  }
0xab: {  	_ =	task [dreg:s7], $0x5FFFF  }
0xac: {  	[dreg:$0x1] =	wrdreg $0xFFFFFFFF  }
0xad: {  	[dreg:$0x0] =	wrdreg $0x60  }
0xae: {  	[dreg:$0x2] =	wrdreg s24  }
0xaf: {  	[dreg:$0x3] =	wrdreg s2  }
0xb0: {  	[dreg:$0x4] =	wrdreg $0x90000  }
0xb1: {  	[dreg:$0x5] =	wrdreg $0x9  }
0xb2: {  	_ =	task.clear_ibuf [dreg:s7], $0x6FFFF;
	_ =	strace $0x90000049  }
0xb3: {  	s29 =	simm.s32 $0x9;
	_ =	strace $0x8000004B  }
0xb4: {  	_ =	swait.ge [sflag:s29], $0x1  }
0xb5: {  	[sflag:s29] =	ssyncadd.s32 $0xFFFFFFFF  }
0xb6: {  	_ =	strace $0x9000004B  }
0xb7: {  	_ =	sfence  }
0xb8: {  	s30 =	sld [smem:$0x0];
	_ =	sdelay $0x2  }
0xb9: {  	s31 =	sshll.u32 s1, $0xD;
	s1 =	sshrl.u32 s1, $0x2  }
0xba: {  	s3 =	sand.u32 $0x4000, s31;
	s1 =	sadd.s32 s1, s30  }
0xbb: {  	s0 =	sor.u32 s3, s0;
	s1 =	sshll.u32 s1, $0x11  }
0xbc: {  	s0 =	sor.u32 s1, s0  }
0xbd: {  	s0 =	sadd.s32 $0x8F2B, s0  }
0xbe: {  	[sflag:s0] =	ssyncadd.remote.s32 $0x1  }
0xbf: {  	_ =	sfence.sel $0xFFFF  }
0xc0: {  	[dreg:$0x0] =	wrdreg $0xFFFFFFFF;
	(pc) =	sbr.abs _section_cstart, $3  }
0xc1: {  	[dreg:$0x1] =	wrdreg $0xFFFFFFFF  }
0xc2: {  	_ =	task.clear_ibuf [dreg:s7], $0x2FFFF;
	_ =	strace $0x9FFFFFFF  }
0xc3: {  	(tm) =	ssettm $0x7FFFFFFF  }
tec
execute0_lowered:
.L_overlay_start_1:
0x0: {  	(tag) =	ssettag $0x1  }
0x1: {  	s0 =	rddreg [dreg:$0x0]  }
0x2: {  	s2 =	rddreg [dreg:$0x1]  }
0x3: {  	s1 =	rddreg [dreg:$0x2];
	s3 =	simm.s32 $0x0;
	s4 =	srdreg.scid  }
0x4: {  	s9 =	stileid.u32;
	s12 =	simm.s32 $0x1000;
	s13 =	simm.s32 $0x3  }
0x5: {  	s14 =	simm.s32 $0x800;
	s15 =	simm.s32 $0x80;
	s16 =	simm.s32 $0x5000  }
0x6: {  	s17 =	simm.s32 $0x1;
	s19 =	simm.s32 $0x2;
	s21 =	simm.s32 $0x400  }
0x7: {  	s22 =	simm.s32 $0xB80;
	s31 =	simm.s32 $0xC80;
	s11 =	simm.s32 $0xE80  }
0x8: {  	s18 =	simm.s32 $0xF80;
	s5 =	sand.u32 $0x1, s4;
	s4 =	smul.u32 $0x90, s9  }
0x9: {  	[smem:$0x7FF] =	sst s3;
	s6 =	sshll.u32 s9, $0x4;
	s8 =	smul.u32 $0x14000, s9  }
0xa: {  	s9 =	smul.u32 $0x50000, s9;
	p0 =	seq.s32 s5, $0x0;
	s6 =	sor.u32 $0x900, s6  }
0xb: {  	s7 =	smul.u32 $0x140000, s5;
	_ =	strace $0x8000004A;
	s23 =	ssub.s32 $0x2, s5  }
0xc: {  	s6 =	smov.u32 @p0 s4;
	s4 =	sadd.s32 $0x41200, s0;
	s9 =	sshrl.u32 s9, $0x2  }
0xd: {  	s24 =	sshrl.u32 s23, $0x1;
	p0 =	sne.s32 s5, $0x0;
	s5 =	simm.s32 $0xF00  }
0xe: {  	s6 =	sshll.u32 s6, $0x4;
	s7 =	sadd.s32 s8, s7;
	s9 =	sadd.s32 s9, s1  }
0xf: {  	s8 =	simm.s32 $0x680;
	s10 =	sadd.s32 s6, s0;
	s7 =	sshrl.u32 s7, $0x3  }
0x10: {  	s25 =	sadd.s32 $0x8000, s9;
	s26 =	sadd.s32 $0x10000, s9;
	[dreg:$0x4] =	wrdreg s9  }
0x11: {  	s29 =	sadd.s32 s6, s2;
	s2 =	simm.s32 $0xD00;
	[dreg:$0x5] =	wrdreg s25  }
0x12: {  	s6 =	simm.s32 $0x600;
	s0 =	sadd.s32 s7, s0;
	[dreg:$0x6] =	wrdreg s26  }
0x13: {  	s7 =	ssub.s32 s23, s24;
	[dreg:$0x9] =	wrdreg s29;
	s30 =	sadd.s32 $0x4C00, s10  }
0x14: {  	s24 =	simm.s32 $0x780;
	s23 =	simm.s32 $0x480;
	s25 =	simm.s32 $0xC00  }
0x15: {  	s26 =	simm.s32 $0x500;
	s0 =	sadd.s32 $0xB9200, s0;
	[dreg:$0xa] =	wrdreg s30  }
0x16: {  	s10 =	simm.s32 $0x700;
	s28 =	smax.u32 s7, $0x1;
	[dreg:$0x7] =	wrdreg s0  }
0x17: {  	v0 =	vimm.f32 $0.0e+00;
	s7 =	simm.s32 $0xD80;
	[dreg:$0x8] =	wrdreg s28;
	s0 =	simm.s32 $0x0  }
.LBB2_1:
0x18: {  	[dreg:$0xb] =	wrdreg s0;
	s28 =	simm.s32 $0x0;
	s29 =	simm.s32 $0x200  }
.LBB2_2:
0x19: {  	p1 =	sne.s32 s29, $0x1FE00;
	[tilespmem:s28+$0x1070] =	vst v0  }
0x1a: {  	[tilespmem:s28+$0x1000] =	vst v0  }
0x1b: {  	[tilespmem:s28+$0x1010] =	vst v0  }
.Ltmp0:
0x1c: {  	[tilespmem:s28+$0x1020] =	vst v0;
	(pc) =	sbr.rel @p1 .LBB2_2-.Ltmp0, $4  }
0x1d: {  	[tilespmem:s28+$0x1030] =	vst v0  }
0x1e: {  	[tilespmem:s28+$0x1040] =	vst v0  }
0x1f: {  	[tilespmem:s28+$0x1050] =	vst v0  }
0x20: {  	[tilespmem:s28+$0x1060] =	vst v0;
	s28 =	sshra.s32 s29, $0x2;
	s29 =	sadd.s32 $0x200, s29  }
0x21: {  	[tilespmem:s28+$0x1070] =	vst v0  }
0x22: {  	[tilespmem:s28+$0x1000] =	vst v0  }
0x23: {  	[tilespmem:s28+$0x1010] =	vst v0  }
0x24: {  	[tilespmem:s28+$0x1020] =	vst v0  }
0x25: {  	[tilespmem:s28+$0x1030] =	vst v0  }
0x26: {  	[tilespmem:s28+$0x1040] =	vst v0  }
0x27: {  	[tilespmem:s28+$0x1050] =	vst v0  }
0x28: {  	[tilespmem:s28+$0x1060] =	vst v0  }
0x29: {  	[spmem:s9] =	stream.linear.scatter [tilespmem:s12], [sflag:$0x3], $0x8000, $0x38;
	[tilespmem:$0x1D000] =	vst v63  }
0x2a: {  	_ =	swait.ge [sflag:s13], $0x8000  }
0x2b: {  	[sflag:s13] =	ssyncset.done $0x0  }
0x2c: {  	s28 =	rddreg [dreg:$0x5];
	[sflag:s13] =	ssyncadd.s32 $0xFFFF8000  }
0x2d: {  	[spmem:s28] =	stream.linear.scatter [tilespmem:s12], [sflag:$0x3], $0x8000, $0x38;
	[tilespmem:$0x1D000] =	vst v63  }
0x2e: {  	_ =	swait.ge [sflag:s13], $0x8000  }
0x2f: {  	[sflag:s13] =	ssyncset.done $0x0  }
0x30: {  	s28 =	rddreg [dreg:$0x6];
	[sflag:s13] =	ssyncadd.s32 $0xFFFF8000  }
0x31: {  	[spmem:s28] =	stream.linear.scatter [tilespmem:s12], [sflag:$0x3], $0x4000, $0x38;
	[tilespmem:$0x1D000] =	vst v63  }
0x32: {  	_ =	swait.ge [sflag:s13], $0x4000  }
0x33: {  	[sflag:s13] =	ssyncset.done $0x0  }
0x34: {  	[sflag:s13] =	ssyncadd.s32 $0xFFFFC000  }
0x35: {  	[bflag:$0x0] =	sbarrier.arrive $0xFFFF  }
0x36: {  	s30 =	simm.s32 $0x0;
	s28 =	rddreg [dreg:$0xa]  }
0x37: {  	s0 =	simm.s32 $0x580;
	s9 =	simm.s32 $0xE00;
	s29 =	rddreg [dreg:$0x9]  }
.LBB2_4:
0x38: {  	[tilespmem:s3], [sflag:$0x3] =	stream.linear.gather [hbm4b:s28+s3], $0x800, $0x38;
	[tilespmem:$0x1D000] =	vst v63  }
0x39: {  	_ =	swait.ge [sflag:s13], $0x800  }
0x3a: {  	[sflag:s13] =	ssyncset.done $0x0  }
0x3b: {  	[sflag:s13] =	ssyncadd.s32 $0xFFFFF800  }
0x3c: {  	[tilespmem:s14], [sflag:$0x3] =	stream.linear.gather [hbm4b:s29+s3], $0x800, $0x38;
	[tilespmem:$0x1D000] =	vst v63  }
0x3d: {  	_ =	swait.ge [sflag:s13], $0x800  }
0x3e: {  	[sflag:s13] =	ssyncset.done $0x0  }
0x3f: {  	[sflag:s13] =	ssyncadd.s32 $0xFFFFF800  }
0x40: {  	[tilespmem:s12], [sflag:$0x1] =	stream.indirect.gather [hbm4b:s4+s15], $0x80, s3, s15, $0xb8;
	[tilespmem:$0x1D000] =	vst v63  }
0x41: {  	_ = 	snop  }
0x42: {  	[tilespmem:s16], [sflag:$0x2] =	stream.indirect.gather [hbm4b:s4+s15], $0x80, s15, s15, $0xb8;
	[tilespmem:$0x1D000] =	vst v63  }
0x43: {  	_ =	swait.ge [sflag:s17], $0x4000  }
0x44: {  	[sflag:s17] =	ssyncset.done $0x0  }
0x45: {  	[sflag:s17] =	ssyncadd.s32 $0xFFFFC000  }
0x46: {  	[spmem:s1] =	stream.indirect.scatter.add.f32 [tilespmem:s12], [sflag:$0x3], $0x80, s14, s15, $0xb8;
	[tilespmem:$0x1D000] =	vst v63  }
0x47: {  	_ =	swait.ge [sflag:s13], $0x4000  }
0x48: {  	[sflag:s13] =	ssyncset.done $0x0  }
0x49: {  	s20 =	simm.s32 $0x100;
	[sflag:s13] =	ssyncadd.s32 $0xFFFFC000  }
0x4a: {  	[tilespmem:s12], [sflag:$0x1] =	stream.indirect.gather [hbm4b:s4+s15], $0x80, s20, s15, $0xb8;
	[tilespmem:$0x1D000] =	vst v63  }
0x4b: {  	_ =	swait.ge [sflag:s19], $0x4000  }
0x4c: {  	[sflag:s19] =	ssyncset.done $0x0  }
0x4d: {  	s20 =	simm.s32 $0x880;
	[sflag:s19] =	ssyncadd.s32 $0xFFFFC000  }
0x4e: {  	[spmem:s1] =	stream.indirect.scatter.add.f32 [tilespmem:s16], [sflag:$0x3], $0x80, s20, s15, $0xb8;
	[tilespmem:$0x1D000] =	vst v63  }
0x4f: {  	_ =	swait.ge [sflag:s13], $0x4000  }
0x50: {  	[sflag:s13] =	ssyncset.done $0x0  }
0x51: {  	s20 =	simm.s32 $0x180;
	[sflag:s13] =	ssyncadd.s32 $0xFFFFC000  }
0x52: {  	[tilespmem:s16], [sflag:$0x2] =	stream.indirect.gather [hbm4b:s4+s15], $0x80, s20, s15, $0xb8;
	[tilespmem:$0x1D000] =	vst v63  }
0x53: {  	_ =	swait.ge [sflag:s17], $0x4000  }
0x54: {  	[sflag:s17] =	ssyncset.done $0x0  }
0x55: {  	s20 =	simm.s32 $0x900;
	[sflag:s17] =	ssyncadd.s32 $0xFFFFC000  }
0x56: {  	[spmem:s1] =	stream.indirect.scatter.add.f32 [tilespmem:s12], [sflag:$0x3], $0x80, s20, s15, $0xb8;
	[tilespmem:$0x1D000] =	vst v63  }
0x57: {  	_ =	swait.ge [sflag:s13], $0x4000  }
0x58: {  	[sflag:s13] =	ssyncset.done $0x0  }
0x59: {  	s20 =	simm.s32 $0x200;
	[sflag:s13] =	ssyncadd.s32 $0xFFFFC000  }
0x5a: {  	[tilespmem:s12], [sflag:$0x1] =	stream.indirect.gather [hbm4b:s4+s15], $0x80, s20, s15, $0xb8;
	[tilespmem:$0x1D000] =	vst v63  }
0x5b: {  	_ =	swait.ge [sflag:s19], $0x4000  }
0x5c: {  	[sflag:s19] =	ssyncset.done $0x0  }
0x5d: {  	s20 =	simm.s32 $0x980;
	[sflag:s19] =	ssyncadd.s32 $0xFFFFC000  }
0x5e: {  	[spmem:s1] =	stream.indirect.scatter.add.f32 [tilespmem:s16], [sflag:$0x3], $0x80, s20, s15, $0xb8;
	[tilespmem:$0x1D000] =	vst v63  }
0x5f: {  	_ =	swait.ge [sflag:s13], $0x4000  }
0x60: {  	[sflag:s13] =	ssyncset.done $0x0  }
0x61: {  	s20 =	simm.s32 $0x280;
	[sflag:s13] =	ssyncadd.s32 $0xFFFFC000  }
0x62: {  	[tilespmem:s16], [sflag:$0x2] =	stream.indirect.gather [hbm4b:s4+s15], $0x80, s20, s15, $0xb8;
	[tilespmem:$0x1D000] =	vst v63  }
0x63: {  	_ =	swait.ge [sflag:s17], $0x4000  }
0x64: {  	[sflag:s17] =	ssyncset.done $0x0  }
0x65: {  	s20 =	simm.s32 $0xA00;
	[sflag:s17] =	ssyncadd.s32 $0xFFFFC000  }
0x66: {  	[spmem:s1] =	stream.indirect.scatter.add.f32 [tilespmem:s12], [sflag:$0x3], $0x80, s20, s15, $0xb8;
	[tilespmem:$0x1D000] =	vst v63  }
0x67: {  	_ =	swait.ge [sflag:s13], $0x4000  }
0x68: {  	[sflag:s13] =	ssyncset.done $0x0  }
0x69: {  	s20 =	simm.s32 $0x300;
	[sflag:s13] =	ssyncadd.s32 $0xFFFFC000  }
0x6a: {  	[tilespmem:s12], [sflag:$0x1] =	stream.indirect.gather [hbm4b:s4+s15], $0x80, s20, s15, $0xb8;
	[tilespmem:$0x1D000] =	vst v63  }
0x6b: {  	_ =	swait.ge [sflag:s19], $0x4000  }
0x6c: {  	[sflag:s19] =	ssyncset.done $0x0  }
0x6d: {  	s20 =	simm.s32 $0xA80;
	[sflag:s19] =	ssyncadd.s32 $0xFFFFC000  }
0x6e: {  	[spmem:s1] =	stream.indirect.scatter.add.f32 [tilespmem:s16], [sflag:$0x3], $0x80, s20, s15, $0xb8;
	[tilespmem:$0x1D000] =	vst v63  }
0x6f: {  	_ =	swait.ge [sflag:s13], $0x4000  }
0x70: {  	[sflag:s13] =	ssyncset.done $0x0  }
0x71: {  	s20 =	simm.s32 $0x380;
	[sflag:s13] =	ssyncadd.s32 $0xFFFFC000  }
0x72: {  	[tilespmem:s16], [sflag:$0x2] =	stream.indirect.gather [hbm4b:s4+s15], $0x80, s20, s15, $0xb8;
	[tilespmem:$0x1D000] =	vst v63  }
0x73: {  	_ =	swait.ge [sflag:s17], $0x4000  }
0x74: {  	[sflag:s17] =	ssyncset.done $0x0  }
0x75: {  	s20 =	simm.s32 $0xB00;
	[sflag:s17] =	ssyncadd.s32 $0xFFFFC000  }
0x76: {  	[spmem:s1] =	stream.indirect.scatter.add.f32 [tilespmem:s12], [sflag:$0x3], $0x80, s20, s15, $0xb8;
	[tilespmem:$0x1D000] =	vst v63  }
0x77: {  	_ =	swait.ge [sflag:s13], $0x4000  }
0x78: {  	[sflag:s13] =	ssyncset.done $0x0  }
0x79: {  	[sflag:s13] =	ssyncadd.s32 $0xFFFFC000  }
0x7a: {  	[tilespmem:s12], [sflag:$0x1] =	stream.indirect.gather [hbm4b:s4+s15], $0x80, s21, s15, $0xb8;
	[tilespmem:$0x1D000] =	vst v63  }
0x7b: {  	_ =	swait.ge [sflag:s19], $0x4000  }
0x7c: {  	[sflag:s19] =	ssyncset.done $0x0  }
0x7d: {  	[sflag:s19] =	ssyncadd.s32 $0xFFFFC000  }
0x7e: {  	[spmem:s1] =	stream.indirect.scatter.add.f32 [tilespmem:s16], [sflag:$0x3], $0x80, s22, s15, $0xb8;
	[tilespmem:$0x1D000] =	vst v63  }
0x7f: {  	_ =	swait.ge [sflag:s13], $0x4000  }
0x80: {  	[sflag:s13] =	ssyncset.done $0x0  }
0x81: {  	[sflag:s13] =	ssyncadd.s32 $0xFFFFC000  }
0x82: {  	[tilespmem:s16], [sflag:$0x2] =	stream.indirect.gather [hbm4b:s4+s15], $0x80, s23, s15, $0xb8;
	[tilespmem:$0x1D000] =	vst v63  }
0x83: {  	_ =	swait.ge [sflag:s17], $0x4000  }
0x84: {  	[sflag:s17] =	ssyncset.done $0x0  }
0x85: {  	[sflag:s17] =	ssyncadd.s32 $0xFFFFC000  }
0x86: {  	[spmem:s1] =	stream.indirect.scatter.add.f32 [tilespmem:s12], [sflag:$0x3], $0x80, s25, s15, $0xb8;
	[tilespmem:$0x1D000] =	vst v63  }
0x87: {  	_ =	swait.ge [sflag:s13], $0x4000  }
0x88: {  	[sflag:s13] =	ssyncset.done $0x0  }
0x89: {  	[sflag:s13] =	ssyncadd.s32 $0xFFFFC000  }
0x8a: {  	[tilespmem:s12], [sflag:$0x1] =	stream.indirect.gather [hbm4b:s4+s15], $0x80, s26, s15, $0xb8;
	[tilespmem:$0x1D000] =	vst v63  }
0x8b: {  	_ =	swait.ge [sflag:s19], $0x4000  }
0x8c: {  	[sflag:s19] =	ssyncset.done $0x0  }
0x8d: {  	[sflag:s19] =	ssyncadd.s32 $0xFFFFC000  }
0x8e: {  	[spmem:s1] =	stream.indirect.scatter.add.f32 [tilespmem:s16], [sflag:$0x3], $0x80, s31, s15, $0xb8;
	[tilespmem:$0x1D000] =	vst v63  }
0x8f: {  	_ =	swait.ge [sflag:s13], $0x4000  }
0x90: {  	[sflag:s13] =	ssyncset.done $0x0  }
0x91: {  	[sflag:s13] =	ssyncadd.s32 $0xFFFFC000  }
0x92: {  	[tilespmem:s16], [sflag:$0x2] =	stream.indirect.gather [hbm4b:s4+s15], $0x80, s0, s15, $0xb8;
	[tilespmem:$0x1D000] =	vst v63  }
0x93: {  	_ =	swait.ge [sflag:s17], $0x4000  }
0x94: {  	[sflag:s17] =	ssyncset.done $0x0  }
0x95: {  	[sflag:s17] =	ssyncadd.s32 $0xFFFFC000  }
0x96: {  	[spmem:s1] =	stream.indirect.scatter.add.f32 [tilespmem:s12], [sflag:$0x3], $0x80, s2, s15, $0xb8;
	[tilespmem:$0x1D000] =	vst v63  }
0x97: {  	_ =	swait.ge [sflag:s13], $0x4000  }
0x98: {  	[sflag:s13] =	ssyncset.done $0x0  }
0x99: {  	[sflag:s13] =	ssyncadd.s32 $0xFFFFC000  }
0x9a: {  	[tilespmem:s12], [sflag:$0x1] =	stream.indirect.gather [hbm4b:s4+s15], $0x80, s6, s15, $0xb8;
	[tilespmem:$0x1D000] =	vst v63  }
0x9b: {  	_ =	swait.ge [sflag:s19], $0x4000  }
0x9c: {  	[sflag:s19] =	ssyncset.done $0x0  }
0x9d: {  	[sflag:s19] =	ssyncadd.s32 $0xFFFFC000  }
0x9e: {  	[spmem:s1] =	stream.indirect.scatter.add.f32 [tilespmem:s16], [sflag:$0x3], $0x80, s7, s15, $0xb8;
	[tilespmem:$0x1D000] =	vst v63  }
0x9f: {  	_ =	swait.ge [sflag:s13], $0x4000  }
0xa0: {  	[sflag:s13] =	ssyncset.done $0x0  }
0xa1: {  	[sflag:s13] =	ssyncadd.s32 $0xFFFFC000  }
0xa2: {  	[tilespmem:s16], [sflag:$0x2] =	stream.indirect.gather [hbm4b:s4+s15], $0x80, s8, s15, $0xb8;
	[tilespmem:$0x1D000] =	vst v63  }
0xa3: {  	_ =	swait.ge [sflag:s17], $0x4000  }
0xa4: {  	[sflag:s17] =	ssyncset.done $0x0  }
0xa5: {  	[sflag:s17] =	ssyncadd.s32 $0xFFFFC000  }
0xa6: {  	[spmem:s1] =	stream.indirect.scatter.add.f32 [tilespmem:s12], [sflag:$0x3], $0x80, s9, s15, $0xb8;
	[tilespmem:$0x1D000] =	vst v63  }
0xa7: {  	_ =	swait.ge [sflag:s13], $0x4000  }
0xa8: {  	[sflag:s13] =	ssyncset.done $0x0  }
0xa9: {  	[sflag:s13] =	ssyncadd.s32 $0xFFFFC000  }
0xaa: {  	[tilespmem:s12], [sflag:$0x1] =	stream.indirect.gather [hbm4b:s4+s15], $0x80, s10, s15, $0xb8;
	[tilespmem:$0x1D000] =	vst v63  }
0xab: {  	_ =	swait.ge [sflag:s19], $0x4000  }
0xac: {  	[sflag:s19] =	ssyncset.done $0x0  }
0xad: {  	[sflag:s19] =	ssyncadd.s32 $0xFFFFC000  }
0xae: {  	[spmem:s1] =	stream.indirect.scatter.add.f32 [tilespmem:s16], [sflag:$0x3], $0x80, s11, s15, $0xb8;
	[tilespmem:$0x1D000] =	vst v63  }
0xaf: {  	_ =	swait.ge [sflag:s13], $0x4000  }
0xb0: {  	[sflag:s13] =	ssyncset.done $0x0  }
0xb1: {  	[sflag:s13] =	ssyncadd.s32 $0xFFFFC000  }
0xb2: {  	[tilespmem:s16], [sflag:$0x2] =	stream.indirect.gather [hbm4b:s4+s15], $0x80, s24, s15, $0xb8;
	[tilespmem:$0x1D000] =	vst v63  }
0xb3: {  	_ =	swait.ge [sflag:s17], $0x4000  }
0xb4: {  	[sflag:s17] =	ssyncset.done $0x0  }
0xb5: {  	[sflag:s17] =	ssyncadd.s32 $0xFFFFC000  }
0xb6: {  	[spmem:s1] =	stream.indirect.scatter.add.f32 [tilespmem:s12], [sflag:$0x3], $0x80, s5, s15, $0xb8;
	[tilespmem:$0x1D000] =	vst v63  }
0xb7: {  	_ =	swait.ge [sflag:s13], $0x4000  }
0xb8: {  	[sflag:s13] =	ssyncset.done $0x0  }
0xb9: {  	[sflag:s13] =	ssyncadd.s32 $0xFFFFC000  }
0xba: {  	[tilespmem:s12], [sflag:$0x1] =	stream.indirect.gather [hbm4b:s4+s15], $0x80, s24, s15, $0xb8;
	[tilespmem:$0x1D000] =	vst v63  }
0xbb: {  	_ =	swait.ge [sflag:s19], $0x4000  }
0xbc: {  	[sflag:s19] =	ssyncset.done $0x0  }
0xbd: {  	[sflag:s19] =	ssyncadd.s32 $0xFFFFC000  }
0xbe: {  	[spmem:s1] =	stream.indirect.scatter.add.f32 [tilespmem:s16], [sflag:$0x3], $0x80, s18, s15, $0xb8;
	[tilespmem:$0x1D000] =	vst v63  }
0xbf: {  	_ =	swait.ge [sflag:s13], $0x4000  }
0xc0: {  	[sflag:s13] =	ssyncset.done $0x0  }
0xc1: {  	p1 =	slt.u32 @!p0 s30, $0x8;
	[sflag:s13] =	ssyncadd.s32 $0xFFFFC000  }
0xc2: {  	[tilespmem:s16], [sflag:$0x2] =	stream.indirect.gather [hbm4b:s4+s15], $0x80, s24, s15, $0xb8;
	[tilespmem:$0x1D000] =	vst v63  }
0xc3: {  	p1 =	por p0, !p1;
	_ =	swait.ge [sflag:s17], $0x4000  }
.Ltmp1:
0xc4: {  	[sflag:s17] =	ssyncset.done $0x0;
	(pc) =	sbr.rel @!p1 .LBB2_4-.Ltmp1, $4  }
0xc5: {  	[sflag:s17] =	ssyncadd.s32 $0xFFFFC000  }
0xc6: {  	_ =	swait.ge [sflag:s19], $0x4000  }
0xc7: {  	s30 =	sadd.s32 $0x1, s30;
	[sflag:s19] =	ssyncset.done $0x0  }
0xc8: {  	s28 =	sadd.s32 $0x100, s28;
	s29 =	sadd.s32 $0x100, s29;
	[sflag:s19] =	ssyncadd.s32 $0xFFFFC000  }
0xc9: {  	s28 =	stileid.u32;
	[bflag:$0x0] =	sbarrier.arrive $0xFFFF  }
0xca: {  	s28 =	sshll.u32 s28, $0x6;
	s9 =	rddreg [dreg:$0x4]  }
0xcb: {  	s30 =	rddreg [dreg:$0x7];
	s28 =	sor.u32 $0x1C03, s28;
	s29 =	sshrl.u32 s9, $0x3  }
0xcc: {  	[hbm:s30], [sflag:s28] =	dma.local [spmem:s29], $0x2800  }
0xcd: {  	_ =	swait.ge [sflag:s13], $0x2800  }
0xce: {  	s0 =	rddreg [dreg:$0xb]  }
0xcf: {  	s30 =	rddreg [dreg:$0x8];
	s0 =	sadd.s32 $0x1, s0  }
0xd0: {  	p1 =	sne.s32 s0, s30  }
.Ltmp2:
0xd1: {  	_ = 	snop;
	(pc) =	sbr.rel @p1 .LBB2_1-.Ltmp2, $3  }
0xd2: {  	_ =	sdelay $0x1  }
0xd3: {  	[sflag:s13] =	ssyncset.done $0x0  }
0xd4: {  	[sflag:s13] =	ssyncadd.s32 $0xFFFFD800  }
0xd5: {  	_ =	sfence.sel $0x180000  }
0xd6: {  	[bflag:$0x0] =	sbarrier.arrive $0xFFFF  }
0xd7: {  	_ =	strace $0x9000004A  }
0xd8: {  	s0 =	stileid.u32;
	[bflag:$0x2] =	sbarrier.arrive $0xFFFF  }
0xd9: {  	p0 =	sne.s32 s0, $0x0;
	s0 =	rddreg [dreg:$0x3]  }
0xda: {  	s0 =	sadd.s32 @!p0 $0x100000, s0  }
0xdb: {  	[sflag:s0] =	ssyncadd.tile.s32 @!p0 $0x1;
	_ =	shalt  }
.Lfunc_end2:
_tile_overlayer_lowered:
.L_overlay_start_2:
0xdc: {  	(tag) =	ssettag $0x2  }
0xdd: {  	s0 =	rddreg [dreg:$0x0];
	s2 =	stileid.u32  }
0xde: {  	s1 =	rddreg [dreg:$0x1];
	p0 =	sne.s32 s2, $0x0  }
0xdf: {  	s3 =	rddreg [dreg:$0x2];
	[bflag:$0x3] =	sbarrier.arrive $0xFFFF;
	s2 =	simm.s32 @!p0 $0x1C03  }
0xe0: {  	[timem:s3], [sflag:s2] =	dma.local @!p0 [hbm:s0], s1  }
0xe1: {  	s0 =	simm.s32 @!p0 $0x3  }
0xe2: {  	_ =	swait.ge @!p0 [sflag:s0], s1  }
0xe3: {  	s1 =	ssub.s32 @!p0 $0x0, s1;
	[sflag:s0] =	ssyncset.done @!p0 $0x0  }
0xe4: {  	[sflag:s0] =	ssyncadd.s32 @!p0 s1  }
0xe5: {  	[bflag:$0x3] =	sbarrier.arrive $0xFFFF  }
0xe6: {  	_ =	shalt  }

// kernel: kernel.18.cloned.1.call-start
scs
__scs_entry_jumppad:
0x0: {  	(pc) =	sbr.rel $0x88, $3  }
0x1: {  	(tag) =	ssettag $0x0;
	lr =	simm.s32 $0x1  }
0x2: {  	[smem:$0x3F99] =	sst lr;
	_ =	strace $0xD0000000  }
0x3: {  	_ = 	snop  }
0x4: {  	_ = 	snop  }
0x5: {  	_ = 	snop  }
0x6: {  	_ = 	snop  }
0x7: {  	_ = 	snop  }
__scs_overlays_trampoline_lowered:
0x8: {  	[smem:$0x3FA8] =	sst s0  }
0x9: {  	[smem:$0x3FA9] =	sst s1  }
0xa: {  	[smem:$0x3FAA] =	sst s2  }
0xb: {  	[smem:$0x3FAB] =	sst s3  }
0xc: {  	[smem:$0x3FAC] =	sst s4  }
0xd: {  	[smem:$0x3FAD] =	sst s5  }
0xe: {  	[smem:$0x3FAE] =	sst s6  }
0xf: {  	[smem:$0x3FAF] =	sst s7  }
0x10: {  	[smem:$0x3FB0] =	sst s8  }
0x11: {  	[smem:$0x3FB1] =	sst s9;
	s0 =	simm.s32 @!p0 $0x0  }
0x12: {  	s1 =	sld [smem:$0x3F97];
	s0 =	simm.s32 @p0 $0x1  }
0x13: {  	[smem:$0x3FB2] =	sst s0;
	s0 =	simm.s32 @!p1 $0x0  }
0x14: {  	s2 =	sld [smem:$0x3F96];
	s0 =	simm.s32 @p1 $0x1  }
0x15: {  	[smem:$0x3FB3] =	sst s0;
	s0 =	simm.s32 @!p2 $0x0  }
0x16: {  	s3 =	sld [smem:$0x3FDB];
	s0 =	simm.s32 @p2 $0x1  }
0x17: {  	s4 =	simm.s32 $0x1BF5;
	[smem:$0x3FB5] =	sst s0  }
0x18: {  	s0 =	sld [smem:$0x3F98];
	_ =	swait.ge [sflag:s4], $0x0  }
0x19: {  	s7 =	sld [smem:$0x3F99]  }
0x1a: {  	s8 =	sadd.s32 $0xFFFFE003, lr  }
0x1b: {  	s9 =	sadd.s32 $0xFFFFFEF7, lr;
	s5 =	simm.s32 $0xFFFFFFFF;
	p2 =	slt.u32 s8, $0xFFFFF086  }
0x1c: {  	p1 =	slt.u32 s9, $0xF7A;
	s5 =	simm.s32 @!p2 $0x0  }
0x1d: {  	s5 =	simm.s32 @p1 $0x1;
	p0 =	seq.s32 s7, s2  }
0x1e: {  	s7 =	smul.u32 @!p0 $0xF7A, s2;
	p2 =	seq.s32 @!p0 s5, $0x0  }
0x1f: {  	s9 =	smul.u32 $0xF7A, s1;
	s8 =	simm.s32 @!p0 $0x1BF5;
	p2 =	por !p2, p0  }
0x20: {  	[sflag:s8] =	ssyncset.s32 @!p0 $0xFFFFF086;
	s6 =	sadd.s32 @!p0 s3, s7;
	s7 =	simm.s32 @!p0 $0x108  }
0x21: {  	s3 =	sadd.s32 s3, s9;
	s6 =	sadd.s32 @!p0 $0x88, s6;
	s7 =	simm.s32 @p2 $0x1082  }
0x22: {  	[simem:s7], [sflag:s8] =	dma.local @!p0 [hbm:s6], $0xF7A  }
0x23: {  	s9 =	sor.u32 $0xD0000000, s2;
	s6 =	simm.s32 $0x108;
	_ =	swait.ge @!p0 [sflag:s8], $0x0  }
0x24: {  	s3 =	sadd.s32 $0x88, s3;
	s6 =	simm.s32 @!p1 $0x1082;
	[sflag:s4] =	ssyncset.s32 $0xFFFFF086  }
0x25: {  	[simem:s6], [sflag:s4] =	dma.local [hbm:s3], $0xF7A  }
0x26: {  	[smem:$0x3F99] =	sst s1;
	(tag) =	ssettag s2;
	_ =	strace s9  }
0x27: {  	s1 =	sld [smem:$0x3FA9]  }
0x28: {  	s2 =	sld [smem:$0x3FAA]  }
0x29: {  	s4 =	sld [smem:$0x3FAC]  }
0x2a: {  	p0 =	seq.s32 s5, $0x0;
	s5 =	sld [smem:$0x3FAD]  }
0x2b: {  	s6 =	sld [smem:$0x3FAE]  }
0x2c: {  	s7 =	sld [smem:$0x3FAF]  }
0x2d: {  	s3 =	simm.s32 $0x108;
	s8 =	sld [smem:$0x3FB0]  }
0x2e: {  	s3 =	simm.s32 @!p0 $0x1082;
	s9 =	sld [smem:$0x3FB1]  }
0x2f: {  	lr =	sadd.s32 s0, s3;
	s0 =	sld [smem:$0x3FA8]  }
0x30: {  	s3 =	sld [smem:$0x3FAB]  }
0x31: {  	[smem:$0x3FB4] =	sst s10  }
0x32: {  	s10 =	sld [smem:$0x3FB2];
	_ =	sdelay $0x3  }
0x33: {  	p0 =	seq.s32 s10, $0x1;
	s10 =	sld [smem:$0x3FB4];
	_ =	sdelay $0x3  }
0x34: {  	[smem:$0x3FB4] =	sst s10  }
0x35: {  	s10 =	sld [smem:$0x3FB3];
	_ =	sdelay $0x3  }
0x36: {  	p1 =	seq.s32 s10, $0x1;
	s10 =	sld [smem:$0x3FB4];
	_ =	sdelay $0x3  }
0x37: {  	[smem:$0x3FB4] =	sst s10  }
0x38: {  	s10 =	sld [smem:$0x3FB5]  }
0x39: {  	_ = 	snop;
	(pc) =	sbr.ind lr, $3  }
0x3a: {  	_ = 	snop  }
0x3b: {  	_ = 	snop  }
0x3c: {  	p2 =	seq.s32 s10, $0x1;
	s10 =	sld [smem:$0x3FB4]  }
0x3d: {  	_ =	shalt  }
0x3e: {  	_ =	shalt  }
0x3f: {  	_ =	shalt  }
0x40: {  	_ =	shalt  }
0x41: {  	_ =	shalt  }
0x42: {  	_ =	shalt  }
0x43: {  	_ =	shalt  }
0x44: {  	_ =	shalt  }
0x45: {  	_ =	shalt  }
0x46: {  	_ =	shalt  }
0x47: {  	_ =	shalt  }
0x48: {  	_ =	shalt  }
0x49: {  	_ =	shalt  }
0x4a: {  	_ =	shalt  }
0x4b: {  	_ =	shalt  }
0x4c: {  	_ =	shalt  }
0x4d: {  	_ =	shalt  }
0x4e: {  	_ =	shalt  }
0x4f: {  	_ =	shalt  }
0x50: {  	_ =	shalt  }
0x51: {  	_ =	shalt  }
0x52: {  	_ =	shalt  }
0x53: {  	_ =	shalt  }
0x54: {  	_ =	shalt  }
0x55: {  	_ =	shalt  }
0x56: {  	_ =	shalt  }
0x57: {  	_ =	shalt  }
0x58: {  	_ =	shalt  }
0x59: {  	_ =	shalt  }
0x5a: {  	_ =	shalt  }
0x5b: {  	_ =	shalt  }
0x5c: {  	_ =	shalt  }
0x5d: {  	_ =	shalt  }
0x5e: {  	_ =	shalt  }
0x5f: {  	_ =	shalt  }
0x60: {  	_ =	shalt  }
0x61: {  	_ =	shalt  }
0x62: {  	_ =	shalt  }
0x63: {  	_ =	shalt  }
0x64: {  	_ =	shalt  }
0x65: {  	_ =	shalt  }
0x66: {  	_ =	shalt  }
0x67: {  	_ =	shalt  }
0x68: {  	_ =	shalt  }
0x69: {  	_ =	shalt  }
0x6a: {  	_ =	shalt  }
0x6b: {  	_ =	shalt  }
0x6c: {  	_ =	shalt  }
0x6d: {  	_ =	shalt  }
0x6e: {  	_ =	shalt  }
0x6f: {  	_ =	shalt  }
0x70: {  	_ =	shalt  }
0x71: {  	_ =	shalt  }
0x72: {  	_ =	shalt  }
0x73: {  	_ =	shalt  }
0x74: {  	_ =	shalt  }
0x75: {  	_ =	shalt  }
0x76: {  	_ =	shalt  }
0x77: {  	_ =	shalt  }
0x78: {  	_ =	shalt  }
0x79: {  	_ =	shalt  }
0x7a: {  	_ =	shalt  }
0x7b: {  	_ =	shalt  }
0x7c: {  	_ =	shalt  }
0x7d: {  	_ =	shalt  }
0x7e: {  	_ =	shalt  }
0x7f: {  	_ =	shalt  }
0x80: {  	_ =	shalt  }
0x81: {  	_ =	shalt  }
0x82: {  	_ =	shalt  }
0x83: {  	_ =	shalt  }
0x84: {  	_ =	shalt  }
0x85: {  	_ =	shalt  }
0x86: {  	_ =	shalt  }
0x87: {  	_ =	shalt  }
.Lfunc_end0:
.L_simem_size_0:
called_computation.2_lowered:
.L_overlay_start_0:
0x88: {  	s2 =	sld [smem:$0x3FD9]  }
0x89: {  	s3 =	sld [smem:$0x3FFE];
	_ =	sdelay $0x1  }
0x8a: {  	s1 =	srdreg.scid  }
0x8b: {  	s0 =	sand.u32 $0x1, s1  }
0x8c: {  	s17 =	sshll.u32 s0, $0xA;
	s2 =	sadd.s32 s3, s2  }
0x8d: {  	s2 =	sadd.s32 s2, s17  }
0x8e: {  	[smem:$0x3FC0] =	sst s2  }
0x8f: {  	_ = 	snop  }
0x90: {  	s2 =	sld [smem:$0x3FD0];
	(tm) =	ssettm $0x1  }
0x91: {  	s18 =	sld [smem:$0x3FFB];
	_ =	sdelay $0x3  }
0x92: {  	_ =	strace s18  }
0x93: {  	s3 =	sld [smem:$0x3FFC];
	_ =	sdelay $0x3  }
0x94: {  	_ =	strace s3  }
0x95: {  	s3 =	sld [smem:$0x3FFD];
	_ =	sdelay $0x3  }
0x96: {  	_ =	strace s3  }
0x97: {  	_ =	strace $0x8FFFFFFF  }
0x98: {  	s19 =	sld [smem:$0x3FDB];
	_ =	sdelay $0x1  }
0x99: {  	s4 =	simm.s32 $_scs_section_size  }
0x9a: {  	s5 =	simm.s32 $_size__tile_overlayer_lowered;
	s6 =	simm.s32 $_tile_overlayer_lowered  }
0x9b: {  	s22 =	simm.s32 $0x1BFF;
	s21 =	sshll.u32 s6, $0x1;
	s3 =	sadd.s32 s4, s19  }
0x9c: {  	s7 =	simm.s32 $0x0;
	s20 =	sshll.u32 s5, $0x1;
	s5 =	sadd.s32 s21, s3  }
0x9d: {  	[timem:s7], [sflag:s22] =	dma.local [hbm:s5], s20  }
0x9e: {  	_ =	swait.ge [sflag:s22], s20  }
0x9f: {  	s4 =	ssub.s32 $0x0, s20;
	[sflag:s22] =	ssyncset.done $0x0  }
0xa0: {  	[sflag:s22] =	ssyncadd.s32 s4;
	_ =	sdelay $0x1  }
0xa1: {  	s23 =	simm.s32 $0x1B8B  }
0xa2: {  	_ =	swait.ge [sflag:s23], $0x1  }
0xa3: {  	[sflag:s23] =	ssyncset.done $0x0  }
0xa4: {  	s25 =	simm.s32 $0x1B8E;
	s24 =	sld [smem:$0x3FFE];
	[sflag:s23] =	ssyncadd.s32 $0xFFFFFFFF  }
0xa5: {  	s26 =	simm.s32 $execute0_lowered;
	[smem:$0x3FD2] =	sst s25  }
0xa6: {  	s5 =	sshll.u32 s26, $0x1;
	_ =	strace $0x8000004C;
	[dreg:$0x1] =	wrdreg $0xFFFFFFFF  }
0xa7: {  	s28 =	simm.s32 $_size_execute0_lowered;
	s3 =	sadd.s32 s3, s5;
	[dreg:$0x0] =	wrdreg $0x0  }
0xa8: {  	s5 =	sshll.u32 s28, $0x1;
	[dreg:$0x2] =	wrdreg s3  }
0xa9: {  	[dreg:$0x3] =	wrdreg s5  }
0xaa: {  	[dreg:$0x4] =	wrdreg $0xC0  }
0xab: {  	_ =	task [dreg:s7], $0x5FFFF  }
0xac: {  	[dreg:$0x1] =	wrdreg $0xFFFFFFFF  }
0xad: {  	[dreg:$0x0] =	wrdreg $0x60  }
0xae: {  	[dreg:$0x2] =	wrdreg s24  }
0xaf: {  	[dreg:$0x3] =	wrdreg s2  }
0xb0: {  	[dreg:$0x4] =	wrdreg $0x90000  }
0xb1: {  	[dreg:$0x5] =	wrdreg $0x9  }
0xb2: {  	_ =	task.clear_ibuf [dreg:s7], $0x6FFFF;
	_ =	strace $0x9000004C  }
0xb3: {  	s29 =	simm.s32 $0x9;
	_ =	strace $0x8000004E  }
0xb4: {  	_ =	swait.ge [sflag:s29], $0x1  }
0xb5: {  	[sflag:s29] =	ssyncadd.s32 $0xFFFFFFFF  }
0xb6: {  	_ =	strace $0x9000004E  }
0xb7: {  	_ =	sfence  }
0xb8: {  	s30 =	sld [smem:$0x0];
	_ =	sdelay $0x2  }
0xb9: {  	s31 =	sshll.u32 s1, $0xD;
	s1 =	sshrl.u32 s1, $0x2  }
0xba: {  	s3 =	sand.u32 $0x4000, s31;
	s1 =	sadd.s32 s1, s30  }
0xbb: {  	s0 =	sor.u32 s3, s0;
	s1 =	sshll.u32 s1, $0x11  }
0xbc: {  	s0 =	sor.u32 s1, s0  }
0xbd: {  	s0 =	sadd.s32 $0x8F2B, s0  }
0xbe: {  	[sflag:s0] =	ssyncadd.remote.s32 $0x1  }
0xbf: {  	_ =	sfence.sel $0xFFFF  }
0xc0: {  	[dreg:$0x0] =	wrdreg $0xFFFFFFFF;
	(pc) =	sbr.abs _section_cstart, $3  }
0xc1: {  	[dreg:$0x1] =	wrdreg $0xFFFFFFFF  }
0xc2: {  	_ =	task.clear_ibuf [dreg:s7], $0x2FFFF;
	_ =	strace $0x9FFFFFFF  }
0xc3: {  	(tm) =	ssettm $0x7FFFFFFF  }
tec
execute0_lowered:
.L_overlay_start_1:
0x0: {  	(tag) =	ssettag $0x1  }
0x1: {  	s0 =	rddreg [dreg:$0x0]  }
0x2: {  	s2 =	rddreg [dreg:$0x1]  }
0x3: {  	s1 =	rddreg [dreg:$0x2];
	s3 =	simm.s32 $0x0;
	s4 =	srdreg.scid  }
0x4: {  	s9 =	stileid.u32;
	s12 =	simm.s32 $0x1000;
	s13 =	simm.s32 $0x3  }
0x5: {  	s14 =	simm.s32 $0x800;
	s15 =	simm.s32 $0x80;
	s16 =	simm.s32 $0x5000  }
0x6: {  	s17 =	simm.s32 $0x1;
	s19 =	simm.s32 $0x2;
	s21 =	simm.s32 $0x400  }
0x7: {  	s22 =	simm.s32 $0xB80;
	s31 =	simm.s32 $0xC80;
	s11 =	simm.s32 $0xE80  }
0x8: {  	s18 =	simm.s32 $0xF80;
	s5 =	sand.u32 $0x1, s4;
	s4 =	smul.u32 $0x90, s9  }
0x9: {  	[smem:$0x7FF] =	sst s3;
	s6 =	sshll.u32 s9, $0x4;
	s8 =	smul.u32 $0x14000, s9  }
0xa: {  	s9 =	smul.u32 $0x50000, s9;
	p0 =	seq.s32 s5, $0x0;
	s6 =	sor.u32 $0x900, s6  }
0xb: {  	s7 =	smul.u32 $0x140000, s5;
	_ =	strace $0x8000004D;
	s23 =	ssub.s32 $0x2, s5  }
0xc: {  	s6 =	smov.u32 @p0 s4;
	s4 =	sadd.s32 $0xEC00, s0;
	s9 =	sshrl.u32 s9, $0x2  }
0xd: {  	s24 =	sshrl.u32 s23, $0x1;
	p0 =	sne.s32 s5, $0x0;
	s5 =	simm.s32 $0xF00  }
0xe: {  	s6 =	sshll.u32 s6, $0x4;
	s7 =	sadd.s32 s8, s7;
	s9 =	sadd.s32 s9, s1  }
0xf: {  	s8 =	simm.s32 $0x680;
	s10 =	sadd.s32 s6, s0;
	s7 =	sshrl.u32 s7, $0x3  }
0x10: {  	s25 =	sadd.s32 $0x8000, s9;
	s26 =	sadd.s32 $0x10000, s9;
	[dreg:$0x4] =	wrdreg s9  }
0x11: {  	s29 =	sadd.s32 s6, s2;
	s2 =	simm.s32 $0xD00;
	[dreg:$0x5] =	wrdreg s25  }
0x12: {  	s6 =	simm.s32 $0x600;
	s0 =	sadd.s32 s7, s0;
	[dreg:$0x6] =	wrdreg s26  }
0x13: {  	s7 =	ssub.s32 s23, s24;
	[dreg:$0x9] =	wrdreg s29;
	s30 =	sadd.s32 $0x4C00, s10  }
0x14: {  	s24 =	simm.s32 $0x780;
	s23 =	simm.s32 $0x480;
	s25 =	simm.s32 $0xC00  }
0x15: {  	s26 =	simm.s32 $0x500;
	s0 =	sadd.s32 $0xB9200, s0;
	[dreg:$0xa] =	wrdreg s30  }
0x16: {  	s10 =	simm.s32 $0x700;
	s28 =	smax.u32 s7, $0x1;
	[dreg:$0x7] =	wrdreg s0  }
0x17: {  	v0 =	vimm.f32 $0.0e+00;
	s7 =	simm.s32 $0xD80;
	[dreg:$0x8] =	wrdreg s28;
	s0 =	simm.s32 $0x0  }
.LBB2_1:
0x18: {  	[dreg:$0xb] =	wrdreg s0;
	s28 =	simm.s32 $0x0;
	s29 =	simm.s32 $0x200  }
.LBB2_2:
0x19: {  	p1 =	sne.s32 s29, $0x1FE00;
	[tilespmem:s28+$0x1070] =	vst v0  }
0x1a: {  	[tilespmem:s28+$0x1000] =	vst v0  }
0x1b: {  	[tilespmem:s28+$0x1010] =	vst v0  }
.Ltmp0:
0x1c: {  	[tilespmem:s28+$0x1020] =	vst v0;
	(pc) =	sbr.rel @p1 .LBB2_2-.Ltmp0, $4  }
0x1d: {  	[tilespmem:s28+$0x1030] =	vst v0  }
0x1e: {  	[tilespmem:s28+$0x1040] =	vst v0  }
0x1f: {  	[tilespmem:s28+$0x1050] =	vst v0  }
0x20: {  	[tilespmem:s28+$0x1060] =	vst v0;
	s28 =	sshra.s32 s29, $0x2;
	s29 =	sadd.s32 $0x200, s29  }
0x21: {  	[tilespmem:s28+$0x1070] =	vst v0  }
0x22: {  	[tilespmem:s28+$0x1000] =	vst v0  }
0x23: {  	[tilespmem:s28+$0x1010] =	vst v0  }
0x24: {  	[tilespmem:s28+$0x1020] =	vst v0  }
0x25: {  	[tilespmem:s28+$0x1030] =	vst v0  }
0x26: {  	[tilespmem:s28+$0x1040] =	vst v0  }
0x27: {  	[tilespmem:s28+$0x1050] =	vst v0  }
0x28: {  	[tilespmem:s28+$0x1060] =	vst v0  }
0x29: {  	[spmem:s9] =	stream.linear.scatter [tilespmem:s12], [sflag:$0x3], $0x8000, $0x38;
	[tilespmem:$0x1D000] =	vst v63  }
0x2a: {  	_ =	swait.ge [sflag:s13], $0x8000  }
0x2b: {  	[sflag:s13] =	ssyncset.done $0x0  }
0x2c: {  	s28 =	rddreg [dreg:$0x5];
	[sflag:s13] =	ssyncadd.s32 $0xFFFF8000  }
0x2d: {  	[spmem:s28] =	stream.linear.scatter [tilespmem:s12], [sflag:$0x3], $0x8000, $0x38;
	[tilespmem:$0x1D000] =	vst v63  }
0x2e: {  	_ =	swait.ge [sflag:s13], $0x8000  }
0x2f: {  	[sflag:s13] =	ssyncset.done $0x0  }
0x30: {  	s28 =	rddreg [dreg:$0x6];
	[sflag:s13] =	ssyncadd.s32 $0xFFFF8000  }
0x31: {  	[spmem:s28] =	stream.linear.scatter [tilespmem:s12], [sflag:$0x3], $0x4000, $0x38;
	[tilespmem:$0x1D000] =	vst v63  }
0x32: {  	_ =	swait.ge [sflag:s13], $0x4000  }
0x33: {  	[sflag:s13] =	ssyncset.done $0x0  }
0x34: {  	[sflag:s13] =	ssyncadd.s32 $0xFFFFC000  }
0x35: {  	[bflag:$0x0] =	sbarrier.arrive $0xFFFF  }
0x36: {  	s30 =	simm.s32 $0x0;
	s28 =	rddreg [dreg:$0xa]  }
0x37: {  	s0 =	simm.s32 $0x580;
	s9 =	simm.s32 $0xE00;
	s29 =	rddreg [dreg:$0x9]  }
.LBB2_4:
0x38: {  	[tilespmem:s3], [sflag:$0x3] =	stream.linear.gather [hbm4b:s28+s3], $0x800, $0x38;
	[tilespmem:$0x1D000] =	vst v63  }
0x39: {  	_ =	swait.ge [sflag:s13], $0x800  }
0x3a: {  	[sflag:s13] =	ssyncset.done $0x0  }
0x3b: {  	[sflag:s13] =	ssyncadd.s32 $0xFFFFF800  }
0x3c: {  	[tilespmem:s14], [sflag:$0x3] =	stream.linear.gather [hbm4b:s29+s3], $0x800, $0x38;
	[tilespmem:$0x1D000] =	vst v63  }
0x3d: {  	_ =	swait.ge [sflag:s13], $0x800  }
0x3e: {  	[sflag:s13] =	ssyncset.done $0x0  }
0x3f: {  	[sflag:s13] =	ssyncadd.s32 $0xFFFFF800  }
0x40: {  	[tilespmem:s12], [sflag:$0x1] =	stream.indirect.gather [hbm4b:s4+s15], $0x80, s3, s15, $0xb8;
	[tilespmem:$0x1D000] =	vst v63  }
0x41: {  	_ = 	snop  }
0x42: {  	[tilespmem:s16], [sflag:$0x2] =	stream.indirect.gather [hbm4b:s4+s15], $0x80, s15, s15, $0xb8;
	[tilespmem:$0x1D000] =	vst v63  }
0x43: {  	_ =	swait.ge [sflag:s17], $0x4000  }
0x44: {  	[sflag:s17] =	ssyncset.done $0x0  }
0x45: {  	[sflag:s17] =	ssyncadd.s32 $0xFFFFC000  }
0x46: {  	[spmem:s1] =	stream.indirect.scatter.add.f32 [tilespmem:s12], [sflag:$0x3], $0x80, s14, s15, $0xb8;
	[tilespmem:$0x1D000] =	vst v63  }
0x47: {  	_ =	swait.ge [sflag:s13], $0x4000  }
0x48: {  	[sflag:s13] =	ssyncset.done $0x0  }
0x49: {  	s20 =	simm.s32 $0x100;
	[sflag:s13] =	ssyncadd.s32 $0xFFFFC000  }
0x4a: {  	[tilespmem:s12], [sflag:$0x1] =	stream.indirect.gather [hbm4b:s4+s15], $0x80, s20, s15, $0xb8;
	[tilespmem:$0x1D000] =	vst v63  }
0x4b: {  	_ =	swait.ge [sflag:s19], $0x4000  }
0x4c: {  	[sflag:s19] =	ssyncset.done $0x0  }
0x4d: {  	s20 =	simm.s32 $0x880;
	[sflag:s19] =	ssyncadd.s32 $0xFFFFC000  }
0x4e: {  	[spmem:s1] =	stream.indirect.scatter.add.f32 [tilespmem:s16], [sflag:$0x3], $0x80, s20, s15, $0xb8;
	[tilespmem:$0x1D000] =	vst v63  }
0x4f: {  	_ =	swait.ge [sflag:s13], $0x4000  }
0x50: {  	[sflag:s13] =	ssyncset.done $0x0  }
0x51: {  	s20 =	simm.s32 $0x180;
	[sflag:s13] =	ssyncadd.s32 $0xFFFFC000  }
0x52: {  	[tilespmem:s16], [sflag:$0x2] =	stream.indirect.gather [hbm4b:s4+s15], $0x80, s20, s15, $0xb8;
	[tilespmem:$0x1D000] =	vst v63  }
0x53: {  	_ =	swait.ge [sflag:s17], $0x4000  }
0x54: {  	[sflag:s17] =	ssyncset.done $0x0  }
0x55: {  	s20 =	simm.s32 $0x900;
	[sflag:s17] =	ssyncadd.s32 $0xFFFFC000  }
0x56: {  	[spmem:s1] =	stream.indirect.scatter.add.f32 [tilespmem:s12], [sflag:$0x3], $0x80, s20, s15, $0xb8;
	[tilespmem:$0x1D000] =	vst v63  }
0x57: {  	_ =	swait.ge [sflag:s13], $0x4000  }
0x58: {  	[sflag:s13] =	ssyncset.done $0x0  }
0x59: {  	s20 =	simm.s32 $0x200;
	[sflag:s13] =	ssyncadd.s32 $0xFFFFC000  }
0x5a: {  	[tilespmem:s12], [sflag:$0x1] =	stream.indirect.gather [hbm4b:s4+s15], $0x80, s20, s15, $0xb8;
	[tilespmem:$0x1D000] =	vst v63  }
0x5b: {  	_ =	swait.ge [sflag:s19], $0x4000  }
0x5c: {  	[sflag:s19] =	ssyncset.done $0x0  }
0x5d: {  	s20 =	simm.s32 $0x980;
	[sflag:s19] =	ssyncadd.s32 $0xFFFFC000  }
0x5e: {  	[spmem:s1] =	stream.indirect.scatter.add.f32 [tilespmem:s16], [sflag:$0x3], $0x80, s20, s15, $0xb8;
	[tilespmem:$0x1D000] =	vst v63  }
0x5f: {  	_ =	swait.ge [sflag:s13], $0x4000  }
0x60: {  	[sflag:s13] =	ssyncset.done $0x0  }
0x61: {  	s20 =	simm.s32 $0x280;
	[sflag:s13] =	ssyncadd.s32 $0xFFFFC000  }
0x62: {  	[tilespmem:s16], [sflag:$0x2] =	stream.indirect.gather [hbm4b:s4+s15], $0x80, s20, s15, $0xb8;
	[tilespmem:$0x1D000] =	vst v63  }
0x63: {  	_ =	swait.ge [sflag:s17], $0x4000  }
0x64: {  	[sflag:s17] =	ssyncset.done $0x0  }
0x65: {  	s20 =	simm.s32 $0xA00;
	[sflag:s17] =	ssyncadd.s32 $0xFFFFC000  }
0x66: {  	[spmem:s1] =	stream.indirect.scatter.add.f32 [tilespmem:s12], [sflag:$0x3], $0x80, s20, s15, $0xb8;
	[tilespmem:$0x1D000] =	vst v63  }
0x67: {  	_ =	swait.ge [sflag:s13], $0x4000  }
0x68: {  	[sflag:s13] =	ssyncset.done $0x0  }
0x69: {  	s20 =	simm.s32 $0x300;
	[sflag:s13] =	ssyncadd.s32 $0xFFFFC000  }
0x6a: {  	[tilespmem:s12], [sflag:$0x1] =	stream.indirect.gather [hbm4b:s4+s15], $0x80, s20, s15, $0xb8;
	[tilespmem:$0x1D000] =	vst v63  }
0x6b: {  	_ =	swait.ge [sflag:s19], $0x4000  }
0x6c: {  	[sflag:s19] =	ssyncset.done $0x0  }
0x6d: {  	s20 =	simm.s32 $0xA80;
	[sflag:s19] =	ssyncadd.s32 $0xFFFFC000  }
0x6e: {  	[spmem:s1] =	stream.indirect.scatter.add.f32 [tilespmem:s16], [sflag:$0x3], $0x80, s20, s15, $0xb8;
	[tilespmem:$0x1D000] =	vst v63  }
0x6f: {  	_ =	swait.ge [sflag:s13], $0x4000  }
0x70: {  	[sflag:s13] =	ssyncset.done $0x0  }
0x71: {  	s20 =	simm.s32 $0x380;
	[sflag:s13] =	ssyncadd.s32 $0xFFFFC000  }
0x72: {  	[tilespmem:s16], [sflag:$0x2] =	stream.indirect.gather [hbm4b:s4+s15], $0x80, s20, s15, $0xb8;
	[tilespmem:$0x1D000] =	vst v63  }
0x73: {  	_ =	swait.ge [sflag:s17], $0x4000  }
0x74: {  	[sflag:s17] =	ssyncset.done $0x0  }
0x75: {  	s20 =	simm.s32 $0xB00;
	[sflag:s17] =	ssyncadd.s32 $0xFFFFC000  }
0x76: {  	[spmem:s1] =	stream.indirect.scatter.add.f32 [tilespmem:s12], [sflag:$0x3], $0x80, s20, s15, $0xb8;
	[tilespmem:$0x1D000] =	vst v63  }
0x77: {  	_ =	swait.ge [sflag:s13], $0x4000  }
0x78: {  	[sflag:s13] =	ssyncset.done $0x0  }
0x79: {  	[sflag:s13] =	ssyncadd.s32 $0xFFFFC000  }
0x7a: {  	[tilespmem:s12], [sflag:$0x1] =	stream.indirect.gather [hbm4b:s4+s15], $0x80, s21, s15, $0xb8;
	[tilespmem:$0x1D000] =	vst v63  }
0x7b: {  	_ =	swait.ge [sflag:s19], $0x4000  }
0x7c: {  	[sflag:s19] =	ssyncset.done $0x0  }
0x7d: {  	[sflag:s19] =	ssyncadd.s32 $0xFFFFC000  }
0x7e: {  	[spmem:s1] =	stream.indirect.scatter.add.f32 [tilespmem:s16], [sflag:$0x3], $0x80, s22, s15, $0xb8;
	[tilespmem:$0x1D000] =	vst v63  }
0x7f: {  	_ =	swait.ge [sflag:s13], $0x4000  }
0x80: {  	[sflag:s13] =	ssyncset.done $0x0  }
0x81: {  	[sflag:s13] =	ssyncadd.s32 $0xFFFFC000  }
0x82: {  	[tilespmem:s16], [sflag:$0x2] =	stream.indirect.gather [hbm4b:s4+s15], $0x80, s23, s15, $0xb8;
	[tilespmem:$0x1D000] =	vst v63  }
0x83: {  	_ =	swait.ge [sflag:s17], $0x4000  }
0x84: {  	[sflag:s17] =	ssyncset.done $0x0  }
0x85: {  	[sflag:s17] =	ssyncadd.s32 $0xFFFFC000  }
0x86: {  	[spmem:s1] =	stream.indirect.scatter.add.f32 [tilespmem:s12], [sflag:$0x3], $0x80, s25, s15, $0xb8;
	[tilespmem:$0x1D000] =	vst v63  }
0x87: {  	_ =	swait.ge [sflag:s13], $0x4000  }
0x88: {  	[sflag:s13] =	ssyncset.done $0x0  }
0x89: {  	[sflag:s13] =	ssyncadd.s32 $0xFFFFC000  }
0x8a: {  	[tilespmem:s12], [sflag:$0x1] =	stream.indirect.gather [hbm4b:s4+s15], $0x80, s26, s15, $0xb8;
	[tilespmem:$0x1D000] =	vst v63  }
0x8b: {  	_ =	swait.ge [sflag:s19], $0x4000  }
0x8c: {  	[sflag:s19] =	ssyncset.done $0x0  }
0x8d: {  	[sflag:s19] =	ssyncadd.s32 $0xFFFFC000  }
0x8e: {  	[spmem:s1] =	stream.indirect.scatter.add.f32 [tilespmem:s16], [sflag:$0x3], $0x80, s31, s15, $0xb8;
	[tilespmem:$0x1D000] =	vst v63  }
0x8f: {  	_ =	swait.ge [sflag:s13], $0x4000  }
0x90: {  	[sflag:s13] =	ssyncset.done $0x0  }
0x91: {  	[sflag:s13] =	ssyncadd.s32 $0xFFFFC000  }
0x92: {  	[tilespmem:s16], [sflag:$0x2] =	stream.indirect.gather [hbm4b:s4+s15], $0x80, s0, s15, $0xb8;
	[tilespmem:$0x1D000] =	vst v63  }
0x93: {  	_ =	swait.ge [sflag:s17], $0x4000  }
0x94: {  	[sflag:s17] =	ssyncset.done $0x0  }
0x95: {  	[sflag:s17] =	ssyncadd.s32 $0xFFFFC000  }
0x96: {  	[spmem:s1] =	stream.indirect.scatter.add.f32 [tilespmem:s12], [sflag:$0x3], $0x80, s2, s15, $0xb8;
	[tilespmem:$0x1D000] =	vst v63  }
0x97: {  	_ =	swait.ge [sflag:s13], $0x4000  }
0x98: {  	[sflag:s13] =	ssyncset.done $0x0  }
0x99: {  	[sflag:s13] =	ssyncadd.s32 $0xFFFFC000  }
0x9a: {  	[tilespmem:s12], [sflag:$0x1] =	stream.indirect.gather [hbm4b:s4+s15], $0x80, s6, s15, $0xb8;
	[tilespmem:$0x1D000] =	vst v63  }
0x9b: {  	_ =	swait.ge [sflag:s19], $0x4000  }
0x9c: {  	[sflag:s19] =	ssyncset.done $0x0  }
0x9d: {  	[sflag:s19] =	ssyncadd.s32 $0xFFFFC000  }
0x9e: {  	[spmem:s1] =	stream.indirect.scatter.add.f32 [tilespmem:s16], [sflag:$0x3], $0x80, s7, s15, $0xb8;
	[tilespmem:$0x1D000] =	vst v63  }
0x9f: {  	_ =	swait.ge [sflag:s13], $0x4000  }
0xa0: {  	[sflag:s13] =	ssyncset.done $0x0  }
0xa1: {  	[sflag:s13] =	ssyncadd.s32 $0xFFFFC000  }
0xa2: {  	[tilespmem:s16], [sflag:$0x2] =	stream.indirect.gather [hbm4b:s4+s15], $0x80, s8, s15, $0xb8;
	[tilespmem:$0x1D000] =	vst v63  }
0xa3: {  	_ =	swait.ge [sflag:s17], $0x4000  }
0xa4: {  	[sflag:s17] =	ssyncset.done $0x0  }
0xa5: {  	[sflag:s17] =	ssyncadd.s32 $0xFFFFC000  }
0xa6: {  	[spmem:s1] =	stream.indirect.scatter.add.f32 [tilespmem:s12], [sflag:$0x3], $0x80, s9, s15, $0xb8;
	[tilespmem:$0x1D000] =	vst v63  }
0xa7: {  	_ =	swait.ge [sflag:s13], $0x4000  }
0xa8: {  	[sflag:s13] =	ssyncset.done $0x0  }
0xa9: {  	[sflag:s13] =	ssyncadd.s32 $0xFFFFC000  }
0xaa: {  	[tilespmem:s12], [sflag:$0x1] =	stream.indirect.gather [hbm4b:s4+s15], $0x80, s10, s15, $0xb8;
	[tilespmem:$0x1D000] =	vst v63  }
0xab: {  	_ =	swait.ge [sflag:s19], $0x4000  }
0xac: {  	[sflag:s19] =	ssyncset.done $0x0  }
0xad: {  	[sflag:s19] =	ssyncadd.s32 $0xFFFFC000  }
0xae: {  	[spmem:s1] =	stream.indirect.scatter.add.f32 [tilespmem:s16], [sflag:$0x3], $0x80, s11, s15, $0xb8;
	[tilespmem:$0x1D000] =	vst v63  }
0xaf: {  	_ =	swait.ge [sflag:s13], $0x4000  }
0xb0: {  	[sflag:s13] =	ssyncset.done $0x0  }
0xb1: {  	[sflag:s13] =	ssyncadd.s32 $0xFFFFC000  }
0xb2: {  	[tilespmem:s16], [sflag:$0x2] =	stream.indirect.gather [hbm4b:s4+s15], $0x80, s24, s15, $0xb8;
	[tilespmem:$0x1D000] =	vst v63  }
0xb3: {  	_ =	swait.ge [sflag:s17], $0x4000  }
0xb4: {  	[sflag:s17] =	ssyncset.done $0x0  }
0xb5: {  	[sflag:s17] =	ssyncadd.s32 $0xFFFFC000  }
0xb6: {  	[spmem:s1] =	stream.indirect.scatter.add.f32 [tilespmem:s12], [sflag:$0x3], $0x80, s5, s15, $0xb8;
	[tilespmem:$0x1D000] =	vst v63  }
0xb7: {  	_ =	swait.ge [sflag:s13], $0x4000  }
0xb8: {  	[sflag:s13] =	ssyncset.done $0x0  }
0xb9: {  	[sflag:s13] =	ssyncadd.s32 $0xFFFFC000  }
0xba: {  	[tilespmem:s12], [sflag:$0x1] =	stream.indirect.gather [hbm4b:s4+s15], $0x80, s24, s15, $0xb8;
	[tilespmem:$0x1D000] =	vst v63  }
0xbb: {  	_ =	swait.ge [sflag:s19], $0x4000  }
0xbc: {  	[sflag:s19] =	ssyncset.done $0x0  }
0xbd: {  	[sflag:s19] =	ssyncadd.s32 $0xFFFFC000  }
0xbe: {  	[spmem:s1] =	stream.indirect.scatter.add.f32 [tilespmem:s16], [sflag:$0x3], $0x80, s18, s15, $0xb8;
	[tilespmem:$0x1D000] =	vst v63  }
0xbf: {  	_ =	swait.ge [sflag:s13], $0x4000  }
0xc0: {  	[sflag:s13] =	ssyncset.done $0x0  }
0xc1: {  	p1 =	slt.u32 @!p0 s30, $0x8;
	[sflag:s13] =	ssyncadd.s32 $0xFFFFC000  }
0xc2: {  	[tilespmem:s16], [sflag:$0x2] =	stream.indirect.gather [hbm4b:s4+s15], $0x80, s24, s15, $0xb8;
	[tilespmem:$0x1D000] =	vst v63  }
0xc3: {  	p1 =	por p0, !p1;
	_ =	swait.ge [sflag:s17], $0x4000  }
.Ltmp1:
0xc4: {  	[sflag:s17] =	ssyncset.done $0x0;
	(pc) =	sbr.rel @!p1 .LBB2_4-.Ltmp1, $4  }
0xc5: {  	[sflag:s17] =	ssyncadd.s32 $0xFFFFC000  }
0xc6: {  	_ =	swait.ge [sflag:s19], $0x4000  }
0xc7: {  	s30 =	sadd.s32 $0x1, s30;
	[sflag:s19] =	ssyncset.done $0x0  }
0xc8: {  	s28 =	sadd.s32 $0x100, s28;
	s29 =	sadd.s32 $0x100, s29;
	[sflag:s19] =	ssyncadd.s32 $0xFFFFC000  }
0xc9: {  	s28 =	stileid.u32;
	[bflag:$0x0] =	sbarrier.arrive $0xFFFF  }
0xca: {  	s28 =	sshll.u32 s28, $0x6;
	s9 =	rddreg [dreg:$0x4]  }
0xcb: {  	s30 =	rddreg [dreg:$0x7];
	s28 =	sor.u32 $0x1C03, s28;
	s29 =	sshrl.u32 s9, $0x3  }
0xcc: {  	[hbm:s30], [sflag:s28] =	dma.local [spmem:s29], $0x2800  }
0xcd: {  	_ =	swait.ge [sflag:s13], $0x2800  }
0xce: {  	s0 =	rddreg [dreg:$0xb]  }
0xcf: {  	s30 =	rddreg [dreg:$0x8];
	s0 =	sadd.s32 $0x1, s0  }
0xd0: {  	p1 =	sne.s32 s0, s30  }
.Ltmp2:
0xd1: {  	_ = 	snop;
	(pc) =	sbr.rel @p1 .LBB2_1-.Ltmp2, $3  }
0xd2: {  	_ =	sdelay $0x1  }
0xd3: {  	[sflag:s13] =	ssyncset.done $0x0  }
0xd4: {  	[sflag:s13] =	ssyncadd.s32 $0xFFFFD800  }
0xd5: {  	_ =	sfence.sel $0x180000  }
0xd6: {  	[bflag:$0x0] =	sbarrier.arrive $0xFFFF  }
0xd7: {  	_ =	strace $0x9000004D  }
0xd8: {  	s0 =	stileid.u32;
	[bflag:$0x2] =	sbarrier.arrive $0xFFFF  }
0xd9: {  	p0 =	sne.s32 s0, $0x0;
	s0 =	rddreg [dreg:$0x3]  }
0xda: {  	s0 =	sadd.s32 @!p0 $0x100000, s0  }
0xdb: {  	[sflag:s0] =	ssyncadd.tile.s32 @!p0 $0x1;
	_ =	shalt  }
.Lfunc_end2:
_tile_overlayer_lowered:
.L_overlay_start_2:
0xdc: {  	(tag) =	ssettag $0x2  }
0xdd: {  	s0 =	rddreg [dreg:$0x0];
	s2 =	stileid.u32  }
0xde: {  	s1 =	rddreg [dreg:$0x1];
	p0 =	sne.s32 s2, $0x0  }
0xdf: {  	s3 =	rddreg [dreg:$0x2];
	[bflag:$0x3] =	sbarrier.arrive $0xFFFF;
	s2 =	simm.s32 @!p0 $0x1C03  }
0xe0: {  	[timem:s3], [sflag:s2] =	dma.local @!p0 [hbm:s0], s1  }
0xe1: {  	s0 =	simm.s32 @!p0 $0x3  }
0xe2: {  	_ =	swait.ge @!p0 [sflag:s0], s1  }
0xe3: {  	s1 =	ssub.s32 @!p0 $0x0, s1;
	[sflag:s0] =	ssyncset.done @!p0 $0x0  }
0xe4: {  	[sflag:s0] =	ssyncadd.s32 @!p0 s1  }
0xe5: {  	[bflag:$0x3] =	sbarrier.arrive $0xFFFF  }
0xe6: {  	_ =	shalt  }

// kernel: kernel.21.cloned.1.call-start
scs
__scs_entry_jumppad:
0x0: {  	(pc) =	sbr.rel $0x88, $3  }
0x1: {  	(tag) =	ssettag $0x0;
	lr =	simm.s32 $0x1  }
0x2: {  	[smem:$0x3F99] =	sst lr;
	_ =	strace $0xD0000000  }
0x3: {  	_ = 	snop  }
0x4: {  	_ = 	snop  }
0x5: {  	_ = 	snop  }
0x6: {  	_ = 	snop  }
0x7: {  	_ = 	snop  }
__scs_overlays_trampoline_lowered:
0x8: {  	[smem:$0x3FA8] =	sst s0  }
0x9: {  	[smem:$0x3FA9] =	sst s1  }
0xa: {  	[smem:$0x3FAA] =	sst s2  }
0xb: {  	[smem:$0x3FAB] =	sst s3  }
0xc: {  	[smem:$0x3FAC] =	sst s4  }
0xd: {  	[smem:$0x3FAD] =	sst s5  }
0xe: {  	[smem:$0x3FAE] =	sst s6  }
0xf: {  	[smem:$0x3FAF] =	sst s7  }
0x10: {  	[smem:$0x3FB0] =	sst s8  }
0x11: {  	[smem:$0x3FB1] =	sst s9;
	s0 =	simm.s32 @!p0 $0x0  }
0x12: {  	s1 =	sld [smem:$0x3F97];
	s0 =	simm.s32 @p0 $0x1  }
0x13: {  	[smem:$0x3FB2] =	sst s0;
	s0 =	simm.s32 @!p1 $0x0  }
0x14: {  	s2 =	sld [smem:$0x3F96];
	s0 =	simm.s32 @p1 $0x1  }
0x15: {  	[smem:$0x3FB3] =	sst s0;
	s0 =	simm.s32 @!p2 $0x0  }
0x16: {  	s3 =	sld [smem:$0x3FDB];
	s0 =	simm.s32 @p2 $0x1  }
0x17: {  	s4 =	simm.s32 $0x1BF5;
	[smem:$0x3FB5] =	sst s0  }
0x18: {  	s0 =	sld [smem:$0x3F98];
	_ =	swait.ge [sflag:s4], $0x0  }
0x19: {  	s7 =	sld [smem:$0x3F99]  }
0x1a: {  	s8 =	sadd.s32 $0xFFFFE003, lr  }
0x1b: {  	s9 =	sadd.s32 $0xFFFFFEF7, lr;
	s5 =	simm.s32 $0xFFFFFFFF;
	p2 =	slt.u32 s8, $0xFFFFF086  }
0x1c: {  	p1 =	slt.u32 s9, $0xF7A;
	s5 =	simm.s32 @!p2 $0x0  }
0x1d: {  	s5 =	simm.s32 @p1 $0x1;
	p0 =	seq.s32 s7, s2  }
0x1e: {  	s7 =	smul.u32 @!p0 $0xF7A, s2;
	p2 =	seq.s32 @!p0 s5, $0x0  }
0x1f: {  	s9 =	smul.u32 $0xF7A, s1;
	s8 =	simm.s32 @!p0 $0x1BF5;
	p2 =	por !p2, p0  }
0x20: {  	[sflag:s8] =	ssyncset.s32 @!p0 $0xFFFFF086;
	s6 =	sadd.s32 @!p0 s3, s7;
	s7 =	simm.s32 @!p0 $0x108  }
0x21: {  	s3 =	sadd.s32 s3, s9;
	s6 =	sadd.s32 @!p0 $0x88, s6;
	s7 =	simm.s32 @p2 $0x1082  }
0x22: {  	[simem:s7], [sflag:s8] =	dma.local @!p0 [hbm:s6], $0xF7A  }
0x23: {  	s9 =	sor.u32 $0xD0000000, s2;
	s6 =	simm.s32 $0x108;
	_ =	swait.ge @!p0 [sflag:s8], $0x0  }
0x24: {  	s3 =	sadd.s32 $0x88, s3;
	s6 =	simm.s32 @!p1 $0x1082;
	[sflag:s4] =	ssyncset.s32 $0xFFFFF086  }
0x25: {  	[simem:s6], [sflag:s4] =	dma.local [hbm:s3], $0xF7A  }
0x26: {  	[smem:$0x3F99] =	sst s1;
	(tag) =	ssettag s2;
	_ =	strace s9  }
0x27: {  	s1 =	sld [smem:$0x3FA9]  }
0x28: {  	s2 =	sld [smem:$0x3FAA]  }
0x29: {  	s4 =	sld [smem:$0x3FAC]  }
0x2a: {  	p0 =	seq.s32 s5, $0x0;
	s5 =	sld [smem:$0x3FAD]  }
0x2b: {  	s6 =	sld [smem:$0x3FAE]  }
0x2c: {  	s7 =	sld [smem:$0x3FAF]  }
0x2d: {  	s3 =	simm.s32 $0x108;
	s8 =	sld [smem:$0x3FB0]  }
0x2e: {  	s3 =	simm.s32 @!p0 $0x1082;
	s9 =	sld [smem:$0x3FB1]  }
0x2f: {  	lr =	sadd.s32 s0, s3;
	s0 =	sld [smem:$0x3FA8]  }
0x30: {  	s3 =	sld [smem:$0x3FAB]  }
0x31: {  	[smem:$0x3FB4] =	sst s10  }
0x32: {  	s10 =	sld [smem:$0x3FB2];
	_ =	sdelay $0x3  }
0x33: {  	p0 =	seq.s32 s10, $0x1;
	s10 =	sld [smem:$0x3FB4];
	_ =	sdelay $0x3  }
0x34: {  	[smem:$0x3FB4] =	sst s10  }
0x35: {  	s10 =	sld [smem:$0x3FB3];
	_ =	sdelay $0x3  }
0x36: {  	p1 =	seq.s32 s10, $0x1;
	s10 =	sld [smem:$0x3FB4];
	_ =	sdelay $0x3  }
0x37: {  	[smem:$0x3FB4] =	sst s10  }
0x38: {  	s10 =	sld [smem:$0x3FB5]  }
0x39: {  	_ = 	snop;
	(pc) =	sbr.ind lr, $3  }
0x3a: {  	_ = 	snop  }
0x3b: {  	_ = 	snop  }
0x3c: {  	p2 =	seq.s32 s10, $0x1;
	s10 =	sld [smem:$0x3FB4]  }
0x3d: {  	_ =	shalt  }
0x3e: {  	_ =	shalt  }
0x3f: {  	_ =	shalt  }
0x40: {  	_ =	shalt  }
0x41: {  	_ =	shalt  }
0x42: {  	_ =	shalt  }
0x43: {  	_ =	shalt  }
0x44: {  	_ =	shalt  }
0x45: {  	_ =	shalt  }
0x46: {  	_ =	shalt  }
0x47: {  	_ =	shalt  }
0x48: {  	_ =	shalt  }
0x49: {  	_ =	shalt  }
0x4a: {  	_ =	shalt  }
0x4b: {  	_ =	shalt  }
0x4c: {  	_ =	shalt  }
0x4d: {  	_ =	shalt  }
0x4e: {  	_ =	shalt  }
0x4f: {  	_ =	shalt  }
0x50: {  	_ =	shalt  }
0x51: {  	_ =	shalt  }
0x52: {  	_ =	shalt  }
0x53: {  	_ =	shalt  }
0x54: {  	_ =	shalt  }
0x55: {  	_ =	shalt  }
0x56: {  	_ =	shalt  }
0x57: {  	_ =	shalt  }
0x58: {  	_ =	shalt  }
0x59: {  	_ =	shalt  }
0x5a: {  	_ =	shalt  }
0x5b: {  	_ =	shalt  }
0x5c: {  	_ =	shalt  }
0x5d: {  	_ =	shalt  }
0x5e: {  	_ =	shalt  }
0x5f: {  	_ =	shalt  }
0x60: {  	_ =	shalt  }
0x61: {  	_ =	shalt  }
0x62: {  	_ =	shalt  }
0x63: {  	_ =	shalt  }
0x64: {  	_ =	shalt  }
0x65: {  	_ =	shalt  }
0x66: {  	_ =	shalt  }
0x67: {  	_ =	shalt  }
0x68: {  	_ =	shalt  }
0x69: {  	_ =	shalt  }
0x6a: {  	_ =	shalt  }
0x6b: {  	_ =	shalt  }
0x6c: {  	_ =	shalt  }
0x6d: {  	_ =	shalt  }
0x6e: {  	_ =	shalt  }
0x6f: {  	_ =	shalt  }
0x70: {  	_ =	shalt  }
0x71: {  	_ =	shalt  }
0x72: {  	_ =	shalt  }
0x73: {  	_ =	shalt  }
0x74: {  	_ =	shalt  }
0x75: {  	_ =	shalt  }
0x76: {  	_ =	shalt  }
0x77: {  	_ =	shalt  }
0x78: {  	_ =	shalt  }
0x79: {  	_ =	shalt  }
0x7a: {  	_ =	shalt  }
0x7b: {  	_ =	shalt  }
0x7c: {  	_ =	shalt  }
0x7d: {  	_ =	shalt  }
0x7e: {  	_ =	shalt  }
0x7f: {  	_ =	shalt  }
0x80: {  	_ =	shalt  }
0x81: {  	_ =	shalt  }
0x82: {  	_ =	shalt  }
0x83: {  	_ =	shalt  }
0x84: {  	_ =	shalt  }
0x85: {  	_ =	shalt  }
0x86: {  	_ =	shalt  }
0x87: {  	_ =	shalt  }
.Lfunc_end0:
.L_simem_size_0:
called_computation.3_lowered:
.L_overlay_start_0:
0x88: {  	s2 =	sld [smem:$0x3FD9]  }
0x89: {  	s3 =	sld [smem:$0x3FFE];
	_ =	sdelay $0x1  }
0x8a: {  	s1 =	srdreg.scid  }
0x8b: {  	s0 =	sand.u32 $0x1, s1  }
0x8c: {  	s17 =	sshll.u32 s0, $0xA;
	s2 =	sadd.s32 s3, s2  }
0x8d: {  	s2 =	sadd.s32 s2, s17  }
0x8e: {  	[smem:$0x3FC0] =	sst s2  }
0x8f: {  	_ = 	snop  }
0x90: {  	s2 =	sld [smem:$0x3FD0];
	(tm) =	ssettm $0x1  }
0x91: {  	s18 =	sld [smem:$0x3FFB];
	_ =	sdelay $0x3  }
0x92: {  	_ =	strace s18  }
0x93: {  	s3 =	sld [smem:$0x3FFC];
	_ =	sdelay $0x3  }
0x94: {  	_ =	strace s3  }
0x95: {  	s3 =	sld [smem:$0x3FFD];
	_ =	sdelay $0x3  }
0x96: {  	_ =	strace s3  }
0x97: {  	_ =	strace $0x8FFFFFFF  }
0x98: {  	s19 =	sld [smem:$0x3FDB];
	_ =	sdelay $0x1  }
0x99: {  	s4 =	simm.s32 $_scs_section_size  }
0x9a: {  	s5 =	simm.s32 $_size__tile_overlayer_lowered;
	s6 =	simm.s32 $_tile_overlayer_lowered  }
0x9b: {  	s22 =	simm.s32 $0x1BFF;
	s21 =	sshll.u32 s6, $0x1;
	s3 =	sadd.s32 s4, s19  }
0x9c: {  	s7 =	simm.s32 $0x0;
	s20 =	sshll.u32 s5, $0x1;
	s5 =	sadd.s32 s21, s3  }
0x9d: {  	[timem:s7], [sflag:s22] =	dma.local [hbm:s5], s20  }
0x9e: {  	_ =	swait.ge [sflag:s22], s20  }
0x9f: {  	s4 =	ssub.s32 $0x0, s20;
	[sflag:s22] =	ssyncset.done $0x0  }
0xa0: {  	[sflag:s22] =	ssyncadd.s32 s4;
	_ =	sdelay $0x1  }
0xa1: {  	s23 =	simm.s32 $0x1B8B  }
0xa2: {  	_ =	swait.ge [sflag:s23], $0x1  }
0xa3: {  	[sflag:s23] =	ssyncset.done $0x0  }
0xa4: {  	s25 =	simm.s32 $0x1B8E;
	s24 =	sld [smem:$0x3FFE];
	[sflag:s23] =	ssyncadd.s32 $0xFFFFFFFF  }
0xa5: {  	s26 =	simm.s32 $execute0_lowered;
	[smem:$0x3FD2] =	sst s25  }
0xa6: {  	s5 =	sshll.u32 s26, $0x1;
	_ =	strace $0x8000004F;
	[dreg:$0x1] =	wrdreg $0xFFFFFFFF  }
0xa7: {  	s28 =	simm.s32 $_size_execute0_lowered;
	s3 =	sadd.s32 s3, s5;
	[dreg:$0x0] =	wrdreg $0x0  }
0xa8: {  	s5 =	sshll.u32 s28, $0x1;
	[dreg:$0x2] =	wrdreg s3  }
0xa9: {  	[dreg:$0x3] =	wrdreg s5  }
0xaa: {  	[dreg:$0x4] =	wrdreg $0xC0  }
0xab: {  	_ =	task [dreg:s7], $0x5FFFF  }
0xac: {  	[dreg:$0x1] =	wrdreg $0xFFFFFFFF  }
0xad: {  	[dreg:$0x0] =	wrdreg $0x60  }
0xae: {  	[dreg:$0x2] =	wrdreg s24  }
0xaf: {  	[dreg:$0x3] =	wrdreg s2  }
0xb0: {  	[dreg:$0x4] =	wrdreg $0x90000  }
0xb1: {  	[dreg:$0x5] =	wrdreg $0x9  }
0xb2: {  	_ =	task.clear_ibuf [dreg:s7], $0x6FFFF;
	_ =	strace $0x9000004F  }
0xb3: {  	s29 =	simm.s32 $0x9;
	_ =	strace $0x80000051  }
0xb4: {  	_ =	swait.ge [sflag:s29], $0x1  }
0xb5: {  	[sflag:s29] =	ssyncadd.s32 $0xFFFFFFFF  }
0xb6: {  	_ =	strace $0x90000051  }
0xb7: {  	_ =	sfence  }
0xb8: {  	s30 =	sld [smem:$0x0];
	_ =	sdelay $0x2  }
0xb9: {  	s31 =	sshll.u32 s1, $0xD;
	s1 =	sshrl.u32 s1, $0x2  }
0xba: {  	s3 =	sand.u32 $0x4000, s31;
	s1 =	sadd.s32 s1, s30  }
0xbb: {  	s0 =	sor.u32 s3, s0;
	s1 =	sshll.u32 s1, $0x11  }
0xbc: {  	s0 =	sor.u32 s1, s0  }
0xbd: {  	s0 =	sadd.s32 $0x8F2B, s0  }
0xbe: {  	[sflag:s0] =	ssyncadd.remote.s32 $0x1  }
0xbf: {  	_ =	sfence.sel $0xFFFF  }
0xc0: {  	[dreg:$0x0] =	wrdreg $0xFFFFFFFF;
	(pc) =	sbr.abs _section_cstart, $3  }
0xc1: {  	[dreg:$0x1] =	wrdreg $0xFFFFFFFF  }
0xc2: {  	_ =	task.clear_ibuf [dreg:s7], $0x2FFFF;
	_ =	strace $0x9FFFFFFF  }
0xc3: {  	(tm) =	ssettm $0x7FFFFFFF  }
tec
execute0_lowered:
.L_overlay_start_1:
0x0: {  	(tag) =	ssettag $0x1  }
0x1: {  	s0 =	rddreg [dreg:$0x0]  }
0x2: {  	s2 =	rddreg [dreg:$0x1]  }
0x3: {  	s1 =	rddreg [dreg:$0x2];
	s3 =	simm.s32 $0x0;
	s4 =	srdreg.scid  }
0x4: {  	s9 =	stileid.u32;
	s12 =	simm.s32 $0x1000;
	s13 =	simm.s32 $0x3  }
0x5: {  	s14 =	simm.s32 $0x800;
	s15 =	simm.s32 $0x80;
	s16 =	simm.s32 $0x5000  }
0x6: {  	s17 =	simm.s32 $0x1;
	s19 =	simm.s32 $0x2;
	s21 =	simm.s32 $0x400  }
0x7: {  	s22 =	simm.s32 $0xB80;
	s31 =	simm.s32 $0xC80;
	s11 =	simm.s32 $0xE80  }
0x8: {  	s18 =	simm.s32 $0xF80;
	s5 =	sand.u32 $0x1, s4;
	s4 =	smul.u32 $0x90, s9  }
0x9: {  	[smem:$0x7FF] =	sst s3;
	s6 =	sshll.u32 s9, $0x4;
	s8 =	smul.u32 $0x14000, s9  }
0xa: {  	s9 =	smul.u32 $0x50000, s9;
	p0 =	seq.s32 s5, $0x0;
	s6 =	sor.u32 $0x900, s6  }
0xb: {  	s7 =	smul.u32 $0x140000, s5;
	_ =	strace $0x80000050;
	s23 =	ssub.s32 $0x2, s5  }
0xc: {  	s6 =	smov.u32 @p0 s4;
	s4 =	sadd.s32 $0xEC00, s0;
	s9 =	sshrl.u32 s9, $0x2  }
0xd: {  	s24 =	sshrl.u32 s23, $0x1;
	p0 =	sne.s32 s5, $0x0;
	s5 =	simm.s32 $0xF00  }
0xe: {  	s6 =	sshll.u32 s6, $0x4;
	s7 =	sadd.s32 s8, s7;
	s9 =	sadd.s32 s9, s1  }
0xf: {  	s8 =	simm.s32 $0x680;
	s10 =	sadd.s32 s6, s0;
	s7 =	sshrl.u32 s7, $0x3  }
0x10: {  	s25 =	sadd.s32 $0x8000, s9;
	s26 =	sadd.s32 $0x10000, s9;
	[dreg:$0x4] =	wrdreg s9  }
0x11: {  	s29 =	sadd.s32 s6, s2;
	s2 =	simm.s32 $0xD00;
	[dreg:$0x5] =	wrdreg s25  }
0x12: {  	s6 =	simm.s32 $0x600;
	s0 =	sadd.s32 s7, s0;
	[dreg:$0x6] =	wrdreg s26  }
0x13: {  	s7 =	ssub.s32 s23, s24;
	[dreg:$0x9] =	wrdreg s29;
	s30 =	sadd.s32 $0x4C00, s10  }
0x14: {  	s24 =	simm.s32 $0x780;
	s23 =	simm.s32 $0x480;
	s25 =	simm.s32 $0xC00  }
0x15: {  	s26 =	simm.s32 $0x500;
	s0 =	sadd.s32 $0x36C00, s0;
	[dreg:$0xa] =	wrdreg s30  }
0x16: {  	s10 =	simm.s32 $0x700;
	s28 =	smax.u32 s7, $0x1;
	[dreg:$0x7] =	wrdreg s0  }
0x17: {  	v0 =	vimm.f32 $0.0e+00;
	s7 =	simm.s32 $0xD80;
	[dreg:$0x8] =	wrdreg s28;
	s0 =	simm.s32 $0x0  }
.LBB2_1:
0x18: {  	[dreg:$0xb] =	wrdreg s0;
	s28 =	simm.s32 $0x0;
	s29 =	simm.s32 $0x200  }
.LBB2_2:
0x19: {  	p1 =	sne.s32 s29, $0x1FE00;
	[tilespmem:s28+$0x1070] =	vst v0  }
0x1a: {  	[tilespmem:s28+$0x1000] =	vst v0  }
0x1b: {  	[tilespmem:s28+$0x1010] =	vst v0  }
.Ltmp0:
0x1c: {  	[tilespmem:s28+$0x1020] =	vst v0;
	(pc) =	sbr.rel @p1 .LBB2_2-.Ltmp0, $4  }
0x1d: {  	[tilespmem:s28+$0x1030] =	vst v0  }
0x1e: {  	[tilespmem:s28+$0x1040] =	vst v0  }
0x1f: {  	[tilespmem:s28+$0x1050] =	vst v0  }
0x20: {  	[tilespmem:s28+$0x1060] =	vst v0;
	s28 =	sshra.s32 s29, $0x2;
	s29 =	sadd.s32 $0x200, s29  }
0x21: {  	[tilespmem:s28+$0x1070] =	vst v0  }
0x22: {  	[tilespmem:s28+$0x1000] =	vst v0  }
0x23: {  	[tilespmem:s28+$0x1010] =	vst v0  }
0x24: {  	[tilespmem:s28+$0x1020] =	vst v0  }
0x25: {  	[tilespmem:s28+$0x1030] =	vst v0  }
0x26: {  	[tilespmem:s28+$0x1040] =	vst v0  }
0x27: {  	[tilespmem:s28+$0x1050] =	vst v0  }
0x28: {  	[tilespmem:s28+$0x1060] =	vst v0  }
0x29: {  	[spmem:s9] =	stream.linear.scatter [tilespmem:s12], [sflag:$0x3], $0x8000, $0x38;
	[tilespmem:$0x1D000] =	vst v63  }
0x2a: {  	_ =	swait.ge [sflag:s13], $0x8000  }
0x2b: {  	[sflag:s13] =	ssyncset.done $0x0  }
0x2c: {  	s28 =	rddreg [dreg:$0x5];
	[sflag:s13] =	ssyncadd.s32 $0xFFFF8000  }
0x2d: {  	[spmem:s28] =	stream.linear.scatter [tilespmem:s12], [sflag:$0x3], $0x8000, $0x38;
	[tilespmem:$0x1D000] =	vst v63  }
0x2e: {  	_ =	swait.ge [sflag:s13], $0x8000  }
0x2f: {  	[sflag:s13] =	ssyncset.done $0x0  }
0x30: {  	s28 =	rddreg [dreg:$0x6];
	[sflag:s13] =	ssyncadd.s32 $0xFFFF8000  }
0x31: {  	[spmem:s28] =	stream.linear.scatter [tilespmem:s12], [sflag:$0x3], $0x4000, $0x38;
	[tilespmem:$0x1D000] =	vst v63  }
0x32: {  	_ =	swait.ge [sflag:s13], $0x4000  }
0x33: {  	[sflag:s13] =	ssyncset.done $0x0  }
0x34: {  	[sflag:s13] =	ssyncadd.s32 $0xFFFFC000  }
0x35: {  	[bflag:$0x0] =	sbarrier.arrive $0xFFFF  }
0x36: {  	s30 =	simm.s32 $0x0;
	s28 =	rddreg [dreg:$0xa]  }
0x37: {  	s0 =	simm.s32 $0x580;
	s9 =	simm.s32 $0xE00;
	s29 =	rddreg [dreg:$0x9]  }
.LBB2_4:
0x38: {  	[tilespmem:s3], [sflag:$0x3] =	stream.linear.gather [hbm4b:s28+s3], $0x800, $0x38;
	[tilespmem:$0x1D000] =	vst v63  }
0x39: {  	_ =	swait.ge [sflag:s13], $0x800  }
0x3a: {  	[sflag:s13] =	ssyncset.done $0x0  }
0x3b: {  	[sflag:s13] =	ssyncadd.s32 $0xFFFFF800  }
0x3c: {  	[tilespmem:s14], [sflag:$0x3] =	stream.linear.gather [hbm4b:s29+s3], $0x800, $0x38;
	[tilespmem:$0x1D000] =	vst v63  }
0x3d: {  	_ =	swait.ge [sflag:s13], $0x800  }
0x3e: {  	[sflag:s13] =	ssyncset.done $0x0  }
0x3f: {  	[sflag:s13] =	ssyncadd.s32 $0xFFFFF800  }
0x40: {  	[tilespmem:s12], [sflag:$0x1] =	stream.indirect.gather [hbm4b:s4+s15], $0x80, s3, s15, $0xb8;
	[tilespmem:$0x1D000] =	vst v63  }
0x41: {  	_ = 	snop  }
0x42: {  	[tilespmem:s16], [sflag:$0x2] =	stream.indirect.gather [hbm4b:s4+s15], $0x80, s15, s15, $0xb8;
	[tilespmem:$0x1D000] =	vst v63  }
0x43: {  	_ =	swait.ge [sflag:s17], $0x4000  }
0x44: {  	[sflag:s17] =	ssyncset.done $0x0  }
0x45: {  	[sflag:s17] =	ssyncadd.s32 $0xFFFFC000  }
0x46: {  	[spmem:s1] =	stream.indirect.scatter.add.f32 [tilespmem:s12], [sflag:$0x3], $0x80, s14, s15, $0xb8;
	[tilespmem:$0x1D000] =	vst v63  }
0x47: {  	_ =	swait.ge [sflag:s13], $0x4000  }
0x48: {  	[sflag:s13] =	ssyncset.done $0x0  }
0x49: {  	s20 =	simm.s32 $0x100;
	[sflag:s13] =	ssyncadd.s32 $0xFFFFC000  }
0x4a: {  	[tilespmem:s12], [sflag:$0x1] =	stream.indirect.gather [hbm4b:s4+s15], $0x80, s20, s15, $0xb8;
	[tilespmem:$0x1D000] =	vst v63  }
0x4b: {  	_ =	swait.ge [sflag:s19], $0x4000  }
0x4c: {  	[sflag:s19] =	ssyncset.done $0x0  }
0x4d: {  	s20 =	simm.s32 $0x880;
	[sflag:s19] =	ssyncadd.s32 $0xFFFFC000  }
0x4e: {  	[spmem:s1] =	stream.indirect.scatter.add.f32 [tilespmem:s16], [sflag:$0x3], $0x80, s20, s15, $0xb8;
	[tilespmem:$0x1D000] =	vst v63  }
0x4f: {  	_ =	swait.ge [sflag:s13], $0x4000  }
0x50: {  	[sflag:s13] =	ssyncset.done $0x0  }
0x51: {  	s20 =	simm.s32 $0x180;
	[sflag:s13] =	ssyncadd.s32 $0xFFFFC000  }
0x52: {  	[tilespmem:s16], [sflag:$0x2] =	stream.indirect.gather [hbm4b:s4+s15], $0x80, s20, s15, $0xb8;
	[tilespmem:$0x1D000] =	vst v63  }
0x53: {  	_ =	swait.ge [sflag:s17], $0x4000  }
0x54: {  	[sflag:s17] =	ssyncset.done $0x0  }
0x55: {  	s20 =	simm.s32 $0x900;
	[sflag:s17] =	ssyncadd.s32 $0xFFFFC000  }
0x56: {  	[spmem:s1] =	stream.indirect.scatter.add.f32 [tilespmem:s12], [sflag:$0x3], $0x80, s20, s15, $0xb8;
	[tilespmem:$0x1D000] =	vst v63  }
0x57: {  	_ =	swait.ge [sflag:s13], $0x4000  }
0x58: {  	[sflag:s13] =	ssyncset.done $0x0  }
0x59: {  	s20 =	simm.s32 $0x200;
	[sflag:s13] =	ssyncadd.s32 $0xFFFFC000  }
0x5a: {  	[tilespmem:s12], [sflag:$0x1] =	stream.indirect.gather [hbm4b:s4+s15], $0x80, s20, s15, $0xb8;
	[tilespmem:$0x1D000] =	vst v63  }
0x5b: {  	_ =	swait.ge [sflag:s19], $0x4000  }
0x5c: {  	[sflag:s19] =	ssyncset.done $0x0  }
0x5d: {  	s20 =	simm.s32 $0x980;
	[sflag:s19] =	ssyncadd.s32 $0xFFFFC000  }
0x5e: {  	[spmem:s1] =	stream.indirect.scatter.add.f32 [tilespmem:s16], [sflag:$0x3], $0x80, s20, s15, $0xb8;
	[tilespmem:$0x1D000] =	vst v63  }
0x5f: {  	_ =	swait.ge [sflag:s13], $0x4000  }
0x60: {  	[sflag:s13] =	ssyncset.done $0x0  }
0x61: {  	s20 =	simm.s32 $0x280;
	[sflag:s13] =	ssyncadd.s32 $0xFFFFC000  }
0x62: {  	[tilespmem:s16], [sflag:$0x2] =	stream.indirect.gather [hbm4b:s4+s15], $0x80, s20, s15, $0xb8;
	[tilespmem:$0x1D000] =	vst v63  }
0x63: {  	_ =	swait.ge [sflag:s17], $0x4000  }
0x64: {  	[sflag:s17] =	ssyncset.done $0x0  }
0x65: {  	s20 =	simm.s32 $0xA00;
	[sflag:s17] =	ssyncadd.s32 $0xFFFFC000  }
0x66: {  	[spmem:s1] =	stream.indirect.scatter.add.f32 [tilespmem:s12], [sflag:$0x3], $0x80, s20, s15, $0xb8;
	[tilespmem:$0x1D000] =	vst v63  }
0x67: {  	_ =	swait.ge [sflag:s13], $0x4000  }
0x68: {  	[sflag:s13] =	ssyncset.done $0x0  }
0x69: {  	s20 =	simm.s32 $0x300;
	[sflag:s13] =	ssyncadd.s32 $0xFFFFC000  }
0x6a: {  	[tilespmem:s12], [sflag:$0x1] =	stream.indirect.gather [hbm4b:s4+s15], $0x80, s20, s15, $0xb8;
	[tilespmem:$0x1D000] =	vst v63  }
0x6b: {  	_ =	swait.ge [sflag:s19], $0x4000  }
0x6c: {  	[sflag:s19] =	ssyncset.done $0x0  }
0x6d: {  	s20 =	simm.s32 $0xA80;
	[sflag:s19] =	ssyncadd.s32 $0xFFFFC000  }
0x6e: {  	[spmem:s1] =	stream.indirect.scatter.add.f32 [tilespmem:s16], [sflag:$0x3], $0x80, s20, s15, $0xb8;
	[tilespmem:$0x1D000] =	vst v63  }
0x6f: {  	_ =	swait.ge [sflag:s13], $0x4000  }
0x70: {  	[sflag:s13] =	ssyncset.done $0x0  }
0x71: {  	s20 =	simm.s32 $0x380;
	[sflag:s13] =	ssyncadd.s32 $0xFFFFC000  }
0x72: {  	[tilespmem:s16], [sflag:$0x2] =	stream.indirect.gather [hbm4b:s4+s15], $0x80, s20, s15, $0xb8;
	[tilespmem:$0x1D000] =	vst v63  }
0x73: {  	_ =	swait.ge [sflag:s17], $0x4000  }
0x74: {  	[sflag:s17] =	ssyncset.done $0x0  }
0x75: {  	s20 =	simm.s32 $0xB00;
	[sflag:s17] =	ssyncadd.s32 $0xFFFFC000  }
0x76: {  	[spmem:s1] =	stream.indirect.scatter.add.f32 [tilespmem:s12], [sflag:$0x3], $0x80, s20, s15, $0xb8;
	[tilespmem:$0x1D000] =	vst v63  }
0x77: {  	_ =	swait.ge [sflag:s13], $0x4000  }
0x78: {  	[sflag:s13] =	ssyncset.done $0x0  }
0x79: {  	[sflag:s13] =	ssyncadd.s32 $0xFFFFC000  }
0x7a: {  	[tilespmem:s12], [sflag:$0x1] =	stream.indirect.gather [hbm4b:s4+s15], $0x80, s21, s15, $0xb8;
	[tilespmem:$0x1D000] =	vst v63  }
0x7b: {  	_ =	swait.ge [sflag:s19], $0x4000  }
0x7c: {  	[sflag:s19] =	ssyncset.done $0x0  }
0x7d: {  	[sflag:s19] =	ssyncadd.s32 $0xFFFFC000  }
0x7e: {  	[spmem:s1] =	stream.indirect.scatter.add.f32 [tilespmem:s16], [sflag:$0x3], $0x80, s22, s15, $0xb8;
	[tilespmem:$0x1D000] =	vst v63  }
0x7f: {  	_ =	swait.ge [sflag:s13], $0x4000  }
0x80: {  	[sflag:s13] =	ssyncset.done $0x0  }
0x81: {  	[sflag:s13] =	ssyncadd.s32 $0xFFFFC000  }
0x82: {  	[tilespmem:s16], [sflag:$0x2] =	stream.indirect.gather [hbm4b:s4+s15], $0x80, s23, s15, $0xb8;
	[tilespmem:$0x1D000] =	vst v63  }
0x83: {  	_ =	swait.ge [sflag:s17], $0x4000  }
0x84: {  	[sflag:s17] =	ssyncset.done $0x0  }
0x85: {  	[sflag:s17] =	ssyncadd.s32 $0xFFFFC000  }
0x86: {  	[spmem:s1] =	stream.indirect.scatter.add.f32 [tilespmem:s12], [sflag:$0x3], $0x80, s25, s15, $0xb8;
	[tilespmem:$0x1D000] =	vst v63  }
0x87: {  	_ =	swait.ge [sflag:s13], $0x4000  }
0x88: {  	[sflag:s13] =	ssyncset.done $0x0  }
0x89: {  	[sflag:s13] =	ssyncadd.s32 $0xFFFFC000  }
0x8a: {  	[tilespmem:s12], [sflag:$0x1] =	stream.indirect.gather [hbm4b:s4+s15], $0x80, s26, s15, $0xb8;
	[tilespmem:$0x1D000] =	vst v63  }
0x8b: {  	_ =	swait.ge [sflag:s19], $0x4000  }
0x8c: {  	[sflag:s19] =	ssyncset.done $0x0  }
0x8d: {  	[sflag:s19] =	ssyncadd.s32 $0xFFFFC000  }
0x8e: {  	[spmem:s1] =	stream.indirect.scatter.add.f32 [tilespmem:s16], [sflag:$0x3], $0x80, s31, s15, $0xb8;
	[tilespmem:$0x1D000] =	vst v63  }
0x8f: {  	_ =	swait.ge [sflag:s13], $0x4000  }
0x90: {  	[sflag:s13] =	ssyncset.done $0x0  }
0x91: {  	[sflag:s13] =	ssyncadd.s32 $0xFFFFC000  }
0x92: {  	[tilespmem:s16], [sflag:$0x2] =	stream.indirect.gather [hbm4b:s4+s15], $0x80, s0, s15, $0xb8;
	[tilespmem:$0x1D000] =	vst v63  }
0x93: {  	_ =	swait.ge [sflag:s17], $0x4000  }
0x94: {  	[sflag:s17] =	ssyncset.done $0x0  }
0x95: {  	[sflag:s17] =	ssyncadd.s32 $0xFFFFC000  }
0x96: {  	[spmem:s1] =	stream.indirect.scatter.add.f32 [tilespmem:s12], [sflag:$0x3], $0x80, s2, s15, $0xb8;
	[tilespmem:$0x1D000] =	vst v63  }
0x97: {  	_ =	swait.ge [sflag:s13], $0x4000  }
0x98: {  	[sflag:s13] =	ssyncset.done $0x0  }
0x99: {  	[sflag:s13] =	ssyncadd.s32 $0xFFFFC000  }
0x9a: {  	[tilespmem:s12], [sflag:$0x1] =	stream.indirect.gather [hbm4b:s4+s15], $0x80, s6, s15, $0xb8;
	[tilespmem:$0x1D000] =	vst v63  }
0x9b: {  	_ =	swait.ge [sflag:s19], $0x4000  }
0x9c: {  	[sflag:s19] =	ssyncset.done $0x0  }
0x9d: {  	[sflag:s19] =	ssyncadd.s32 $0xFFFFC000  }
0x9e: {  	[spmem:s1] =	stream.indirect.scatter.add.f32 [tilespmem:s16], [sflag:$0x3], $0x80, s7, s15, $0xb8;
	[tilespmem:$0x1D000] =	vst v63  }
0x9f: {  	_ =	swait.ge [sflag:s13], $0x4000  }
0xa0: {  	[sflag:s13] =	ssyncset.done $0x0  }
0xa1: {  	[sflag:s13] =	ssyncadd.s32 $0xFFFFC000  }
0xa2: {  	[tilespmem:s16], [sflag:$0x2] =	stream.indirect.gather [hbm4b:s4+s15], $0x80, s8, s15, $0xb8;
	[tilespmem:$0x1D000] =	vst v63  }
0xa3: {  	_ =	swait.ge [sflag:s17], $0x4000  }
0xa4: {  	[sflag:s17] =	ssyncset.done $0x0  }
0xa5: {  	[sflag:s17] =	ssyncadd.s32 $0xFFFFC000  }
0xa6: {  	[spmem:s1] =	stream.indirect.scatter.add.f32 [tilespmem:s12], [sflag:$0x3], $0x80, s9, s15, $0xb8;
	[tilespmem:$0x1D000] =	vst v63  }
0xa7: {  	_ =	swait.ge [sflag:s13], $0x4000  }
0xa8: {  	[sflag:s13] =	ssyncset.done $0x0  }
0xa9: {  	[sflag:s13] =	ssyncadd.s32 $0xFFFFC000  }
0xaa: {  	[tilespmem:s12], [sflag:$0x1] =	stream.indirect.gather [hbm4b:s4+s15], $0x80, s10, s15, $0xb8;
	[tilespmem:$0x1D000] =	vst v63  }
0xab: {  	_ =	swait.ge [sflag:s19], $0x4000  }
0xac: {  	[sflag:s19] =	ssyncset.done $0x0  }
0xad: {  	[sflag:s19] =	ssyncadd.s32 $0xFFFFC000  }
0xae: {  	[spmem:s1] =	stream.indirect.scatter.add.f32 [tilespmem:s16], [sflag:$0x3], $0x80, s11, s15, $0xb8;
	[tilespmem:$0x1D000] =	vst v63  }
0xaf: {  	_ =	swait.ge [sflag:s13], $0x4000  }
0xb0: {  	[sflag:s13] =	ssyncset.done $0x0  }
0xb1: {  	[sflag:s13] =	ssyncadd.s32 $0xFFFFC000  }
0xb2: {  	[tilespmem:s16], [sflag:$0x2] =	stream.indirect.gather [hbm4b:s4+s15], $0x80, s24, s15, $0xb8;
	[tilespmem:$0x1D000] =	vst v63  }
0xb3: {  	_ =	swait.ge [sflag:s17], $0x4000  }
0xb4: {  	[sflag:s17] =	ssyncset.done $0x0  }
0xb5: {  	[sflag:s17] =	ssyncadd.s32 $0xFFFFC000  }
0xb6: {  	[spmem:s1] =	stream.indirect.scatter.add.f32 [tilespmem:s12], [sflag:$0x3], $0x80, s5, s15, $0xb8;
	[tilespmem:$0x1D000] =	vst v63  }
0xb7: {  	_ =	swait.ge [sflag:s13], $0x4000  }
0xb8: {  	[sflag:s13] =	ssyncset.done $0x0  }
0xb9: {  	[sflag:s13] =	ssyncadd.s32 $0xFFFFC000  }
0xba: {  	[tilespmem:s12], [sflag:$0x1] =	stream.indirect.gather [hbm4b:s4+s15], $0x80, s24, s15, $0xb8;
	[tilespmem:$0x1D000] =	vst v63  }
0xbb: {  	_ =	swait.ge [sflag:s19], $0x4000  }
0xbc: {  	[sflag:s19] =	ssyncset.done $0x0  }
0xbd: {  	[sflag:s19] =	ssyncadd.s32 $0xFFFFC000  }
0xbe: {  	[spmem:s1] =	stream.indirect.scatter.add.f32 [tilespmem:s16], [sflag:$0x3], $0x80, s18, s15, $0xb8;
	[tilespmem:$0x1D000] =	vst v63  }
0xbf: {  	_ =	swait.ge [sflag:s13], $0x4000  }
0xc0: {  	[sflag:s13] =	ssyncset.done $0x0  }
0xc1: {  	p1 =	slt.u32 @!p0 s30, $0x8;
	[sflag:s13] =	ssyncadd.s32 $0xFFFFC000  }
0xc2: {  	[tilespmem:s16], [sflag:$0x2] =	stream.indirect.gather [hbm4b:s4+s15], $0x80, s24, s15, $0xb8;
	[tilespmem:$0x1D000] =	vst v63  }
0xc3: {  	p1 =	por p0, !p1;
	_ =	swait.ge [sflag:s17], $0x4000  }
.Ltmp1:
0xc4: {  	[sflag:s17] =	ssyncset.done $0x0;
	(pc) =	sbr.rel @!p1 .LBB2_4-.Ltmp1, $4  }
0xc5: {  	[sflag:s17] =	ssyncadd.s32 $0xFFFFC000  }
0xc6: {  	_ =	swait.ge [sflag:s19], $0x4000  }
0xc7: {  	s30 =	sadd.s32 $0x1, s30;
	[sflag:s19] =	ssyncset.done $0x0  }
0xc8: {  	s28 =	sadd.s32 $0x100, s28;
	s29 =	sadd.s32 $0x100, s29;
	[sflag:s19] =	ssyncadd.s32 $0xFFFFC000  }
0xc9: {  	s28 =	stileid.u32;
	[bflag:$0x0] =	sbarrier.arrive $0xFFFF  }
0xca: {  	s28 =	sshll.u32 s28, $0x6;
	s9 =	rddreg [dreg:$0x4]  }
0xcb: {  	s30 =	rddreg [dreg:$0x7];
	s28 =	sor.u32 $0x1C03, s28;
	s29 =	sshrl.u32 s9, $0x3  }
0xcc: {  	[hbm:s30], [sflag:s28] =	dma.local [spmem:s29], $0x2800  }
0xcd: {  	_ =	swait.ge [sflag:s13], $0x2800  }
0xce: {  	s0 =	rddreg [dreg:$0xb]  }
0xcf: {  	s30 =	rddreg [dreg:$0x8];
	s0 =	sadd.s32 $0x1, s0  }
0xd0: {  	p1 =	sne.s32 s0, s30  }
.Ltmp2:
0xd1: {  	_ = 	snop;
	(pc) =	sbr.rel @p1 .LBB2_1-.Ltmp2, $3  }
0xd2: {  	_ =	sdelay $0x1  }
0xd3: {  	[sflag:s13] =	ssyncset.done $0x0  }
0xd4: {  	[sflag:s13] =	ssyncadd.s32 $0xFFFFD800  }
0xd5: {  	_ =	sfence.sel $0x180000  }
0xd6: {  	[bflag:$0x0] =	sbarrier.arrive $0xFFFF  }
0xd7: {  	_ =	strace $0x90000050  }
0xd8: {  	s0 =	stileid.u32;
	[bflag:$0x2] =	sbarrier.arrive $0xFFFF  }
0xd9: {  	p0 =	sne.s32 s0, $0x0;
	s0 =	rddreg [dreg:$0x3]  }
0xda: {  	s0 =	sadd.s32 @!p0 $0x100000, s0  }
0xdb: {  	[sflag:s0] =	ssyncadd.tile.s32 @!p0 $0x1;
	_ =	shalt  }
.Lfunc_end2:
_tile_overlayer_lowered:
.L_overlay_start_2:
0xdc: {  	(tag) =	ssettag $0x2  }
0xdd: {  	s0 =	rddreg [dreg:$0x0];
	s2 =	stileid.u32  }
0xde: {  	s1 =	rddreg [dreg:$0x1];
	p0 =	sne.s32 s2, $0x0  }
0xdf: {  	s3 =	rddreg [dreg:$0x2];
	[bflag:$0x3] =	sbarrier.arrive $0xFFFF;
	s2 =	simm.s32 @!p0 $0x1C03  }
0xe0: {  	[timem:s3], [sflag:s2] =	dma.local @!p0 [hbm:s0], s1  }
0xe1: {  	s0 =	simm.s32 @!p0 $0x3  }
0xe2: {  	_ =	swait.ge @!p0 [sflag:s0], s1  }
0xe3: {  	s1 =	ssub.s32 @!p0 $0x0, s1;
	[sflag:s0] =	ssyncset.done @!p0 $0x0  }
0xe4: {  	[sflag:s0] =	ssyncadd.s32 @!p0 s1  }
0xe5: {  	[bflag:$0x3] =	sbarrier.arrive $0xFFFF  }
0xe6: {  	_ =	shalt  }

// kernel: kernel.24.cloned.1.call-start
scs
__scs_entry_jumppad:
0x0: {  	(pc) =	sbr.rel $0x88, $3  }
0x1: {  	(tag) =	ssettag $0x0;
	lr =	simm.s32 $0x1  }
0x2: {  	[smem:$0x3F99] =	sst lr;
	_ =	strace $0xD0000000  }
0x3: {  	_ = 	snop  }
0x4: {  	_ = 	snop  }
0x5: {  	_ = 	snop  }
0x6: {  	_ = 	snop  }
0x7: {  	_ = 	snop  }
__scs_overlays_trampoline_lowered:
0x8: {  	[smem:$0x3FA8] =	sst s0  }
0x9: {  	[smem:$0x3FA9] =	sst s1  }
0xa: {  	[smem:$0x3FAA] =	sst s2  }
0xb: {  	[smem:$0x3FAB] =	sst s3  }
0xc: {  	[smem:$0x3FAC] =	sst s4  }
0xd: {  	[smem:$0x3FAD] =	sst s5  }
0xe: {  	[smem:$0x3FAE] =	sst s6  }
0xf: {  	[smem:$0x3FAF] =	sst s7  }
0x10: {  	[smem:$0x3FB0] =	sst s8  }
0x11: {  	[smem:$0x3FB1] =	sst s9;
	s0 =	simm.s32 @!p0 $0x0  }
0x12: {  	s1 =	sld [smem:$0x3F97];
	s0 =	simm.s32 @p0 $0x1  }
0x13: {  	[smem:$0x3FB2] =	sst s0;
	s0 =	simm.s32 @!p1 $0x0  }
0x14: {  	s2 =	sld [smem:$0x3F96];
	s0 =	simm.s32 @p1 $0x1  }
0x15: {  	[smem:$0x3FB3] =	sst s0;
	s0 =	simm.s32 @!p2 $0x0  }
0x16: {  	s3 =	sld [smem:$0x3FDB];
	s0 =	simm.s32 @p2 $0x1  }
0x17: {  	s4 =	simm.s32 $0x1BF5;
	[smem:$0x3FB5] =	sst s0  }
0x18: {  	s0 =	sld [smem:$0x3F98];
	_ =	swait.ge [sflag:s4], $0x0  }
0x19: {  	s7 =	sld [smem:$0x3F99]  }
0x1a: {  	s8 =	sadd.s32 $0xFFFFE003, lr  }
0x1b: {  	s9 =	sadd.s32 $0xFFFFFEF7, lr;
	s5 =	simm.s32 $0xFFFFFFFF;
	p2 =	slt.u32 s8, $0xFFFFF086  }
0x1c: {  	p1 =	slt.u32 s9, $0xF7A;
	s5 =	simm.s32 @!p2 $0x0  }
0x1d: {  	s5 =	simm.s32 @p1 $0x1;
	p0 =	seq.s32 s7, s2  }
0x1e: {  	s7 =	smul.u32 @!p0 $0xF7A, s2;
	p2 =	seq.s32 @!p0 s5, $0x0  }
0x1f: {  	s9 =	smul.u32 $0xF7A, s1;
	s8 =	simm.s32 @!p0 $0x1BF5;
	p2 =	por !p2, p0  }
0x20: {  	[sflag:s8] =	ssyncset.s32 @!p0 $0xFFFFF086;
	s6 =	sadd.s32 @!p0 s3, s7;
	s7 =	simm.s32 @!p0 $0x108  }
0x21: {  	s3 =	sadd.s32 s3, s9;
	s6 =	sadd.s32 @!p0 $0x88, s6;
	s7 =	simm.s32 @p2 $0x1082  }
0x22: {  	[simem:s7], [sflag:s8] =	dma.local @!p0 [hbm:s6], $0xF7A  }
0x23: {  	s9 =	sor.u32 $0xD0000000, s2;
	s6 =	simm.s32 $0x108;
	_ =	swait.ge @!p0 [sflag:s8], $0x0  }
0x24: {  	s3 =	sadd.s32 $0x88, s3;
	s6 =	simm.s32 @!p1 $0x1082;
	[sflag:s4] =	ssyncset.s32 $0xFFFFF086  }
0x25: {  	[simem:s6], [sflag:s4] =	dma.local [hbm:s3], $0xF7A  }
0x26: {  	[smem:$0x3F99] =	sst s1;
	(tag) =	ssettag s2;
	_ =	strace s9  }
0x27: {  	s1 =	sld [smem:$0x3FA9]  }
0x28: {  	s2 =	sld [smem:$0x3FAA]  }
0x29: {  	s4 =	sld [smem:$0x3FAC]  }
0x2a: {  	p0 =	seq.s32 s5, $0x0;
	s5 =	sld [smem:$0x3FAD]  }
0x2b: {  	s6 =	sld [smem:$0x3FAE]  }
0x2c: {  	s7 =	sld [smem:$0x3FAF]  }
0x2d: {  	s3 =	simm.s32 $0x108;
	s8 =	sld [smem:$0x3FB0]  }
0x2e: {  	s3 =	simm.s32 @!p0 $0x1082;
	s9 =	sld [smem:$0x3FB1]  }
0x2f: {  	lr =	sadd.s32 s0, s3;
	s0 =	sld [smem:$0x3FA8]  }
0x30: {  	s3 =	sld [smem:$0x3FAB]  }
0x31: {  	[smem:$0x3FB4] =	sst s10  }
0x32: {  	s10 =	sld [smem:$0x3FB2];
	_ =	sdelay $0x3  }
0x33: {  	p0 =	seq.s32 s10, $0x1;
	s10 =	sld [smem:$0x3FB4];
	_ =	sdelay $0x3  }
0x34: {  	[smem:$0x3FB4] =	sst s10  }
0x35: {  	s10 =	sld [smem:$0x3FB3];
	_ =	sdelay $0x3  }
0x36: {  	p1 =	seq.s32 s10, $0x1;
	s10 =	sld [smem:$0x3FB4];
	_ =	sdelay $0x3  }
0x37: {  	[smem:$0x3FB4] =	sst s10  }
0x38: {  	s10 =	sld [smem:$0x3FB5]  }
0x39: {  	_ = 	snop;
	(pc) =	sbr.ind lr, $3  }
0x3a: {  	_ = 	snop  }
0x3b: {  	_ = 	snop  }
0x3c: {  	p2 =	seq.s32 s10, $0x1;
	s10 =	sld [smem:$0x3FB4]  }
0x3d: {  	_ =	shalt  }
0x3e: {  	_ =	shalt  }
0x3f: {  	_ =	shalt  }
0x40: {  	_ =	shalt  }
0x41: {  	_ =	shalt  }
0x42: {  	_ =	shalt  }
0x43: {  	_ =	shalt  }
0x44: {  	_ =	shalt  }
0x45: {  	_ =	shalt  }
0x46: {  	_ =	shalt  }
0x47: {  	_ =	shalt  }
0x48: {  	_ =	shalt  }
0x49: {  	_ =	shalt  }
0x4a: {  	_ =	shalt  }
0x4b: {  	_ =	shalt  }
0x4c: {  	_ =	shalt  }
0x4d: {  	_ =	shalt  }
0x4e: {  	_ =	shalt  }
0x4f: {  	_ =	shalt  }
0x50: {  	_ =	shalt  }
0x51: {  	_ =	shalt  }
0x52: {  	_ =	shalt  }
0x53: {  	_ =	shalt  }
0x54: {  	_ =	shalt  }
0x55: {  	_ =	shalt  }
0x56: {  	_ =	shalt  }
0x57: {  	_ =	shalt  }
0x58: {  	_ =	shalt  }
0x59: {  	_ =	shalt  }
0x5a: {  	_ =	shalt  }
0x5b: {  	_ =	shalt  }
0x5c: {  	_ =	shalt  }
0x5d: {  	_ =	shalt  }
0x5e: {  	_ =	shalt  }
0x5f: {  	_ =	shalt  }
0x60: {  	_ =	shalt  }
0x61: {  	_ =	shalt  }
0x62: {  	_ =	shalt  }
0x63: {  	_ =	shalt  }
0x64: {  	_ =	shalt  }
0x65: {  	_ =	shalt  }
0x66: {  	_ =	shalt  }
0x67: {  	_ =	shalt  }
0x68: {  	_ =	shalt  }
0x69: {  	_ =	shalt  }
0x6a: {  	_ =	shalt  }
0x6b: {  	_ =	shalt  }
0x6c: {  	_ =	shalt  }
0x6d: {  	_ =	shalt  }
0x6e: {  	_ =	shalt  }
0x6f: {  	_ =	shalt  }
0x70: {  	_ =	shalt  }
0x71: {  	_ =	shalt  }
0x72: {  	_ =	shalt  }
0x73: {  	_ =	shalt  }
0x74: {  	_ =	shalt  }
0x75: {  	_ =	shalt  }
0x76: {  	_ =	shalt  }
0x77: {  	_ =	shalt  }
0x78: {  	_ =	shalt  }
0x79: {  	_ =	shalt  }
0x7a: {  	_ =	shalt  }
0x7b: {  	_ =	shalt  }
0x7c: {  	_ =	shalt  }
0x7d: {  	_ =	shalt  }
0x7e: {  	_ =	shalt  }
0x7f: {  	_ =	shalt  }
0x80: {  	_ =	shalt  }
0x81: {  	_ =	shalt  }
0x82: {  	_ =	shalt  }
0x83: {  	_ =	shalt  }
0x84: {  	_ =	shalt  }
0x85: {  	_ =	shalt  }
0x86: {  	_ =	shalt  }
0x87: {  	_ =	shalt  }
.Lfunc_end0:
.L_simem_size_0:
called_computation.4_lowered:
.L_overlay_start_0:
0x88: {  	s2 =	sld [smem:$0x3FD9]  }
0x89: {  	s3 =	sld [smem:$0x3FFE];
	_ =	sdelay $0x1  }
0x8a: {  	s1 =	srdreg.scid  }
0x8b: {  	s0 =	sand.u32 $0x1, s1  }
0x8c: {  	s17 =	sshll.u32 s0, $0xA;
	s2 =	sadd.s32 s3, s2  }
0x8d: {  	s2 =	sadd.s32 s2, s17  }
0x8e: {  	[smem:$0x3FC0] =	sst s2  }
0x8f: {  	_ = 	snop  }
0x90: {  	s2 =	sld [smem:$0x3FD0];
	(tm) =	ssettm $0x1  }
0x91: {  	s18 =	sld [smem:$0x3FFB];
	_ =	sdelay $0x3  }
0x92: {  	_ =	strace s18  }
0x93: {  	s3 =	sld [smem:$0x3FFC];
	_ =	sdelay $0x3  }
0x94: {  	_ =	strace s3  }
0x95: {  	s3 =	sld [smem:$0x3FFD];
	_ =	sdelay $0x3  }
0x96: {  	_ =	strace s3  }
0x97: {  	_ =	strace $0x8FFFFFFF  }
0x98: {  	s19 =	sld [smem:$0x3FDB];
	_ =	sdelay $0x1  }
0x99: {  	s4 =	simm.s32 $_scs_section_size  }
0x9a: {  	s5 =	simm.s32 $_size__tile_overlayer_lowered;
	s6 =	simm.s32 $_tile_overlayer_lowered  }
0x9b: {  	s22 =	simm.s32 $0x1BFF;
	s21 =	sshll.u32 s6, $0x1;
	s3 =	sadd.s32 s4, s19  }
0x9c: {  	s7 =	simm.s32 $0x0;
	s20 =	sshll.u32 s5, $0x1;
	s5 =	sadd.s32 s21, s3  }
0x9d: {  	[timem:s7], [sflag:s22] =	dma.local [hbm:s5], s20  }
0x9e: {  	_ =	swait.ge [sflag:s22], s20  }
0x9f: {  	s4 =	ssub.s32 $0x0, s20;
	[sflag:s22] =	ssyncset.done $0x0  }
0xa0: {  	[sflag:s22] =	ssyncadd.s32 s4;
	_ =	sdelay $0x1  }
0xa1: {  	s23 =	simm.s32 $0x1B8B  }
0xa2: {  	_ =	swait.ge [sflag:s23], $0x1  }
0xa3: {  	[sflag:s23] =	ssyncset.done $0x0  }
0xa4: {  	s25 =	simm.s32 $0x1B8E;
	s24 =	sld [smem:$0x3FFE];
	[sflag:s23] =	ssyncadd.s32 $0xFFFFFFFF  }
0xa5: {  	s26 =	simm.s32 $execute0_lowered;
	[smem:$0x3FD2] =	sst s25  }
0xa6: {  	s5 =	sshll.u32 s26, $0x1;
	_ =	strace $0x80000052;
	[dreg:$0x1] =	wrdreg $0xFFFFFFFF  }
0xa7: {  	s28 =	simm.s32 $_size_execute0_lowered;
	s3 =	sadd.s32 s3, s5;
	[dreg:$0x0] =	wrdreg $0x0  }
0xa8: {  	s5 =	sshll.u32 s28, $0x1;
	[dreg:$0x2] =	wrdreg s3  }
0xa9: {  	[dreg:$0x3] =	wrdreg s5  }
0xaa: {  	[dreg:$0x4] =	wrdreg $0xC0  }
0xab: {  	_ =	task [dreg:s7], $0x5FFFF  }
0xac: {  	[dreg:$0x1] =	wrdreg $0xFFFFFFFF  }
0xad: {  	[dreg:$0x0] =	wrdreg $0x60  }
0xae: {  	[dreg:$0x2] =	wrdreg s24  }
0xaf: {  	[dreg:$0x3] =	wrdreg s2  }
0xb0: {  	[dreg:$0x4] =	wrdreg $0x90000  }
0xb1: {  	[dreg:$0x5] =	wrdreg $0x9  }
0xb2: {  	_ =	task.clear_ibuf [dreg:s7], $0x6FFFF;
	_ =	strace $0x90000052  }
0xb3: {  	s29 =	simm.s32 $0x9;
	_ =	strace $0x80000054  }
0xb4: {  	_ =	swait.ge [sflag:s29], $0x1  }
0xb5: {  	[sflag:s29] =	ssyncadd.s32 $0xFFFFFFFF  }
0xb6: {  	_ =	strace $0x90000054  }
0xb7: {  	_ =	sfence  }
0xb8: {  	s30 =	sld [smem:$0x0];
	_ =	sdelay $0x2  }
0xb9: {  	s31 =	sshll.u32 s1, $0xD;
	s1 =	sshrl.u32 s1, $0x2  }
0xba: {  	s3 =	sand.u32 $0x4000, s31;
	s1 =	sadd.s32 s1, s30  }
0xbb: {  	s0 =	sor.u32 s3, s0;
	s1 =	sshll.u32 s1, $0x11  }
0xbc: {  	s0 =	sor.u32 s1, s0  }
0xbd: {  	s0 =	sadd.s32 $0x8F2B, s0  }
0xbe: {  	[sflag:s0] =	ssyncadd.remote.s32 $0x1  }
0xbf: {  	_ =	sfence.sel $0xFFFF  }
0xc0: {  	[dreg:$0x0] =	wrdreg $0xFFFFFFFF;
	(pc) =	sbr.abs _section_cstart, $3  }
0xc1: {  	[dreg:$0x1] =	wrdreg $0xFFFFFFFF  }
0xc2: {  	_ =	task.clear_ibuf [dreg:s7], $0x2FFFF;
	_ =	strace $0x9FFFFFFF  }
0xc3: {  	(tm) =	ssettm $0x7FFFFFFF  }
tec
execute0_lowered:
.L_overlay_start_1:
0x0: {  	(tag) =	ssettag $0x1  }
0x1: {  	s0 =	rddreg [dreg:$0x0]  }
0x2: {  	s2 =	rddreg [dreg:$0x1]  }
0x3: {  	s1 =	rddreg [dreg:$0x2];
	s3 =	simm.s32 $0x0;
	s4 =	srdreg.scid  }
0x4: {  	s9 =	stileid.u32;
	s12 =	simm.s32 $0x1000;
	s13 =	simm.s32 $0x3  }
0x5: {  	s14 =	simm.s32 $0x800;
	s15 =	simm.s32 $0x80;
	s16 =	simm.s32 $0x5000  }
0x6: {  	s17 =	simm.s32 $0x1;
	s19 =	simm.s32 $0x2;
	s21 =	simm.s32 $0x400  }
0x7: {  	s22 =	simm.s32 $0xB80;
	s31 =	simm.s32 $0xC80;
	s11 =	simm.s32 $0xE80  }
0x8: {  	s18 =	simm.s32 $0xF80;
	s5 =	sand.u32 $0x1, s4;
	s4 =	smul.u32 $0x90, s9  }
0x9: {  	[smem:$0x7FF] =	sst s3;
	s6 =	sshll.u32 s9, $0x4;
	s8 =	smul.u32 $0x14000, s9  }
0xa: {  	s9 =	smul.u32 $0x50000, s9;
	p0 =	seq.s32 s5, $0x0;
	s6 =	sor.u32 $0x900, s6  }
0xb: {  	s7 =	smul.u32 $0x140000, s5;
	_ =	strace $0x80000053;
	s23 =	ssub.s32 $0x2, s5  }
0xc: {  	s6 =	smov.u32 @p0 s4;
	s4 =	sadd.s32 $0xEC00, s0;
	s9 =	sshrl.u32 s9, $0x2  }
0xd: {  	s24 =	sshrl.u32 s23, $0x1;
	p0 =	sne.s32 s5, $0x0;
	s5 =	simm.s32 $0xF00  }
0xe: {  	s6 =	sshll.u32 s6, $0x4;
	s7 =	sadd.s32 s8, s7;
	s9 =	sadd.s32 s9, s1  }
0xf: {  	s8 =	simm.s32 $0x680;
	s10 =	sadd.s32 s6, s0;
	s7 =	sshrl.u32 s7, $0x3  }
0x10: {  	s25 =	sadd.s32 $0x8000, s9;
	s26 =	sadd.s32 $0x10000, s9;
	[dreg:$0x4] =	wrdreg s9  }
0x11: {  	s29 =	sadd.s32 s6, s2;
	s2 =	simm.s32 $0xD00;
	[dreg:$0x5] =	wrdreg s25  }
0x12: {  	s6 =	simm.s32 $0x600;
	s0 =	sadd.s32 s7, s0;
	[dreg:$0x6] =	wrdreg s26  }
0x13: {  	s7 =	ssub.s32 s23, s24;
	[dreg:$0x9] =	wrdreg s29;
	s30 =	sadd.s32 $0x4C00, s10  }
0x14: {  	s24 =	simm.s32 $0x780;
	s23 =	simm.s32 $0x480;
	s25 =	simm.s32 $0xC00  }
0x15: {  	s26 =	simm.s32 $0x500;
	s0 =	sadd.s32 $0xB9200, s0;
	[dreg:$0xa] =	wrdreg s30  }
0x16: {  	s10 =	simm.s32 $0x700;
	s28 =	smax.u32 s7, $0x1;
	[dreg:$0x7] =	wrdreg s0  }
0x17: {  	v0 =	vimm.f32 $0.0e+00;
	s7 =	simm.s32 $0xD80;
	[dreg:$0x8] =	wrdreg s28;
	s0 =	simm.s32 $0x0  }
.LBB2_1:
0x18: {  	[dreg:$0xb] =	wrdreg s0;
	s28 =	simm.s32 $0x0;
	s29 =	simm.s32 $0x200  }
.LBB2_2:
0x19: {  	p1 =	sne.s32 s29, $0x1FE00;
	[tilespmem:s28+$0x1070] =	vst v0  }
0x1a: {  	[tilespmem:s28+$0x1000] =	vst v0  }
0x1b: {  	[tilespmem:s28+$0x1010] =	vst v0  }
.Ltmp0:
0x1c: {  	[tilespmem:s28+$0x1020] =	vst v0;
	(pc) =	sbr.rel @p1 .LBB2_2-.Ltmp0, $4  }
0x1d: {  	[tilespmem:s28+$0x1030] =	vst v0  }
0x1e: {  	[tilespmem:s28+$0x1040] =	vst v0  }
0x1f: {  	[tilespmem:s28+$0x1050] =	vst v0  }
0x20: {  	[tilespmem:s28+$0x1060] =	vst v0;
	s28 =	sshra.s32 s29, $0x2;
	s29 =	sadd.s32 $0x200, s29  }
0x21: {  	[tilespmem:s28+$0x1070] =	vst v0  }
0x22: {  	[tilespmem:s28+$0x1000] =	vst v0  }
0x23: {  	[tilespmem:s28+$0x1010] =	vst v0  }
0x24: {  	[tilespmem:s28+$0x1020] =	vst v0  }
0x25: {  	[tilespmem:s28+$0x1030] =	vst v0  }
0x26: {  	[tilespmem:s28+$0x1040] =	vst v0  }
0x27: {  	[tilespmem:s28+$0x1050] =	vst v0  }
0x28: {  	[tilespmem:s28+$0x1060] =	vst v0  }
0x29: {  	[spmem:s9] =	stream.linear.scatter [tilespmem:s12], [sflag:$0x3], $0x8000, $0x38;
	[tilespmem:$0x1D000] =	vst v63  }
0x2a: {  	_ =	swait.ge [sflag:s13], $0x8000  }
0x2b: {  	[sflag:s13] =	ssyncset.done $0x0  }
0x2c: {  	s28 =	rddreg [dreg:$0x5];
	[sflag:s13] =	ssyncadd.s32 $0xFFFF8000  }
0x2d: {  	[spmem:s28] =	stream.linear.scatter [tilespmem:s12], [sflag:$0x3], $0x8000, $0x38;
	[tilespmem:$0x1D000] =	vst v63  }
0x2e: {  	_ =	swait.ge [sflag:s13], $0x8000  }
0x2f: {  	[sflag:s13] =	ssyncset.done $0x0  }
0x30: {  	s28 =	rddreg [dreg:$0x6];
	[sflag:s13] =	ssyncadd.s32 $0xFFFF8000  }
0x31: {  	[spmem:s28] =	stream.linear.scatter [tilespmem:s12], [sflag:$0x3], $0x4000, $0x38;
	[tilespmem:$0x1D000] =	vst v63  }
0x32: {  	_ =	swait.ge [sflag:s13], $0x4000  }
0x33: {  	[sflag:s13] =	ssyncset.done $0x0  }
0x34: {  	[sflag:s13] =	ssyncadd.s32 $0xFFFFC000  }
0x35: {  	[bflag:$0x0] =	sbarrier.arrive $0xFFFF  }
0x36: {  	s30 =	simm.s32 $0x0;
	s28 =	rddreg [dreg:$0xa]  }
0x37: {  	s0 =	simm.s32 $0x580;
	s9 =	simm.s32 $0xE00;
	s29 =	rddreg [dreg:$0x9]  }
.LBB2_4:
0x38: {  	[tilespmem:s3], [sflag:$0x3] =	stream.linear.gather [hbm4b:s28+s3], $0x800, $0x38;
	[tilespmem:$0x1D000] =	vst v63  }
0x39: {  	_ =	swait.ge [sflag:s13], $0x800  }
0x3a: {  	[sflag:s13] =	ssyncset.done $0x0  }
0x3b: {  	[sflag:s13] =	ssyncadd.s32 $0xFFFFF800  }
0x3c: {  	[tilespmem:s14], [sflag:$0x3] =	stream.linear.gather [hbm4b:s29+s3], $0x800, $0x38;
	[tilespmem:$0x1D000] =	vst v63  }
0x3d: {  	_ =	swait.ge [sflag:s13], $0x800  }
0x3e: {  	[sflag:s13] =	ssyncset.done $0x0  }
0x3f: {  	[sflag:s13] =	ssyncadd.s32 $0xFFFFF800  }
0x40: {  	[tilespmem:s12], [sflag:$0x1] =	stream.indirect.gather [hbm4b:s4+s15], $0x80, s3, s15, $0xb8;
	[tilespmem:$0x1D000] =	vst v63  }
0x41: {  	_ = 	snop  }
0x42: {  	[tilespmem:s16], [sflag:$0x2] =	stream.indirect.gather [hbm4b:s4+s15], $0x80, s15, s15, $0xb8;
	[tilespmem:$0x1D000] =	vst v63  }
0x43: {  	_ =	swait.ge [sflag:s17], $0x4000  }
0x44: {  	[sflag:s17] =	ssyncset.done $0x0  }
0x45: {  	[sflag:s17] =	ssyncadd.s32 $0xFFFFC000  }
0x46: {  	[spmem:s1] =	stream.indirect.scatter.add.f32 [tilespmem:s12], [sflag:$0x3], $0x80, s14, s15, $0xb8;
	[tilespmem:$0x1D000] =	vst v63  }
0x47: {  	_ =	swait.ge [sflag:s13], $0x4000  }
0x48: {  	[sflag:s13] =	ssyncset.done $0x0  }
0x49: {  	s20 =	simm.s32 $0x100;
	[sflag:s13] =	ssyncadd.s32 $0xFFFFC000  }
0x4a: {  	[tilespmem:s12], [sflag:$0x1] =	stream.indirect.gather [hbm4b:s4+s15], $0x80, s20, s15, $0xb8;
	[tilespmem:$0x1D000] =	vst v63  }
0x4b: {  	_ =	swait.ge [sflag:s19], $0x4000  }
0x4c: {  	[sflag:s19] =	ssyncset.done $0x0  }
0x4d: {  	s20 =	simm.s32 $0x880;
	[sflag:s19] =	ssyncadd.s32 $0xFFFFC000  }
0x4e: {  	[spmem:s1] =	stream.indirect.scatter.add.f32 [tilespmem:s16], [sflag:$0x3], $0x80, s20, s15, $0xb8;
	[tilespmem:$0x1D000] =	vst v63  }
0x4f: {  	_ =	swait.ge [sflag:s13], $0x4000  }
0x50: {  	[sflag:s13] =	ssyncset.done $0x0  }
0x51: {  	s20 =	simm.s32 $0x180;
	[sflag:s13] =	ssyncadd.s32 $0xFFFFC000  }
0x52: {  	[tilespmem:s16], [sflag:$0x2] =	stream.indirect.gather [hbm4b:s4+s15], $0x80, s20, s15, $0xb8;
	[tilespmem:$0x1D000] =	vst v63  }
0x53: {  	_ =	swait.ge [sflag:s17], $0x4000  }
0x54: {  	[sflag:s17] =	ssyncset.done $0x0  }
0x55: {  	s20 =	simm.s32 $0x900;
	[sflag:s17] =	ssyncadd.s32 $0xFFFFC000  }
0x56: {  	[spmem:s1] =	stream.indirect.scatter.add.f32 [tilespmem:s12], [sflag:$0x3], $0x80, s20, s15, $0xb8;
	[tilespmem:$0x1D000] =	vst v63  }
0x57: {  	_ =	swait.ge [sflag:s13], $0x4000  }
0x58: {  	[sflag:s13] =	ssyncset.done $0x0  }
0x59: {  	s20 =	simm.s32 $0x200;
	[sflag:s13] =	ssyncadd.s32 $0xFFFFC000  }
0x5a: {  	[tilespmem:s12], [sflag:$0x1] =	stream.indirect.gather [hbm4b:s4+s15], $0x80, s20, s15, $0xb8;
	[tilespmem:$0x1D000] =	vst v63  }
0x5b: {  	_ =	swait.ge [sflag:s19], $0x4000  }
0x5c: {  	[sflag:s19] =	ssyncset.done $0x0  }
0x5d: {  	s20 =	simm.s32 $0x980;
	[sflag:s19] =	ssyncadd.s32 $0xFFFFC000  }
0x5e: {  	[spmem:s1] =	stream.indirect.scatter.add.f32 [tilespmem:s16], [sflag:$0x3], $0x80, s20, s15, $0xb8;
	[tilespmem:$0x1D000] =	vst v63  }
0x5f: {  	_ =	swait.ge [sflag:s13], $0x4000  }
0x60: {  	[sflag:s13] =	ssyncset.done $0x0  }
0x61: {  	s20 =	simm.s32 $0x280;
	[sflag:s13] =	ssyncadd.s32 $0xFFFFC000  }
0x62: {  	[tilespmem:s16], [sflag:$0x2] =	stream.indirect.gather [hbm4b:s4+s15], $0x80, s20, s15, $0xb8;
	[tilespmem:$0x1D000] =	vst v63  }
0x63: {  	_ =	swait.ge [sflag:s17], $0x4000  }
0x64: {  	[sflag:s17] =	ssyncset.done $0x0  }
0x65: {  	s20 =	simm.s32 $0xA00;
	[sflag:s17] =	ssyncadd.s32 $0xFFFFC000  }
0x66: {  	[spmem:s1] =	stream.indirect.scatter.add.f32 [tilespmem:s12], [sflag:$0x3], $0x80, s20, s15, $0xb8;
	[tilespmem:$0x1D000] =	vst v63  }
0x67: {  	_ =	swait.ge [sflag:s13], $0x4000  }
0x68: {  	[sflag:s13] =	ssyncset.done $0x0  }
0x69: {  	s20 =	simm.s32 $0x300;
	[sflag:s13] =	ssyncadd.s32 $0xFFFFC000  }
0x6a: {  	[tilespmem:s12], [sflag:$0x1] =	stream.indirect.gather [hbm4b:s4+s15], $0x80, s20, s15, $0xb8;
	[tilespmem:$0x1D000] =	vst v63  }
0x6b: {  	_ =	swait.ge [sflag:s19], $0x4000  }
0x6c: {  	[sflag:s19] =	ssyncset.done $0x0  }
0x6d: {  	s20 =	simm.s32 $0xA80;
	[sflag:s19] =	ssyncadd.s32 $0xFFFFC000  }
0x6e: {  	[spmem:s1] =	stream.indirect.scatter.add.f32 [tilespmem:s16], [sflag:$0x3], $0x80, s20, s15, $0xb8;
	[tilespmem:$0x1D000] =	vst v63  }
0x6f: {  	_ =	swait.ge [sflag:s13], $0x4000  }
0x70: {  	[sflag:s13] =	ssyncset.done $0x0  }
0x71: {  	s20 =	simm.s32 $0x380;
	[sflag:s13] =	ssyncadd.s32 $0xFFFFC000  }
0x72: {  	[tilespmem:s16], [sflag:$0x2] =	stream.indirect.gather [hbm4b:s4+s15], $0x80, s20, s15, $0xb8;
	[tilespmem:$0x1D000] =	vst v63  }
0x73: {  	_ =	swait.ge [sflag:s17], $0x4000  }
0x74: {  	[sflag:s17] =	ssyncset.done $0x0  }
0x75: {  	s20 =	simm.s32 $0xB00;
	[sflag:s17] =	ssyncadd.s32 $0xFFFFC000  }
0x76: {  	[spmem:s1] =	stream.indirect.scatter.add.f32 [tilespmem:s12], [sflag:$0x3], $0x80, s20, s15, $0xb8;
	[tilespmem:$0x1D000] =	vst v63  }
0x77: {  	_ =	swait.ge [sflag:s13], $0x4000  }
0x78: {  	[sflag:s13] =	ssyncset.done $0x0  }
0x79: {  	[sflag:s13] =	ssyncadd.s32 $0xFFFFC000  }
0x7a: {  	[tilespmem:s12], [sflag:$0x1] =	stream.indirect.gather [hbm4b:s4+s15], $0x80, s21, s15, $0xb8;
	[tilespmem:$0x1D000] =	vst v63  }
0x7b: {  	_ =	swait.ge [sflag:s19], $0x4000  }
0x7c: {  	[sflag:s19] =	ssyncset.done $0x0  }
0x7d: {  	[sflag:s19] =	ssyncadd.s32 $0xFFFFC000  }
0x7e: {  	[spmem:s1] =	stream.indirect.scatter.add.f32 [tilespmem:s16], [sflag:$0x3], $0x80, s22, s15, $0xb8;
	[tilespmem:$0x1D000] =	vst v63  }
0x7f: {  	_ =	swait.ge [sflag:s13], $0x4000  }
0x80: {  	[sflag:s13] =	ssyncset.done $0x0  }
0x81: {  	[sflag:s13] =	ssyncadd.s32 $0xFFFFC000  }
0x82: {  	[tilespmem:s16], [sflag:$0x2] =	stream.indirect.gather [hbm4b:s4+s15], $0x80, s23, s15, $0xb8;
	[tilespmem:$0x1D000] =	vst v63  }
0x83: {  	_ =	swait.ge [sflag:s17], $0x4000  }
0x84: {  	[sflag:s17] =	ssyncset.done $0x0  }
0x85: {  	[sflag:s17] =	ssyncadd.s32 $0xFFFFC000  }
0x86: {  	[spmem:s1] =	stream.indirect.scatter.add.f32 [tilespmem:s12], [sflag:$0x3], $0x80, s25, s15, $0xb8;
	[tilespmem:$0x1D000] =	vst v63  }
0x87: {  	_ =	swait.ge [sflag:s13], $0x4000  }
0x88: {  	[sflag:s13] =	ssyncset.done $0x0  }
0x89: {  	[sflag:s13] =	ssyncadd.s32 $0xFFFFC000  }
0x8a: {  	[tilespmem:s12], [sflag:$0x1] =	stream.indirect.gather [hbm4b:s4+s15], $0x80, s26, s15, $0xb8;
	[tilespmem:$0x1D000] =	vst v63  }
0x8b: {  	_ =	swait.ge [sflag:s19], $0x4000  }
0x8c: {  	[sflag:s19] =	ssyncset.done $0x0  }
0x8d: {  	[sflag:s19] =	ssyncadd.s32 $0xFFFFC000  }
0x8e: {  	[spmem:s1] =	stream.indirect.scatter.add.f32 [tilespmem:s16], [sflag:$0x3], $0x80, s31, s15, $0xb8;
	[tilespmem:$0x1D000] =	vst v63  }
0x8f: {  	_ =	swait.ge [sflag:s13], $0x4000  }
0x90: {  	[sflag:s13] =	ssyncset.done $0x0  }
0x91: {  	[sflag:s13] =	ssyncadd.s32 $0xFFFFC000  }
0x92: {  	[tilespmem:s16], [sflag:$0x2] =	stream.indirect.gather [hbm4b:s4+s15], $0x80, s0, s15, $0xb8;
	[tilespmem:$0x1D000] =	vst v63  }
0x93: {  	_ =	swait.ge [sflag:s17], $0x4000  }
0x94: {  	[sflag:s17] =	ssyncset.done $0x0  }
0x95: {  	[sflag:s17] =	ssyncadd.s32 $0xFFFFC000  }
0x96: {  	[spmem:s1] =	stream.indirect.scatter.add.f32 [tilespmem:s12], [sflag:$0x3], $0x80, s2, s15, $0xb8;
	[tilespmem:$0x1D000] =	vst v63  }
0x97: {  	_ =	swait.ge [sflag:s13], $0x4000  }
0x98: {  	[sflag:s13] =	ssyncset.done $0x0  }
0x99: {  	[sflag:s13] =	ssyncadd.s32 $0xFFFFC000  }
0x9a: {  	[tilespmem:s12], [sflag:$0x1] =	stream.indirect.gather [hbm4b:s4+s15], $0x80, s6, s15, $0xb8;
	[tilespmem:$0x1D000] =	vst v63  }
0x9b: {  	_ =	swait.ge [sflag:s19], $0x4000  }
0x9c: {  	[sflag:s19] =	ssyncset.done $0x0  }
0x9d: {  	[sflag:s19] =	ssyncadd.s32 $0xFFFFC000  }
0x9e: {  	[spmem:s1] =	stream.indirect.scatter.add.f32 [tilespmem:s16], [sflag:$0x3], $0x80, s7, s15, $0xb8;
	[tilespmem:$0x1D000] =	vst v63  }
0x9f: {  	_ =	swait.ge [sflag:s13], $0x4000  }
0xa0: {  	[sflag:s13] =	ssyncset.done $0x0  }
0xa1: {  	[sflag:s13] =	ssyncadd.s32 $0xFFFFC000  }
0xa2: {  	[tilespmem:s16], [sflag:$0x2] =	stream.indirect.gather [hbm4b:s4+s15], $0x80, s8, s15, $0xb8;
	[tilespmem:$0x1D000] =	vst v63  }
0xa3: {  	_ =	swait.ge [sflag:s17], $0x4000  }
0xa4: {  	[sflag:s17] =	ssyncset.done $0x0  }
0xa5: {  	[sflag:s17] =	ssyncadd.s32 $0xFFFFC000  }
0xa6: {  	[spmem:s1] =	stream.indirect.scatter.add.f32 [tilespmem:s12], [sflag:$0x3], $0x80, s9, s15, $0xb8;
	[tilespmem:$0x1D000] =	vst v63  }
0xa7: {  	_ =	swait.ge [sflag:s13], $0x4000  }
0xa8: {  	[sflag:s13] =	ssyncset.done $0x0  }
0xa9: {  	[sflag:s13] =	ssyncadd.s32 $0xFFFFC000  }
0xaa: {  	[tilespmem:s12], [sflag:$0x1] =	stream.indirect.gather [hbm4b:s4+s15], $0x80, s10, s15, $0xb8;
	[tilespmem:$0x1D000] =	vst v63  }
0xab: {  	_ =	swait.ge [sflag:s19], $0x4000  }
0xac: {  	[sflag:s19] =	ssyncset.done $0x0  }
0xad: {  	[sflag:s19] =	ssyncadd.s32 $0xFFFFC000  }
0xae: {  	[spmem:s1] =	stream.indirect.scatter.add.f32 [tilespmem:s16], [sflag:$0x3], $0x80, s11, s15, $0xb8;
	[tilespmem:$0x1D000] =	vst v63  }
0xaf: {  	_ =	swait.ge [sflag:s13], $0x4000  }
0xb0: {  	[sflag:s13] =	ssyncset.done $0x0  }
0xb1: {  	[sflag:s13] =	ssyncadd.s32 $0xFFFFC000  }
0xb2: {  	[tilespmem:s16], [sflag:$0x2] =	stream.indirect.gather [hbm4b:s4+s15], $0x80, s24, s15, $0xb8;
	[tilespmem:$0x1D000] =	vst v63  }
0xb3: {  	_ =	swait.ge [sflag:s17], $0x4000  }
0xb4: {  	[sflag:s17] =	ssyncset.done $0x0  }
0xb5: {  	[sflag:s17] =	ssyncadd.s32 $0xFFFFC000  }
0xb6: {  	[spmem:s1] =	stream.indirect.scatter.add.f32 [tilespmem:s12], [sflag:$0x3], $0x80, s5, s15, $0xb8;
	[tilespmem:$0x1D000] =	vst v63  }
0xb7: {  	_ =	swait.ge [sflag:s13], $0x4000  }
0xb8: {  	[sflag:s13] =	ssyncset.done $0x0  }
0xb9: {  	[sflag:s13] =	ssyncadd.s32 $0xFFFFC000  }
0xba: {  	[tilespmem:s12], [sflag:$0x1] =	stream.indirect.gather [hbm4b:s4+s15], $0x80, s24, s15, $0xb8;
	[tilespmem:$0x1D000] =	vst v63  }
0xbb: {  	_ =	swait.ge [sflag:s19], $0x4000  }
0xbc: {  	[sflag:s19] =	ssyncset.done $0x0  }
0xbd: {  	[sflag:s19] =	ssyncadd.s32 $0xFFFFC000  }
0xbe: {  	[spmem:s1] =	stream.indirect.scatter.add.f32 [tilespmem:s16], [sflag:$0x3], $0x80, s18, s15, $0xb8;
	[tilespmem:$0x1D000] =	vst v63  }
0xbf: {  	_ =	swait.ge [sflag:s13], $0x4000  }
0xc0: {  	[sflag:s13] =	ssyncset.done $0x0  }
0xc1: {  	p1 =	slt.u32 @!p0 s30, $0x8;
	[sflag:s13] =	ssyncadd.s32 $0xFFFFC000  }
0xc2: {  	[tilespmem:s16], [sflag:$0x2] =	stream.indirect.gather [hbm4b:s4+s15], $0x80, s24, s15, $0xb8;
	[tilespmem:$0x1D000] =	vst v63  }
0xc3: {  	p1 =	por p0, !p1;
	_ =	swait.ge [sflag:s17], $0x4000  }
.Ltmp1:
0xc4: {  	[sflag:s17] =	ssyncset.done $0x0;
	(pc) =	sbr.rel @!p1 .LBB2_4-.Ltmp1, $4  }
0xc5: {  	[sflag:s17] =	ssyncadd.s32 $0xFFFFC000  }
0xc6: {  	_ =	swait.ge [sflag:s19], $0x4000  }
0xc7: {  	s30 =	sadd.s32 $0x1, s30;
	[sflag:s19] =	ssyncset.done $0x0  }
0xc8: {  	s28 =	sadd.s32 $0x100, s28;
	s29 =	sadd.s32 $0x100, s29;
	[sflag:s19] =	ssyncadd.s32 $0xFFFFC000  }
0xc9: {  	s28 =	stileid.u32;
	[bflag:$0x0] =	sbarrier.arrive $0xFFFF  }
0xca: {  	s28 =	sshll.u32 s28, $0x6;
	s9 =	rddreg [dreg:$0x4]  }
0xcb: {  	s30 =	rddreg [dreg:$0x7];
	s28 =	sor.u32 $0x1C03, s28;
	s29 =	sshrl.u32 s9, $0x3  }
0xcc: {  	[hbm:s30], [sflag:s28] =	dma.local [spmem:s29], $0x2800  }
0xcd: {  	_ =	swait.ge [sflag:s13], $0x2800  }
0xce: {  	s0 =	rddreg [dreg:$0xb]  }
0xcf: {  	s30 =	rddreg [dreg:$0x8];
	s0 =	sadd.s32 $0x1, s0  }
0xd0: {  	p1 =	sne.s32 s0, s30  }
.Ltmp2:
0xd1: {  	_ = 	snop;
	(pc) =	sbr.rel @p1 .LBB2_1-.Ltmp2, $3  }
0xd2: {  	_ =	sdelay $0x1  }
0xd3: {  	[sflag:s13] =	ssyncset.done $0x0  }
0xd4: {  	[sflag:s13] =	ssyncadd.s32 $0xFFFFD800  }
0xd5: {  	_ =	sfence.sel $0x180000  }
0xd6: {  	[bflag:$0x0] =	sbarrier.arrive $0xFFFF  }
0xd7: {  	_ =	strace $0x90000053  }
0xd8: {  	s0 =	stileid.u32;
	[bflag:$0x2] =	sbarrier.arrive $0xFFFF  }
0xd9: {  	p0 =	sne.s32 s0, $0x0;
	s0 =	rddreg [dreg:$0x3]  }
0xda: {  	s0 =	sadd.s32 @!p0 $0x100000, s0  }
0xdb: {  	[sflag:s0] =	ssyncadd.tile.s32 @!p0 $0x1;
	_ =	shalt  }
.Lfunc_end2:
_tile_overlayer_lowered:
.L_overlay_start_2:
0xdc: {  	(tag) =	ssettag $0x2  }
0xdd: {  	s0 =	rddreg [dreg:$0x0];
	s2 =	stileid.u32  }
0xde: {  	s1 =	rddreg [dreg:$0x1];
	p0 =	sne.s32 s2, $0x0  }
0xdf: {  	s3 =	rddreg [dreg:$0x2];
	[bflag:$0x3] =	sbarrier.arrive $0xFFFF;
	s2 =	simm.s32 @!p0 $0x1C03  }
0xe0: {  	[timem:s3], [sflag:s2] =	dma.local @!p0 [hbm:s0], s1  }
0xe1: {  	s0 =	simm.s32 @!p0 $0x3  }
0xe2: {  	_ =	swait.ge @!p0 [sflag:s0], s1  }
0xe3: {  	s1 =	ssub.s32 @!p0 $0x0, s1;
	[sflag:s0] =	ssyncset.done @!p0 $0x0  }
0xe4: {  	[sflag:s0] =	ssyncadd.s32 @!p0 s1  }
0xe5: {  	[bflag:$0x3] =	sbarrier.arrive $0xFFFF  }
0xe6: {  	_ =	shalt  }

</sc_bundles>
